<compile_context>
chip_gen: v7x
topology: tpu7x:2x2x1
jax: 0.10.2.dev20260603
libtpu: 0.0.44.dev20260713+nightly
codegen_flags: <defaults>
</compile_context>

<pallas_src>
import jax
import jax.numpy as jnp
from jax import lax
from jax.experimental import pallas as pl
from jax.experimental.pallas import tpu as pltpu
from jax.experimental.pallas import tpu_sc as plsc

B, L = 16384, 50
BH = B // 4
VOCAB, D = 10000, 32
LP = 50
C = 8
NCG = D // C
NBS = 32 // NCG
RPT = BH // NBS
CHUNK = 256
NCHUNK = RPT // CHUNK
TSL = VOCAB * C
TCH = LP * CHUNK
OCH = CHUNK * C


def _sc_body(tok_hbm, tab_hbm, out_hbm, ts, tb, ob, tsem, osem):
    wid = lax.axis_index("s") * 2 + lax.axis_index("c")
    cg = lax.rem(wid, NCG)
    bs = lax.div(wid, NCG)
    lanes = lax.iota(jnp.int32, 16)

    pltpu.sync_copy(tab_hbm.at[pl.ds(cg * TSL, TSL)], ts)
    for c in range(C):
        head = ts[pl.ds(c * VOCAB, 16)]
        ts[pl.ds(c * VOCAB, 16)] = jnp.where(lanes < 1, 0.0, head)

    def fire_tok(k, par):
        pltpu.async_copy(
            tok_hbm.at[pl.ds((bs * NCHUNK + k) * TCH, TCH)], tb[par], tsem[par])

    def out_slice(k):
        return out_hbm.at[pl.ds((cg * NBS * NCHUNK + bs * NCHUNK + k) * OCH, OCH)]

    fire_tok(0, 0)
    fire_tok(1, 1)

    def process_chunk(k, par):
        pltpu.make_async_copy(
            tok_hbm.at[pl.ds((bs * NCHUNK + k) * TCH, TCH)], tb[par],
            tsem[par]).wait()

        @pl.when(k >= 2)
        def _():
            pltpu.make_async_copy(ob[par], out_slice(k - 2), osem[par]).wait()

        def rg_body(rg, _):
            zero = jnp.zeros((16,), jnp.float32)
            one = jnp.ones((16,), jnp.float32)
            tbase = lanes * LP + rg * (16 * LP)

            @plsc.parallel_loop(0, L, unroll=2, carry=tuple([zero] * (C + 1)))
            def tok_body(j, car):
                accs, cnt = car[:C], car[C]
                tok = plsc.load_gather(tb[par], [tbase + j])
                cnt = cnt + jnp.where(tok != 0, one, zero)
                accs = tuple(
                    accs[c]
                    + plsc.load_gather(ts.at[pl.ds(c * VOCAB, VOCAB)], [tok])
                    for c in range(C))
                return accs + (cnt,)

            accs, cnt = tok_body[:C], tok_body[C]
            scale = 1.0 / jnp.maximum(cnt, 1.0)
            base_idx = lanes * C + rg * (16 * C)
            for c in range(C):
                plsc.store_scatter(ob[par], [base_idx + c], accs[c] * scale)
            return 0

        lax.fori_loop(0, CHUNK // 16, rg_body, 0)
        pltpu.async_copy(ob[par], out_slice(k), osem[par])

        @pl.when(k + 2 < NCHUNK)
        def _():
            fire_tok(k + 2, par)

    def chunk_loop(g, _):
        for par in (0, 1):
            process_chunk(2 * g + par, par)
        return 0

    lax.fori_loop(0, NCHUNK // 2, chunk_loop, 0)
    for par in (0, 1):
        pltpu.make_async_copy(ob[par], out_slice(NCHUNK - 2 + par),
                              osem[par]).wait()


@jax.jit
def kernel(tokens, table):
    tab_r = table.reshape(VOCAB, NCG, C).transpose(1, 2, 0).reshape(-1)
    mesh = plsc.VectorSubcoreMesh(core_axis_name="c", subcore_axis_name="s")
    f = pl.kernel(
        _sc_body,
        out_type=jax.ShapeDtypeStruct((BH * D,), jnp.float32),
        mesh=mesh,
        compiler_params=pltpu.CompilerParams(needs_layout_passes=False),
        scratch_types=[
            pltpu.VMEM((TSL,), jnp.float32),
            [pltpu.VMEM((TCH,), jnp.int32) for _ in range(2)],
            [pltpu.VMEM((OCH,), jnp.float32) for _ in range(2)],
            [pltpu.SemaphoreType.DMA for _ in range(2)],
            [pltpu.SemaphoreType.DMA for _ in range(2)],
        ],
    )
    halves = []
    for h in range(4):
        out_r = f(tokens[h * BH:(h + 1) * BH].reshape(-1), tab_r)
        halves.append(out_r.reshape(NCG, NBS, NCHUNK, CHUNK, C)
                      .transpose(1, 2, 3, 0, 4).reshape(BH, D))
    return jnp.concatenate(halves, axis=0)

# --- scband reference (transcript-rebuilt; emitter-appended) ---
"""Pipeline reference for scband-source-model-87299505258887 (READ-ONLY COPY).

The authoritative reference and input builder live on the scoring server;
editing this copy changes nothing except your own understanding.
"""

import jax, jax.numpy as jnp
import numpy as np

B, L = 16384, 50
VOCAB, D = 10000, 32


def setup_inputs(seed: int = 0) -> dict:
    key = jax.random.key(seed)
    k1, k2 = jax.random.split(key)
    # Token ids produced by TextVectorization; 0 is the mask/padding token (mask_zero=True).
    tokens = jax.random.randint(k1, (B, L), 0, VOCAB, dtype=jnp.int32)
    # Learned embedding table: Embedding(max_tokens=10000, output_dim=32)
    table = jax.random.normal(k2, (VOCAB, D), dtype=jnp.float32) * 0.05
    return {"tokens": tokens, "table": table}


def reference(tokens, table):
    # Embedding lookup (gather)
    emb = jnp.take(table, tokens, axis=0)  # [B, L, D]
    # mask_zero=True: positions with token id 0 are masked out
    mask = (tokens != 0).astype(emb.dtype)  # [B, L]
    # GlobalAveragePooling1D with mask: masked mean over the sequence axis
    summed = jnp.sum(emb * mask[:, :, None], axis=1)  # [B, D]
    count = jnp.maximum(jnp.sum(mask, axis=1, keepdims=True), 1.0)  # avoid div-by-zero for all-masked rows
    return summed / count

if __name__ == "__main__":
    import jax
    _d = setup_inputs()
    print(jax.jit(kernel)(*tuple(_d.values())))

</pallas_src>

<mosaic_0001>
#map = affine_map<(d0, d1) -> (0)>
module attributes {stable_mosaic.version = 14 : i64} {
  func.func @_sc_body(%arg0: i32, %arg1: i32, %arg2: memref<204800xi32, #tpu.memory_space<hbm>>, %arg3: memref<320000xf32, #tpu.memory_space<hbm>>, %arg4: memref<131072xf32, #tpu.memory_space<hbm>>, %arg5: memref<80000xf32, #tpu.memory_space<vmem>>, %arg6: memref<12800xi32, #tpu.memory_space<vmem>>, %arg7: memref<12800xi32, #tpu.memory_space<vmem>>, %arg8: memref<2048xf32, #tpu.memory_space<vmem>>, %arg9: memref<2048xf32, #tpu.memory_space<vmem>>, %arg10: memref<!tpu.dma_semaphore, #tpu.memory_space<semaphore_mem>>, %arg11: memref<!tpu.dma_semaphore, #tpu.memory_space<semaphore_mem>>, %arg12: memref<!tpu.dma_semaphore, #tpu.memory_space<semaphore_mem>>, %arg13: memref<!tpu.dma_semaphore, #tpu.memory_space<semaphore_mem>>) attributes {dimension_semantics = [#tpu.dimension_semantics<core_parallel>, #tpu.dimension_semantics<subcore_parallel>], iteration_bounds = array<i64: 2, 16>, scalar_prefetch = 0 : i64, scratch_operands = 9 : i64, tpu.core_type = #tpu.core_type<sc_vector_subcore>, window_params = [{transform_indices = #map}, {transform_indices = #map}, {transform_indices = #map}]} {
    %mul3A = arith.constant 2 : i32
    %mul3A_0 = arith.muli %arg1, %mul3A : i32
    %add3A = arith.addi %mul3A_0, %arg0 : i32
    %rem3A = arith.constant 4 : i32
    %rem3A_1 = arith.remsi %add3A, %rem3A : i32
    %div3A = arith.constant 4 : i32
    %div3A_2 = arith.divsi %add3A, %div3A : i32
    %iota3A = tpu.iota {dimensions = array<i32: 0>} : vector<16xi32>
    %mul3A_3 = arith.constant 80000 : i32
    %mul3A_4 = arith.muli %rem3A_1, %mul3A_3 : i32
    "tpu.region"() ({
      %run_scoped3A = tpu.sem_alloc : memref<!tpu.dma_semaphore, #tpu.memory_space<semaphore_mem>>
      %dma_start3A_203 = tpu.memref_slice %arg3[%mul3A_4] : memref<320000xf32, #tpu.memory_space<hbm>> -> memref<80000xf32, #tpu.memory_space<hbm>>
      %dma_start3A_204 = tpu.memref_slice %arg3[%mul3A_4] : memref<320000xf32, #tpu.memory_space<hbm>> -> memref<80000xf32, #tpu.memory_space<hbm>>
      tpu.enqueue_dma source(%dma_start3A_204 : memref<80000xf32, #tpu.memory_space<hbm>>) target(%arg5 : memref<80000xf32, #tpu.memory_space<vmem>>) target_semaphore(%run_scoped3A : memref<!tpu.dma_semaphore, #tpu.memory_space<semaphore_mem>>)
      %dma_wait3A_205 = tpu.memref_slice %arg3[%mul3A_4] : memref<320000xf32, #tpu.memory_space<hbm>> -> memref<80000xf32, #tpu.memory_space<hbm>>
      %dma_wait3A_206 = tpu.memref_slice %arg3[%mul3A_4] : memref<320000xf32, #tpu.memory_space<hbm>> -> memref<80000xf32, #tpu.memory_space<hbm>>
      tpu.wait_dma2 semaphore(%run_scoped3A : memref<!tpu.dma_semaphore, #tpu.memory_space<semaphore_mem>>) src(%dma_wait3A_206 : memref<80000xf32, #tpu.memory_space<hbm>>) dst(%arg5 : memref<80000xf32, #tpu.memory_space<vmem>>)
      tpu.yield
    }) : () -> ()
    %get3A = arith.constant 0 : index
    %get3A_5 = tpu.vector_load %arg5[%get3A] {strides = array<i32>} : memref<80000xf32, #tpu.memory_space<vmem>>, vector<16xf32>,
    %lt3A = arith.constant 1 : i32
    %lt3A_6 = vector.broadcast %lt3A : i32 to vector<16xi32>
    %lt3A_7 = arith.cmpi slt, %iota3A, %lt3A_6 : vector<16xi32>
    %jit3A = arith.constant 0.000000e+00 : f32
    %broadcast_in_dim3A = vector.broadcast %jit3A : f32 to vector<16xf32>
    %select_n3A = arith.select %lt3A_7, %broadcast_in_dim3A, %get3A_5 : vector<16xi1>, vector<16xf32>
    %swap3A = arith.constant 0 : index
    %swap3A_8 = tpu.vector_load %arg5[%swap3A] {strides = array<i32>} : memref<80000xf32, #tpu.memory_space<vmem>>, vector<16xf32>,
    tpu.vector_store %arg5[%swap3A], %select_n3A {strides = array<i32>} : memref<80000xf32, #tpu.memory_space<vmem>>, vector<16xf32>,
    %get3A_9 = arith.constant 10000 : index
    %get3A_10 = tpu.vector_load %arg5[%get3A_9] {strides = array<i32>} : memref<80000xf32, #tpu.memory_space<vmem>>, vector<16xf32>,
    %lt3A_11 = arith.constant 1 : i32
    %lt3A_12 = vector.broadcast %lt3A_11 : i32 to vector<16xi32>
    %lt3A_13 = arith.cmpi slt, %iota3A, %lt3A_12 : vector<16xi32>
    %jit3A_14 = arith.constant 0.000000e+00 : f32
    %broadcast_in_dim3A_15 = vector.broadcast %jit3A_14 : f32 to vector<16xf32>
    %select_n3A_16 = arith.select %lt3A_13, %broadcast_in_dim3A_15, %get3A_10 : vector<16xi1>, vector<16xf32>
    %swap3A_17 = arith.constant 10000 : index
    %swap3A_18 = tpu.vector_load %arg5[%swap3A_17] {strides = array<i32>} : memref<80000xf32, #tpu.memory_space<vmem>>, vector<16xf32>,
    tpu.vector_store %arg5[%swap3A_17], %select_n3A_16 {strides = array<i32>} : memref<80000xf32, #tpu.memory_space<vmem>>, vector<16xf32>,
    %get3A_19 = arith.constant 20000 : index
    %get3A_20 = tpu.vector_load %arg5[%get3A_19] {strides = array<i32>} : memref<80000xf32, #tpu.memory_space<vmem>>, vector<16xf32>,
    %lt3A_21 = arith.constant 1 : i32
    %lt3A_22 = vector.broadcast %lt3A_21 : i32 to vector<16xi32>
    %lt3A_23 = arith.cmpi slt, %iota3A, %lt3A_22 : vector<16xi32>
    %jit3A_24 = arith.constant 0.000000e+00 : f32
    %broadcast_in_dim3A_25 = vector.broadcast %jit3A_24 : f32 to vector<16xf32>
    %select_n3A_26 = arith.select %lt3A_23, %broadcast_in_dim3A_25, %get3A_20 : vector<16xi1>, vector<16xf32>
    %swap3A_27 = arith.constant 20000 : index
    %swap3A_28 = tpu.vector_load %arg5[%swap3A_27] {strides = array<i32>} : memref<80000xf32, #tpu.memory_space<vmem>>, vector<16xf32>,
    tpu.vector_store %arg5[%swap3A_27], %select_n3A_26 {strides = array<i32>} : memref<80000xf32, #tpu.memory_space<vmem>>, vector<16xf32>,
    %get3A_29 = arith.constant 30000 : index
    %get3A_30 = tpu.vector_load %arg5[%get3A_29] {strides = array<i32>} : memref<80000xf32, #tpu.memory_space<vmem>>, vector<16xf32>,
    %lt3A_31 = arith.constant 1 : i32
    %lt3A_32 = vector.broadcast %lt3A_31 : i32 to vector<16xi32>
    %lt3A_33 = arith.cmpi slt, %iota3A, %lt3A_32 : vector<16xi32>
    %jit3A_34 = arith.constant 0.000000e+00 : f32
    %broadcast_in_dim3A_35 = vector.broadcast %jit3A_34 : f32 to vector<16xf32>
    %select_n3A_36 = arith.select %lt3A_33, %broadcast_in_dim3A_35, %get3A_30 : vector<16xi1>, vector<16xf32>
    %swap3A_37 = arith.constant 30000 : index
    %swap3A_38 = tpu.vector_load %arg5[%swap3A_37] {strides = array<i32>} : memref<80000xf32, #tpu.memory_space<vmem>>, vector<16xf32>,
    tpu.vector_store %arg5[%swap3A_37], %select_n3A_36 {strides = array<i32>} : memref<80000xf32, #tpu.memory_space<vmem>>, vector<16xf32>,
    %get3A_39 = arith.constant 40000 : index
    %get3A_40 = tpu.vector_load %arg5[%get3A_39] {strides = array<i32>} : memref<80000xf32, #tpu.memory_space<vmem>>, vector<16xf32>,
    %lt3A_41 = arith.constant 1 : i32
    %lt3A_42 = vector.broadcast %lt3A_41 : i32 to vector<16xi32>
    %lt3A_43 = arith.cmpi slt, %iota3A, %lt3A_42 : vector<16xi32>
    %jit3A_44 = arith.constant 0.000000e+00 : f32
    %broadcast_in_dim3A_45 = vector.broadcast %jit3A_44 : f32 to vector<16xf32>
    %select_n3A_46 = arith.select %lt3A_43, %broadcast_in_dim3A_45, %get3A_40 : vector<16xi1>, vector<16xf32>
    %swap3A_47 = arith.constant 40000 : index
    %swap3A_48 = tpu.vector_load %arg5[%swap3A_47] {strides = array<i32>} : memref<80000xf32, #tpu.memory_space<vmem>>, vector<16xf32>,
    tpu.vector_store %arg5[%swap3A_47], %select_n3A_46 {strides = array<i32>} : memref<80000xf32, #tpu.memory_space<vmem>>, vector<16xf32>,
    %get3A_49 = arith.constant 50000 : index
    %get3A_50 = tpu.vector_load %arg5[%get3A_49] {strides = array<i32>} : memref<80000xf32, #tpu.memory_space<vmem>>, vector<16xf32>,
    %lt3A_51 = arith.constant 1 : i32
    %lt3A_52 = vector.broadcast %lt3A_51 : i32 to vector<16xi32>
    %lt3A_53 = arith.cmpi slt, %iota3A, %lt3A_52 : vector<16xi32>
    %jit3A_54 = arith.constant 0.000000e+00 : f32
    %broadcast_in_dim3A_55 = vector.broadcast %jit3A_54 : f32 to vector<16xf32>
    %select_n3A_56 = arith.select %lt3A_53, %broadcast_in_dim3A_55, %get3A_50 : vector<16xi1>, vector<16xf32>
    %swap3A_57 = arith.constant 50000 : index
    %swap3A_58 = tpu.vector_load %arg5[%swap3A_57] {strides = array<i32>} : memref<80000xf32, #tpu.memory_space<vmem>>, vector<16xf32>,
    tpu.vector_store %arg5[%swap3A_57], %select_n3A_56 {strides = array<i32>} : memref<80000xf32, #tpu.memory_space<vmem>>, vector<16xf32>,
    %get3A_59 = arith.constant 60000 : index
    %get3A_60 = tpu.vector_load %arg5[%get3A_59] {strides = array<i32>} : memref<80000xf32, #tpu.memory_space<vmem>>, vector<16xf32>,
    %lt3A_61 = arith.constant 1 : i32
    %lt3A_62 = vector.broadcast %lt3A_61 : i32 to vector<16xi32>
    %lt3A_63 = arith.cmpi slt, %iota3A, %lt3A_62 : vector<16xi32>
    %jit3A_64 = arith.constant 0.000000e+00 : f32
    %broadcast_in_dim3A_65 = vector.broadcast %jit3A_64 : f32 to vector<16xf32>
    %select_n3A_66 = arith.select %lt3A_63, %broadcast_in_dim3A_65, %get3A_60 : vector<16xi1>, vector<16xf32>
    %swap3A_67 = arith.constant 60000 : index
    %swap3A_68 = tpu.vector_load %arg5[%swap3A_67] {strides = array<i32>} : memref<80000xf32, #tpu.memory_space<vmem>>, vector<16xf32>,
    tpu.vector_store %arg5[%swap3A_67], %select_n3A_66 {strides = array<i32>} : memref<80000xf32, #tpu.memory_space<vmem>>, vector<16xf32>,
    %get3A_69 = arith.constant 70000 : index
    %get3A_70 = tpu.vector_load %arg5[%get3A_69] {strides = array<i32>} : memref<80000xf32, #tpu.memory_space<vmem>>, vector<16xf32>,
    %lt3A_71 = arith.constant 1 : i32
    %lt3A_72 = vector.broadcast %lt3A_71 : i32 to vector<16xi32>
    %lt3A_73 = arith.cmpi slt, %iota3A, %lt3A_72 : vector<16xi32>
    %jit3A_74 = arith.constant 0.000000e+00 : f32
    %broadcast_in_dim3A_75 = vector.broadcast %jit3A_74 : f32 to vector<16xf32>
    %select_n3A_76 = arith.select %lt3A_73, %broadcast_in_dim3A_75, %get3A_70 : vector<16xi1>, vector<16xf32>
    %swap3A_77 = arith.constant 70000 : index
    %swap3A_78 = tpu.vector_load %arg5[%swap3A_77] {strides = array<i32>} : memref<80000xf32, #tpu.memory_space<vmem>>, vector<16xf32>,
    tpu.vector_store %arg5[%swap3A_77], %select_n3A_76 {strides = array<i32>} : memref<80000xf32, #tpu.memory_space<vmem>>, vector<16xf32>,
    %mul3A_79 = arith.constant 2 : i32
    %mul3A_80 = arith.muli %div3A_2, %mul3A_79 : i32
    %add3A_81 = arith.constant 0 : i32
    %add3A_82 = arith.addi %mul3A_80, %add3A_81 : i32
    %mul3A_83 = arith.constant 12800 : i32
    %mul3A_84 = arith.muli %add3A_82, %mul3A_83 : i32
    %dma_start3A = tpu.memref_slice %arg2[%mul3A_84] : memref<204800xi32, #tpu.memory_space<hbm>> -> memref<12800xi32, #tpu.memory_space<hbm>>
    %dma_start3A_85 = tpu.memref_slice %arg2[%mul3A_84] : memref<204800xi32, #tpu.memory_space<hbm>> -> memref<12800xi32, #tpu.memory_space<hbm>>
    tpu.enqueue_dma source(%dma_start3A_85 : memref<12800xi32, #tpu.memory_space<hbm>>) target(%arg6 : memref<12800xi32, #tpu.memory_space<vmem>>) target_semaphore(%arg10 : memref<!tpu.dma_semaphore, #tpu.memory_space<semaphore_mem>>)
    %mul3A_86 = arith.constant 2 : i32
    %mul3A_87 = arith.muli %div3A_2, %mul3A_86 : i32
    %add3A_88 = arith.constant 1 : i32
    %add3A_89 = arith.addi %mul3A_87, %add3A_88 : i32
    %mul3A_90 = arith.constant 12800 : i32
    %mul3A_91 = arith.muli %add3A_89, %mul3A_90 : i32
    %dma_start3A_92 = tpu.memref_slice %arg2[%mul3A_91] : memref<204800xi32, #tpu.memory_space<hbm>> -> memref<12800xi32, #tpu.memory_space<hbm>>
    %dma_start3A_93 = tpu.memref_slice %arg2[%mul3A_91] : memref<204800xi32, #tpu.memory_space<hbm>> -> memref<12800xi32, #tpu.memory_space<hbm>>
    tpu.enqueue_dma source(%dma_start3A_93 : memref<12800xi32, #tpu.memory_space<hbm>>) target(%arg7 : memref<12800xi32, #tpu.memory_space<vmem>>) target_semaphore(%arg11 : memref<!tpu.dma_semaphore, #tpu.memory_space<semaphore_mem>>)
    %scan3A = arith.constant 0 : i32
    %scan3A_94 = arith.constant 0 : i32
    %mul3A_95 = arith.constant 2 : i32
    %mul3A_96 = arith.muli %mul3A_95, %scan3A_94 : i32
    %add3A_97 = arith.constant 0 : i32
    %add3A_98 = arith.addi %mul3A_96, %add3A_97 : i32
    %mul3A_99 = arith.constant 2 : i32
    %mul3A_100 = arith.muli %div3A_2, %mul3A_99 : i32
    %add3A_101 = arith.addi %mul3A_100, %add3A_98 : i32
    %mul3A_102 = arith.constant 12800 : i32
    %mul3A_103 = arith.muli %add3A_101, %mul3A_102 : i32
    %dma_wait3A = tpu.memref_slice %arg2[%mul3A_103] : memref<204800xi32, #tpu.memory_space<hbm>> -> memref<12800xi32, #tpu.memory_space<hbm>>
    %dma_wait3A_104 = tpu.memref_slice %arg2[%mul3A_103] : memref<204800xi32, #tpu.memory_space<hbm>> -> memref<12800xi32, #tpu.memory_space<hbm>>
    tpu.wait_dma2 semaphore(%arg10 : memref<!tpu.dma_semaphore, #tpu.memory_space<semaphore_mem>>) src(%dma_wait3A_104 : memref<12800xi32, #tpu.memory_space<hbm>>) dst(%arg6 : memref<12800xi32, #tpu.memory_space<vmem>>)
    %ge3A = arith.constant 2 : i32
    %ge3A_105 = arith.cmpi sge, %add3A_98, %ge3A : i32
    %convert_element_type3A = arith.extui %ge3A_105 : i1 to i32
    %cond3A = arith.constant 0 : i32
    %cond3A_106 = arith.cmpi ne, %convert_element_type3A, %cond3A : i32
    scf.if %cond3A_106 {
      %sub3A = arith.constant 2 : i32
      %sub3A_203 = arith.subi %add3A_98, %sub3A : i32
      %mul3A_204 = arith.constant 8 : i32
      %mul3A_205 = arith.muli %rem3A_1, %mul3A_204 : i32
      %mul3A_206 = arith.constant 2 : i32
      %mul3A_207 = arith.muli %mul3A_205, %mul3A_206 : i32
      %mul3A_208 = arith.constant 2 : i32
      %mul3A_209 = arith.muli %div3A_2, %mul3A_208 : i32
      %add3A_210 = arith.addi %mul3A_207, %mul3A_209 : i32
      %add3A_211 = arith.addi %add3A_210, %sub3A_203 : i32
      %mul3A_212 = arith.constant 2048 : i32
      %mul3A_213 = arith.muli %add3A_211, %mul3A_212 : i32
      %dma_wait3A_214 = tpu.memref_slice %arg4[%mul3A_213] : memref<131072xf32, #tpu.memory_space<hbm>> -> memref<2048xf32, #tpu.memory_space<hbm>>
      %dma_wait3A_215 = tpu.memref_slice %arg4[%mul3A_213] : memref<131072xf32, #tpu.memory_space<hbm>> -> memref<2048xf32, #tpu.memory_space<hbm>>
      tpu.wait_dma2 semaphore(%arg12 : memref<!tpu.dma_semaphore, #tpu.memory_space<semaphore_mem>>) src(%arg8 : memref<2048xf32, #tpu.memory_space<vmem>>) dst(%dma_wait3A_215 : memref<2048xf32, #tpu.memory_space<hbm>>)
    } else {
    }
    %scan3A_107 = arith.constant 0 : i32
    %scan3A_108 = arith.constant 0 : i32
    %scan3A_109 = arith.constant 16 : i32
    %scan3A_110 = arith.addi %scan3A_108, %scan3A_109 : i32
    %scan3A_111 = arith.constant 1 : i32
    %scan3A_112 = scf.for %scan3A_203 = %scan3A_108 to %scan3A_110 step %scan3A_111 iter_args(%scan3A_204 = %scan3A_107) -> (i32)  : i32 {
      %broadcast_in_dim3A_205 = arith.constant 0.000000e+00 : f32
      %broadcast_in_dim3A_206 = vector.broadcast %broadcast_in_dim3A_205 : f32 to vector<16xf32>
      %broadcast_in_dim3A_207 = arith.constant 1.000000e+00 : f32
      %broadcast_in_dim3A_208 = vector.broadcast %broadcast_in_dim3A_207 : f32 to vector<16xf32>
      %mul3A_209 = arith.constant 50 : i32
      %mul3A_210 = vector.broadcast %mul3A_209 : i32 to vector<16xi32>
      %mul3A_211 = arith.muli %iota3A, %mul3A_210 : vector<16xi32>
      %mul3A_212 = arith.constant 800 : i32
      %mul3A_213 = arith.muli %scan3A_203, %mul3A_212 : i32
      %add3A_214 = vector.broadcast %mul3A_213 : i32 to vector<16xi32>
      %add3A_215 = arith.addi %mul3A_211, %add3A_214 : vector<16xi32>
      %parallel_loop3A = arith.constant 0 : i32
      %parallel_loop3A_216 = arith.constant 50 : i32
      %parallel_loop3A_217 = arith.constant 1 : i32
      %parallel_loop3A_218:9 = scf.for %parallel_loop3A_264 = %parallel_loop3A to %parallel_loop3A_216 step %parallel_loop3A_217 iter_args(%parallel_loop3A_265 = %broadcast_in_dim3A_206, %parallel_loop3A_266 = %broadcast_in_dim3A_206, %parallel_loop3A_267 = %broadcast_in_dim3A_206, %parallel_loop3A_268 = %broadcast_in_dim3A_206, %parallel_loop3A_269 = %broadcast_in_dim3A_206, %parallel_loop3A_270 = %broadcast_in_dim3A_206, %parallel_loop3A_271 = %broadcast_in_dim3A_206, %parallel_loop3A_272 = %broadcast_in_dim3A_206, %parallel_loop3A_273 = %broadcast_in_dim3A_206) -> (vector<16xf32>, vector<16xf32>, vector<16xf32>, vector<16xf32>, vector<16xf32>, vector<16xf32>, vector<16xf32>, vector<16xf32>, vector<16xf32>)  : i32 {
        %parallel_loop3A_274 = vector.broadcast %parallel_loop3A_264 : i32 to vector<16xi32>
        %parallel_loop3A_275 = arith.addi %add3A_215, %parallel_loop3A_274 : vector<16xi32>
        %parallel_loop3A_276 = tpu.vector_load_idx %arg6[%parallel_loop3A_275] : memref<12800xi32, #tpu.memory_space<vmem>>[vector<16xi32>], vector<16xi32>,
        %parallel_loop3A_277 = arith.constant 0 : i32
        %parallel_loop3A_278 = vector.broadcast %parallel_loop3A_277 : i32 to vector<16xi32>
        %parallel_loop3A_279 = arith.cmpi ne, %parallel_loop3A_276, %parallel_loop3A_278 : vector<16xi32>
        %parallel_loop3A_280 = arith.select %parallel_loop3A_279, %broadcast_in_dim3A_208, %broadcast_in_dim3A_206 : vector<16xi1>, vector<16xf32>
        %parallel_loop3A_281 = arith.addf %parallel_loop3A_273, %parallel_loop3A_280 : vector<16xf32>
        %parallel_loop3A_282 = arith.constant 0 : i32
        %parallel_loop3A_283 = tpu.memref_slice %arg5[%parallel_loop3A_282] : memref<80000xf32, #tpu.memory_space<vmem>> -> memref<10000xf32, #tpu.memory_space<vmem>>
        %parallel_loop3A_284 = tpu.vector_load_idx %parallel_loop3A_283[%parallel_loop3A_276] : memref<10000xf32, #tpu.memory_space<vmem>>[vector<16xi32>], vector<16xf32>,
        %parallel_loop3A_285 = arith.addf %parallel_loop3A_265, %parallel_loop3A_284 : vector<16xf32>
        %parallel_loop3A_286 = arith.constant 10000 : i32
        %parallel_loop3A_287 = tpu.memref_slice %arg5[%parallel_loop3A_286] : memref<80000xf32, #tpu.memory_space<vmem>> -> memref<10000xf32, #tpu.memory_space<vmem>>
        %parallel_loop3A_288 = tpu.vector_load_idx %parallel_loop3A_287[%parallel_loop3A_276] : memref<10000xf32, #tpu.memory_space<vmem>>[vector<16xi32>], vector<16xf32>,
        %parallel_loop3A_289 = arith.addf %parallel_loop3A_266, %parallel_loop3A_288 : vector<16xf32>
        %parallel_loop3A_290 = arith.constant 20000 : i32
        %parallel_loop3A_291 = tpu.memref_slice %arg5[%parallel_loop3A_290] : memref<80000xf32, #tpu.memory_space<vmem>> -> memref<10000xf32, #tpu.memory_space<vmem>>
        %parallel_loop3A_292 = tpu.vector_load_idx %parallel_loop3A_291[%parallel_loop3A_276] : memref<10000xf32, #tpu.memory_space<vmem>>[vector<16xi32>], vector<16xf32>,
        %parallel_loop3A_293 = arith.addf %parallel_loop3A_267, %parallel_loop3A_292 : vector<16xf32>
        %parallel_loop3A_294 = arith.constant 30000 : i32
        %parallel_loop3A_295 = tpu.memref_slice %arg5[%parallel_loop3A_294] : memref<80000xf32, #tpu.memory_space<vmem>> -> memref<10000xf32, #tpu.memory_space<vmem>>
        %parallel_loop3A_296 = tpu.vector_load_idx %parallel_loop3A_295[%parallel_loop3A_276] : memref<10000xf32, #tpu.memory_space<vmem>>[vector<16xi32>], vector<16xf32>,
        %parallel_loop3A_297 = arith.addf %parallel_loop3A_268, %parallel_loop3A_296 : vector<16xf32>
        %parallel_loop3A_298 = arith.constant 40000 : i32
        %parallel_loop3A_299 = tpu.memref_slice %arg5[%parallel_loop3A_298] : memref<80000xf32, #tpu.memory_space<vmem>> -> memref<10000xf32, #tpu.memory_space<vmem>>
        %parallel_loop3A_300 = tpu.vector_load_idx %parallel_loop3A_299[%parallel_loop3A_276] : memref<10000xf32, #tpu.memory_space<vmem>>[vector<16xi32>], vector<16xf32>,
        %parallel_loop3A_301 = arith.addf %parallel_loop3A_269, %parallel_loop3A_300 : vector<16xf32>
        %parallel_loop3A_302 = arith.constant 50000 : i32
        %parallel_loop3A_303 = tpu.memref_slice %arg5[%parallel_loop3A_302] : memref<80000xf32, #tpu.memory_space<vmem>> -> memref<10000xf32, #tpu.memory_space<vmem>>
        %parallel_loop3A_304 = tpu.vector_load_idx %parallel_loop3A_303[%parallel_loop3A_276] : memref<10000xf32, #tpu.memory_space<vmem>>[vector<16xi32>], vector<16xf32>,
        %parallel_loop3A_305 = arith.addf %parallel_loop3A_270, %parallel_loop3A_304 : vector<16xf32>
        %parallel_loop3A_306 = arith.constant 60000 : i32
        %parallel_loop3A_307 = tpu.memref_slice %arg5[%parallel_loop3A_306] : memref<80000xf32, #tpu.memory_space<vmem>> -> memref<10000xf32, #tpu.memory_space<vmem>>
        %parallel_loop3A_308 = tpu.vector_load_idx %parallel_loop3A_307[%parallel_loop3A_276] : memref<10000xf32, #tpu.memory_space<vmem>>[vector<16xi32>], vector<16xf32>,
        %parallel_loop3A_309 = arith.addf %parallel_loop3A_271, %parallel_loop3A_308 : vector<16xf32>
        %parallel_loop3A_310 = arith.constant 70000 : i32
        %parallel_loop3A_311 = tpu.memref_slice %arg5[%parallel_loop3A_310] : memref<80000xf32, #tpu.memory_space<vmem>> -> memref<10000xf32, #tpu.memory_space<vmem>>
        %parallel_loop3A_312 = tpu.vector_load_idx %parallel_loop3A_311[%parallel_loop3A_276] : memref<10000xf32, #tpu.memory_space<vmem>>[vector<16xi32>], vector<16xf32>,
        %parallel_loop3A_313 = arith.addf %parallel_loop3A_272, %parallel_loop3A_312 : vector<16xf32>
        scf.yield %parallel_loop3A_285, %parallel_loop3A_289, %parallel_loop3A_293, %parallel_loop3A_297, %parallel_loop3A_301, %parallel_loop3A_305, %parallel_loop3A_309, %parallel_loop3A_313, %parallel_loop3A_281 : vector<16xf32>, vector<16xf32>, vector<16xf32>, vector<16xf32>, vector<16xf32>, vector<16xf32>, vector<16xf32>, vector<16xf32>, vector<16xf32>
      } {sc.loop_unroll_factor = 2 : i64, sc.parallel_access}
      %max3A = arith.constant 1.000000e+00 : f32
      %max3A_219 = vector.broadcast %max3A : f32 to vector<16xf32>
      %max3A_220 = arith.maximumf %parallel_loop3A_218#8, %max3A_219 : vector<16xf32>
      %div3A_221 = arith.constant 1.000000e+00 : f32
      %div3A_222 = vector.broadcast %div3A_221 : f32 to vector<16xf32>
      %div3A_223 = arith.divf %div3A_222, %max3A_220 : vector<16xf32>
      %mul3A_224 = arith.constant 8 : i32
      %mul3A_225 = vector.broadcast %mul3A_224 : i32 to vector<16xi32>
      %mul3A_226 = arith.muli %iota3A, %mul3A_225 : vector<16xi32>
      %mul3A_227 = arith.constant 128 : i32
      %mul3A_228 = arith.muli %scan3A_203, %mul3A_227 : i32
      %add3A_229 = vector.broadcast %mul3A_228 : i32 to vector<16xi32>
      %add3A_230 = arith.addi %mul3A_226, %add3A_229 : vector<16xi32>
      %add3A_231 = arith.constant 0 : i32
      %add3A_232 = vector.broadcast %add3A_231 : i32 to vector<16xi32>
      %add3A_233 = arith.addi %add3A_230, %add3A_232 : vector<16xi32>
      %mul3A_234 = arith.mulf %parallel_loop3A_218#0, %div3A_223 : vector<16xf32>
      tpu.vector_store_idx %arg8[%add3A_233], %mul3A_234 : memref<2048xf32, #tpu.memory_space<vmem>>[vector<16xi32>], vector<16xf32>,
      %add3A_235 = arith.constant 1 : i32
      %add3A_236 = vector.broadcast %add3A_235 : i32 to vector<16xi32>
      %add3A_237 = arith.addi %add3A_230, %add3A_236 : vector<16xi32>
      %mul3A_238 = arith.mulf %parallel_loop3A_218#1, %div3A_223 : vector<16xf32>
      tpu.vector_store_idx %arg8[%add3A_237], %mul3A_238 : memref<2048xf32, #tpu.memory_space<vmem>>[vector<16xi32>], vector<16xf32>,
      %add3A_239 = arith.constant 2 : i32
      %add3A_240 = vector.broadcast %add3A_239 : i32 to vector<16xi32>
      %add3A_241 = arith.addi %add3A_230, %add3A_240 : vector<16xi32>
      %mul3A_242 = arith.mulf %parallel_loop3A_218#2, %div3A_223 : vector<16xf32>
      tpu.vector_store_idx %arg8[%add3A_241], %mul3A_242 : memref<2048xf32, #tpu.memory_space<vmem>>[vector<16xi32>], vector<16xf32>,
      %add3A_243 = arith.constant 3 : i32
      %add3A_244 = vector.broadcast %add3A_243 : i32 to vector<16xi32>
      %add3A_245 = arith.addi %add3A_230, %add3A_244 : vector<16xi32>
      %mul3A_246 = arith.mulf %parallel_loop3A_218#3, %div3A_223 : vector<16xf32>
      tpu.vector_store_idx %arg8[%add3A_245], %mul3A_246 : memref<2048xf32, #tpu.memory_space<vmem>>[vector<16xi32>], vector<16xf32>,
      %add3A_247 = arith.constant 4 : i32
      %add3A_248 = vector.broadcast %add3A_247 : i32 to vector<16xi32>
      %add3A_249 = arith.addi %add3A_230, %add3A_248 : vector<16xi32>
      %mul3A_250 = arith.mulf %parallel_loop3A_218#4, %div3A_223 : vector<16xf32>
      tpu.vector_store_idx %arg8[%add3A_249], %mul3A_250 : memref<2048xf32, #tpu.memory_space<vmem>>[vector<16xi32>], vector<16xf32>,
      %add3A_251 = arith.constant 5 : i32
      %add3A_252 = vector.broadcast %add3A_251 : i32 to vector<16xi32>
      %add3A_253 = arith.addi %add3A_230, %add3A_252 : vector<16xi32>
      %mul3A_254 = arith.mulf %parallel_loop3A_218#5, %div3A_223 : vector<16xf32>
      tpu.vector_store_idx %arg8[%add3A_253], %mul3A_254 : memref<2048xf32, #tpu.memory_space<vmem>>[vector<16xi32>], vector<16xf32>,
      %add3A_255 = arith.constant 6 : i32
      %add3A_256 = vector.broadcast %add3A_255 : i32 to vector<16xi32>
      %add3A_257 = arith.addi %add3A_230, %add3A_256 : vector<16xi32>
      %mul3A_258 = arith.mulf %parallel_loop3A_218#6, %div3A_223 : vector<16xf32>
      tpu.vector_store_idx %arg8[%add3A_257], %mul3A_258 : memref<2048xf32, #tpu.memory_space<vmem>>[vector<16xi32>], vector<16xf32>,
      %add3A_259 = arith.constant 7 : i32
      %add3A_260 = vector.broadcast %add3A_259 : i32 to vector<16xi32>
      %add3A_261 = arith.addi %add3A_230, %add3A_260 : vector<16xi32>
      %mul3A_262 = arith.mulf %parallel_loop3A_218#7, %div3A_223 : vector<16xf32>
      tpu.vector_store_idx %arg8[%add3A_261], %mul3A_262 : memref<2048xf32, #tpu.memory_space<vmem>>[vector<16xi32>], vector<16xf32>,
      %scan3A_263 = arith.constant 0 : i32
      scf.yield %scan3A_263 : i32
    }
    %scan3A_113 = arith.constant 16 : i32
    %mul3A_114 = arith.constant 8 : i32
    %mul3A_115 = arith.muli %rem3A_1, %mul3A_114 : i32
    %mul3A_116 = arith.constant 2 : i32
    %mul3A_117 = arith.muli %mul3A_115, %mul3A_116 : i32
    %mul3A_118 = arith.constant 2 : i32
    %mul3A_119 = arith.muli %div3A_2, %mul3A_118 : i32
    %add3A_120 = arith.addi %mul3A_117, %mul3A_119 : i32
    %add3A_121 = arith.addi %add3A_120, %add3A_98 : i32
    %mul3A_122 = arith.constant 2048 : i32
    %mul3A_123 = arith.muli %add3A_121, %mul3A_122 : i32
    %dma_start3A_124 = tpu.memref_slice %arg4[%mul3A_123] : memref<131072xf32, #tpu.memory_space<hbm>> -> memref<2048xf32, #tpu.memory_space<hbm>>
    %dma_start3A_125 = tpu.memref_slice %arg4[%mul3A_123] : memref<131072xf32, #tpu.memory_space<hbm>> -> memref<2048xf32, #tpu.memory_space<hbm>>
    tpu.enqueue_dma source(%arg8 : memref<2048xf32, #tpu.memory_space<vmem>>) target(%dma_start3A_125 : memref<2048xf32, #tpu.memory_space<hbm>>) target_semaphore(%arg12 : memref<!tpu.dma_semaphore, #tpu.memory_space<semaphore_mem>>)
    %add3A_126 = arith.constant 2 : i32
    %add3A_127 = arith.addi %add3A_98, %add3A_126 : i32
    %lt3A_128 = arith.constant 2 : i32
    %lt3A_129 = arith.cmpi slt, %add3A_127, %lt3A_128 : i32
    %convert_element_type3A_130 = arith.extui %lt3A_129 : i1 to i32
    %cond3A_131 = arith.constant 0 : i32
    %cond3A_132 = arith.cmpi ne, %convert_element_type3A_130, %cond3A_131 : i32
    scf.if %cond3A_132 {
      %add3A_203 = arith.constant 2 : i32
      %add3A_204 = arith.addi %add3A_98, %add3A_203 : i32
      %mul3A_205 = arith.constant 2 : i32
      %mul3A_206 = arith.muli %div3A_2, %mul3A_205 : i32
      %add3A_207 = arith.addi %mul3A_206, %add3A_204 : i32
      %mul3A_208 = arith.constant 12800 : i32
      %mul3A_209 = arith.muli %add3A_207, %mul3A_208 : i32
      %dma_start3A_210 = tpu.memref_slice %arg2[%mul3A_209] : memref<204800xi32, #tpu.memory_space<hbm>> -> memref<12800xi32, #tpu.memory_space<hbm>>
      %dma_start3A_211 = tpu.memref_slice %arg2[%mul3A_209] : memref<204800xi32, #tpu.memory_space<hbm>> -> memref<12800xi32, #tpu.memory_space<hbm>>
      tpu.enqueue_dma source(%dma_start3A_211 : memref<12800xi32, #tpu.memory_space<hbm>>) target(%arg6 : memref<12800xi32, #tpu.memory_space<vmem>>) target_semaphore(%arg10 : memref<!tpu.dma_semaphore, #tpu.memory_space<semaphore_mem>>)
    } else {
    }
    %mul3A_133 = arith.constant 2 : i32
    %mul3A_134 = arith.muli %mul3A_133, %scan3A_94 : i32
    %add3A_135 = arith.constant 1 : i32
    %add3A_136 = arith.addi %mul3A_134, %add3A_135 : i32
    %mul3A_137 = arith.constant 2 : i32
    %mul3A_138 = arith.muli %div3A_2, %mul3A_137 : i32
    %add3A_139 = arith.addi %mul3A_138, %add3A_136 : i32
    %mul3A_140 = arith.constant 12800 : i32
    %mul3A_141 = arith.muli %add3A_139, %mul3A_140 : i32
    %dma_wait3A_142 = tpu.memref_slice %arg2[%mul3A_141] : memref<204800xi32, #tpu.memory_space<hbm>> -> memref<12800xi32, #tpu.memory_space<hbm>>
    %dma_wait3A_143 = tpu.memref_slice %arg2[%mul3A_141] : memref<204800xi32, #tpu.memory_space<hbm>> -> memref<12800xi32, #tpu.memory_space<hbm>>
    tpu.wait_dma2 semaphore(%arg11 : memref<!tpu.dma_semaphore, #tpu.memory_space<semaphore_mem>>) src(%dma_wait3A_143 : memref<12800xi32, #tpu.memory_space<hbm>>) dst(%arg7 : memref<12800xi32, #tpu.memory_space<vmem>>)
    %ge3A_144 = arith.constant 2 : i32
    %ge3A_145 = arith.cmpi sge, %add3A_136, %ge3A_144 : i32
    %convert_element_type3A_146 = arith.extui %ge3A_145 : i1 to i32
    %cond3A_147 = arith.constant 0 : i32
    %cond3A_148 = arith.cmpi ne, %convert_element_type3A_146, %cond3A_147 : i32
    scf.if %cond3A_148 {
      %sub3A = arith.constant 2 : i32
      %sub3A_203 = arith.subi %add3A_136, %sub3A : i32
      %mul3A_204 = arith.constant 8 : i32
      %mul3A_205 = arith.muli %rem3A_1, %mul3A_204 : i32
      %mul3A_206 = arith.constant 2 : i32
      %mul3A_207 = arith.muli %mul3A_205, %mul3A_206 : i32
      %mul3A_208 = arith.constant 2 : i32
      %mul3A_209 = arith.muli %div3A_2, %mul3A_208 : i32
      %add3A_210 = arith.addi %mul3A_207, %mul3A_209 : i32
      %add3A_211 = arith.addi %add3A_210, %sub3A_203 : i32
      %mul3A_212 = arith.constant 2048 : i32
      %mul3A_213 = arith.muli %add3A_211, %mul3A_212 : i32
      %dma_wait3A_214 = tpu.memref_slice %arg4[%mul3A_213] : memref<131072xf32, #tpu.memory_space<hbm>> -> memref<2048xf32, #tpu.memory_space<hbm>>
      %dma_wait3A_215 = tpu.memref_slice %arg4[%mul3A_213] : memref<131072xf32, #tpu.memory_space<hbm>> -> memref<2048xf32, #tpu.memory_space<hbm>>
      tpu.wait_dma2 semaphore(%arg13 : memref<!tpu.dma_semaphore, #tpu.memory_space<semaphore_mem>>) src(%arg9 : memref<2048xf32, #tpu.memory_space<vmem>>) dst(%dma_wait3A_215 : memref<2048xf32, #tpu.memory_space<hbm>>)
    } else {
    }
    %scan3A_149 = arith.constant 0 : i32
    %scan3A_150 = arith.constant 0 : i32
    %scan3A_151 = arith.constant 16 : i32
    %scan3A_152 = arith.addi %scan3A_150, %scan3A_151 : i32
    %scan3A_153 = arith.constant 1 : i32
    %scan3A_154 = scf.for %scan3A_203 = %scan3A_150 to %scan3A_152 step %scan3A_153 iter_args(%scan3A_204 = %scan3A_149) -> (i32)  : i32 {
      %broadcast_in_dim3A_205 = arith.constant 0.000000e+00 : f32
      %broadcast_in_dim3A_206 = vector.broadcast %broadcast_in_dim3A_205 : f32 to vector<16xf32>
      %broadcast_in_dim3A_207 = arith.constant 1.000000e+00 : f32
      %broadcast_in_dim3A_208 = vector.broadcast %broadcast_in_dim3A_207 : f32 to vector<16xf32>
      %mul3A_209 = arith.constant 50 : i32
      %mul3A_210 = vector.broadcast %mul3A_209 : i32 to vector<16xi32>
      %mul3A_211 = arith.muli %iota3A, %mul3A_210 : vector<16xi32>
      %mul3A_212 = arith.constant 800 : i32
      %mul3A_213 = arith.muli %scan3A_203, %mul3A_212 : i32
      %add3A_214 = vector.broadcast %mul3A_213 : i32 to vector<16xi32>
      %add3A_215 = arith.addi %mul3A_211, %add3A_214 : vector<16xi32>
      %parallel_loop3A = arith.constant 0 : i32
      %parallel_loop3A_216 = arith.constant 50 : i32
      %parallel_loop3A_217 = arith.constant 1 : i32
      %parallel_loop3A_218:9 = scf.for %parallel_loop3A_264 = %parallel_loop3A to %parallel_loop3A_216 step %parallel_loop3A_217 iter_args(%parallel_loop3A_265 = %broadcast_in_dim3A_206, %parallel_loop3A_266 = %broadcast_in_dim3A_206, %parallel_loop3A_267 = %broadcast_in_dim3A_206, %parallel_loop3A_268 = %broadcast_in_dim3A_206, %parallel_loop3A_269 = %broadcast_in_dim3A_206, %parallel_loop3A_270 = %broadcast_in_dim3A_206, %parallel_loop3A_271 = %broadcast_in_dim3A_206, %parallel_loop3A_272 = %broadcast_in_dim3A_206, %parallel_loop3A_273 = %broadcast_in_dim3A_206) -> (vector<16xf32>, vector<16xf32>, vector<16xf32>, vector<16xf32>, vector<16xf32>, vector<16xf32>, vector<16xf32>, vector<16xf32>, vector<16xf32>)  : i32 {
        %parallel_loop3A_274 = vector.broadcast %parallel_loop3A_264 : i32 to vector<16xi32>
        %parallel_loop3A_275 = arith.addi %add3A_215, %parallel_loop3A_274 : vector<16xi32>
        %parallel_loop3A_276 = tpu.vector_load_idx %arg7[%parallel_loop3A_275] : memref<12800xi32, #tpu.memory_space<vmem>>[vector<16xi32>], vector<16xi32>,
        %parallel_loop3A_277 = arith.constant 0 : i32
        %parallel_loop3A_278 = vector.broadcast %parallel_loop3A_277 : i32 to vector<16xi32>
        %parallel_loop3A_279 = arith.cmpi ne, %parallel_loop3A_276, %parallel_loop3A_278 : vector<16xi32>
        %parallel_loop3A_280 = arith.select %parallel_loop3A_279, %broadcast_in_dim3A_208, %broadcast_in_dim3A_206 : vector<16xi1>, vector<16xf32>
        %parallel_loop3A_281 = arith.addf %parallel_loop3A_273, %parallel_loop3A_280 : vector<16xf32>
        %parallel_loop3A_282 = arith.constant 0 : i32
        %parallel_loop3A_283 = tpu.memref_slice %arg5[%parallel_loop3A_282] : memref<80000xf32, #tpu.memory_space<vmem>> -> memref<10000xf32, #tpu.memory_space<vmem>>
        %parallel_loop3A_284 = tpu.vector_load_idx %parallel_loop3A_283[%parallel_loop3A_276] : memref<10000xf32, #tpu.memory_space<vmem>>[vector<16xi32>], vector<16xf32>,
        %parallel_loop3A_285 = arith.addf %parallel_loop3A_265, %parallel_loop3A_284 : vector<16xf32>
        %parallel_loop3A_286 = arith.constant 10000 : i32
        %parallel_loop3A_287 = tpu.memref_slice %arg5[%parallel_loop3A_286] : memref<80000xf32, #tpu.memory_space<vmem>> -> memref<10000xf32, #tpu.memory_space<vmem>>
        %parallel_loop3A_288 = tpu.vector_load_idx %parallel_loop3A_287[%parallel_loop3A_276] : memref<10000xf32, #tpu.memory_space<vmem>>[vector<16xi32>], vector<16xf32>,
        %parallel_loop3A_289 = arith.addf %parallel_loop3A_266, %parallel_loop3A_288 : vector<16xf32>
        %parallel_loop3A_290 = arith.constant 20000 : i32
        %parallel_loop3A_291 = tpu.memref_slice %arg5[%parallel_loop3A_290] : memref<80000xf32, #tpu.memory_space<vmem>> -> memref<10000xf32, #tpu.memory_space<vmem>>
        %parallel_loop3A_292 = tpu.vector_load_idx %parallel_loop3A_291[%parallel_loop3A_276] : memref<10000xf32, #tpu.memory_space<vmem>>[vector<16xi32>], vector<16xf32>,
        %parallel_loop3A_293 = arith.addf %parallel_loop3A_267, %parallel_loop3A_292 : vector<16xf32>
        %parallel_loop3A_294 = arith.constant 30000 : i32
        %parallel_loop3A_295 = tpu.memref_slice %arg5[%parallel_loop3A_294] : memref<80000xf32, #tpu.memory_space<vmem>> -> memref<10000xf32, #tpu.memory_space<vmem>>
        %parallel_loop3A_296 = tpu.vector_load_idx %parallel_loop3A_295[%parallel_loop3A_276] : memref<10000xf32, #tpu.memory_space<vmem>>[vector<16xi32>], vector<16xf32>,
        %parallel_loop3A_297 = arith.addf %parallel_loop3A_268, %parallel_loop3A_296 : vector<16xf32>
        %parallel_loop3A_298 = arith.constant 40000 : i32
        %parallel_loop3A_299 = tpu.memref_slice %arg5[%parallel_loop3A_298] : memref<80000xf32, #tpu.memory_space<vmem>> -> memref<10000xf32, #tpu.memory_space<vmem>>
        %parallel_loop3A_300 = tpu.vector_load_idx %parallel_loop3A_299[%parallel_loop3A_276] : memref<10000xf32, #tpu.memory_space<vmem>>[vector<16xi32>], vector<16xf32>,
        %parallel_loop3A_301 = arith.addf %parallel_loop3A_269, %parallel_loop3A_300 : vector<16xf32>
        %parallel_loop3A_302 = arith.constant 50000 : i32
        %parallel_loop3A_303 = tpu.memref_slice %arg5[%parallel_loop3A_302] : memref<80000xf32, #tpu.memory_space<vmem>> -> memref<10000xf32, #tpu.memory_space<vmem>>
        %parallel_loop3A_304 = tpu.vector_load_idx %parallel_loop3A_303[%parallel_loop3A_276] : memref<10000xf32, #tpu.memory_space<vmem>>[vector<16xi32>], vector<16xf32>,
        %parallel_loop3A_305 = arith.addf %parallel_loop3A_270, %parallel_loop3A_304 : vector<16xf32>
        %parallel_loop3A_306 = arith.constant 60000 : i32
        %parallel_loop3A_307 = tpu.memref_slice %arg5[%parallel_loop3A_306] : memref<80000xf32, #tpu.memory_space<vmem>> -> memref<10000xf32, #tpu.memory_space<vmem>>
        %parallel_loop3A_308 = tpu.vector_load_idx %parallel_loop3A_307[%parallel_loop3A_276] : memref<10000xf32, #tpu.memory_space<vmem>>[vector<16xi32>], vector<16xf32>,
        %parallel_loop3A_309 = arith.addf %parallel_loop3A_271, %parallel_loop3A_308 : vector<16xf32>
        %parallel_loop3A_310 = arith.constant 70000 : i32
        %parallel_loop3A_311 = tpu.memref_slice %arg5[%parallel_loop3A_310] : memref<80000xf32, #tpu.memory_space<vmem>> -> memref<10000xf32, #tpu.memory_space<vmem>>
        %parallel_loop3A_312 = tpu.vector_load_idx %parallel_loop3A_311[%parallel_loop3A_276] : memref<10000xf32, #tpu.memory_space<vmem>>[vector<16xi32>], vector<16xf32>,
        %parallel_loop3A_313 = arith.addf %parallel_loop3A_272, %parallel_loop3A_312 : vector<16xf32>
        scf.yield %parallel_loop3A_285, %parallel_loop3A_289, %parallel_loop3A_293, %parallel_loop3A_297, %parallel_loop3A_301, %parallel_loop3A_305, %parallel_loop3A_309, %parallel_loop3A_313, %parallel_loop3A_281 : vector<16xf32>, vector<16xf32>, vector<16xf32>, vector<16xf32>, vector<16xf32>, vector<16xf32>, vector<16xf32>, vector<16xf32>, vector<16xf32>
      } {sc.loop_unroll_factor = 2 : i64, sc.parallel_access}
      %max3A = arith.constant 1.000000e+00 : f32
      %max3A_219 = vector.broadcast %max3A : f32 to vector<16xf32>
      %max3A_220 = arith.maximumf %parallel_loop3A_218#8, %max3A_219 : vector<16xf32>
      %div3A_221 = arith.constant 1.000000e+00 : f32
      %div3A_222 = vector.broadcast %div3A_221 : f32 to vector<16xf32>
      %div3A_223 = arith.divf %div3A_222, %max3A_220 : vector<16xf32>
      %mul3A_224 = arith.constant 8 : i32
      %mul3A_225 = vector.broadcast %mul3A_224 : i32 to vector<16xi32>
      %mul3A_226 = arith.muli %iota3A, %mul3A_225 : vector<16xi32>
      %mul3A_227 = arith.constant 128 : i32
      %mul3A_228 = arith.muli %scan3A_203, %mul3A_227 : i32
      %add3A_229 = vector.broadcast %mul3A_228 : i32 to vector<16xi32>
      %add3A_230 = arith.addi %mul3A_226, %add3A_229 : vector<16xi32>
      %add3A_231 = arith.constant 0 : i32
      %add3A_232 = vector.broadcast %add3A_231 : i32 to vector<16xi32>
      %add3A_233 = arith.addi %add3A_230, %add3A_232 : vector<16xi32>
      %mul3A_234 = arith.mulf %parallel_loop3A_218#0, %div3A_223 : vector<16xf32>
      tpu.vector_store_idx %arg9[%add3A_233], %mul3A_234 : memref<2048xf32, #tpu.memory_space<vmem>>[vector<16xi32>], vector<16xf32>,
      %add3A_235 = arith.constant 1 : i32
      %add3A_236 = vector.broadcast %add3A_235 : i32 to vector<16xi32>
      %add3A_237 = arith.addi %add3A_230, %add3A_236 : vector<16xi32>
      %mul3A_238 = arith.mulf %parallel_loop3A_218#1, %div3A_223 : vector<16xf32>
      tpu.vector_store_idx %arg9[%add3A_237], %mul3A_238 : memref<2048xf32, #tpu.memory_space<vmem>>[vector<16xi32>], vector<16xf32>,
      %add3A_239 = arith.constant 2 : i32
      %add3A_240 = vector.broadcast %add3A_239 : i32 to vector<16xi32>
      %add3A_241 = arith.addi %add3A_230, %add3A_240 : vector<16xi32>
      %mul3A_242 = arith.mulf %parallel_loop3A_218#2, %div3A_223 : vector<16xf32>
      tpu.vector_store_idx %arg9[%add3A_241], %mul3A_242 : memref<2048xf32, #tpu.memory_space<vmem>>[vector<16xi32>], vector<16xf32>,
      %add3A_243 = arith.constant 3 : i32
      %add3A_244 = vector.broadcast %add3A_243 : i32 to vector<16xi32>
      %add3A_245 = arith.addi %add3A_230, %add3A_244 : vector<16xi32>
      %mul3A_246 = arith.mulf %parallel_loop3A_218#3, %div3A_223 : vector<16xf32>
      tpu.vector_store_idx %arg9[%add3A_245], %mul3A_246 : memref<2048xf32, #tpu.memory_space<vmem>>[vector<16xi32>], vector<16xf32>,
      %add3A_247 = arith.constant 4 : i32
      %add3A_248 = vector.broadcast %add3A_247 : i32 to vector<16xi32>
      %add3A_249 = arith.addi %add3A_230, %add3A_248 : vector<16xi32>
      %mul3A_250 = arith.mulf %parallel_loop3A_218#4, %div3A_223 : vector<16xf32>
      tpu.vector_store_idx %arg9[%add3A_249], %mul3A_250 : memref<2048xf32, #tpu.memory_space<vmem>>[vector<16xi32>], vector<16xf32>,
      %add3A_251 = arith.constant 5 : i32
      %add3A_252 = vector.broadcast %add3A_251 : i32 to vector<16xi32>
      %add3A_253 = arith.addi %add3A_230, %add3A_252 : vector<16xi32>
      %mul3A_254 = arith.mulf %parallel_loop3A_218#5, %div3A_223 : vector<16xf32>
      tpu.vector_store_idx %arg9[%add3A_253], %mul3A_254 : memref<2048xf32, #tpu.memory_space<vmem>>[vector<16xi32>], vector<16xf32>,
      %add3A_255 = arith.constant 6 : i32
      %add3A_256 = vector.broadcast %add3A_255 : i32 to vector<16xi32>
      %add3A_257 = arith.addi %add3A_230, %add3A_256 : vector<16xi32>
      %mul3A_258 = arith.mulf %parallel_loop3A_218#6, %div3A_223 : vector<16xf32>
      tpu.vector_store_idx %arg9[%add3A_257], %mul3A_258 : memref<2048xf32, #tpu.memory_space<vmem>>[vector<16xi32>], vector<16xf32>,
      %add3A_259 = arith.constant 7 : i32
      %add3A_260 = vector.broadcast %add3A_259 : i32 to vector<16xi32>
      %add3A_261 = arith.addi %add3A_230, %add3A_260 : vector<16xi32>
      %mul3A_262 = arith.mulf %parallel_loop3A_218#7, %div3A_223 : vector<16xf32>
      tpu.vector_store_idx %arg9[%add3A_261], %mul3A_262 : memref<2048xf32, #tpu.memory_space<vmem>>[vector<16xi32>], vector<16xf32>,
      %scan3A_263 = arith.constant 0 : i32
      scf.yield %scan3A_263 : i32
    }
    %scan3A_155 = arith.constant 16 : i32
    %mul3A_156 = arith.constant 8 : i32
    %mul3A_157 = arith.muli %rem3A_1, %mul3A_156 : i32
    %mul3A_158 = arith.constant 2 : i32
    %mul3A_159 = arith.muli %mul3A_157, %mul3A_158 : i32
    %mul3A_160 = arith.constant 2 : i32
    %mul3A_161 = arith.muli %div3A_2, %mul3A_160 : i32
    %add3A_162 = arith.addi %mul3A_159, %mul3A_161 : i32
    %add3A_163 = arith.addi %add3A_162, %add3A_136 : i32
    %mul3A_164 = arith.constant 2048 : i32
    %mul3A_165 = arith.muli %add3A_163, %mul3A_164 : i32
    %dma_start3A_166 = tpu.memref_slice %arg4[%mul3A_165] : memref<131072xf32, #tpu.memory_space<hbm>> -> memref<2048xf32, #tpu.memory_space<hbm>>
    %dma_start3A_167 = tpu.memref_slice %arg4[%mul3A_165] : memref<131072xf32, #tpu.memory_space<hbm>> -> memref<2048xf32, #tpu.memory_space<hbm>>
    tpu.enqueue_dma source(%arg9 : memref<2048xf32, #tpu.memory_space<vmem>>) target(%dma_start3A_167 : memref<2048xf32, #tpu.memory_space<hbm>>) target_semaphore(%arg13 : memref<!tpu.dma_semaphore, #tpu.memory_space<semaphore_mem>>)
    %add3A_168 = arith.constant 2 : i32
    %add3A_169 = arith.addi %add3A_136, %add3A_168 : i32
    %lt3A_170 = arith.constant 2 : i32
    %lt3A_171 = arith.cmpi slt, %add3A_169, %lt3A_170 : i32
    %convert_element_type3A_172 = arith.extui %lt3A_171 : i1 to i32
    %cond3A_173 = arith.constant 0 : i32
    %cond3A_174 = arith.cmpi ne, %convert_element_type3A_172, %cond3A_173 : i32
    scf.if %cond3A_174 {
      %add3A_203 = arith.constant 2 : i32
      %add3A_204 = arith.addi %add3A_136, %add3A_203 : i32
      %mul3A_205 = arith.constant 2 : i32
      %mul3A_206 = arith.muli %div3A_2, %mul3A_205 : i32
      %add3A_207 = arith.addi %mul3A_206, %add3A_204 : i32
      %mul3A_208 = arith.constant 12800 : i32
      %mul3A_209 = arith.muli %add3A_207, %mul3A_208 : i32
      %dma_start3A_210 = tpu.memref_slice %arg2[%mul3A_209] : memref<204800xi32, #tpu.memory_space<hbm>> -> memref<12800xi32, #tpu.memory_space<hbm>>
      %dma_start3A_211 = tpu.memref_slice %arg2[%mul3A_209] : memref<204800xi32, #tpu.memory_space<hbm>> -> memref<12800xi32, #tpu.memory_space<hbm>>
      tpu.enqueue_dma source(%dma_start3A_211 : memref<12800xi32, #tpu.memory_space<hbm>>) target(%arg7 : memref<12800xi32, #tpu.memory_space<vmem>>) target_semaphore(%arg11 : memref<!tpu.dma_semaphore, #tpu.memory_space<semaphore_mem>>)
    } else {
    }
    %scan3A_175 = arith.constant 0 : i32
    %scan3A_176 = arith.constant 1 : i32
    %mul3A_177 = arith.constant 8 : i32
    %mul3A_178 = arith.muli %rem3A_1, %mul3A_177 : i32
    %mul3A_179 = arith.constant 2 : i32
    %mul3A_180 = arith.muli %mul3A_178, %mul3A_179 : i32
    %mul3A_181 = arith.constant 2 : i32
    %mul3A_182 = arith.muli %div3A_2, %mul3A_181 : i32
    %add3A_183 = arith.addi %mul3A_180, %mul3A_182 : i32
    %add3A_184 = arith.constant 0 : i32
    %add3A_185 = arith.addi %add3A_183, %add3A_184 : i32
    %mul3A_186 = arith.constant 2048 : i32
    %mul3A_187 = arith.muli %add3A_185, %mul3A_186 : i32
    %dma_wait3A_188 = tpu.memref_slice %arg4[%mul3A_187] : memref<131072xf32, #tpu.memory_space<hbm>> -> memref<2048xf32, #tpu.memory_space<hbm>>
    %dma_wait3A_189 = tpu.memref_slice %arg4[%mul3A_187] : memref<131072xf32, #tpu.memory_space<hbm>> -> memref<2048xf32, #tpu.memory_space<hbm>>
    tpu.wait_dma2 semaphore(%arg12 : memref<!tpu.dma_semaphore, #tpu.memory_space<semaphore_mem>>) src(%arg8 : memref<2048xf32, #tpu.memory_space<vmem>>) dst(%dma_wait3A_189 : memref<2048xf32, #tpu.memory_space<hbm>>)
    %mul3A_190 = arith.constant 8 : i32
    %mul3A_191 = arith.muli %rem3A_1, %mul3A_190 : i32
    %mul3A_192 = arith.constant 2 : i32
    %mul3A_193 = arith.muli %mul3A_191, %mul3A_192 : i32
    %mul3A_194 = arith.constant 2 : i32
    %mul3A_195 = arith.muli %div3A_2, %mul3A_194 : i32
    %add3A_196 = arith.addi %mul3A_193, %mul3A_195 : i32
    %add3A_197 = arith.constant 1 : i32
    %add3A_198 = arith.addi %add3A_196, %add3A_197 : i32
    %mul3A_199 = arith.constant 2048 : i32
    %mul3A_200 = arith.muli %add3A_198, %mul3A_199 : i32
    %dma_wait3A_201 = tpu.memref_slice %arg4[%mul3A_200] : memref<131072xf32, #tpu.memory_space<hbm>> -> memref<2048xf32, #tpu.memory_space<hbm>>
    %dma_wait3A_202 = tpu.memref_slice %arg4[%mul3A_200] : memref<131072xf32, #tpu.memory_space<hbm>> -> memref<2048xf32, #tpu.memory_space<hbm>>
    tpu.wait_dma2 semaphore(%arg13 : memref<!tpu.dma_semaphore, #tpu.memory_space<semaphore_mem>>) src(%arg9 : memref<2048xf32, #tpu.memory_space<vmem>>) dst(%dma_wait3A_202 : memref<2048xf32, #tpu.memory_space<hbm>>)
    return
  }
}

#map = affine_map<(d0, d1) -> (0)>
module attributes {stable_mosaic.version = 14 : i64} {
  func.func @_sc_body(%arg0: i32, %arg1: i32, %arg2: memref<204800xi32, #tpu.memory_space<hbm>>, %arg3: memref<320000xf32, #tpu.memory_space<hbm>>, %arg4: memref<131072xf32, #tpu.memory_space<hbm>>, %arg5: memref<80000xf32, #tpu.memory_space<vmem>>, %arg6: memref<12800xi32, #tpu.memory_space<vmem>>, %arg7: memref<12800xi32, #tpu.memory_space<vmem>>, %arg8: memref<2048xf32, #tpu.memory_space<vmem>>, %arg9: memref<2048xf32, #tpu.memory_space<vmem>>, %arg10: memref<!tpu.dma_semaphore, #tpu.memory_space<semaphore_mem>>, %arg11: memref<!tpu.dma_semaphore, #tpu.memory_space<semaphore_mem>>, %arg12: memref<!tpu.dma_semaphore, #tpu.memory_space<semaphore_mem>>, %arg13: memref<!tpu.dma_semaphore, #tpu.memory_space<semaphore_mem>>) attributes {dimension_semantics = [#tpu.dimension_semantics<core_parallel>, #tpu.dimension_semantics<subcore_parallel>], iteration_bounds = array<i64: 2, 16>, scalar_prefetch = 0 : i64, scratch_operands = 9 : i64, tpu.core_type = #tpu.core_type<sc_vector_subcore>, window_params = [{transform_indices = #map}, {transform_indices = #map}, {transform_indices = #map}]} {
    %mul3A = arith.constant 2 : i32
    %mul3A_0 = arith.muli %arg1, %mul3A : i32
    %add3A = arith.addi %mul3A_0, %arg0 : i32
    %rem3A = arith.constant 4 : i32
    %rem3A_1 = arith.remsi %add3A, %rem3A : i32
    %div3A = arith.constant 4 : i32
    %div3A_2 = arith.divsi %add3A, %div3A : i32
    %iota3A = tpu.iota {dimensions = array<i32: 0>} : vector<16xi32>
    %mul3A_3 = arith.constant 80000 : i32
    %mul3A_4 = arith.muli %rem3A_1, %mul3A_3 : i32
    "tpu.region"() ({
      %run_scoped3A = tpu.sem_alloc : memref<!tpu.dma_semaphore, #tpu.memory_space<semaphore_mem>>
      %dma_start3A_203 = tpu.memref_slice %arg3[%mul3A_4] : memref<320000xf32, #tpu.memory_space<hbm>> -> memref<80000xf32, #tpu.memory_space<hbm>>
      %dma_start3A_204 = tpu.memref_slice %arg3[%mul3A_4] : memref<320000xf32, #tpu.memory_space<hbm>> -> memref<80000xf32, #tpu.memory_space<hbm>>
      tpu.enqueue_dma source(%dma_start3A_204 : memref<80000xf32, #tpu.memory_space<hbm>>) target(%arg5 : memref<80000xf32, #tpu.memory_space<vmem>>) target_semaphore(%run_scoped3A : memref<!tpu.dma_semaphore, #tpu.memory_space<semaphore_mem>>)
      %dma_wait3A_205 = tpu.memref_slice %arg3[%mul3A_4] : memref<320000xf32, #tpu.memory_space<hbm>> -> memref<80000xf32, #tpu.memory_space<hbm>>
      %dma_wait3A_206 = tpu.memref_slice %arg3[%mul3A_4] : memref<320000xf32, #tpu.memory_space<hbm>> -> memref<80000xf32, #tpu.memory_space<hbm>>
      tpu.wait_dma2 semaphore(%run_scoped3A : memref<!tpu.dma_semaphore, #tpu.memory_space<semaphore_mem>>) src(%dma_wait3A_206 : memref<80000xf32, #tpu.memory_space<hbm>>) dst(%arg5 : memref<80000xf32, #tpu.memory_space<vmem>>)
      tpu.yield
    }) : () -> ()
    %get3A = arith.constant 0 : index
    %get3A_5 = tpu.vector_load %arg5[%get3A] {strides = array<i32>} : memref<80000xf32, #tpu.memory_space<vmem>>, vector<16xf32>,
    %lt3A = arith.constant 1 : i32
    %lt3A_6 = vector.broadcast %lt3A : i32 to vector<16xi32>
    %lt3A_7 = arith.cmpi slt, %iota3A, %lt3A_6 : vector<16xi32>
    %jit3A = arith.constant 0.000000e+00 : f32
    %broadcast_in_dim3A = vector.broadcast %jit3A : f32 to vector<16xf32>
    %select_n3A = arith.select %lt3A_7, %broadcast_in_dim3A, %get3A_5 : vector<16xi1>, vector<16xf32>
    %swap3A = arith.constant 0 : index
    %swap3A_8 = tpu.vector_load %arg5[%swap3A] {strides = array<i32>} : memref<80000xf32, #tpu.memory_space<vmem>>, vector<16xf32>,
    tpu.vector_store %arg5[%swap3A], %select_n3A {strides = array<i32>} : memref<80000xf32, #tpu.memory_space<vmem>>, vector<16xf32>,
    %get3A_9 = arith.constant 10000 : index
    %get3A_10 = tpu.vector_load %arg5[%get3A_9] {strides = array<i32>} : memref<80000xf32, #tpu.memory_space<vmem>>, vector<16xf32>,
    %lt3A_11 = arith.constant 1 : i32
    %lt3A_12 = vector.broadcast %lt3A_11 : i32 to vector<16xi32>
    %lt3A_13 = arith.cmpi slt, %iota3A, %lt3A_12 : vector<16xi32>
    %jit3A_14 = arith.constant 0.000000e+00 : f32
    %broadcast_in_dim3A_15 = vector.broadcast %jit3A_14 : f32 to vector<16xf32>
    %select_n3A_16 = arith.select %lt3A_13, %broadcast_in_dim3A_15, %get3A_10 : vector<16xi1>, vector<16xf32>
    %swap3A_17 = arith.constant 10000 : index
    %swap3A_18 = tpu.vector_load %arg5[%swap3A_17] {strides = array<i32>} : memref<80000xf32, #tpu.memory_space<vmem>>, vector<16xf32>,
    tpu.vector_store %arg5[%swap3A_17], %select_n3A_16 {strides = array<i32>} : memref<80000xf32, #tpu.memory_space<vmem>>, vector<16xf32>,
    %get3A_19 = arith.constant 20000 : index
    %get3A_20 = tpu.vector_load %arg5[%get3A_19] {strides = array<i32>} : memref<80000xf32, #tpu.memory_space<vmem>>, vector<16xf32>,
    %lt3A_21 = arith.constant 1 : i32
    %lt3A_22 = vector.broadcast %lt3A_21 : i32 to vector<16xi32>
    %lt3A_23 = arith.cmpi slt, %iota3A, %lt3A_22 : vector<16xi32>
    %jit3A_24 = arith.constant 0.000000e+00 : f32
    %broadcast_in_dim3A_25 = vector.broadcast %jit3A_24 : f32 to vector<16xf32>
    %select_n3A_26 = arith.select %lt3A_23, %broadcast_in_dim3A_25, %get3A_20 : vector<16xi1>, vector<16xf32>
    %swap3A_27 = arith.constant 20000 : index
    %swap3A_28 = tpu.vector_load %arg5[%swap3A_27] {strides = array<i32>} : memref<80000xf32, #tpu.memory_space<vmem>>, vector<16xf32>,
    tpu.vector_store %arg5[%swap3A_27], %select_n3A_26 {strides = array<i32>} : memref<80000xf32, #tpu.memory_space<vmem>>, vector<16xf32>,
    %get3A_29 = arith.constant 30000 : index
    %get3A_30 = tpu.vector_load %arg5[%get3A_29] {strides = array<i32>} : memref<80000xf32, #tpu.memory_space<vmem>>, vector<16xf32>,
    %lt3A_31 = arith.constant 1 : i32
    %lt3A_32 = vector.broadcast %lt3A_31 : i32 to vector<16xi32>
    %lt3A_33 = arith.cmpi slt, %iota3A, %lt3A_32 : vector<16xi32>
    %jit3A_34 = arith.constant 0.000000e+00 : f32
    %broadcast_in_dim3A_35 = vector.broadcast %jit3A_34 : f32 to vector<16xf32>
    %select_n3A_36 = arith.select %lt3A_33, %broadcast_in_dim3A_35, %get3A_30 : vector<16xi1>, vector<16xf32>
    %swap3A_37 = arith.constant 30000 : index
    %swap3A_38 = tpu.vector_load %arg5[%swap3A_37] {strides = array<i32>} : memref<80000xf32, #tpu.memory_space<vmem>>, vector<16xf32>,
    tpu.vector_store %arg5[%swap3A_37], %select_n3A_36 {strides = array<i32>} : memref<80000xf32, #tpu.memory_space<vmem>>, vector<16xf32>,
    %get3A_39 = arith.constant 40000 : index
    %get3A_40 = tpu.vector_load %arg5[%get3A_39] {strides = array<i32>} : memref<80000xf32, #tpu.memory_space<vmem>>, vector<16xf32>,
    %lt3A_41 = arith.constant 1 : i32
    %lt3A_42 = vector.broadcast %lt3A_41 : i32 to vector<16xi32>
    %lt3A_43 = arith.cmpi slt, %iota3A, %lt3A_42 : vector<16xi32>
    %jit3A_44 = arith.constant 0.000000e+00 : f32
    %broadcast_in_dim3A_45 = vector.broadcast %jit3A_44 : f32 to vector<16xf32>
    %select_n3A_46 = arith.select %lt3A_43, %broadcast_in_dim3A_45, %get3A_40 : vector<16xi1>, vector<16xf32>
    %swap3A_47 = arith.constant 40000 : index
    %swap3A_48 = tpu.vector_load %arg5[%swap3A_47] {strides = array<i32>} : memref<80000xf32, #tpu.memory_space<vmem>>, vector<16xf32>,
    tpu.vector_store %arg5[%swap3A_47], %select_n3A_46 {strides = array<i32>} : memref<80000xf32, #tpu.memory_space<vmem>>, vector<16xf32>,
    %get3A_49 = arith.constant 50000 : index
    %get3A_50 = tpu.vector_load %arg5[%get3A_49] {strides = array<i32>} : memref<80000xf32, #tpu.memory_space<vmem>>, vector<16xf32>,
    %lt3A_51 = arith.constant 1 : i32
    %lt3A_52 = vector.broadcast %lt3A_51 : i32 to vector<16xi32>
    %lt3A_53 = arith.cmpi slt, %iota3A, %lt3A_52 : vector<16xi32>
    %jit3A_54 = arith.constant 0.000000e+00 : f32
    %broadcast_in_dim3A_55 = vector.broadcast %jit3A_54 : f32 to vector<16xf32>
    %select_n3A_56 = arith.select %lt3A_53, %broadcast_in_dim3A_55, %get3A_50 : vector<16xi1>, vector<16xf32>
    %swap3A_57 = arith.constant 50000 : index
    %swap3A_58 = tpu.vector_load %arg5[%swap3A_57] {strides = array<i32>} : memref<80000xf32, #tpu.memory_space<vmem>>, vector<16xf32>,
    tpu.vector_store %arg5[%swap3A_57], %select_n3A_56 {strides = array<i32>} : memref<80000xf32, #tpu.memory_space<vmem>>, vector<16xf32>,
    %get3A_59 = arith.constant 60000 : index
    %get3A_60 = tpu.vector_load %arg5[%get3A_59] {strides = array<i32>} : memref<80000xf32, #tpu.memory_space<vmem>>, vector<16xf32>,
    %lt3A_61 = arith.constant 1 : i32
    %lt3A_62 = vector.broadcast %lt3A_61 : i32 to vector<16xi32>
    %lt3A_63 = arith.cmpi slt, %iota3A, %lt3A_62 : vector<16xi32>
    %jit3A_64 = arith.constant 0.000000e+00 : f32
    %broadcast_in_dim3A_65 = vector.broadcast %jit3A_64 : f32 to vector<16xf32>
    %select_n3A_66 = arith.select %lt3A_63, %broadcast_in_dim3A_65, %get3A_60 : vector<16xi1>, vector<16xf32>
    %swap3A_67 = arith.constant 60000 : index
    %swap3A_68 = tpu.vector_load %arg5[%swap3A_67] {strides = array<i32>} : memref<80000xf32, #tpu.memory_space<vmem>>, vector<16xf32>,
    tpu.vector_store %arg5[%swap3A_67], %select_n3A_66 {strides = array<i32>} : memref<80000xf32, #tpu.memory_space<vmem>>, vector<16xf32>,
    %get3A_69 = arith.constant 70000 : index
    %get3A_70 = tpu.vector_load %arg5[%get3A_69] {strides = array<i32>} : memref<80000xf32, #tpu.memory_space<vmem>>, vector<16xf32>,
    %lt3A_71 = arith.constant 1 : i32
    %lt3A_72 = vector.broadcast %lt3A_71 : i32 to vector<16xi32>
    %lt3A_73 = arith.cmpi slt, %iota3A, %lt3A_72 : vector<16xi32>
    %jit3A_74 = arith.constant 0.000000e+00 : f32
    %broadcast_in_dim3A_75 = vector.broadcast %jit3A_74 : f32 to vector<16xf32>
    %select_n3A_76 = arith.select %lt3A_73, %broadcast_in_dim3A_75, %get3A_70 : vector<16xi1>, vector<16xf32>
    %swap3A_77 = arith.constant 70000 : index
    %swap3A_78 = tpu.vector_load %arg5[%swap3A_77] {strides = array<i32>} : memref<80000xf32, #tpu.memory_space<vmem>>, vector<16xf32>,
    tpu.vector_store %arg5[%swap3A_77], %select_n3A_76 {strides = array<i32>} : memref<80000xf32, #tpu.memory_space<vmem>>, vector<16xf32>,
    %mul3A_79 = arith.constant 2 : i32
    %mul3A_80 = arith.muli %div3A_2, %mul3A_79 : i32
    %add3A_81 = arith.constant 0 : i32
    %add3A_82 = arith.addi %mul3A_80, %add3A_81 : i32
    %mul3A_83 = arith.constant 12800 : i32
    %mul3A_84 = arith.muli %add3A_82, %mul3A_83 : i32
    %dma_start3A = tpu.memref_slice %arg2[%mul3A_84] : memref<204800xi32, #tpu.memory_space<hbm>> -> memref<12800xi32, #tpu.memory_space<hbm>>
    %dma_start3A_85 = tpu.memref_slice %arg2[%mul3A_84] : memref<204800xi32, #tpu.memory_space<hbm>> -> memref<12800xi32, #tpu.memory_space<hbm>>
    tpu.enqueue_dma source(%dma_start3A_85 : memref<12800xi32, #tpu.memory_space<hbm>>) target(%arg6 : memref<12800xi32, #tpu.memory_space<vmem>>) target_semaphore(%arg10 : memref<!tpu.dma_semaphore, #tpu.memory_space<semaphore_mem>>)
    %mul3A_86 = arith.constant 2 : i32
    %mul3A_87 = arith.muli %div3A_2, %mul3A_86 : i32
    %add3A_88 = arith.constant 1 : i32
    %add3A_89 = arith.addi %mul3A_87, %add3A_88 : i32
    %mul3A_90 = arith.constant 12800 : i32
    %mul3A_91 = arith.muli %add3A_89, %mul3A_90 : i32
    %dma_start3A_92 = tpu.memref_slice %arg2[%mul3A_91] : memref<204800xi32, #tpu.memory_space<hbm>> -> memref<12800xi32, #tpu.memory_space<hbm>>
    %dma_start3A_93 = tpu.memref_slice %arg2[%mul3A_91] : memref<204800xi32, #tpu.memory_space<hbm>> -> memref<12800xi32, #tpu.memory_space<hbm>>
    tpu.enqueue_dma source(%dma_start3A_93 : memref<12800xi32, #tpu.memory_space<hbm>>) target(%arg7 : memref<12800xi32, #tpu.memory_space<vmem>>) target_semaphore(%arg11 : memref<!tpu.dma_semaphore, #tpu.memory_space<semaphore_mem>>)
    %scan3A = arith.constant 0 : i32
    %scan3A_94 = arith.constant 0 : i32
    %mul3A_95 = arith.constant 2 : i32
    %mul3A_96 = arith.muli %mul3A_95, %scan3A_94 : i32
    %add3A_97 = arith.constant 0 : i32
    %add3A_98 = arith.addi %mul3A_96, %add3A_97 : i32
    %mul3A_99 = arith.constant 2 : i32
    %mul3A_100 = arith.muli %div3A_2, %mul3A_99 : i32
    %add3A_101 = arith.addi %mul3A_100, %add3A_98 : i32
    %mul3A_102 = arith.constant 12800 : i32
    %mul3A_103 = arith.muli %add3A_101, %mul3A_102 : i32
    %dma_wait3A = tpu.memref_slice %arg2[%mul3A_103] : memref<204800xi32, #tpu.memory_space<hbm>> -> memref<12800xi32, #tpu.memory_space<hbm>>
    %dma_wait3A_104 = tpu.memref_slice %arg2[%mul3A_103] : memref<204800xi32, #tpu.memory_space<hbm>> -> memref<12800xi32, #tpu.memory_space<hbm>>
    tpu.wait_dma2 semaphore(%arg10 : memref<!tpu.dma_semaphore, #tpu.memory_space<semaphore_mem>>) src(%dma_wait3A_104 : memref<12800xi32, #tpu.memory_space<hbm>>) dst(%arg6 : memref<12800xi32, #tpu.memory_space<vmem>>)
    %ge3A = arith.constant 2 : i32
    %ge3A_105 = arith.cmpi sge, %add3A_98, %ge3A : i32
    %convert_element_type3A = arith.extui %ge3A_105 : i1 to i32
    %cond3A = arith.constant 0 : i32
    %cond3A_106 = arith.cmpi ne, %convert_element_type3A, %cond3A : i32
    scf.if %cond3A_106 {
      %sub3A = arith.constant 2 : i32
      %sub3A_203 = arith.subi %add3A_98, %sub3A : i32
      %mul3A_204 = arith.constant 8 : i32
      %mul3A_205 = arith.muli %rem3A_1, %mul3A_204 : i32
      %mul3A_206 = arith.constant 2 : i32
      %mul3A_207 = arith.muli %mul3A_205, %mul3A_206 : i32
      %mul3A_208 = arith.constant 2 : i32
      %mul3A_209 = arith.muli %div3A_2, %mul3A_208 : i32
      %add3A_210 = arith.addi %mul3A_207, %mul3A_209 : i32
      %add3A_211 = arith.addi %add3A_210, %sub3A_203 : i32
      %mul3A_212 = arith.constant 2048 : i32
      %mul3A_213 = arith.muli %add3A_211, %mul3A_212 : i32
      %dma_wait3A_214 = tpu.memref_slice %arg4[%mul3A_213] : memref<131072xf32, #tpu.memory_space<hbm>> -> memref<2048xf32, #tpu.memory_space<hbm>>
      %dma_wait3A_215 = tpu.memref_slice %arg4[%mul3A_213] : memref<131072xf32, #tpu.memory_space<hbm>> -> memref<2048xf32, #tpu.memory_space<hbm>>
      tpu.wait_dma2 semaphore(%arg12 : memref<!tpu.dma_semaphore, #tpu.memory_space<semaphore_mem>>) src(%arg8 : memref<2048xf32, #tpu.memory_space<vmem>>) dst(%dma_wait3A_215 : memref<2048xf32, #tpu.memory_space<hbm>>)
    } else {
    }
    %scan3A_107 = arith.constant 0 : i32
    %scan3A_108 = arith.constant 0 : i32
    %scan3A_109 = arith.constant 16 : i32
    %scan3A_110 = arith.addi %scan3A_108, %scan3A_109 : i32
    %scan3A_111 = arith.constant 1 : i32
    %scan3A_112 = scf.for %scan3A_203 = %scan3A_108 to %scan3A_110 step %scan3A_111 iter_args(%scan3A_204 = %scan3A_107) -> (i32)  : i32 {
      %broadcast_in_dim3A_205 = arith.constant 0.000000e+00 : f32
      %broadcast_in_dim3A_206 = vector.broadcast %broadcast_in_dim3A_205 : f32 to vector<16xf32>
      %broadcast_in_dim3A_207 = arith.constant 1.000000e+00 : f32
      %broadcast_in_dim3A_208 = vector.broadcast %broadcast_in_dim3A_207 : f32 to vector<16xf32>
      %mul3A_209 = arith.constant 50 : i32
      %mul3A_210 = vector.broadcast %mul3A_209 : i32 to vector<16xi32>
      %mul3A_211 = arith.muli %iota3A, %mul3A_210 : vector<16xi32>
      %mul3A_212 = arith.constant 800 : i32
      %mul3A_213 = arith.muli %scan3A_203, %mul3A_212 : i32
      %add3A_214 = vector.broadcast %mul3A_213 : i32 to vector<16xi32>
      %add3A_215 = arith.addi %mul3A_211, %add3A_214 : vector<16xi32>
      %parallel_loop3A = arith.constant 0 : i32
      %parallel_loop3A_216 = arith.constant 50 : i32
      %parallel_loop3A_217 = arith.constant 1 : i32
      %parallel_loop3A_218:9 = scf.for %parallel_loop3A_264 = %parallel_loop3A to %parallel_loop3A_216 step %parallel_loop3A_217 iter_args(%parallel_loop3A_265 = %broadcast_in_dim3A_206, %parallel_loop3A_266 = %broadcast_in_dim3A_206, %parallel_loop3A_267 = %broadcast_in_dim3A_206, %parallel_loop3A_268 = %broadcast_in_dim3A_206, %parallel_loop3A_269 = %broadcast_in_dim3A_206, %parallel_loop3A_270 = %broadcast_in_dim3A_206, %parallel_loop3A_271 = %broadcast_in_dim3A_206, %parallel_loop3A_272 = %broadcast_in_dim3A_206, %parallel_loop3A_273 = %broadcast_in_dim3A_206) -> (vector<16xf32>, vector<16xf32>, vector<16xf32>, vector<16xf32>, vector<16xf32>, vector<16xf32>, vector<16xf32>, vector<16xf32>, vector<16xf32>)  : i32 {
        %parallel_loop3A_274 = vector.broadcast %parallel_loop3A_264 : i32 to vector<16xi32>
        %parallel_loop3A_275 = arith.addi %add3A_215, %parallel_loop3A_274 : vector<16xi32>
        %parallel_loop3A_276 = tpu.vector_load_idx %arg6[%parallel_loop3A_275] : memref<12800xi32, #tpu.memory_space<vmem>>[vector<16xi32>], vector<16xi32>,
        %parallel_loop3A_277 = arith.constant 0 : i32
        %parallel_loop3A_278 = vector.broadcast %parallel_loop3A_277 : i32 to vector<16xi32>
        %parallel_loop3A_279 = arith.cmpi ne, %parallel_loop3A_276, %parallel_loop3A_278 : vector<16xi32>
        %parallel_loop3A_280 = arith.select %parallel_loop3A_279, %broadcast_in_dim3A_208, %broadcast_in_dim3A_206 : vector<16xi1>, vector<16xf32>
        %parallel_loop3A_281 = arith.addf %parallel_loop3A_273, %parallel_loop3A_280 : vector<16xf32>
        %parallel_loop3A_282 = arith.constant 0 : i32
        %parallel_loop3A_283 = tpu.memref_slice %arg5[%parallel_loop3A_282] : memref<80000xf32, #tpu.memory_space<vmem>> -> memref<10000xf32, #tpu.memory_space<vmem>>
        %parallel_loop3A_284 = tpu.vector_load_idx %parallel_loop3A_283[%parallel_loop3A_276] : memref<10000xf32, #tpu.memory_space<vmem>>[vector<16xi32>], vector<16xf32>,
        %parallel_loop3A_285 = arith.addf %parallel_loop3A_265, %parallel_loop3A_284 : vector<16xf32>
        %parallel_loop3A_286 = arith.constant 10000 : i32
        %parallel_loop3A_287 = tpu.memref_slice %arg5[%parallel_loop3A_286] : memref<80000xf32, #tpu.memory_space<vmem>> -> memref<10000xf32, #tpu.memory_space<vmem>>
        %parallel_loop3A_288 = tpu.vector_load_idx %parallel_loop3A_287[%parallel_loop3A_276] : memref<10000xf32, #tpu.memory_space<vmem>>[vector<16xi32>], vector<16xf32>,
        %parallel_loop3A_289 = arith.addf %parallel_loop3A_266, %parallel_loop3A_288 : vector<16xf32>
        %parallel_loop3A_290 = arith.constant 20000 : i32
        %parallel_loop3A_291 = tpu.memref_slice %arg5[%parallel_loop3A_290] : memref<80000xf32, #tpu.memory_space<vmem>> -> memref<10000xf32, #tpu.memory_space<vmem>>
        %parallel_loop3A_292 = tpu.vector_load_idx %parallel_loop3A_291[%parallel_loop3A_276] : memref<10000xf32, #tpu.memory_space<vmem>>[vector<16xi32>], vector<16xf32>,
        %parallel_loop3A_293 = arith.addf %parallel_loop3A_267, %parallel_loop3A_292 : vector<16xf32>
        %parallel_loop3A_294 = arith.constant 30000 : i32
        %parallel_loop3A_295 = tpu.memref_slice %arg5[%parallel_loop3A_294] : memref<80000xf32, #tpu.memory_space<vmem>> -> memref<10000xf32, #tpu.memory_space<vmem>>
        %parallel_loop3A_296 = tpu.vector_load_idx %parallel_loop3A_295[%parallel_loop3A_276] : memref<10000xf32, #tpu.memory_space<vmem>>[vector<16xi32>], vector<16xf32>,
        %parallel_loop3A_297 = arith.addf %parallel_loop3A_268, %parallel_loop3A_296 : vector<16xf32>
        %parallel_loop3A_298 = arith.constant 40000 : i32
        %parallel_loop3A_299 = tpu.memref_slice %arg5[%parallel_loop3A_298] : memref<80000xf32, #tpu.memory_space<vmem>> -> memref<10000xf32, #tpu.memory_space<vmem>>
        %parallel_loop3A_300 = tpu.vector_load_idx %parallel_loop3A_299[%parallel_loop3A_276] : memref<10000xf32, #tpu.memory_space<vmem>>[vector<16xi32>], vector<16xf32>,
        %parallel_loop3A_301 = arith.addf %parallel_loop3A_269, %parallel_loop3A_300 : vector<16xf32>
        %parallel_loop3A_302 = arith.constant 50000 : i32
        %parallel_loop3A_303 = tpu.memref_slice %arg5[%parallel_loop3A_302] : memref<80000xf32, #tpu.memory_space<vmem>> -> memref<10000xf32, #tpu.memory_space<vmem>>
        %parallel_loop3A_304 = tpu.vector_load_idx %parallel_loop3A_303[%parallel_loop3A_276] : memref<10000xf32, #tpu.memory_space<vmem>>[vector<16xi32>], vector<16xf32>,
        %parallel_loop3A_305 = arith.addf %parallel_loop3A_270, %parallel_loop3A_304 : vector<16xf32>
        %parallel_loop3A_306 = arith.constant 60000 : i32
        %parallel_loop3A_307 = tpu.memref_slice %arg5[%parallel_loop3A_306] : memref<80000xf32, #tpu.memory_space<vmem>> -> memref<10000xf32, #tpu.memory_space<vmem>>
        %parallel_loop3A_308 = tpu.vector_load_idx %parallel_loop3A_307[%parallel_loop3A_276] : memref<10000xf32, #tpu.memory_space<vmem>>[vector<16xi32>], vector<16xf32>,
        %parallel_loop3A_309 = arith.addf %parallel_loop3A_271, %parallel_loop3A_308 : vector<16xf32>
        %parallel_loop3A_310 = arith.constant 70000 : i32
        %parallel_loop3A_311 = tpu.memref_slice %arg5[%parallel_loop3A_310] : memref<80000xf32, #tpu.memory_space<vmem>> -> memref<10000xf32, #tpu.memory_space<vmem>>
        %parallel_loop3A_312 = tpu.vector_load_idx %parallel_loop3A_311[%parallel_loop3A_276] : memref<10000xf32, #tpu.memory_space<vmem>>[vector<16xi32>], vector<16xf32>,
        %parallel_loop3A_313 = arith.addf %parallel_loop3A_272, %parallel_loop3A_312 : vector<16xf32>
        scf.yield %parallel_loop3A_285, %parallel_loop3A_289, %parallel_loop3A_293, %parallel_loop3A_297, %parallel_loop3A_301, %parallel_loop3A_305, %parallel_loop3A_309, %parallel_loop3A_313, %parallel_loop3A_281 : vector<16xf32>, vector<16xf32>, vector<16xf32>, vector<16xf32>, vector<16xf32>, vector<16xf32>, vector<16xf32>, vector<16xf32>, vector<16xf32>
      } {sc.loop_unroll_factor = 2 : i64, sc.parallel_access}
      %max3A = arith.constant 1.000000e+00 : f32
      %max3A_219 = vector.broadcast %max3A : f32 to vector<16xf32>
      %max3A_220 = arith.maximumf %parallel_loop3A_218#8, %max3A_219 : vector<16xf32>
      %div3A_221 = arith.constant 1.000000e+00 : f32
      %div3A_222 = vector.broadcast %div3A_221 : f32 to vector<16xf32>
      %div3A_223 = arith.divf %div3A_222, %max3A_220 : vector<16xf32>
      %mul3A_224 = arith.constant 8 : i32
      %mul3A_225 = vector.broadcast %mul3A_224 : i32 to vector<16xi32>
      %mul3A_226 = arith.muli %iota3A, %mul3A_225 : vector<16xi32>
      %mul3A_227 = arith.constant 128 : i32
      %mul3A_228 = arith.muli %scan3A_203, %mul3A_227 : i32
      %add3A_229 = vector.broadcast %mul3A_228 : i32 to vector<16xi32>
      %add3A_230 = arith.addi %mul3A_226, %add3A_229 : vector<16xi32>
      %add3A_231 = arith.constant 0 : i32
      %add3A_232 = vector.broadcast %add3A_231 : i32 to vector<16xi32>
      %add3A_233 = arith.addi %add3A_230, %add3A_232 : vector<16xi32>
      %mul3A_234 = arith.mulf %parallel_loop3A_218#0, %div3A_223 : vector<16xf32>
      tpu.vector_store_idx %arg8[%add3A_233], %mul3A_234 : memref<2048xf32, #tpu.memory_space<vmem>>[vector<16xi32>], vector<16xf32>,
      %add3A_235 = arith.constant 1 : i32
      %add3A_236 = vector.broadcast %add3A_235 : i32 to vector<16xi32>
      %add3A_237 = arith.addi %add3A_230, %add3A_236 : vector<16xi32>
      %mul3A_238 = arith.mulf %parallel_loop3A_218#1, %div3A_223 : vector<16xf32>
      tpu.vector_store_idx %arg8[%add3A_237], %mul3A_238 : memref<2048xf32, #tpu.memory_space<vmem>>[vector<16xi32>], vector<16xf32>,
      %add3A_239 = arith.constant 2 : i32
      %add3A_240 = vector.broadcast %add3A_239 : i32 to vector<16xi32>
      %add3A_241 = arith.addi %add3A_230, %add3A_240 : vector<16xi32>
      %mul3A_242 = arith.mulf %parallel_loop3A_218#2, %div3A_223 : vector<16xf32>
      tpu.vector_store_idx %arg8[%add3A_241], %mul3A_242 : memref<2048xf32, #tpu.memory_space<vmem>>[vector<16xi32>], vector<16xf32>,
      %add3A_243 = arith.constant 3 : i32
      %add3A_244 = vector.broadcast %add3A_243 : i32 to vector<16xi32>
      %add3A_245 = arith.addi %add3A_230, %add3A_244 : vector<16xi32>
      %mul3A_246 = arith.mulf %parallel_loop3A_218#3, %div3A_223 : vector<16xf32>
      tpu.vector_store_idx %arg8[%add3A_245], %mul3A_246 : memref<2048xf32, #tpu.memory_space<vmem>>[vector<16xi32>], vector<16xf32>,
      %add3A_247 = arith.constant 4 : i32
      %add3A_248 = vector.broadcast %add3A_247 : i32 to vector<16xi32>
      %add3A_249 = arith.addi %add3A_230, %add3A_248 : vector<16xi32>
      %mul3A_250 = arith.mulf %parallel_loop3A_218#4, %div3A_223 : vector<16xf32>
      tpu.vector_store_idx %arg8[%add3A_249], %mul3A_250 : memref<2048xf32, #tpu.memory_space<vmem>>[vector<16xi32>], vector<16xf32>,
      %add3A_251 = arith.constant 5 : i32
      %add3A_252 = vector.broadcast %add3A_251 : i32 to vector<16xi32>
      %add3A_253 = arith.addi %add3A_230, %add3A_252 : vector<16xi32>
      %mul3A_254 = arith.mulf %parallel_loop3A_218#5, %div3A_223 : vector<16xf32>
      tpu.vector_store_idx %arg8[%add3A_253], %mul3A_254 : memref<2048xf32, #tpu.memory_space<vmem>>[vector<16xi32>], vector<16xf32>,
      %add3A_255 = arith.constant 6 : i32
      %add3A_256 = vector.broadcast %add3A_255 : i32 to vector<16xi32>
      %add3A_257 = arith.addi %add3A_230, %add3A_256 : vector<16xi32>
      %mul3A_258 = arith.mulf %parallel_loop3A_218#6, %div3A_223 : vector<16xf32>
      tpu.vector_store_idx %arg8[%add3A_257], %mul3A_258 : memref<2048xf32, #tpu.memory_space<vmem>>[vector<16xi32>], vector<16xf32>,
      %add3A_259 = arith.constant 7 : i32
      %add3A_260 = vector.broadcast %add3A_259 : i32 to vector<16xi32>
      %add3A_261 = arith.addi %add3A_230, %add3A_260 : vector<16xi32>
      %mul3A_262 = arith.mulf %parallel_loop3A_218#7, %div3A_223 : vector<16xf32>
      tpu.vector_store_idx %arg8[%add3A_261], %mul3A_262 : memref<2048xf32, #tpu.memory_space<vmem>>[vector<16xi32>], vector<16xf32>,
      %scan3A_263 = arith.constant 0 : i32
      scf.yield %scan3A_263 : i32
    }
    %scan3A_113 = arith.constant 16 : i32
    %mul3A_114 = arith.constant 8 : i32
    %mul3A_115 = arith.muli %rem3A_1, %mul3A_114 : i32
    %mul3A_116 = arith.constant 2 : i32
    %mul3A_117 = arith.muli %mul3A_115, %mul3A_116 : i32
    %mul3A_118 = arith.constant 2 : i32
    %mul3A_119 = arith.muli %div3A_2, %mul3A_118 : i32
    %add3A_120 = arith.addi %mul3A_117, %mul3A_119 : i32
    %add3A_121 = arith.addi %add3A_120, %add3A_98 : i32
    %mul3A_122 = arith.constant 2048 : i32
    %mul3A_123 = arith.muli %add3A_121, %mul3A_122 : i32
    %dma_start3A_124 = tpu.memref_slice %arg4[%mul3A_123] : memref<131072xf32, #tpu.memory_space<hbm>> -> memref<2048xf32, #tpu.memory_space<hbm>>
    %dma_start3A_125 = tpu.memref_slice %arg4[%mul3A_123] : memref<131072xf32, #tpu.memory_space<hbm>> -> memref<2048xf32, #tpu.memory_space<hbm>>
    tpu.enqueue_dma source(%arg8 : memref<2048xf32, #tpu.memory_space<vmem>>) target(%dma_start3A_125 : memref<2048xf32, #tpu.memory_space<hbm>>) target_semaphore(%arg12 : memref<!tpu.dma_semaphore, #tpu.memory_space<semaphore_mem>>)
    %add3A_126 = arith.constant 2 : i32
    %add3A_127 = arith.addi %add3A_98, %add3A_126 : i32
    %lt3A_128 = arith.constant 2 : i32
    %lt3A_129 = arith.cmpi slt, %add3A_127, %lt3A_128 : i32
    %convert_element_type3A_130 = arith.extui %lt3A_129 : i1 to i32
    %cond3A_131 = arith.constant 0 : i32
    %cond3A_132 = arith.cmpi ne, %convert_element_type3A_130, %cond3A_131 : i32
    scf.if %cond3A_132 {
      %add3A_203 = arith.constant 2 : i32
      %add3A_204 = arith.addi %add3A_98, %add3A_203 : i32
      %mul3A_205 = arith.constant 2 : i32
      %mul3A_206 = arith.muli %div3A_2, %mul3A_205 : i32
      %add3A_207 = arith.addi %mul3A_206, %add3A_204 : i32
      %mul3A_208 = arith.constant 12800 : i32
      %mul3A_209 = arith.muli %add3A_207, %mul3A_208 : i32
      %dma_start3A_210 = tpu.memref_slice %arg2[%mul3A_209] : memref<204800xi32, #tpu.memory_space<hbm>> -> memref<12800xi32, #tpu.memory_space<hbm>>
      %dma_start3A_211 = tpu.memref_slice %arg2[%mul3A_209] : memref<204800xi32, #tpu.memory_space<hbm>> -> memref<12800xi32, #tpu.memory_space<hbm>>
      tpu.enqueue_dma source(%dma_start3A_211 : memref<12800xi32, #tpu.memory_space<hbm>>) target(%arg6 : memref<12800xi32, #tpu.memory_space<vmem>>) target_semaphore(%arg10 : memref<!tpu.dma_semaphore, #tpu.memory_space<semaphore_mem>>)
    } else {
    }
    %mul3A_133 = arith.constant 2 : i32
    %mul3A_134 = arith.muli %mul3A_133, %scan3A_94 : i32
    %add3A_135 = arith.constant 1 : i32
    %add3A_136 = arith.addi %mul3A_134, %add3A_135 : i32
    %mul3A_137 = arith.constant 2 : i32
    %mul3A_138 = arith.muli %div3A_2, %mul3A_137 : i32
    %add3A_139 = arith.addi %mul3A_138, %add3A_136 : i32
    %mul3A_140 = arith.constant 12800 : i32
    %mul3A_141 = arith.muli %add3A_139, %mul3A_140 : i32
    %dma_wait3A_142 = tpu.memref_slice %arg2[%mul3A_141] : memref<204800xi32, #tpu.memory_space<hbm>> -> memref<12800xi32, #tpu.memory_space<hbm>>
    %dma_wait3A_143 = tpu.memref_slice %arg2[%mul3A_141] : memref<204800xi32, #tpu.memory_space<hbm>> -> memref<12800xi32, #tpu.memory_space<hbm>>
    tpu.wait_dma2 semaphore(%arg11 : memref<!tpu.dma_semaphore, #tpu.memory_space<semaphore_mem>>) src(%dma_wait3A_143 : memref<12800xi32, #tpu.memory_space<hbm>>) dst(%arg7 : memref<12800xi32, #tpu.memory_space<vmem>>)
    %ge3A_144 = arith.constant 2 : i32
    %ge3A_145 = arith.cmpi sge, %add3A_136, %ge3A_144 : i32
    %convert_element_type3A_146 = arith.extui %ge3A_145 : i1 to i32
    %cond3A_147 = arith.constant 0 : i32
    %cond3A_148 = arith.cmpi ne, %convert_element_type3A_146, %cond3A_147 : i32
    scf.if %cond3A_148 {
      %sub3A = arith.constant 2 : i32
      %sub3A_203 = arith.subi %add3A_136, %sub3A : i32
      %mul3A_204 = arith.constant 8 : i32
      %mul3A_205 = arith.muli %rem3A_1, %mul3A_204 : i32
      %mul3A_206 = arith.constant 2 : i32
      %mul3A_207 = arith.muli %mul3A_205, %mul3A_206 : i32
      %mul3A_208 = arith.constant 2 : i32
      %mul3A_209 = arith.muli %div3A_2, %mul3A_208 : i32
      %add3A_210 = arith.addi %mul3A_207, %mul3A_209 : i32
      %add3A_211 = arith.addi %add3A_210, %sub3A_203 : i32
      %mul3A_212 = arith.constant 2048 : i32
      %mul3A_213 = arith.muli %add3A_211, %mul3A_212 : i32
      %dma_wait3A_214 = tpu.memref_slice %arg4[%mul3A_213] : memref<131072xf32, #tpu.memory_space<hbm>> -> memref<2048xf32, #tpu.memory_space<hbm>>
      %dma_wait3A_215 = tpu.memref_slice %arg4[%mul3A_213] : memref<131072xf32, #tpu.memory_space<hbm>> -> memref<2048xf32, #tpu.memory_space<hbm>>
      tpu.wait_dma2 semaphore(%arg13 : memref<!tpu.dma_semaphore, #tpu.memory_space<semaphore_mem>>) src(%arg9 : memref<2048xf32, #tpu.memory_space<vmem>>) dst(%dma_wait3A_215 : memref<2048xf32, #tpu.memory_space<hbm>>)
    } else {
    }
    %scan3A_149 = arith.constant 0 : i32
    %scan3A_150 = arith.constant 0 : i32
    %scan3A_151 = arith.constant 16 : i32
    %scan3A_152 = arith.addi %scan3A_150, %scan3A_151 : i32
    %scan3A_153 = arith.constant 1 : i32
    %scan3A_154 = scf.for %scan3A_203 = %scan3A_150 to %scan3A_152 step %scan3A_153 iter_args(%scan3A_204 = %scan3A_149) -> (i32)  : i32 {
      %broadcast_in_dim3A_205 = arith.constant 0.000000e+00 : f32
      %broadcast_in_dim3A_206 = vector.broadcast %broadcast_in_dim3A_205 : f32 to vector<16xf32>
      %broadcast_in_dim3A_207 = arith.constant 1.000000e+00 : f32
      %broadcast_in_dim3A_208 = vector.broadcast %broadcast_in_dim3A_207 : f32 to vector<16xf32>
      %mul3A_209 = arith.constant 50 : i32
      %mul3A_210 = vector.broadcast %mul3A_209 : i32 to vector<16xi32>
      %mul3A_211 = arith.muli %iota3A, %mul3A_210 : vector<16xi32>
      %mul3A_212 = arith.constant 800 : i32
      %mul3A_213 = arith.muli %scan3A_203, %mul3A_212 : i32
      %add3A_214 = vector.broadcast %mul3A_213 : i32 to vector<16xi32>
      %add3A_215 = arith.addi %mul3A_211, %add3A_214 : vector<16xi32>
      %parallel_loop3A = arith.constant 0 : i32
      %parallel_loop3A_216 = arith.constant 50 : i32
      %parallel_loop3A_217 = arith.constant 1 : i32
      %parallel_loop3A_218:9 = scf.for %parallel_loop3A_264 = %parallel_loop3A to %parallel_loop3A_216 step %parallel_loop3A_217 iter_args(%parallel_loop3A_265 = %broadcast_in_dim3A_206, %parallel_loop3A_266 = %broadcast_in_dim3A_206, %parallel_loop3A_267 = %broadcast_in_dim3A_206, %parallel_loop3A_268 = %broadcast_in_dim3A_206, %parallel_loop3A_269 = %broadcast_in_dim3A_206, %parallel_loop3A_270 = %broadcast_in_dim3A_206, %parallel_loop3A_271 = %broadcast_in_dim3A_206, %parallel_loop3A_272 = %broadcast_in_dim3A_206, %parallel_loop3A_273 = %broadcast_in_dim3A_206) -> (vector<16xf32>, vector<16xf32>, vector<16xf32>, vector<16xf32>, vector<16xf32>, vector<16xf32>, vector<16xf32>, vector<16xf32>, vector<16xf32>)  : i32 {
        %parallel_loop3A_274 = vector.broadcast %parallel_loop3A_264 : i32 to vector<16xi32>
        %parallel_loop3A_275 = arith.addi %add3A_215, %parallel_loop3A_274 : vector<16xi32>
        %parallel_loop3A_276 = tpu.vector_load_idx %arg7[%parallel_loop3A_275] : memref<12800xi32, #tpu.memory_space<vmem>>[vector<16xi32>], vector<16xi32>,
        %parallel_loop3A_277 = arith.constant 0 : i32
        %parallel_loop3A_278 = vector.broadcast %parallel_loop3A_277 : i32 to vector<16xi32>
        %parallel_loop3A_279 = arith.cmpi ne, %parallel_loop3A_276, %parallel_loop3A_278 : vector<16xi32>
        %parallel_loop3A_280 = arith.select %parallel_loop3A_279, %broadcast_in_dim3A_208, %broadcast_in_dim3A_206 : vector<16xi1>, vector<16xf32>
        %parallel_loop3A_281 = arith.addf %parallel_loop3A_273, %parallel_loop3A_280 : vector<16xf32>
        %parallel_loop3A_282 = arith.constant 0 : i32
        %parallel_loop3A_283 = tpu.memref_slice %arg5[%parallel_loop3A_282] : memref<80000xf32, #tpu.memory_space<vmem>> -> memref<10000xf32, #tpu.memory_space<vmem>>
        %parallel_loop3A_284 = tpu.vector_load_idx %parallel_loop3A_283[%parallel_loop3A_276] : memref<10000xf32, #tpu.memory_space<vmem>>[vector<16xi32>], vector<16xf32>,
        %parallel_loop3A_285 = arith.addf %parallel_loop3A_265, %parallel_loop3A_284 : vector<16xf32>
        %parallel_loop3A_286 = arith.constant 10000 : i32
        %parallel_loop3A_287 = tpu.memref_slice %arg5[%parallel_loop3A_286] : memref<80000xf32, #tpu.memory_space<vmem>> -> memref<10000xf32, #tpu.memory_space<vmem>>
        %parallel_loop3A_288 = tpu.vector_load_idx %parallel_loop3A_287[%parallel_loop3A_276] : memref<10000xf32, #tpu.memory_space<vmem>>[vector<16xi32>], vector<16xf32>,
        %parallel_loop3A_289 = arith.addf %parallel_loop3A_266, %parallel_loop3A_288 : vector<16xf32>
        %parallel_loop3A_290 = arith.constant 20000 : i32
        %parallel_loop3A_291 = tpu.memref_slice %arg5[%parallel_loop3A_290] : memref<80000xf32, #tpu.memory_space<vmem>> -> memref<10000xf32, #tpu.memory_space<vmem>>
        %parallel_loop3A_292 = tpu.vector_load_idx %parallel_loop3A_291[%parallel_loop3A_276] : memref<10000xf32, #tpu.memory_space<vmem>>[vector<16xi32>], vector<16xf32>,
        %parallel_loop3A_293 = arith.addf %parallel_loop3A_267, %parallel_loop3A_292 : vector<16xf32>
        %parallel_loop3A_294 = arith.constant 30000 : i32
        %parallel_loop3A_295 = tpu.memref_slice %arg5[%parallel_loop3A_294] : memref<80000xf32, #tpu.memory_space<vmem>> -> memref<10000xf32, #tpu.memory_space<vmem>>
        %parallel_loop3A_296 = tpu.vector_load_idx %parallel_loop3A_295[%parallel_loop3A_276] : memref<10000xf32, #tpu.memory_space<vmem>>[vector<16xi32>], vector<16xf32>,
        %parallel_loop3A_297 = arith.addf %parallel_loop3A_268, %parallel_loop3A_296 : vector<16xf32>
        %parallel_loop3A_298 = arith.constant 40000 : i32
        %parallel_loop3A_299 = tpu.memref_slice %arg5[%parallel_loop3A_298] : memref<80000xf32, #tpu.memory_space<vmem>> -> memref<10000xf32, #tpu.memory_space<vmem>>
        %parallel_loop3A_300 = tpu.vector_load_idx %parallel_loop3A_299[%parallel_loop3A_276] : memref<10000xf32, #tpu.memory_space<vmem>>[vector<16xi32>], vector<16xf32>,
        %parallel_loop3A_301 = arith.addf %parallel_loop3A_269, %parallel_loop3A_300 : vector<16xf32>
        %parallel_loop3A_302 = arith.constant 50000 : i32
        %parallel_loop3A_303 = tpu.memref_slice %arg5[%parallel_loop3A_302] : memref<80000xf32, #tpu.memory_space<vmem>> -> memref<10000xf32, #tpu.memory_space<vmem>>
        %parallel_loop3A_304 = tpu.vector_load_idx %parallel_loop3A_303[%parallel_loop3A_276] : memref<10000xf32, #tpu.memory_space<vmem>>[vector<16xi32>], vector<16xf32>,
        %parallel_loop3A_305 = arith.addf %parallel_loop3A_270, %parallel_loop3A_304 : vector<16xf32>
        %parallel_loop3A_306 = arith.constant 60000 : i32
        %parallel_loop3A_307 = tpu.memref_slice %arg5[%parallel_loop3A_306] : memref<80000xf32, #tpu.memory_space<vmem>> -> memref<10000xf32, #tpu.memory_space<vmem>>
        %parallel_loop3A_308 = tpu.vector_load_idx %parallel_loop3A_307[%parallel_loop3A_276] : memref<10000xf32, #tpu.memory_space<vmem>>[vector<16xi32>], vector<16xf32>,
        %parallel_loop3A_309 = arith.addf %parallel_loop3A_271, %parallel_loop3A_308 : vector<16xf32>
        %parallel_loop3A_310 = arith.constant 70000 : i32
        %parallel_loop3A_311 = tpu.memref_slice %arg5[%parallel_loop3A_310] : memref<80000xf32, #tpu.memory_space<vmem>> -> memref<10000xf32, #tpu.memory_space<vmem>>
        %parallel_loop3A_312 = tpu.vector_load_idx %parallel_loop3A_311[%parallel_loop3A_276] : memref<10000xf32, #tpu.memory_space<vmem>>[vector<16xi32>], vector<16xf32>,
        %parallel_loop3A_313 = arith.addf %parallel_loop3A_272, %parallel_loop3A_312 : vector<16xf32>
        scf.yield %parallel_loop3A_285, %parallel_loop3A_289, %parallel_loop3A_293, %parallel_loop3A_297, %parallel_loop3A_301, %parallel_loop3A_305, %parallel_loop3A_309, %parallel_loop3A_313, %parallel_loop3A_281 : vector<16xf32>, vector<16xf32>, vector<16xf32>, vector<16xf32>, vector<16xf32>, vector<16xf32>, vector<16xf32>, vector<16xf32>, vector<16xf32>
      } {sc.loop_unroll_factor = 2 : i64, sc.parallel_access}
      %max3A = arith.constant 1.000000e+00 : f32
      %max3A_219 = vector.broadcast %max3A : f32 to vector<16xf32>
      %max3A_220 = arith.maximumf %parallel_loop3A_218#8, %max3A_219 : vector<16xf32>
      %div3A_221 = arith.constant 1.000000e+00 : f32
      %div3A_222 = vector.broadcast %div3A_221 : f32 to vector<16xf32>
      %div3A_223 = arith.divf %div3A_222, %max3A_220 : vector<16xf32>
      %mul3A_224 = arith.constant 8 : i32
      %mul3A_225 = vector.broadcast %mul3A_224 : i32 to vector<16xi32>
      %mul3A_226 = arith.muli %iota3A, %mul3A_225 : vector<16xi32>
      %mul3A_227 = arith.constant 128 : i32
      %mul3A_228 = arith.muli %scan3A_203, %mul3A_227 : i32
      %add3A_229 = vector.broadcast %mul3A_228 : i32 to vector<16xi32>
      %add3A_230 = arith.addi %mul3A_226, %add3A_229 : vector<16xi32>
      %add3A_231 = arith.constant 0 : i32
      %add3A_232 = vector.broadcast %add3A_231 : i32 to vector<16xi32>
      %add3A_233 = arith.addi %add3A_230, %add3A_232 : vector<16xi32>
      %mul3A_234 = arith.mulf %parallel_loop3A_218#0, %div3A_223 : vector<16xf32>
      tpu.vector_store_idx %arg9[%add3A_233], %mul3A_234 : memref<2048xf32, #tpu.memory_space<vmem>>[vector<16xi32>], vector<16xf32>,
      %add3A_235 = arith.constant 1 : i32
      %add3A_236 = vector.broadcast %add3A_235 : i32 to vector<16xi32>
      %add3A_237 = arith.addi %add3A_230, %add3A_236 : vector<16xi32>
      %mul3A_238 = arith.mulf %parallel_loop3A_218#1, %div3A_223 : vector<16xf32>
      tpu.vector_store_idx %arg9[%add3A_237], %mul3A_238 : memref<2048xf32, #tpu.memory_space<vmem>>[vector<16xi32>], vector<16xf32>,
      %add3A_239 = arith.constant 2 : i32
      %add3A_240 = vector.broadcast %add3A_239 : i32 to vector<16xi32>
      %add3A_241 = arith.addi %add3A_230, %add3A_240 : vector<16xi32>
      %mul3A_242 = arith.mulf %parallel_loop3A_218#2, %div3A_223 : vector<16xf32>
      tpu.vector_store_idx %arg9[%add3A_241], %mul3A_242 : memref<2048xf32, #tpu.memory_space<vmem>>[vector<16xi32>], vector<16xf32>,
      %add3A_243 = arith.constant 3 : i32
      %add3A_244 = vector.broadcast %add3A_243 : i32 to vector<16xi32>
      %add3A_245 = arith.addi %add3A_230, %add3A_244 : vector<16xi32>
      %mul3A_246 = arith.mulf %parallel_loop3A_218#3, %div3A_223 : vector<16xf32>
      tpu.vector_store_idx %arg9[%add3A_245], %mul3A_246 : memref<2048xf32, #tpu.memory_space<vmem>>[vector<16xi32>], vector<16xf32>,
      %add3A_247 = arith.constant 4 : i32
      %add3A_248 = vector.broadcast %add3A_247 : i32 to vector<16xi32>
      %add3A_249 = arith.addi %add3A_230, %add3A_248 : vector<16xi32>
      %mul3A_250 = arith.mulf %parallel_loop3A_218#4, %div3A_223 : vector<16xf32>
      tpu.vector_store_idx %arg9[%add3A_249], %mul3A_250 : memref<2048xf32, #tpu.memory_space<vmem>>[vector<16xi32>], vector<16xf32>,
      %add3A_251 = arith.constant 5 : i32
      %add3A_252 = vector.broadcast %add3A_251 : i32 to vector<16xi32>
      %add3A_253 = arith.addi %add3A_230, %add3A_252 : vector<16xi32>
      %mul3A_254 = arith.mulf %parallel_loop3A_218#5, %div3A_223 : vector<16xf32>
      tpu.vector_store_idx %arg9[%add3A_253], %mul3A_254 : memref<2048xf32, #tpu.memory_space<vmem>>[vector<16xi32>], vector<16xf32>,
      %add3A_255 = arith.constant 6 : i32
      %add3A_256 = vector.broadcast %add3A_255 : i32 to vector<16xi32>
      %add3A_257 = arith.addi %add3A_230, %add3A_256 : vector<16xi32>
      %mul3A_258 = arith.mulf %parallel_loop3A_218#6, %div3A_223 : vector<16xf32>
      tpu.vector_store_idx %arg9[%add3A_257], %mul3A_258 : memref<2048xf32, #tpu.memory_space<vmem>>[vector<16xi32>], vector<16xf32>,
      %add3A_259 = arith.constant 7 : i32
      %add3A_260 = vector.broadcast %add3A_259 : i32 to vector<16xi32>
      %add3A_261 = arith.addi %add3A_230, %add3A_260 : vector<16xi32>
      %mul3A_262 = arith.mulf %parallel_loop3A_218#7, %div3A_223 : vector<16xf32>
      tpu.vector_store_idx %arg9[%add3A_261], %mul3A_262 : memref<2048xf32, #tpu.memory_space<vmem>>[vector<16xi32>], vector<16xf32>,
      %scan3A_263 = arith.constant 0 : i32
      scf.yield %scan3A_263 : i32
    }
    %scan3A_155 = arith.constant 16 : i32
    %mul3A_156 = arith.constant 8 : i32
    %mul3A_157 = arith.muli %rem3A_1, %mul3A_156 : i32
    %mul3A_158 = arith.constant 2 : i32
    %mul3A_159 = arith.muli %mul3A_157, %mul3A_158 : i32
    %mul3A_160 = arith.constant 2 : i32
    %mul3A_161 = arith.muli %div3A_2, %mul3A_160 : i32
    %add3A_162 = arith.addi %mul3A_159, %mul3A_161 : i32
    %add3A_163 = arith.addi %add3A_162, %add3A_136 : i32
    %mul3A_164 = arith.constant 2048 : i32
    %mul3A_165 = arith.muli %add3A_163, %mul3A_164 : i32
    %dma_start3A_166 = tpu.memref_slice %arg4[%mul3A_165] : memref<131072xf32, #tpu.memory_space<hbm>> -> memref<2048xf32, #tpu.memory_space<hbm>>
    %dma_start3A_167 = tpu.memref_slice %arg4[%mul3A_165] : memref<131072xf32, #tpu.memory_space<hbm>> -> memref<2048xf32, #tpu.memory_space<hbm>>
    tpu.enqueue_dma source(%arg9 : memref<2048xf32, #tpu.memory_space<vmem>>) target(%dma_start3A_167 : memref<2048xf32, #tpu.memory_space<hbm>>) target_semaphore(%arg13 : memref<!tpu.dma_semaphore, #tpu.memory_space<semaphore_mem>>)
    %add3A_168 = arith.constant 2 : i32
    %add3A_169 = arith.addi %add3A_136, %add3A_168 : i32
    %lt3A_170 = arith.constant 2 : i32
    %lt3A_171 = arith.cmpi slt, %add3A_169, %lt3A_170 : i32
    %convert_element_type3A_172 = arith.extui %lt3A_171 : i1 to i32
    %cond3A_173 = arith.constant 0 : i32
    %cond3A_174 = arith.cmpi ne, %convert_element_type3A_172, %cond3A_173 : i32
    scf.if %cond3A_174 {
      %add3A_203 = arith.constant 2 : i32
      %add3A_204 = arith.addi %add3A_136, %add3A_203 : i32
      %mul3A_205 = arith.constant 2 : i32
      %mul3A_206 = arith.muli %div3A_2, %mul3A_205 : i32
      %add3A_207 = arith.addi %mul3A_206, %add3A_204 : i32
      %mul3A_208 = arith.constant 12800 : i32
      %mul3A_209 = arith.muli %add3A_207, %mul3A_208 : i32
      %dma_start3A_210 = tpu.memref_slice %arg2[%mul3A_209] : memref<204800xi32, #tpu.memory_space<hbm>> -> memref<12800xi32, #tpu.memory_space<hbm>>
      %dma_start3A_211 = tpu.memref_slice %arg2[%mul3A_209] : memref<204800xi32, #tpu.memory_space<hbm>> -> memref<12800xi32, #tpu.memory_space<hbm>>
      tpu.enqueue_dma source(%dma_start3A_211 : memref<12800xi32, #tpu.memory_space<hbm>>) target(%arg7 : memref<12800xi32, #tpu.memory_space<vmem>>) target_semaphore(%arg11 : memref<!tpu.dma_semaphore, #tpu.memory_space<semaphore_mem>>)
    } else {
    }
    %scan3A_175 = arith.constant 0 : i32
    %scan3A_176 = arith.constant 1 : i32
    %mul3A_177 = arith.constant 8 : i32
    %mul3A_178 = arith.muli %rem3A_1, %mul3A_177 : i32
    %mul3A_179 = arith.constant 2 : i32
    %mul3A_180 = arith.muli %mul3A_178, %mul3A_179 : i32
    %mul3A_181 = arith.constant 2 : i32
    %mul3A_182 = arith.muli %div3A_2, %mul3A_181 : i32
    %add3A_183 = arith.addi %mul3A_180, %mul3A_182 : i32
    %add3A_184 = arith.constant 0 : i32
    %add3A_185 = arith.addi %add3A_183, %add3A_184 : i32
    %mul3A_186 = arith.constant 2048 : i32
    %mul3A_187 = arith.muli %add3A_185, %mul3A_186 : i32
    %dma_wait3A_188 = tpu.memref_slice %arg4[%mul3A_187] : memref<131072xf32, #tpu.memory_space<hbm>> -> memref<2048xf32, #tpu.memory_space<hbm>>
    %dma_wait3A_189 = tpu.memref_slice %arg4[%mul3A_187] : memref<131072xf32, #tpu.memory_space<hbm>> -> memref<2048xf32, #tpu.memory_space<hbm>>
    tpu.wait_dma2 semaphore(%arg12 : memref<!tpu.dma_semaphore, #tpu.memory_space<semaphore_mem>>) src(%arg8 : memref<2048xf32, #tpu.memory_space<vmem>>) dst(%dma_wait3A_189 : memref<2048xf32, #tpu.memory_space<hbm>>)
    %mul3A_190 = arith.constant 8 : i32
    %mul3A_191 = arith.muli %rem3A_1, %mul3A_190 : i32
    %mul3A_192 = arith.constant 2 : i32
    %mul3A_193 = arith.muli %mul3A_191, %mul3A_192 : i32
    %mul3A_194 = arith.constant 2 : i32
    %mul3A_195 = arith.muli %div3A_2, %mul3A_194 : i32
    %add3A_196 = arith.addi %mul3A_193, %mul3A_195 : i32
    %add3A_197 = arith.constant 1 : i32
    %add3A_198 = arith.addi %add3A_196, %add3A_197 : i32
    %mul3A_199 = arith.constant 2048 : i32
    %mul3A_200 = arith.muli %add3A_198, %mul3A_199 : i32
    %dma_wait3A_201 = tpu.memref_slice %arg4[%mul3A_200] : memref<131072xf32, #tpu.memory_space<hbm>> -> memref<2048xf32, #tpu.memory_space<hbm>>
    %dma_wait3A_202 = tpu.memref_slice %arg4[%mul3A_200] : memref<131072xf32, #tpu.memory_space<hbm>> -> memref<2048xf32, #tpu.memory_space<hbm>>
    tpu.wait_dma2 semaphore(%arg13 : memref<!tpu.dma_semaphore, #tpu.memory_space<semaphore_mem>>) src(%arg9 : memref<2048xf32, #tpu.memory_space<vmem>>) dst(%dma_wait3A_202 : memref<2048xf32, #tpu.memory_space<hbm>>)
    return
  }
}

#map = affine_map<(d0, d1) -> (0)>
module attributes {stable_mosaic.version = 14 : i64} {
  func.func @_sc_body(%arg0: i32, %arg1: i32, %arg2: memref<204800xi32, #tpu.memory_space<hbm>>, %arg3: memref<320000xf32, #tpu.memory_space<hbm>>, %arg4: memref<131072xf32, #tpu.memory_space<hbm>>, %arg5: memref<80000xf32, #tpu.memory_space<vmem>>, %arg6: memref<12800xi32, #tpu.memory_space<vmem>>, %arg7: memref<12800xi32, #tpu.memory_space<vmem>>, %arg8: memref<2048xf32, #tpu.memory_space<vmem>>, %arg9: memref<2048xf32, #tpu.memory_space<vmem>>, %arg10: memref<!tpu.dma_semaphore, #tpu.memory_space<semaphore_mem>>, %arg11: memref<!tpu.dma_semaphore, #tpu.memory_space<semaphore_mem>>, %arg12: memref<!tpu.dma_semaphore, #tpu.memory_space<semaphore_mem>>, %arg13: memref<!tpu.dma_semaphore, #tpu.memory_space<semaphore_mem>>) attributes {dimension_semantics = [#tpu.dimension_semantics<core_parallel>, #tpu.dimension_semantics<subcore_parallel>], iteration_bounds = array<i64: 2, 16>, scalar_prefetch = 0 : i64, scratch_operands = 9 : i64, tpu.core_type = #tpu.core_type<sc_vector_subcore>, window_params = [{transform_indices = #map}, {transform_indices = #map}, {transform_indices = #map}]} {
    %mul3A = arith.constant 2 : i32
    %mul3A_0 = arith.muli %arg1, %mul3A : i32
    %add3A = arith.addi %mul3A_0, %arg0 : i32
    %rem3A = arith.constant 4 : i32
    %rem3A_1 = arith.remsi %add3A, %rem3A : i32
    %div3A = arith.constant 4 : i32
    %div3A_2 = arith.divsi %add3A, %div3A : i32
    %iota3A = tpu.iota {dimensions = array<i32: 0>} : vector<16xi32>
    %mul3A_3 = arith.constant 80000 : i32
    %mul3A_4 = arith.muli %rem3A_1, %mul3A_3 : i32
    "tpu.region"() ({
      %run_scoped3A = tpu.sem_alloc : memref<!tpu.dma_semaphore, #tpu.memory_space<semaphore_mem>>
      %dma_start3A_203 = tpu.memref_slice %arg3[%mul3A_4] : memref<320000xf32, #tpu.memory_space<hbm>> -> memref<80000xf32, #tpu.memory_space<hbm>>
      %dma_start3A_204 = tpu.memref_slice %arg3[%mul3A_4] : memref<320000xf32, #tpu.memory_space<hbm>> -> memref<80000xf32, #tpu.memory_space<hbm>>
      tpu.enqueue_dma source(%dma_start3A_204 : memref<80000xf32, #tpu.memory_space<hbm>>) target(%arg5 : memref<80000xf32, #tpu.memory_space<vmem>>) target_semaphore(%run_scoped3A : memref<!tpu.dma_semaphore, #tpu.memory_space<semaphore_mem>>)
      %dma_wait3A_205 = tpu.memref_slice %arg3[%mul3A_4] : memref<320000xf32, #tpu.memory_space<hbm>> -> memref<80000xf32, #tpu.memory_space<hbm>>
      %dma_wait3A_206 = tpu.memref_slice %arg3[%mul3A_4] : memref<320000xf32, #tpu.memory_space<hbm>> -> memref<80000xf32, #tpu.memory_space<hbm>>
      tpu.wait_dma2 semaphore(%run_scoped3A : memref<!tpu.dma_semaphore, #tpu.memory_space<semaphore_mem>>) src(%dma_wait3A_206 : memref<80000xf32, #tpu.memory_space<hbm>>) dst(%arg5 : memref<80000xf32, #tpu.memory_space<vmem>>)
      tpu.yield
    }) : () -> ()
    %get3A = arith.constant 0 : index
    %get3A_5 = tpu.vector_load %arg5[%get3A] {strides = array<i32>} : memref<80000xf32, #tpu.memory_space<vmem>>, vector<16xf32>,
    %lt3A = arith.constant 1 : i32
    %lt3A_6 = vector.broadcast %lt3A : i32 to vector<16xi32>
    %lt3A_7 = arith.cmpi slt, %iota3A, %lt3A_6 : vector<16xi32>
    %jit3A = arith.constant 0.000000e+00 : f32
    %broadcast_in_dim3A = vector.broadcast %jit3A : f32 to vector<16xf32>
    %select_n3A = arith.select %lt3A_7, %broadcast_in_dim3A, %get3A_5 : vector<16xi1>, vector<16xf32>
    %swap3A = arith.constant 0 : index
    %swap3A_8 = tpu.vector_load %arg5[%swap3A] {strides = array<i32>} : memref<80000xf32, #tpu.memory_space<vmem>>, vector<16xf32>,
    tpu.vector_store %arg5[%swap3A], %select_n3A {strides = array<i32>} : memref<80000xf32, #tpu.memory_space<vmem>>, vector<16xf32>,
    %get3A_9 = arith.constant 10000 : index
    %get3A_10 = tpu.vector_load %arg5[%get3A_9] {strides = array<i32>} : memref<80000xf32, #tpu.memory_space<vmem>>, vector<16xf32>,
    %lt3A_11 = arith.constant 1 : i32
    %lt3A_12 = vector.broadcast %lt3A_11 : i32 to vector<16xi32>
    %lt3A_13 = arith.cmpi slt, %iota3A, %lt3A_12 : vector<16xi32>
    %jit3A_14 = arith.constant 0.000000e+00 : f32
    %broadcast_in_dim3A_15 = vector.broadcast %jit3A_14 : f32 to vector<16xf32>
    %select_n3A_16 = arith.select %lt3A_13, %broadcast_in_dim3A_15, %get3A_10 : vector<16xi1>, vector<16xf32>
    %swap3A_17 = arith.constant 10000 : index
    %swap3A_18 = tpu.vector_load %arg5[%swap3A_17] {strides = array<i32>} : memref<80000xf32, #tpu.memory_space<vmem>>, vector<16xf32>,
    tpu.vector_store %arg5[%swap3A_17], %select_n3A_16 {strides = array<i32>} : memref<80000xf32, #tpu.memory_space<vmem>>, vector<16xf32>,
    %get3A_19 = arith.constant 20000 : index
    %get3A_20 = tpu.vector_load %arg5[%get3A_19] {strides = array<i32>} : memref<80000xf32, #tpu.memory_space<vmem>>, vector<16xf32>,
    %lt3A_21 = arith.constant 1 : i32
    %lt3A_22 = vector.broadcast %lt3A_21 : i32 to vector<16xi32>
    %lt3A_23 = arith.cmpi slt, %iota3A, %lt3A_22 : vector<16xi32>
    %jit3A_24 = arith.constant 0.000000e+00 : f32
    %broadcast_in_dim3A_25 = vector.broadcast %jit3A_24 : f32 to vector<16xf32>
    %select_n3A_26 = arith.select %lt3A_23, %broadcast_in_dim3A_25, %get3A_20 : vector<16xi1>, vector<16xf32>
    %swap3A_27 = arith.constant 20000 : index
    %swap3A_28 = tpu.vector_load %arg5[%swap3A_27] {strides = array<i32>} : memref<80000xf32, #tpu.memory_space<vmem>>, vector<16xf32>,
    tpu.vector_store %arg5[%swap3A_27], %select_n3A_26 {strides = array<i32>} : memref<80000xf32, #tpu.memory_space<vmem>>, vector<16xf32>,
    %get3A_29 = arith.constant 30000 : index
    %get3A_30 = tpu.vector_load %arg5[%get3A_29] {strides = array<i32>} : memref<80000xf32, #tpu.memory_space<vmem>>, vector<16xf32>,
    %lt3A_31 = arith.constant 1 : i32
    %lt3A_32 = vector.broadcast %lt3A_31 : i32 to vector<16xi32>
    %lt3A_33 = arith.cmpi slt, %iota3A, %lt3A_32 : vector<16xi32>
    %jit3A_34 = arith.constant 0.000000e+00 : f32
    %broadcast_in_dim3A_35 = vector.broadcast %jit3A_34 : f32 to vector<16xf32>
    %select_n3A_36 = arith.select %lt3A_33, %broadcast_in_dim3A_35, %get3A_30 : vector<16xi1>, vector<16xf32>
    %swap3A_37 = arith.constant 30000 : index
    %swap3A_38 = tpu.vector_load %arg5[%swap3A_37] {strides = array<i32>} : memref<80000xf32, #tpu.memory_space<vmem>>, vector<16xf32>,
    tpu.vector_store %arg5[%swap3A_37], %select_n3A_36 {strides = array<i32>} : memref<80000xf32, #tpu.memory_space<vmem>>, vector<16xf32>,
    %get3A_39 = arith.constant 40000 : index
    %get3A_40 = tpu.vector_load %arg5[%get3A_39] {strides = array<i32>} : memref<80000xf32, #tpu.memory_space<vmem>>, vector<16xf32>,
    %lt3A_41 = arith.constant 1 : i32
    %lt3A_42 = vector.broadcast %lt3A_41 : i32 to vector<16xi32>
    %lt3A_43 = arith.cmpi slt, %iota3A, %lt3A_42 : vector<16xi32>
    %jit3A_44 = arith.constant 0.000000e+00 : f32
    %broadcast_in_dim3A_45 = vector.broadcast %jit3A_44 : f32 to vector<16xf32>
    %select_n3A_46 = arith.select %lt3A_43, %broadcast_in_dim3A_45, %get3A_40 : vector<16xi1>, vector<16xf32>
    %swap3A_47 = arith.constant 40000 : index
    %swap3A_48 = tpu.vector_load %arg5[%swap3A_47] {strides = array<i32>} : memref<80000xf32, #tpu.memory_space<vmem>>, vector<16xf32>,
    tpu.vector_store %arg5[%swap3A_47], %select_n3A_46 {strides = array<i32>} : memref<80000xf32, #tpu.memory_space<vmem>>, vector<16xf32>,
    %get3A_49 = arith.constant 50000 : index
    %get3A_50 = tpu.vector_load %arg5[%get3A_49] {strides = array<i32>} : memref<80000xf32, #tpu.memory_space<vmem>>, vector<16xf32>,
    %lt3A_51 = arith.constant 1 : i32
    %lt3A_52 = vector.broadcast %lt3A_51 : i32 to vector<16xi32>
    %lt3A_53 = arith.cmpi slt, %iota3A, %lt3A_52 : vector<16xi32>
    %jit3A_54 = arith.constant 0.000000e+00 : f32
    %broadcast_in_dim3A_55 = vector.broadcast %jit3A_54 : f32 to vector<16xf32>
    %select_n3A_56 = arith.select %lt3A_53, %broadcast_in_dim3A_55, %get3A_50 : vector<16xi1>, vector<16xf32>
    %swap3A_57 = arith.constant 50000 : index
    %swap3A_58 = tpu.vector_load %arg5[%swap3A_57] {strides = array<i32>} : memref<80000xf32, #tpu.memory_space<vmem>>, vector<16xf32>,
    tpu.vector_store %arg5[%swap3A_57], %select_n3A_56 {strides = array<i32>} : memref<80000xf32, #tpu.memory_space<vmem>>, vector<16xf32>,
    %get3A_59 = arith.constant 60000 : index
    %get3A_60 = tpu.vector_load %arg5[%get3A_59] {strides = array<i32>} : memref<80000xf32, #tpu.memory_space<vmem>>, vector<16xf32>,
    %lt3A_61 = arith.constant 1 : i32
    %lt3A_62 = vector.broadcast %lt3A_61 : i32 to vector<16xi32>
    %lt3A_63 = arith.cmpi slt, %iota3A, %lt3A_62 : vector<16xi32>
    %jit3A_64 = arith.constant 0.000000e+00 : f32
    %broadcast_in_dim3A_65 = vector.broadcast %jit3A_64 : f32 to vector<16xf32>
    %select_n3A_66 = arith.select %lt3A_63, %broadcast_in_dim3A_65, %get3A_60 : vector<16xi1>, vector<16xf32>
    %swap3A_67 = arith.constant 60000 : index
    %swap3A_68 = tpu.vector_load %arg5[%swap3A_67] {strides = array<i32>} : memref<80000xf32, #tpu.memory_space<vmem>>, vector<16xf32>,
    tpu.vector_store %arg5[%swap3A_67], %select_n3A_66 {strides = array<i32>} : memref<80000xf32, #tpu.memory_space<vmem>>, vector<16xf32>,
    %get3A_69 = arith.constant 70000 : index
    %get3A_70 = tpu.vector_load %arg5[%get3A_69] {strides = array<i32>} : memref<80000xf32, #tpu.memory_space<vmem>>, vector<16xf32>,
    %lt3A_71 = arith.constant 1 : i32
    %lt3A_72 = vector.broadcast %lt3A_71 : i32 to vector<16xi32>
    %lt3A_73 = arith.cmpi slt, %iota3A, %lt3A_72 : vector<16xi32>
    %jit3A_74 = arith.constant 0.000000e+00 : f32
    %broadcast_in_dim3A_75 = vector.broadcast %jit3A_74 : f32 to vector<16xf32>
    %select_n3A_76 = arith.select %lt3A_73, %broadcast_in_dim3A_75, %get3A_70 : vector<16xi1>, vector<16xf32>
    %swap3A_77 = arith.constant 70000 : index
    %swap3A_78 = tpu.vector_load %arg5[%swap3A_77] {strides = array<i32>} : memref<80000xf32, #tpu.memory_space<vmem>>, vector<16xf32>,
    tpu.vector_store %arg5[%swap3A_77], %select_n3A_76 {strides = array<i32>} : memref<80000xf32, #tpu.memory_space<vmem>>, vector<16xf32>,
    %mul3A_79 = arith.constant 2 : i32
    %mul3A_80 = arith.muli %div3A_2, %mul3A_79 : i32
    %add3A_81 = arith.constant 0 : i32
    %add3A_82 = arith.addi %mul3A_80, %add3A_81 : i32
    %mul3A_83 = arith.constant 12800 : i32
    %mul3A_84 = arith.muli %add3A_82, %mul3A_83 : i32
    %dma_start3A = tpu.memref_slice %arg2[%mul3A_84] : memref<204800xi32, #tpu.memory_space<hbm>> -> memref<12800xi32, #tpu.memory_space<hbm>>
    %dma_start3A_85 = tpu.memref_slice %arg2[%mul3A_84] : memref<204800xi32, #tpu.memory_space<hbm>> -> memref<12800xi32, #tpu.memory_space<hbm>>
    tpu.enqueue_dma source(%dma_start3A_85 : memref<12800xi32, #tpu.memory_space<hbm>>) target(%arg6 : memref<12800xi32, #tpu.memory_space<vmem>>) target_semaphore(%arg10 : memref<!tpu.dma_semaphore, #tpu.memory_space<semaphore_mem>>)
    %mul3A_86 = arith.constant 2 : i32
    %mul3A_87 = arith.muli %div3A_2, %mul3A_86 : i32
    %add3A_88 = arith.constant 1 : i32
    %add3A_89 = arith.addi %mul3A_87, %add3A_88 : i32
    %mul3A_90 = arith.constant 12800 : i32
    %mul3A_91 = arith.muli %add3A_89, %mul3A_90 : i32
    %dma_start3A_92 = tpu.memref_slice %arg2[%mul3A_91] : memref<204800xi32, #tpu.memory_space<hbm>> -> memref<12800xi32, #tpu.memory_space<hbm>>
    %dma_start3A_93 = tpu.memref_slice %arg2[%mul3A_91] : memref<204800xi32, #tpu.memory_space<hbm>> -> memref<12800xi32, #tpu.memory_space<hbm>>
    tpu.enqueue_dma source(%dma_start3A_93 : memref<12800xi32, #tpu.memory_space<hbm>>) target(%arg7 : memref<12800xi32, #tpu.memory_space<vmem>>) target_semaphore(%arg11 : memref<!tpu.dma_semaphore, #tpu.memory_space<semaphore_mem>>)
    %scan3A = arith.constant 0 : i32
    %scan3A_94 = arith.constant 0 : i32
    %mul3A_95 = arith.constant 2 : i32
    %mul3A_96 = arith.muli %mul3A_95, %scan3A_94 : i32
    %add3A_97 = arith.constant 0 : i32
    %add3A_98 = arith.addi %mul3A_96, %add3A_97 : i32
    %mul3A_99 = arith.constant 2 : i32
    %mul3A_100 = arith.muli %div3A_2, %mul3A_99 : i32
    %add3A_101 = arith.addi %mul3A_100, %add3A_98 : i32
    %mul3A_102 = arith.constant 12800 : i32
    %mul3A_103 = arith.muli %add3A_101, %mul3A_102 : i32
    %dma_wait3A = tpu.memref_slice %arg2[%mul3A_103] : memref<204800xi32, #tpu.memory_space<hbm>> -> memref<12800xi32, #tpu.memory_space<hbm>>
    %dma_wait3A_104 = tpu.memref_slice %arg2[%mul3A_103] : memref<204800xi32, #tpu.memory_space<hbm>> -> memref<12800xi32, #tpu.memory_space<hbm>>
    tpu.wait_dma2 semaphore(%arg10 : memref<!tpu.dma_semaphore, #tpu.memory_space<semaphore_mem>>) src(%dma_wait3A_104 : memref<12800xi32, #tpu.memory_space<hbm>>) dst(%arg6 : memref<12800xi32, #tpu.memory_space<vmem>>)
    %ge3A = arith.constant 2 : i32
    %ge3A_105 = arith.cmpi sge, %add3A_98, %ge3A : i32
    %convert_element_type3A = arith.extui %ge3A_105 : i1 to i32
    %cond3A = arith.constant 0 : i32
    %cond3A_106 = arith.cmpi ne, %convert_element_type3A, %cond3A : i32
    scf.if %cond3A_106 {
      %sub3A = arith.constant 2 : i32
      %sub3A_203 = arith.subi %add3A_98, %sub3A : i32
      %mul3A_204 = arith.constant 8 : i32
      %mul3A_205 = arith.muli %rem3A_1, %mul3A_204 : i32
      %mul3A_206 = arith.constant 2 : i32
      %mul3A_207 = arith.muli %mul3A_205, %mul3A_206 : i32
      %mul3A_208 = arith.constant 2 : i32
      %mul3A_209 = arith.muli %div3A_2, %mul3A_208 : i32
      %add3A_210 = arith.addi %mul3A_207, %mul3A_209 : i32
      %add3A_211 = arith.addi %add3A_210, %sub3A_203 : i32
      %mul3A_212 = arith.constant 2048 : i32
      %mul3A_213 = arith.muli %add3A_211, %mul3A_212 : i32
      %dma_wait3A_214 = tpu.memref_slice %arg4[%mul3A_213] : memref<131072xf32, #tpu.memory_space<hbm>> -> memref<2048xf32, #tpu.memory_space<hbm>>
      %dma_wait3A_215 = tpu.memref_slice %arg4[%mul3A_213] : memref<131072xf32, #tpu.memory_space<hbm>> -> memref<2048xf32, #tpu.memory_space<hbm>>
      tpu.wait_dma2 semaphore(%arg12 : memref<!tpu.dma_semaphore, #tpu.memory_space<semaphore_mem>>) src(%arg8 : memref<2048xf32, #tpu.memory_space<vmem>>) dst(%dma_wait3A_215 : memref<2048xf32, #tpu.memory_space<hbm>>)
    } else {
    }
    %scan3A_107 = arith.constant 0 : i32
    %scan3A_108 = arith.constant 0 : i32
    %scan3A_109 = arith.constant 16 : i32
    %scan3A_110 = arith.addi %scan3A_108, %scan3A_109 : i32
    %scan3A_111 = arith.constant 1 : i32
    %scan3A_112 = scf.for %scan3A_203 = %scan3A_108 to %scan3A_110 step %scan3A_111 iter_args(%scan3A_204 = %scan3A_107) -> (i32)  : i32 {
      %broadcast_in_dim3A_205 = arith.constant 0.000000e+00 : f32
      %broadcast_in_dim3A_206 = vector.broadcast %broadcast_in_dim3A_205 : f32 to vector<16xf32>
      %broadcast_in_dim3A_207 = arith.constant 1.000000e+00 : f32
      %broadcast_in_dim3A_208 = vector.broadcast %broadcast_in_dim3A_207 : f32 to vector<16xf32>
      %mul3A_209 = arith.constant 50 : i32
      %mul3A_210 = vector.broadcast %mul3A_209 : i32 to vector<16xi32>
      %mul3A_211 = arith.muli %iota3A, %mul3A_210 : vector<16xi32>
      %mul3A_212 = arith.constant 800 : i32
      %mul3A_213 = arith.muli %scan3A_203, %mul3A_212 : i32
      %add3A_214 = vector.broadcast %mul3A_213 : i32 to vector<16xi32>
      %add3A_215 = arith.addi %mul3A_211, %add3A_214 : vector<16xi32>
      %parallel_loop3A = arith.constant 0 : i32
      %parallel_loop3A_216 = arith.constant 50 : i32
      %parallel_loop3A_217 = arith.constant 1 : i32
      %parallel_loop3A_218:9 = scf.for %parallel_loop3A_264 = %parallel_loop3A to %parallel_loop3A_216 step %parallel_loop3A_217 iter_args(%parallel_loop3A_265 = %broadcast_in_dim3A_206, %parallel_loop3A_266 = %broadcast_in_dim3A_206, %parallel_loop3A_267 = %broadcast_in_dim3A_206, %parallel_loop3A_268 = %broadcast_in_dim3A_206, %parallel_loop3A_269 = %broadcast_in_dim3A_206, %parallel_loop3A_270 = %broadcast_in_dim3A_206, %parallel_loop3A_271 = %broadcast_in_dim3A_206, %parallel_loop3A_272 = %broadcast_in_dim3A_206, %parallel_loop3A_273 = %broadcast_in_dim3A_206) -> (vector<16xf32>, vector<16xf32>, vector<16xf32>, vector<16xf32>, vector<16xf32>, vector<16xf32>, vector<16xf32>, vector<16xf32>, vector<16xf32>)  : i32 {
        %parallel_loop3A_274 = vector.broadcast %parallel_loop3A_264 : i32 to vector<16xi32>
        %parallel_loop3A_275 = arith.addi %add3A_215, %parallel_loop3A_274 : vector<16xi32>
        %parallel_loop3A_276 = tpu.vector_load_idx %arg6[%parallel_loop3A_275] : memref<12800xi32, #tpu.memory_space<vmem>>[vector<16xi32>], vector<16xi32>,
        %parallel_loop3A_277 = arith.constant 0 : i32
        %parallel_loop3A_278 = vector.broadcast %parallel_loop3A_277 : i32 to vector<16xi32>
        %parallel_loop3A_279 = arith.cmpi ne, %parallel_loop3A_276, %parallel_loop3A_278 : vector<16xi32>
        %parallel_loop3A_280 = arith.select %parallel_loop3A_279, %broadcast_in_dim3A_208, %broadcast_in_dim3A_206 : vector<16xi1>, vector<16xf32>
        %parallel_loop3A_281 = arith.addf %parallel_loop3A_273, %parallel_loop3A_280 : vector<16xf32>
        %parallel_loop3A_282 = arith.constant 0 : i32
        %parallel_loop3A_283 = tpu.memref_slice %arg5[%parallel_loop3A_282] : memref<80000xf32, #tpu.memory_space<vmem>> -> memref<10000xf32, #tpu.memory_space<vmem>>
        %parallel_loop3A_284 = tpu.vector_load_idx %parallel_loop3A_283[%parallel_loop3A_276] : memref<10000xf32, #tpu.memory_space<vmem>>[vector<16xi32>], vector<16xf32>,
        %parallel_loop3A_285 = arith.addf %parallel_loop3A_265, %parallel_loop3A_284 : vector<16xf32>
        %parallel_loop3A_286 = arith.constant 10000 : i32
        %parallel_loop3A_287 = tpu.memref_slice %arg5[%parallel_loop3A_286] : memref<80000xf32, #tpu.memory_space<vmem>> -> memref<10000xf32, #tpu.memory_space<vmem>>
        %parallel_loop3A_288 = tpu.vector_load_idx %parallel_loop3A_287[%parallel_loop3A_276] : memref<10000xf32, #tpu.memory_space<vmem>>[vector<16xi32>], vector<16xf32>,
        %parallel_loop3A_289 = arith.addf %parallel_loop3A_266, %parallel_loop3A_288 : vector<16xf32>
        %parallel_loop3A_290 = arith.constant 20000 : i32
        %parallel_loop3A_291 = tpu.memref_slice %arg5[%parallel_loop3A_290] : memref<80000xf32, #tpu.memory_space<vmem>> -> memref<10000xf32, #tpu.memory_space<vmem>>
        %parallel_loop3A_292 = tpu.vector_load_idx %parallel_loop3A_291[%parallel_loop3A_276] : memref<10000xf32, #tpu.memory_space<vmem>>[vector<16xi32>], vector<16xf32>,
        %parallel_loop3A_293 = arith.addf %parallel_loop3A_267, %parallel_loop3A_292 : vector<16xf32>
        %parallel_loop3A_294 = arith.constant 30000 : i32
        %parallel_loop3A_295 = tpu.memref_slice %arg5[%parallel_loop3A_294] : memref<80000xf32, #tpu.memory_space<vmem>> -> memref<10000xf32, #tpu.memory_space<vmem>>
        %parallel_loop3A_296 = tpu.vector_load_idx %parallel_loop3A_295[%parallel_loop3A_276] : memref<10000xf32, #tpu.memory_space<vmem>>[vector<16xi32>], vector<16xf32>,
        %parallel_loop3A_297 = arith.addf %parallel_loop3A_268, %parallel_loop3A_296 : vector<16xf32>
        %parallel_loop3A_298 = arith.constant 40000 : i32
        %parallel_loop3A_299 = tpu.memref_slice %arg5[%parallel_loop3A_298] : memref<80000xf32, #tpu.memory_space<vmem>> -> memref<10000xf32, #tpu.memory_space<vmem>>
        %parallel_loop3A_300 = tpu.vector_load_idx %parallel_loop3A_299[%parallel_loop3A_276] : memref<10000xf32, #tpu.memory_space<vmem>>[vector<16xi32>], vector<16xf32>,
        %parallel_loop3A_301 = arith.addf %parallel_loop3A_269, %parallel_loop3A_300 : vector<16xf32>
        %parallel_loop3A_302 = arith.constant 50000 : i32
        %parallel_loop3A_303 = tpu.memref_slice %arg5[%parallel_loop3A_302] : memref<80000xf32, #tpu.memory_space<vmem>> -> memref<10000xf32, #tpu.memory_space<vmem>>
        %parallel_loop3A_304 = tpu.vector_load_idx %parallel_loop3A_303[%parallel_loop3A_276] : memref<10000xf32, #tpu.memory_space<vmem>>[vector<16xi32>], vector<16xf32>,
        %parallel_loop3A_305 = arith.addf %parallel_loop3A_270, %parallel_loop3A_304 : vector<16xf32>
        %parallel_loop3A_306 = arith.constant 60000 : i32
        %parallel_loop3A_307 = tpu.memref_slice %arg5[%parallel_loop3A_306] : memref<80000xf32, #tpu.memory_space<vmem>> -> memref<10000xf32, #tpu.memory_space<vmem>>
        %parallel_loop3A_308 = tpu.vector_load_idx %parallel_loop3A_307[%parallel_loop3A_276] : memref<10000xf32, #tpu.memory_space<vmem>>[vector<16xi32>], vector<16xf32>,
        %parallel_loop3A_309 = arith.addf %parallel_loop3A_271, %parallel_loop3A_308 : vector<16xf32>
        %parallel_loop3A_310 = arith.constant 70000 : i32
        %parallel_loop3A_311 = tpu.memref_slice %arg5[%parallel_loop3A_310] : memref<80000xf32, #tpu.memory_space<vmem>> -> memref<10000xf32, #tpu.memory_space<vmem>>
        %parallel_loop3A_312 = tpu.vector_load_idx %parallel_loop3A_311[%parallel_loop3A_276] : memref<10000xf32, #tpu.memory_space<vmem>>[vector<16xi32>], vector<16xf32>,
        %parallel_loop3A_313 = arith.addf %parallel_loop3A_272, %parallel_loop3A_312 : vector<16xf32>
        scf.yield %parallel_loop3A_285, %parallel_loop3A_289, %parallel_loop3A_293, %parallel_loop3A_297, %parallel_loop3A_301, %parallel_loop3A_305, %parallel_loop3A_309, %parallel_loop3A_313, %parallel_loop3A_281 : vector<16xf32>, vector<16xf32>, vector<16xf32>, vector<16xf32>, vector<16xf32>, vector<16xf32>, vector<16xf32>, vector<16xf32>, vector<16xf32>
      } {sc.loop_unroll_factor = 2 : i64, sc.parallel_access}
      %max3A = arith.constant 1.000000e+00 : f32
      %max3A_219 = vector.broadcast %max3A : f32 to vector<16xf32>
      %max3A_220 = arith.maximumf %parallel_loop3A_218#8, %max3A_219 : vector<16xf32>
      %div3A_221 = arith.constant 1.000000e+00 : f32
      %div3A_222 = vector.broadcast %div3A_221 : f32 to vector<16xf32>
      %div3A_223 = arith.divf %div3A_222, %max3A_220 : vector<16xf32>
      %mul3A_224 = arith.constant 8 : i32
      %mul3A_225 = vector.broadcast %mul3A_224 : i32 to vector<16xi32>
      %mul3A_226 = arith.muli %iota3A, %mul3A_225 : vector<16xi32>
      %mul3A_227 = arith.constant 128 : i32
      %mul3A_228 = arith.muli %scan3A_203, %mul3A_227 : i32
      %add3A_229 = vector.broadcast %mul3A_228 : i32 to vector<16xi32>
      %add3A_230 = arith.addi %mul3A_226, %add3A_229 : vector<16xi32>
      %add3A_231 = arith.constant 0 : i32
      %add3A_232 = vector.broadcast %add3A_231 : i32 to vector<16xi32>
      %add3A_233 = arith.addi %add3A_230, %add3A_232 : vector<16xi32>
      %mul3A_234 = arith.mulf %parallel_loop3A_218#0, %div3A_223 : vector<16xf32>
      tpu.vector_store_idx %arg8[%add3A_233], %mul3A_234 : memref<2048xf32, #tpu.memory_space<vmem>>[vector<16xi32>], vector<16xf32>,
      %add3A_235 = arith.constant 1 : i32
      %add3A_236 = vector.broadcast %add3A_235 : i32 to vector<16xi32>
      %add3A_237 = arith.addi %add3A_230, %add3A_236 : vector<16xi32>
      %mul3A_238 = arith.mulf %parallel_loop3A_218#1, %div3A_223 : vector<16xf32>
      tpu.vector_store_idx %arg8[%add3A_237], %mul3A_238 : memref<2048xf32, #tpu.memory_space<vmem>>[vector<16xi32>], vector<16xf32>,
      %add3A_239 = arith.constant 2 : i32
      %add3A_240 = vector.broadcast %add3A_239 : i32 to vector<16xi32>
      %add3A_241 = arith.addi %add3A_230, %add3A_240 : vector<16xi32>
      %mul3A_242 = arith.mulf %parallel_loop3A_218#2, %div3A_223 : vector<16xf32>
      tpu.vector_store_idx %arg8[%add3A_241], %mul3A_242 : memref<2048xf32, #tpu.memory_space<vmem>>[vector<16xi32>], vector<16xf32>,
      %add3A_243 = arith.constant 3 : i32
      %add3A_244 = vector.broadcast %add3A_243 : i32 to vector<16xi32>
      %add3A_245 = arith.addi %add3A_230, %add3A_244 : vector<16xi32>
      %mul3A_246 = arith.mulf %parallel_loop3A_218#3, %div3A_223 : vector<16xf32>
      tpu.vector_store_idx %arg8[%add3A_245], %mul3A_246 : memref<2048xf32, #tpu.memory_space<vmem>>[vector<16xi32>], vector<16xf32>,
      %add3A_247 = arith.constant 4 : i32
      %add3A_248 = vector.broadcast %add3A_247 : i32 to vector<16xi32>
      %add3A_249 = arith.addi %add3A_230, %add3A_248 : vector<16xi32>
      %mul3A_250 = arith.mulf %parallel_loop3A_218#4, %div3A_223 : vector<16xf32>
      tpu.vector_store_idx %arg8[%add3A_249], %mul3A_250 : memref<2048xf32, #tpu.memory_space<vmem>>[vector<16xi32>], vector<16xf32>,
      %add3A_251 = arith.constant 5 : i32
      %add3A_252 = vector.broadcast %add3A_251 : i32 to vector<16xi32>
      %add3A_253 = arith.addi %add3A_230, %add3A_252 : vector<16xi32>
      %mul3A_254 = arith.mulf %parallel_loop3A_218#5, %div3A_223 : vector<16xf32>
      tpu.vector_store_idx %arg8[%add3A_253], %mul3A_254 : memref<2048xf32, #tpu.memory_space<vmem>>[vector<16xi32>], vector<16xf32>,
      %add3A_255 = arith.constant 6 : i32
      %add3A_256 = vector.broadcast %add3A_255 : i32 to vector<16xi32>
      %add3A_257 = arith.addi %add3A_230, %add3A_256 : vector<16xi32>
      %mul3A_258 = arith.mulf %parallel_loop3A_218#6, %div3A_223 : vector<16xf32>
      tpu.vector_store_idx %arg8[%add3A_257], %mul3A_258 : memref<2048xf32, #tpu.memory_space<vmem>>[vector<16xi32>], vector<16xf32>,
      %add3A_259 = arith.constant 7 : i32
      %add3A_260 = vector.broadcast %add3A_259 : i32 to vector<16xi32>
      %add3A_261 = arith.addi %add3A_230, %add3A_260 : vector<16xi32>
      %mul3A_262 = arith.mulf %parallel_loop3A_218#7, %div3A_223 : vector<16xf32>
      tpu.vector_store_idx %arg8[%add3A_261], %mul3A_262 : memref<2048xf32, #tpu.memory_space<vmem>>[vector<16xi32>], vector<16xf32>,
      %scan3A_263 = arith.constant 0 : i32
      scf.yield %scan3A_263 : i32
    }
    %scan3A_113 = arith.constant 16 : i32
    %mul3A_114 = arith.constant 8 : i32
    %mul3A_115 = arith.muli %rem3A_1, %mul3A_114 : i32
    %mul3A_116 = arith.constant 2 : i32
    %mul3A_117 = arith.muli %mul3A_115, %mul3A_116 : i32
    %mul3A_118 = arith.constant 2 : i32
    %mul3A_119 = arith.muli %div3A_2, %mul3A_118 : i32
    %add3A_120 = arith.addi %mul3A_117, %mul3A_119 : i32
    %add3A_121 = arith.addi %add3A_120, %add3A_98 : i32
    %mul3A_122 = arith.constant 2048 : i32
    %mul3A_123 = arith.muli %add3A_121, %mul3A_122 : i32
    %dma_start3A_124 = tpu.memref_slice %arg4[%mul3A_123] : memref<131072xf32, #tpu.memory_space<hbm>> -> memref<2048xf32, #tpu.memory_space<hbm>>
    %dma_start3A_125 = tpu.memref_slice %arg4[%mul3A_123] : memref<131072xf32, #tpu.memory_space<hbm>> -> memref<2048xf32, #tpu.memory_space<hbm>>
    tpu.enqueue_dma source(%arg8 : memref<2048xf32, #tpu.memory_space<vmem>>) target(%dma_start3A_125 : memref<2048xf32, #tpu.memory_space<hbm>>) target_semaphore(%arg12 : memref<!tpu.dma_semaphore, #tpu.memory_space<semaphore_mem>>)
    %add3A_126 = arith.constant 2 : i32
    %add3A_127 = arith.addi %add3A_98, %add3A_126 : i32
    %lt3A_128 = arith.constant 2 : i32
    %lt3A_129 = arith.cmpi slt, %add3A_127, %lt3A_128 : i32
    %convert_element_type3A_130 = arith.extui %lt3A_129 : i1 to i32
    %cond3A_131 = arith.constant 0 : i32
    %cond3A_132 = arith.cmpi ne, %convert_element_type3A_130, %cond3A_131 : i32
    scf.if %cond3A_132 {
      %add3A_203 = arith.constant 2 : i32
      %add3A_204 = arith.addi %add3A_98, %add3A_203 : i32
      %mul3A_205 = arith.constant 2 : i32
      %mul3A_206 = arith.muli %div3A_2, %mul3A_205 : i32
      %add3A_207 = arith.addi %mul3A_206, %add3A_204 : i32
      %mul3A_208 = arith.constant 12800 : i32
      %mul3A_209 = arith.muli %add3A_207, %mul3A_208 : i32
      %dma_start3A_210 = tpu.memref_slice %arg2[%mul3A_209] : memref<204800xi32, #tpu.memory_space<hbm>> -> memref<12800xi32, #tpu.memory_space<hbm>>
      %dma_start3A_211 = tpu.memref_slice %arg2[%mul3A_209] : memref<204800xi32, #tpu.memory_space<hbm>> -> memref<12800xi32, #tpu.memory_space<hbm>>
      tpu.enqueue_dma source(%dma_start3A_211 : memref<12800xi32, #tpu.memory_space<hbm>>) target(%arg6 : memref<12800xi32, #tpu.memory_space<vmem>>) target_semaphore(%arg10 : memref<!tpu.dma_semaphore, #tpu.memory_space<semaphore_mem>>)
    } else {
    }
    %mul3A_133 = arith.constant 2 : i32
    %mul3A_134 = arith.muli %mul3A_133, %scan3A_94 : i32
    %add3A_135 = arith.constant 1 : i32
    %add3A_136 = arith.addi %mul3A_134, %add3A_135 : i32
    %mul3A_137 = arith.constant 2 : i32
    %mul3A_138 = arith.muli %div3A_2, %mul3A_137 : i32
    %add3A_139 = arith.addi %mul3A_138, %add3A_136 : i32
    %mul3A_140 = arith.constant 12800 : i32
    %mul3A_141 = arith.muli %add3A_139, %mul3A_140 : i32
    %dma_wait3A_142 = tpu.memref_slice %arg2[%mul3A_141] : memref<204800xi32, #tpu.memory_space<hbm>> -> memref<12800xi32, #tpu.memory_space<hbm>>
    %dma_wait3A_143 = tpu.memref_slice %arg2[%mul3A_141] : memref<204800xi32, #tpu.memory_space<hbm>> -> memref<12800xi32, #tpu.memory_space<hbm>>
    tpu.wait_dma2 semaphore(%arg11 : memref<!tpu.dma_semaphore, #tpu.memory_space<semaphore_mem>>) src(%dma_wait3A_143 : memref<12800xi32, #tpu.memory_space<hbm>>) dst(%arg7 : memref<12800xi32, #tpu.memory_space<vmem>>)
    %ge3A_144 = arith.constant 2 : i32
    %ge3A_145 = arith.cmpi sge, %add3A_136, %ge3A_144 : i32
    %convert_element_type3A_146 = arith.extui %ge3A_145 : i1 to i32
    %cond3A_147 = arith.constant 0 : i32
    %cond3A_148 = arith.cmpi ne, %convert_element_type3A_146, %cond3A_147 : i32
    scf.if %cond3A_148 {
      %sub3A = arith.constant 2 : i32
      %sub3A_203 = arith.subi %add3A_136, %sub3A : i32
      %mul3A_204 = arith.constant 8 : i32
      %mul3A_205 = arith.muli %rem3A_1, %mul3A_204 : i32
      %mul3A_206 = arith.constant 2 : i32
      %mul3A_207 = arith.muli %mul3A_205, %mul3A_206 : i32
      %mul3A_208 = arith.constant 2 : i32
      %mul3A_209 = arith.muli %div3A_2, %mul3A_208 : i32
      %add3A_210 = arith.addi %mul3A_207, %mul3A_209 : i32
      %add3A_211 = arith.addi %add3A_210, %sub3A_203 : i32
      %mul3A_212 = arith.constant 2048 : i32
      %mul3A_213 = arith.muli %add3A_211, %mul3A_212 : i32
      %dma_wait3A_214 = tpu.memref_slice %arg4[%mul3A_213] : memref<131072xf32, #tpu.memory_space<hbm>> -> memref<2048xf32, #tpu.memory_space<hbm>>
      %dma_wait3A_215 = tpu.memref_slice %arg4[%mul3A_213] : memref<131072xf32, #tpu.memory_space<hbm>> -> memref<2048xf32, #tpu.memory_space<hbm>>
      tpu.wait_dma2 semaphore(%arg13 : memref<!tpu.dma_semaphore, #tpu.memory_space<semaphore_mem>>) src(%arg9 : memref<2048xf32, #tpu.memory_space<vmem>>) dst(%dma_wait3A_215 : memref<2048xf32, #tpu.memory_space<hbm>>)
    } else {
    }
    %scan3A_149 = arith.constant 0 : i32
    %scan3A_150 = arith.constant 0 : i32
    %scan3A_151 = arith.constant 16 : i32
    %scan3A_152 = arith.addi %scan3A_150, %scan3A_151 : i32
    %scan3A_153 = arith.constant 1 : i32
    %scan3A_154 = scf.for %scan3A_203 = %scan3A_150 to %scan3A_152 step %scan3A_153 iter_args(%scan3A_204 = %scan3A_149) -> (i32)  : i32 {
      %broadcast_in_dim3A_205 = arith.constant 0.000000e+00 : f32
      %broadcast_in_dim3A_206 = vector.broadcast %broadcast_in_dim3A_205 : f32 to vector<16xf32>
      %broadcast_in_dim3A_207 = arith.constant 1.000000e+00 : f32
      %broadcast_in_dim3A_208 = vector.broadcast %broadcast_in_dim3A_207 : f32 to vector<16xf32>
      %mul3A_209 = arith.constant 50 : i32
      %mul3A_210 = vector.broadcast %mul3A_209 : i32 to vector<16xi32>
      %mul3A_211 = arith.muli %iota3A, %mul3A_210 : vector<16xi32>
      %mul3A_212 = arith.constant 800 : i32
      %mul3A_213 = arith.muli %scan3A_203, %mul3A_212 : i32
      %add3A_214 = vector.broadcast %mul3A_213 : i32 to vector<16xi32>
      %add3A_215 = arith.addi %mul3A_211, %add3A_214 : vector<16xi32>
      %parallel_loop3A = arith.constant 0 : i32
      %parallel_loop3A_216 = arith.constant 50 : i32
      %parallel_loop3A_217 = arith.constant 1 : i32
      %parallel_loop3A_218:9 = scf.for %parallel_loop3A_264 = %parallel_loop3A to %parallel_loop3A_216 step %parallel_loop3A_217 iter_args(%parallel_loop3A_265 = %broadcast_in_dim3A_206, %parallel_loop3A_266 = %broadcast_in_dim3A_206, %parallel_loop3A_267 = %broadcast_in_dim3A_206, %parallel_loop3A_268 = %broadcast_in_dim3A_206, %parallel_loop3A_269 = %broadcast_in_dim3A_206, %parallel_loop3A_270 = %broadcast_in_dim3A_206, %parallel_loop3A_271 = %broadcast_in_dim3A_206, %parallel_loop3A_272 = %broadcast_in_dim3A_206, %parallel_loop3A_273 = %broadcast_in_dim3A_206) -> (vector<16xf32>, vector<16xf32>, vector<16xf32>, vector<16xf32>, vector<16xf32>, vector<16xf32>, vector<16xf32>, vector<16xf32>, vector<16xf32>)  : i32 {
        %parallel_loop3A_274 = vector.broadcast %parallel_loop3A_264 : i32 to vector<16xi32>
        %parallel_loop3A_275 = arith.addi %add3A_215, %parallel_loop3A_274 : vector<16xi32>
        %parallel_loop3A_276 = tpu.vector_load_idx %arg7[%parallel_loop3A_275] : memref<12800xi32, #tpu.memory_space<vmem>>[vector<16xi32>], vector<16xi32>,
        %parallel_loop3A_277 = arith.constant 0 : i32
        %parallel_loop3A_278 = vector.broadcast %parallel_loop3A_277 : i32 to vector<16xi32>
        %parallel_loop3A_279 = arith.cmpi ne, %parallel_loop3A_276, %parallel_loop3A_278 : vector<16xi32>
        %parallel_loop3A_280 = arith.select %parallel_loop3A_279, %broadcast_in_dim3A_208, %broadcast_in_dim3A_206 : vector<16xi1>, vector<16xf32>
        %parallel_loop3A_281 = arith.addf %parallel_loop3A_273, %parallel_loop3A_280 : vector<16xf32>
        %parallel_loop3A_282 = arith.constant 0 : i32
        %parallel_loop3A_283 = tpu.memref_slice %arg5[%parallel_loop3A_282] : memref<80000xf32, #tpu.memory_space<vmem>> -> memref<10000xf32, #tpu.memory_space<vmem>>
        %parallel_loop3A_284 = tpu.vector_load_idx %parallel_loop3A_283[%parallel_loop3A_276] : memref<10000xf32, #tpu.memory_space<vmem>>[vector<16xi32>], vector<16xf32>,
        %parallel_loop3A_285 = arith.addf %parallel_loop3A_265, %parallel_loop3A_284 : vector<16xf32>
        %parallel_loop3A_286 = arith.constant 10000 : i32
        %parallel_loop3A_287 = tpu.memref_slice %arg5[%parallel_loop3A_286] : memref<80000xf32, #tpu.memory_space<vmem>> -> memref<10000xf32, #tpu.memory_space<vmem>>
        %parallel_loop3A_288 = tpu.vector_load_idx %parallel_loop3A_287[%parallel_loop3A_276] : memref<10000xf32, #tpu.memory_space<vmem>>[vector<16xi32>], vector<16xf32>,
        %parallel_loop3A_289 = arith.addf %parallel_loop3A_266, %parallel_loop3A_288 : vector<16xf32>
        %parallel_loop3A_290 = arith.constant 20000 : i32
        %parallel_loop3A_291 = tpu.memref_slice %arg5[%parallel_loop3A_290] : memref<80000xf32, #tpu.memory_space<vmem>> -> memref<10000xf32, #tpu.memory_space<vmem>>
        %parallel_loop3A_292 = tpu.vector_load_idx %parallel_loop3A_291[%parallel_loop3A_276] : memref<10000xf32, #tpu.memory_space<vmem>>[vector<16xi32>], vector<16xf32>,
        %parallel_loop3A_293 = arith.addf %parallel_loop3A_267, %parallel_loop3A_292 : vector<16xf32>
        %parallel_loop3A_294 = arith.constant 30000 : i32
        %parallel_loop3A_295 = tpu.memref_slice %arg5[%parallel_loop3A_294] : memref<80000xf32, #tpu.memory_space<vmem>> -> memref<10000xf32, #tpu.memory_space<vmem>>
        %parallel_loop3A_296 = tpu.vector_load_idx %parallel_loop3A_295[%parallel_loop3A_276] : memref<10000xf32, #tpu.memory_space<vmem>>[vector<16xi32>], vector<16xf32>,
        %parallel_loop3A_297 = arith.addf %parallel_loop3A_268, %parallel_loop3A_296 : vector<16xf32>
        %parallel_loop3A_298 = arith.constant 40000 : i32
        %parallel_loop3A_299 = tpu.memref_slice %arg5[%parallel_loop3A_298] : memref<80000xf32, #tpu.memory_space<vmem>> -> memref<10000xf32, #tpu.memory_space<vmem>>
        %parallel_loop3A_300 = tpu.vector_load_idx %parallel_loop3A_299[%parallel_loop3A_276] : memref<10000xf32, #tpu.memory_space<vmem>>[vector<16xi32>], vector<16xf32>,
        %parallel_loop3A_301 = arith.addf %parallel_loop3A_269, %parallel_loop3A_300 : vector<16xf32>
        %parallel_loop3A_302 = arith.constant 50000 : i32
        %parallel_loop3A_303 = tpu.memref_slice %arg5[%parallel_loop3A_302] : memref<80000xf32, #tpu.memory_space<vmem>> -> memref<10000xf32, #tpu.memory_space<vmem>>
        %parallel_loop3A_304 = tpu.vector_load_idx %parallel_loop3A_303[%parallel_loop3A_276] : memref<10000xf32, #tpu.memory_space<vmem>>[vector<16xi32>], vector<16xf32>,
        %parallel_loop3A_305 = arith.addf %parallel_loop3A_270, %parallel_loop3A_304 : vector<16xf32>
        %parallel_loop3A_306 = arith.constant 60000 : i32
        %parallel_loop3A_307 = tpu.memref_slice %arg5[%parallel_loop3A_306] : memref<80000xf32, #tpu.memory_space<vmem>> -> memref<10000xf32, #tpu.memory_space<vmem>>
        %parallel_loop3A_308 = tpu.vector_load_idx %parallel_loop3A_307[%parallel_loop3A_276] : memref<10000xf32, #tpu.memory_space<vmem>>[vector<16xi32>], vector<16xf32>,
        %parallel_loop3A_309 = arith.addf %parallel_loop3A_271, %parallel_loop3A_308 : vector<16xf32>
        %parallel_loop3A_310 = arith.constant 70000 : i32
        %parallel_loop3A_311 = tpu.memref_slice %arg5[%parallel_loop3A_310] : memref<80000xf32, #tpu.memory_space<vmem>> -> memref<10000xf32, #tpu.memory_space<vmem>>
        %parallel_loop3A_312 = tpu.vector_load_idx %parallel_loop3A_311[%parallel_loop3A_276] : memref<10000xf32, #tpu.memory_space<vmem>>[vector<16xi32>], vector<16xf32>,
        %parallel_loop3A_313 = arith.addf %parallel_loop3A_272, %parallel_loop3A_312 : vector<16xf32>
        scf.yield %parallel_loop3A_285, %parallel_loop3A_289, %parallel_loop3A_293, %parallel_loop3A_297, %parallel_loop3A_301, %parallel_loop3A_305, %parallel_loop3A_309, %parallel_loop3A_313, %parallel_loop3A_281 : vector<16xf32>, vector<16xf32>, vector<16xf32>, vector<16xf32>, vector<16xf32>, vector<16xf32>, vector<16xf32>, vector<16xf32>, vector<16xf32>
      } {sc.loop_unroll_factor = 2 : i64, sc.parallel_access}
      %max3A = arith.constant 1.000000e+00 : f32
      %max3A_219 = vector.broadcast %max3A : f32 to vector<16xf32>
      %max3A_220 = arith.maximumf %parallel_loop3A_218#8, %max3A_219 : vector<16xf32>
      %div3A_221 = arith.constant 1.000000e+00 : f32
      %div3A_222 = vector.broadcast %div3A_221 : f32 to vector<16xf32>
      %div3A_223 = arith.divf %div3A_222, %max3A_220 : vector<16xf32>
      %mul3A_224 = arith.constant 8 : i32
      %mul3A_225 = vector.broadcast %mul3A_224 : i32 to vector<16xi32>
      %mul3A_226 = arith.muli %iota3A, %mul3A_225 : vector<16xi32>
      %mul3A_227 = arith.constant 128 : i32
      %mul3A_228 = arith.muli %scan3A_203, %mul3A_227 : i32
      %add3A_229 = vector.broadcast %mul3A_228 : i32 to vector<16xi32>
      %add3A_230 = arith.addi %mul3A_226, %add3A_229 : vector<16xi32>
      %add3A_231 = arith.constant 0 : i32
      %add3A_232 = vector.broadcast %add3A_231 : i32 to vector<16xi32>
      %add3A_233 = arith.addi %add3A_230, %add3A_232 : vector<16xi32>
      %mul3A_234 = arith.mulf %parallel_loop3A_218#0, %div3A_223 : vector<16xf32>
      tpu.vector_store_idx %arg9[%add3A_233], %mul3A_234 : memref<2048xf32, #tpu.memory_space<vmem>>[vector<16xi32>], vector<16xf32>,
      %add3A_235 = arith.constant 1 : i32
      %add3A_236 = vector.broadcast %add3A_235 : i32 to vector<16xi32>
      %add3A_237 = arith.addi %add3A_230, %add3A_236 : vector<16xi32>
      %mul3A_238 = arith.mulf %parallel_loop3A_218#1, %div3A_223 : vector<16xf32>
      tpu.vector_store_idx %arg9[%add3A_237], %mul3A_238 : memref<2048xf32, #tpu.memory_space<vmem>>[vector<16xi32>], vector<16xf32>,
      %add3A_239 = arith.constant 2 : i32
      %add3A_240 = vector.broadcast %add3A_239 : i32 to vector<16xi32>
      %add3A_241 = arith.addi %add3A_230, %add3A_240 : vector<16xi32>
      %mul3A_242 = arith.mulf %parallel_loop3A_218#2, %div3A_223 : vector<16xf32>
      tpu.vector_store_idx %arg9[%add3A_241], %mul3A_242 : memref<2048xf32, #tpu.memory_space<vmem>>[vector<16xi32>], vector<16xf32>,
      %add3A_243 = arith.constant 3 : i32
      %add3A_244 = vector.broadcast %add3A_243 : i32 to vector<16xi32>
      %add3A_245 = arith.addi %add3A_230, %add3A_244 : vector<16xi32>
      %mul3A_246 = arith.mulf %parallel_loop3A_218#3, %div3A_223 : vector<16xf32>
      tpu.vector_store_idx %arg9[%add3A_245], %mul3A_246 : memref<2048xf32, #tpu.memory_space<vmem>>[vector<16xi32>], vector<16xf32>,
      %add3A_247 = arith.constant 4 : i32
      %add3A_248 = vector.broadcast %add3A_247 : i32 to vector<16xi32>
      %add3A_249 = arith.addi %add3A_230, %add3A_248 : vector<16xi32>
      %mul3A_250 = arith.mulf %parallel_loop3A_218#4, %div3A_223 : vector<16xf32>
      tpu.vector_store_idx %arg9[%add3A_249], %mul3A_250 : memref<2048xf32, #tpu.memory_space<vmem>>[vector<16xi32>], vector<16xf32>,
      %add3A_251 = arith.constant 5 : i32
      %add3A_252 = vector.broadcast %add3A_251 : i32 to vector<16xi32>
      %add3A_253 = arith.addi %add3A_230, %add3A_252 : vector<16xi32>
      %mul3A_254 = arith.mulf %parallel_loop3A_218#5, %div3A_223 : vector<16xf32>
      tpu.vector_store_idx %arg9[%add3A_253], %mul3A_254 : memref<2048xf32, #tpu.memory_space<vmem>>[vector<16xi32>], vector<16xf32>,
      %add3A_255 = arith.constant 6 : i32
      %add3A_256 = vector.broadcast %add3A_255 : i32 to vector<16xi32>
      %add3A_257 = arith.addi %add3A_230, %add3A_256 : vector<16xi32>
      %mul3A_258 = arith.mulf %parallel_loop3A_218#6, %div3A_223 : vector<16xf32>
      tpu.vector_store_idx %arg9[%add3A_257], %mul3A_258 : memref<2048xf32, #tpu.memory_space<vmem>>[vector<16xi32>], vector<16xf32>,
      %add3A_259 = arith.constant 7 : i32
      %add3A_260 = vector.broadcast %add3A_259 : i32 to vector<16xi32>
      %add3A_261 = arith.addi %add3A_230, %add3A_260 : vector<16xi32>
      %mul3A_262 = arith.mulf %parallel_loop3A_218#7, %div3A_223 : vector<16xf32>
      tpu.vector_store_idx %arg9[%add3A_261], %mul3A_262 : memref<2048xf32, #tpu.memory_space<vmem>>[vector<16xi32>], vector<16xf32>,
      %scan3A_263 = arith.constant 0 : i32
      scf.yield %scan3A_263 : i32
    }
    %scan3A_155 = arith.constant 16 : i32
    %mul3A_156 = arith.constant 8 : i32
    %mul3A_157 = arith.muli %rem3A_1, %mul3A_156 : i32
    %mul3A_158 = arith.constant 2 : i32
    %mul3A_159 = arith.muli %mul3A_157, %mul3A_158 : i32
    %mul3A_160 = arith.constant 2 : i32
    %mul3A_161 = arith.muli %div3A_2, %mul3A_160 : i32
    %add3A_162 = arith.addi %mul3A_159, %mul3A_161 : i32
    %add3A_163 = arith.addi %add3A_162, %add3A_136 : i32
    %mul3A_164 = arith.constant 2048 : i32
    %mul3A_165 = arith.muli %add3A_163, %mul3A_164 : i32
    %dma_start3A_166 = tpu.memref_slice %arg4[%mul3A_165] : memref<131072xf32, #tpu.memory_space<hbm>> -> memref<2048xf32, #tpu.memory_space<hbm>>
    %dma_start3A_167 = tpu.memref_slice %arg4[%mul3A_165] : memref<131072xf32, #tpu.memory_space<hbm>> -> memref<2048xf32, #tpu.memory_space<hbm>>
    tpu.enqueue_dma source(%arg9 : memref<2048xf32, #tpu.memory_space<vmem>>) target(%dma_start3A_167 : memref<2048xf32, #tpu.memory_space<hbm>>) target_semaphore(%arg13 : memref<!tpu.dma_semaphore, #tpu.memory_space<semaphore_mem>>)
    %add3A_168 = arith.constant 2 : i32
    %add3A_169 = arith.addi %add3A_136, %add3A_168 : i32
    %lt3A_170 = arith.constant 2 : i32
    %lt3A_171 = arith.cmpi slt, %add3A_169, %lt3A_170 : i32
    %convert_element_type3A_172 = arith.extui %lt3A_171 : i1 to i32
    %cond3A_173 = arith.constant 0 : i32
    %cond3A_174 = arith.cmpi ne, %convert_element_type3A_172, %cond3A_173 : i32
    scf.if %cond3A_174 {
      %add3A_203 = arith.constant 2 : i32
      %add3A_204 = arith.addi %add3A_136, %add3A_203 : i32
      %mul3A_205 = arith.constant 2 : i32
      %mul3A_206 = arith.muli %div3A_2, %mul3A_205 : i32
      %add3A_207 = arith.addi %mul3A_206, %add3A_204 : i32
      %mul3A_208 = arith.constant 12800 : i32
      %mul3A_209 = arith.muli %add3A_207, %mul3A_208 : i32
      %dma_start3A_210 = tpu.memref_slice %arg2[%mul3A_209] : memref<204800xi32, #tpu.memory_space<hbm>> -> memref<12800xi32, #tpu.memory_space<hbm>>
      %dma_start3A_211 = tpu.memref_slice %arg2[%mul3A_209] : memref<204800xi32, #tpu.memory_space<hbm>> -> memref<12800xi32, #tpu.memory_space<hbm>>
      tpu.enqueue_dma source(%dma_start3A_211 : memref<12800xi32, #tpu.memory_space<hbm>>) target(%arg7 : memref<12800xi32, #tpu.memory_space<vmem>>) target_semaphore(%arg11 : memref<!tpu.dma_semaphore, #tpu.memory_space<semaphore_mem>>)
    } else {
    }
    %scan3A_175 = arith.constant 0 : i32
    %scan3A_176 = arith.constant 1 : i32
    %mul3A_177 = arith.constant 8 : i32
    %mul3A_178 = arith.muli %rem3A_1, %mul3A_177 : i32
    %mul3A_179 = arith.constant 2 : i32
    %mul3A_180 = arith.muli %mul3A_178, %mul3A_179 : i32
    %mul3A_181 = arith.constant 2 : i32
    %mul3A_182 = arith.muli %div3A_2, %mul3A_181 : i32
    %add3A_183 = arith.addi %mul3A_180, %mul3A_182 : i32
    %add3A_184 = arith.constant 0 : i32
    %add3A_185 = arith.addi %add3A_183, %add3A_184 : i32
    %mul3A_186 = arith.constant 2048 : i32
    %mul3A_187 = arith.muli %add3A_185, %mul3A_186 : i32
    %dma_wait3A_188 = tpu.memref_slice %arg4[%mul3A_187] : memref<131072xf32, #tpu.memory_space<hbm>> -> memref<2048xf32, #tpu.memory_space<hbm>>
    %dma_wait3A_189 = tpu.memref_slice %arg4[%mul3A_187] : memref<131072xf32, #tpu.memory_space<hbm>> -> memref<2048xf32, #tpu.memory_space<hbm>>
    tpu.wait_dma2 semaphore(%arg12 : memref<!tpu.dma_semaphore, #tpu.memory_space<semaphore_mem>>) src(%arg8 : memref<2048xf32, #tpu.memory_space<vmem>>) dst(%dma_wait3A_189 : memref<2048xf32, #tpu.memory_space<hbm>>)
    %mul3A_190 = arith.constant 8 : i32
    %mul3A_191 = arith.muli %rem3A_1, %mul3A_190 : i32
    %mul3A_192 = arith.constant 2 : i32
    %mul3A_193 = arith.muli %mul3A_191, %mul3A_192 : i32
    %mul3A_194 = arith.constant 2 : i32
    %mul3A_195 = arith.muli %div3A_2, %mul3A_194 : i32
    %add3A_196 = arith.addi %mul3A_193, %mul3A_195 : i32
    %add3A_197 = arith.constant 1 : i32
    %add3A_198 = arith.addi %add3A_196, %add3A_197 : i32
    %mul3A_199 = arith.constant 2048 : i32
    %mul3A_200 = arith.muli %add3A_198, %mul3A_199 : i32
    %dma_wait3A_201 = tpu.memref_slice %arg4[%mul3A_200] : memref<131072xf32, #tpu.memory_space<hbm>> -> memref<2048xf32, #tpu.memory_space<hbm>>
    %dma_wait3A_202 = tpu.memref_slice %arg4[%mul3A_200] : memref<131072xf32, #tpu.memory_space<hbm>> -> memref<2048xf32, #tpu.memory_space<hbm>>
    tpu.wait_dma2 semaphore(%arg13 : memref<!tpu.dma_semaphore, #tpu.memory_space<semaphore_mem>>) src(%arg9 : memref<2048xf32, #tpu.memory_space<vmem>>) dst(%dma_wait3A_202 : memref<2048xf32, #tpu.memory_space<hbm>>)
    return
  }
}

#map = affine_map<(d0, d1) -> (0)>
module attributes {stable_mosaic.version = 14 : i64} {
  func.func @_sc_body(%arg0: i32, %arg1: i32, %arg2: memref<204800xi32, #tpu.memory_space<hbm>>, %arg3: memref<320000xf32, #tpu.memory_space<hbm>>, %arg4: memref<131072xf32, #tpu.memory_space<hbm>>, %arg5: memref<80000xf32, #tpu.memory_space<vmem>>, %arg6: memref<12800xi32, #tpu.memory_space<vmem>>, %arg7: memref<12800xi32, #tpu.memory_space<vmem>>, %arg8: memref<2048xf32, #tpu.memory_space<vmem>>, %arg9: memref<2048xf32, #tpu.memory_space<vmem>>, %arg10: memref<!tpu.dma_semaphore, #tpu.memory_space<semaphore_mem>>, %arg11: memref<!tpu.dma_semaphore, #tpu.memory_space<semaphore_mem>>, %arg12: memref<!tpu.dma_semaphore, #tpu.memory_space<semaphore_mem>>, %arg13: memref<!tpu.dma_semaphore, #tpu.memory_space<semaphore_mem>>) attributes {dimension_semantics = [#tpu.dimension_semantics<core_parallel>, #tpu.dimension_semantics<subcore_parallel>], iteration_bounds = array<i64: 2, 16>, scalar_prefetch = 0 : i64, scratch_operands = 9 : i64, tpu.core_type = #tpu.core_type<sc_vector_subcore>, window_params = [{transform_indices = #map}, {transform_indices = #map}, {transform_indices = #map}]} {
    %mul3A = arith.constant 2 : i32
    %mul3A_0 = arith.muli %arg1, %mul3A : i32
    %add3A = arith.addi %mul3A_0, %arg0 : i32
    %rem3A = arith.constant 4 : i32
    %rem3A_1 = arith.remsi %add3A, %rem3A : i32
    %div3A = arith.constant 4 : i32
    %div3A_2 = arith.divsi %add3A, %div3A : i32
    %iota3A = tpu.iota {dimensions = array<i32: 0>} : vector<16xi32>
    %mul3A_3 = arith.constant 80000 : i32
    %mul3A_4 = arith.muli %rem3A_1, %mul3A_3 : i32
    "tpu.region"() ({
      %run_scoped3A = tpu.sem_alloc : memref<!tpu.dma_semaphore, #tpu.memory_space<semaphore_mem>>
      %dma_start3A_203 = tpu.memref_slice %arg3[%mul3A_4] : memref<320000xf32, #tpu.memory_space<hbm>> -> memref<80000xf32, #tpu.memory_space<hbm>>
      %dma_start3A_204 = tpu.memref_slice %arg3[%mul3A_4] : memref<320000xf32, #tpu.memory_space<hbm>> -> memref<80000xf32, #tpu.memory_space<hbm>>
      tpu.enqueue_dma source(%dma_start3A_204 : memref<80000xf32, #tpu.memory_space<hbm>>) target(%arg5 : memref<80000xf32, #tpu.memory_space<vmem>>) target_semaphore(%run_scoped3A : memref<!tpu.dma_semaphore, #tpu.memory_space<semaphore_mem>>)
      %dma_wait3A_205 = tpu.memref_slice %arg3[%mul3A_4] : memref<320000xf32, #tpu.memory_space<hbm>> -> memref<80000xf32, #tpu.memory_space<hbm>>
      %dma_wait3A_206 = tpu.memref_slice %arg3[%mul3A_4] : memref<320000xf32, #tpu.memory_space<hbm>> -> memref<80000xf32, #tpu.memory_space<hbm>>
      tpu.wait_dma2 semaphore(%run_scoped3A : memref<!tpu.dma_semaphore, #tpu.memory_space<semaphore_mem>>) src(%dma_wait3A_206 : memref<80000xf32, #tpu.memory_space<hbm>>) dst(%arg5 : memref<80000xf32, #tpu.memory_space<vmem>>)
      tpu.yield
    }) : () -> ()
    %get3A = arith.constant 0 : index
    %get3A_5 = tpu.vector_load %arg5[%get3A] {strides = array<i32>} : memref<80000xf32, #tpu.memory_space<vmem>>, vector<16xf32>,
    %lt3A = arith.constant 1 : i32
    %lt3A_6 = vector.broadcast %lt3A : i32 to vector<16xi32>
    %lt3A_7 = arith.cmpi slt, %iota3A, %lt3A_6 : vector<16xi32>
    %jit3A = arith.constant 0.000000e+00 : f32
    %broadcast_in_dim3A = vector.broadcast %jit3A : f32 to vector<16xf32>
    %select_n3A = arith.select %lt3A_7, %broadcast_in_dim3A, %get3A_5 : vector<16xi1>, vector<16xf32>
    %swap3A = arith.constant 0 : index
    %swap3A_8 = tpu.vector_load %arg5[%swap3A] {strides = array<i32>} : memref<80000xf32, #tpu.memory_space<vmem>>, vector<16xf32>,
    tpu.vector_store %arg5[%swap3A], %select_n3A {strides = array<i32>} : memref<80000xf32, #tpu.memory_space<vmem>>, vector<16xf32>,
    %get3A_9 = arith.constant 10000 : index
    %get3A_10 = tpu.vector_load %arg5[%get3A_9] {strides = array<i32>} : memref<80000xf32, #tpu.memory_space<vmem>>, vector<16xf32>,
    %lt3A_11 = arith.constant 1 : i32
    %lt3A_12 = vector.broadcast %lt3A_11 : i32 to vector<16xi32>
    %lt3A_13 = arith.cmpi slt, %iota3A, %lt3A_12 : vector<16xi32>
    %jit3A_14 = arith.constant 0.000000e+00 : f32
    %broadcast_in_dim3A_15 = vector.broadcast %jit3A_14 : f32 to vector<16xf32>
    %select_n3A_16 = arith.select %lt3A_13, %broadcast_in_dim3A_15, %get3A_10 : vector<16xi1>, vector<16xf32>
    %swap3A_17 = arith.constant 10000 : index
    %swap3A_18 = tpu.vector_load %arg5[%swap3A_17] {strides = array<i32>} : memref<80000xf32, #tpu.memory_space<vmem>>, vector<16xf32>,
    tpu.vector_store %arg5[%swap3A_17], %select_n3A_16 {strides = array<i32>} : memref<80000xf32, #tpu.memory_space<vmem>>, vector<16xf32>,
    %get3A_19 = arith.constant 20000 : index
    %get3A_20 = tpu.vector_load %arg5[%get3A_19] {strides = array<i32>} : memref<80000xf32, #tpu.memory_space<vmem>>, vector<16xf32>,
    %lt3A_21 = arith.constant 1 : i32
    %lt3A_22 = vector.broadcast %lt3A_21 : i32 to vector<16xi32>
    %lt3A_23 = arith.cmpi slt, %iota3A, %lt3A_22 : vector<16xi32>
    %jit3A_24 = arith.constant 0.000000e+00 : f32
    %broadcast_in_dim3A_25 = vector.broadcast %jit3A_24 : f32 to vector<16xf32>
    %select_n3A_26 = arith.select %lt3A_23, %broadcast_in_dim3A_25, %get3A_20 : vector<16xi1>, vector<16xf32>
    %swap3A_27 = arith.constant 20000 : index
    %swap3A_28 = tpu.vector_load %arg5[%swap3A_27] {strides = array<i32>} : memref<80000xf32, #tpu.memory_space<vmem>>, vector<16xf32>,
    tpu.vector_store %arg5[%swap3A_27], %select_n3A_26 {strides = array<i32>} : memref<80000xf32, #tpu.memory_space<vmem>>, vector<16xf32>,
    %get3A_29 = arith.constant 30000 : index
    %get3A_30 = tpu.vector_load %arg5[%get3A_29] {strides = array<i32>} : memref<80000xf32, #tpu.memory_space<vmem>>, vector<16xf32>,
    %lt3A_31 = arith.constant 1 : i32
    %lt3A_32 = vector.broadcast %lt3A_31 : i32 to vector<16xi32>
    %lt3A_33 = arith.cmpi slt, %iota3A, %lt3A_32 : vector<16xi32>
    %jit3A_34 = arith.constant 0.000000e+00 : f32
    %broadcast_in_dim3A_35 = vector.broadcast %jit3A_34 : f32 to vector<16xf32>
    %select_n3A_36 = arith.select %lt3A_33, %broadcast_in_dim3A_35, %get3A_30 : vector<16xi1>, vector<16xf32>
    %swap3A_37 = arith.constant 30000 : index
    %swap3A_38 = tpu.vector_load %arg5[%swap3A_37] {strides = array<i32>} : memref<80000xf32, #tpu.memory_space<vmem>>, vector<16xf32>,
    tpu.vector_store %arg5[%swap3A_37], %select_n3A_36 {strides = array<i32>} : memref<80000xf32, #tpu.memory_space<vmem>>, vector<16xf32>,
    %get3A_39 = arith.constant 40000 : index
    %get3A_40 = tpu.vector_load %arg5[%get3A_39] {strides = array<i32>} : memref<80000xf32, #tpu.memory_space<vmem>>, vector<16xf32>,
    %lt3A_41 = arith.constant 1 : i32
    %lt3A_42 = vector.broadcast %lt3A_41 : i32 to vector<16xi32>
    %lt3A_43 = arith.cmpi slt, %iota3A, %lt3A_42 : vector<16xi32>
    %jit3A_44 = arith.constant 0.000000e+00 : f32
    %broadcast_in_dim3A_45 = vector.broadcast %jit3A_44 : f32 to vector<16xf32>
    %select_n3A_46 = arith.select %lt3A_43, %broadcast_in_dim3A_45, %get3A_40 : vector<16xi1>, vector<16xf32>
    %swap3A_47 = arith.constant 40000 : index
    %swap3A_48 = tpu.vector_load %arg5[%swap3A_47] {strides = array<i32>} : memref<80000xf32, #tpu.memory_space<vmem>>, vector<16xf32>,
    tpu.vector_store %arg5[%swap3A_47], %select_n3A_46 {strides = array<i32>} : memref<80000xf32, #tpu.memory_space<vmem>>, vector<16xf32>,
    %get3A_49 = arith.constant 50000 : index
    %get3A_50 = tpu.vector_load %arg5[%get3A_49] {strides = array<i32>} : memref<80000xf32, #tpu.memory_space<vmem>>, vector<16xf32>,
    %lt3A_51 = arith.constant 1 : i32
    %lt3A_52 = vector.broadcast %lt3A_51 : i32 to vector<16xi32>
    %lt3A_53 = arith.cmpi slt, %iota3A, %lt3A_52 : vector<16xi32>
    %jit3A_54 = arith.constant 0.000000e+00 : f32
    %broadcast_in_dim3A_55 = vector.broadcast %jit3A_54 : f32 to vector<16xf32>
    %select_n3A_56 = arith.select %lt3A_53, %broadcast_in_dim3A_55, %get3A_50 : vector<16xi1>, vector<16xf32>
    %swap3A_57 = arith.constant 50000 : index
    %swap3A_58 = tpu.vector_load %arg5[%swap3A_57] {strides = array<i32>} : memref<80000xf32, #tpu.memory_space<vmem>>, vector<16xf32>,
    tpu.vector_store %arg5[%swap3A_57], %select_n3A_56 {strides = array<i32>} : memref<80000xf32, #tpu.memory_space<vmem>>, vector<16xf32>,
    %get3A_59 = arith.constant 60000 : index
    %get3A_60 = tpu.vector_load %arg5[%get3A_59] {strides = array<i32>} : memref<80000xf32, #tpu.memory_space<vmem>>, vector<16xf32>,
    %lt3A_61 = arith.constant 1 : i32
    %lt3A_62 = vector.broadcast %lt3A_61 : i32 to vector<16xi32>
    %lt3A_63 = arith.cmpi slt, %iota3A, %lt3A_62 : vector<16xi32>
    %jit3A_64 = arith.constant 0.000000e+00 : f32
    %broadcast_in_dim3A_65 = vector.broadcast %jit3A_64 : f32 to vector<16xf32>
    %select_n3A_66 = arith.select %lt3A_63, %broadcast_in_dim3A_65, %get3A_60 : vector<16xi1>, vector<16xf32>
    %swap3A_67 = arith.constant 60000 : index
    %swap3A_68 = tpu.vector_load %arg5[%swap3A_67] {strides = array<i32>} : memref<80000xf32, #tpu.memory_space<vmem>>, vector<16xf32>,
    tpu.vector_store %arg5[%swap3A_67], %select_n3A_66 {strides = array<i32>} : memref<80000xf32, #tpu.memory_space<vmem>>, vector<16xf32>,
    %get3A_69 = arith.constant 70000 : index
    %get3A_70 = tpu.vector_load %arg5[%get3A_69] {strides = array<i32>} : memref<80000xf32, #tpu.memory_space<vmem>>, vector<16xf32>,
    %lt3A_71 = arith.constant 1 : i32
    %lt3A_72 = vector.broadcast %lt3A_71 : i32 to vector<16xi32>
    %lt3A_73 = arith.cmpi slt, %iota3A, %lt3A_72 : vector<16xi32>
    %jit3A_74 = arith.constant 0.000000e+00 : f32
    %broadcast_in_dim3A_75 = vector.broadcast %jit3A_74 : f32 to vector<16xf32>
    %select_n3A_76 = arith.select %lt3A_73, %broadcast_in_dim3A_75, %get3A_70 : vector<16xi1>, vector<16xf32>
    %swap3A_77 = arith.constant 70000 : index
    %swap3A_78 = tpu.vector_load %arg5[%swap3A_77] {strides = array<i32>} : memref<80000xf32, #tpu.memory_space<vmem>>, vector<16xf32>,
    tpu.vector_store %arg5[%swap3A_77], %select_n3A_76 {strides = array<i32>} : memref<80000xf32, #tpu.memory_space<vmem>>, vector<16xf32>,
    %mul3A_79 = arith.constant 2 : i32
    %mul3A_80 = arith.muli %div3A_2, %mul3A_79 : i32
    %add3A_81 = arith.constant 0 : i32
    %add3A_82 = arith.addi %mul3A_80, %add3A_81 : i32
    %mul3A_83 = arith.constant 12800 : i32
    %mul3A_84 = arith.muli %add3A_82, %mul3A_83 : i32
    %dma_start3A = tpu.memref_slice %arg2[%mul3A_84] : memref<204800xi32, #tpu.memory_space<hbm>> -> memref<12800xi32, #tpu.memory_space<hbm>>
    %dma_start3A_85 = tpu.memref_slice %arg2[%mul3A_84] : memref<204800xi32, #tpu.memory_space<hbm>> -> memref<12800xi32, #tpu.memory_space<hbm>>
    tpu.enqueue_dma source(%dma_start3A_85 : memref<12800xi32, #tpu.memory_space<hbm>>) target(%arg6 : memref<12800xi32, #tpu.memory_space<vmem>>) target_semaphore(%arg10 : memref<!tpu.dma_semaphore, #tpu.memory_space<semaphore_mem>>)
    %mul3A_86 = arith.constant 2 : i32
    %mul3A_87 = arith.muli %div3A_2, %mul3A_86 : i32
    %add3A_88 = arith.constant 1 : i32
    %add3A_89 = arith.addi %mul3A_87, %add3A_88 : i32
    %mul3A_90 = arith.constant 12800 : i32
    %mul3A_91 = arith.muli %add3A_89, %mul3A_90 : i32
    %dma_start3A_92 = tpu.memref_slice %arg2[%mul3A_91] : memref<204800xi32, #tpu.memory_space<hbm>> -> memref<12800xi32, #tpu.memory_space<hbm>>
    %dma_start3A_93 = tpu.memref_slice %arg2[%mul3A_91] : memref<204800xi32, #tpu.memory_space<hbm>> -> memref<12800xi32, #tpu.memory_space<hbm>>
    tpu.enqueue_dma source(%dma_start3A_93 : memref<12800xi32, #tpu.memory_space<hbm>>) target(%arg7 : memref<12800xi32, #tpu.memory_space<vmem>>) target_semaphore(%arg11 : memref<!tpu.dma_semaphore, #tpu.memory_space<semaphore_mem>>)
    %scan3A = arith.constant 0 : i32
    %scan3A_94 = arith.constant 0 : i32
    %mul3A_95 = arith.constant 2 : i32
    %mul3A_96 = arith.muli %mul3A_95, %scan3A_94 : i32
    %add3A_97 = arith.constant 0 : i32
    %add3A_98 = arith.addi %mul3A_96, %add3A_97 : i32
    %mul3A_99 = arith.constant 2 : i32
    %mul3A_100 = arith.muli %div3A_2, %mul3A_99 : i32
    %add3A_101 = arith.addi %mul3A_100, %add3A_98 : i32
    %mul3A_102 = arith.constant 12800 : i32
    %mul3A_103 = arith.muli %add3A_101, %mul3A_102 : i32
    %dma_wait3A = tpu.memref_slice %arg2[%mul3A_103] : memref<204800xi32, #tpu.memory_space<hbm>> -> memref<12800xi32, #tpu.memory_space<hbm>>
    %dma_wait3A_104 = tpu.memref_slice %arg2[%mul3A_103] : memref<204800xi32, #tpu.memory_space<hbm>> -> memref<12800xi32, #tpu.memory_space<hbm>>
    tpu.wait_dma2 semaphore(%arg10 : memref<!tpu.dma_semaphore, #tpu.memory_space<semaphore_mem>>) src(%dma_wait3A_104 : memref<12800xi32, #tpu.memory_space<hbm>>) dst(%arg6 : memref<12800xi32, #tpu.memory_space<vmem>>)
    %ge3A = arith.constant 2 : i32
    %ge3A_105 = arith.cmpi sge, %add3A_98, %ge3A : i32
    %convert_element_type3A = arith.extui %ge3A_105 : i1 to i32
    %cond3A = arith.constant 0 : i32
    %cond3A_106 = arith.cmpi ne, %convert_element_type3A, %cond3A : i32
    scf.if %cond3A_106 {
      %sub3A = arith.constant 2 : i32
      %sub3A_203 = arith.subi %add3A_98, %sub3A : i32
      %mul3A_204 = arith.constant 8 : i32
      %mul3A_205 = arith.muli %rem3A_1, %mul3A_204 : i32
      %mul3A_206 = arith.constant 2 : i32
      %mul3A_207 = arith.muli %mul3A_205, %mul3A_206 : i32
      %mul3A_208 = arith.constant 2 : i32
      %mul3A_209 = arith.muli %div3A_2, %mul3A_208 : i32
      %add3A_210 = arith.addi %mul3A_207, %mul3A_209 : i32
      %add3A_211 = arith.addi %add3A_210, %sub3A_203 : i32
      %mul3A_212 = arith.constant 2048 : i32
      %mul3A_213 = arith.muli %add3A_211, %mul3A_212 : i32
      %dma_wait3A_214 = tpu.memref_slice %arg4[%mul3A_213] : memref<131072xf32, #tpu.memory_space<hbm>> -> memref<2048xf32, #tpu.memory_space<hbm>>
      %dma_wait3A_215 = tpu.memref_slice %arg4[%mul3A_213] : memref<131072xf32, #tpu.memory_space<hbm>> -> memref<2048xf32, #tpu.memory_space<hbm>>
      tpu.wait_dma2 semaphore(%arg12 : memref<!tpu.dma_semaphore, #tpu.memory_space<semaphore_mem>>) src(%arg8 : memref<2048xf32, #tpu.memory_space<vmem>>) dst(%dma_wait3A_215 : memref<2048xf32, #tpu.memory_space<hbm>>)
    } else {
    }
    %scan3A_107 = arith.constant 0 : i32
    %scan3A_108 = arith.constant 0 : i32
    %scan3A_109 = arith.constant 16 : i32
    %scan3A_110 = arith.addi %scan3A_108, %scan3A_109 : i32
    %scan3A_111 = arith.constant 1 : i32
    %scan3A_112 = scf.for %scan3A_203 = %scan3A_108 to %scan3A_110 step %scan3A_111 iter_args(%scan3A_204 = %scan3A_107) -> (i32)  : i32 {
      %broadcast_in_dim3A_205 = arith.constant 0.000000e+00 : f32
      %broadcast_in_dim3A_206 = vector.broadcast %broadcast_in_dim3A_205 : f32 to vector<16xf32>
      %broadcast_in_dim3A_207 = arith.constant 1.000000e+00 : f32
      %broadcast_in_dim3A_208 = vector.broadcast %broadcast_in_dim3A_207 : f32 to vector<16xf32>
      %mul3A_209 = arith.constant 50 : i32
      %mul3A_210 = vector.broadcast %mul3A_209 : i32 to vector<16xi32>
      %mul3A_211 = arith.muli %iota3A, %mul3A_210 : vector<16xi32>
      %mul3A_212 = arith.constant 800 : i32
      %mul3A_213 = arith.muli %scan3A_203, %mul3A_212 : i32
      %add3A_214 = vector.broadcast %mul3A_213 : i32 to vector<16xi32>
      %add3A_215 = arith.addi %mul3A_211, %add3A_214 : vector<16xi32>
      %parallel_loop3A = arith.constant 0 : i32
      %parallel_loop3A_216 = arith.constant 50 : i32
      %parallel_loop3A_217 = arith.constant 1 : i32
      %parallel_loop3A_218:9 = scf.for %parallel_loop3A_264 = %parallel_loop3A to %parallel_loop3A_216 step %parallel_loop3A_217 iter_args(%parallel_loop3A_265 = %broadcast_in_dim3A_206, %parallel_loop3A_266 = %broadcast_in_dim3A_206, %parallel_loop3A_267 = %broadcast_in_dim3A_206, %parallel_loop3A_268 = %broadcast_in_dim3A_206, %parallel_loop3A_269 = %broadcast_in_dim3A_206, %parallel_loop3A_270 = %broadcast_in_dim3A_206, %parallel_loop3A_271 = %broadcast_in_dim3A_206, %parallel_loop3A_272 = %broadcast_in_dim3A_206, %parallel_loop3A_273 = %broadcast_in_dim3A_206) -> (vector<16xf32>, vector<16xf32>, vector<16xf32>, vector<16xf32>, vector<16xf32>, vector<16xf32>, vector<16xf32>, vector<16xf32>, vector<16xf32>)  : i32 {
        %parallel_loop3A_274 = vector.broadcast %parallel_loop3A_264 : i32 to vector<16xi32>
        %parallel_loop3A_275 = arith.addi %add3A_215, %parallel_loop3A_274 : vector<16xi32>
        %parallel_loop3A_276 = tpu.vector_load_idx %arg6[%parallel_loop3A_275] : memref<12800xi32, #tpu.memory_space<vmem>>[vector<16xi32>], vector<16xi32>,
        %parallel_loop3A_277 = arith.constant 0 : i32
        %parallel_loop3A_278 = vector.broadcast %parallel_loop3A_277 : i32 to vector<16xi32>
        %parallel_loop3A_279 = arith.cmpi ne, %parallel_loop3A_276, %parallel_loop3A_278 : vector<16xi32>
        %parallel_loop3A_280 = arith.select %parallel_loop3A_279, %broadcast_in_dim3A_208, %broadcast_in_dim3A_206 : vector<16xi1>, vector<16xf32>
        %parallel_loop3A_281 = arith.addf %parallel_loop3A_273, %parallel_loop3A_280 : vector<16xf32>
        %parallel_loop3A_282 = arith.constant 0 : i32
        %parallel_loop3A_283 = tpu.memref_slice %arg5[%parallel_loop3A_282] : memref<80000xf32, #tpu.memory_space<vmem>> -> memref<10000xf32, #tpu.memory_space<vmem>>
        %parallel_loop3A_284 = tpu.vector_load_idx %parallel_loop3A_283[%parallel_loop3A_276] : memref<10000xf32, #tpu.memory_space<vmem>>[vector<16xi32>], vector<16xf32>,
        %parallel_loop3A_285 = arith.addf %parallel_loop3A_265, %parallel_loop3A_284 : vector<16xf32>
        %parallel_loop3A_286 = arith.constant 10000 : i32
        %parallel_loop3A_287 = tpu.memref_slice %arg5[%parallel_loop3A_286] : memref<80000xf32, #tpu.memory_space<vmem>> -> memref<10000xf32, #tpu.memory_space<vmem>>
        %parallel_loop3A_288 = tpu.vector_load_idx %parallel_loop3A_287[%parallel_loop3A_276] : memref<10000xf32, #tpu.memory_space<vmem>>[vector<16xi32>], vector<16xf32>,
        %parallel_loop3A_289 = arith.addf %parallel_loop3A_266, %parallel_loop3A_288 : vector<16xf32>
        %parallel_loop3A_290 = arith.constant 20000 : i32
        %parallel_loop3A_291 = tpu.memref_slice %arg5[%parallel_loop3A_290] : memref<80000xf32, #tpu.memory_space<vmem>> -> memref<10000xf32, #tpu.memory_space<vmem>>
        %parallel_loop3A_292 = tpu.vector_load_idx %parallel_loop3A_291[%parallel_loop3A_276] : memref<10000xf32, #tpu.memory_space<vmem>>[vector<16xi32>], vector<16xf32>,
        %parallel_loop3A_293 = arith.addf %parallel_loop3A_267, %parallel_loop3A_292 : vector<16xf32>
        %parallel_loop3A_294 = arith.constant 30000 : i32
        %parallel_loop3A_295 = tpu.memref_slice %arg5[%parallel_loop3A_294] : memref<80000xf32, #tpu.memory_space<vmem>> -> memref<10000xf32, #tpu.memory_space<vmem>>
        %parallel_loop3A_296 = tpu.vector_load_idx %parallel_loop3A_295[%parallel_loop3A_276] : memref<10000xf32, #tpu.memory_space<vmem>>[vector<16xi32>], vector<16xf32>,
        %parallel_loop3A_297 = arith.addf %parallel_loop3A_268, %parallel_loop3A_296 : vector<16xf32>
        %parallel_loop3A_298 = arith.constant 40000 : i32
        %parallel_loop3A_299 = tpu.memref_slice %arg5[%parallel_loop3A_298] : memref<80000xf32, #tpu.memory_space<vmem>> -> memref<10000xf32, #tpu.memory_space<vmem>>
        %parallel_loop3A_300 = tpu.vector_load_idx %parallel_loop3A_299[%parallel_loop3A_276] : memref<10000xf32, #tpu.memory_space<vmem>>[vector<16xi32>], vector<16xf32>,
        %parallel_loop3A_301 = arith.addf %parallel_loop3A_269, %parallel_loop3A_300 : vector<16xf32>
        %parallel_loop3A_302 = arith.constant 50000 : i32
        %parallel_loop3A_303 = tpu.memref_slice %arg5[%parallel_loop3A_302] : memref<80000xf32, #tpu.memory_space<vmem>> -> memref<10000xf32, #tpu.memory_space<vmem>>
        %parallel_loop3A_304 = tpu.vector_load_idx %parallel_loop3A_303[%parallel_loop3A_276] : memref<10000xf32, #tpu.memory_space<vmem>>[vector<16xi32>], vector<16xf32>,
        %parallel_loop3A_305 = arith.addf %parallel_loop3A_270, %parallel_loop3A_304 : vector<16xf32>
        %parallel_loop3A_306 = arith.constant 60000 : i32
        %parallel_loop3A_307 = tpu.memref_slice %arg5[%parallel_loop3A_306] : memref<80000xf32, #tpu.memory_space<vmem>> -> memref<10000xf32, #tpu.memory_space<vmem>>
        %parallel_loop3A_308 = tpu.vector_load_idx %parallel_loop3A_307[%parallel_loop3A_276] : memref<10000xf32, #tpu.memory_space<vmem>>[vector<16xi32>], vector<16xf32>,
        %parallel_loop3A_309 = arith.addf %parallel_loop3A_271, %parallel_loop3A_308 : vector<16xf32>
        %parallel_loop3A_310 = arith.constant 70000 : i32
        %parallel_loop3A_311 = tpu.memref_slice %arg5[%parallel_loop3A_310] : memref<80000xf32, #tpu.memory_space<vmem>> -> memref<10000xf32, #tpu.memory_space<vmem>>
        %parallel_loop3A_312 = tpu.vector_load_idx %parallel_loop3A_311[%parallel_loop3A_276] : memref<10000xf32, #tpu.memory_space<vmem>>[vector<16xi32>], vector<16xf32>,
        %parallel_loop3A_313 = arith.addf %parallel_loop3A_272, %parallel_loop3A_312 : vector<16xf32>
        scf.yield %parallel_loop3A_285, %parallel_loop3A_289, %parallel_loop3A_293, %parallel_loop3A_297, %parallel_loop3A_301, %parallel_loop3A_305, %parallel_loop3A_309, %parallel_loop3A_313, %parallel_loop3A_281 : vector<16xf32>, vector<16xf32>, vector<16xf32>, vector<16xf32>, vector<16xf32>, vector<16xf32>, vector<16xf32>, vector<16xf32>, vector<16xf32>
      } {sc.loop_unroll_factor = 2 : i64, sc.parallel_access}
      %max3A = arith.constant 1.000000e+00 : f32
      %max3A_219 = vector.broadcast %max3A : f32 to vector<16xf32>
      %max3A_220 = arith.maximumf %parallel_loop3A_218#8, %max3A_219 : vector<16xf32>
      %div3A_221 = arith.constant 1.000000e+00 : f32
      %div3A_222 = vector.broadcast %div3A_221 : f32 to vector<16xf32>
      %div3A_223 = arith.divf %div3A_222, %max3A_220 : vector<16xf32>
      %mul3A_224 = arith.constant 8 : i32
      %mul3A_225 = vector.broadcast %mul3A_224 : i32 to vector<16xi32>
      %mul3A_226 = arith.muli %iota3A, %mul3A_225 : vector<16xi32>
      %mul3A_227 = arith.constant 128 : i32
      %mul3A_228 = arith.muli %scan3A_203, %mul3A_227 : i32
      %add3A_229 = vector.broadcast %mul3A_228 : i32 to vector<16xi32>
      %add3A_230 = arith.addi %mul3A_226, %add3A_229 : vector<16xi32>
      %add3A_231 = arith.constant 0 : i32
      %add3A_232 = vector.broadcast %add3A_231 : i32 to vector<16xi32>
      %add3A_233 = arith.addi %add3A_230, %add3A_232 : vector<16xi32>
      %mul3A_234 = arith.mulf %parallel_loop3A_218#0, %div3A_223 : vector<16xf32>
      tpu.vector_store_idx %arg8[%add3A_233], %mul3A_234 : memref<2048xf32, #tpu.memory_space<vmem>>[vector<16xi32>], vector<16xf32>,
      %add3A_235 = arith.constant 1 : i32
      %add3A_236 = vector.broadcast %add3A_235 : i32 to vector<16xi32>
      %add3A_237 = arith.addi %add3A_230, %add3A_236 : vector<16xi32>
      %mul3A_238 = arith.mulf %parallel_loop3A_218#1, %div3A_223 : vector<16xf32>
      tpu.vector_store_idx %arg8[%add3A_237], %mul3A_238 : memref<2048xf32, #tpu.memory_space<vmem>>[vector<16xi32>], vector<16xf32>,
      %add3A_239 = arith.constant 2 : i32
      %add3A_240 = vector.broadcast %add3A_239 : i32 to vector<16xi32>
      %add3A_241 = arith.addi %add3A_230, %add3A_240 : vector<16xi32>
      %mul3A_242 = arith.mulf %parallel_loop3A_218#2, %div3A_223 : vector<16xf32>
      tpu.vector_store_idx %arg8[%add3A_241], %mul3A_242 : memref<2048xf32, #tpu.memory_space<vmem>>[vector<16xi32>], vector<16xf32>,
      %add3A_243 = arith.constant 3 : i32
      %add3A_244 = vector.broadcast %add3A_243 : i32 to vector<16xi32>
      %add3A_245 = arith.addi %add3A_230, %add3A_244 : vector<16xi32>
      %mul3A_246 = arith.mulf %parallel_loop3A_218#3, %div3A_223 : vector<16xf32>
      tpu.vector_store_idx %arg8[%add3A_245], %mul3A_246 : memref<2048xf32, #tpu.memory_space<vmem>>[vector<16xi32>], vector<16xf32>,
      %add3A_247 = arith.constant 4 : i32
      %add3A_248 = vector.broadcast %add3A_247 : i32 to vector<16xi32>
      %add3A_249 = arith.addi %add3A_230, %add3A_248 : vector<16xi32>
      %mul3A_250 = arith.mulf %parallel_loop3A_218#4, %div3A_223 : vector<16xf32>
      tpu.vector_store_idx %arg8[%add3A_249], %mul3A_250 : memref<2048xf32, #tpu.memory_space<vmem>>[vector<16xi32>], vector<16xf32>,
      %add3A_251 = arith.constant 5 : i32
      %add3A_252 = vector.broadcast %add3A_251 : i32 to vector<16xi32>
      %add3A_253 = arith.addi %add3A_230, %add3A_252 : vector<16xi32>
      %mul3A_254 = arith.mulf %parallel_loop3A_218#5, %div3A_223 : vector<16xf32>
      tpu.vector_store_idx %arg8[%add3A_253], %mul3A_254 : memref<2048xf32, #tpu.memory_space<vmem>>[vector<16xi32>], vector<16xf32>,
      %add3A_255 = arith.constant 6 : i32
      %add3A_256 = vector.broadcast %add3A_255 : i32 to vector<16xi32>
      %add3A_257 = arith.addi %add3A_230, %add3A_256 : vector<16xi32>
      %mul3A_258 = arith.mulf %parallel_loop3A_218#6, %div3A_223 : vector<16xf32>
      tpu.vector_store_idx %arg8[%add3A_257], %mul3A_258 : memref<2048xf32, #tpu.memory_space<vmem>>[vector<16xi32>], vector<16xf32>,
      %add3A_259 = arith.constant 7 : i32
      %add3A_260 = vector.broadcast %add3A_259 : i32 to vector<16xi32>
      %add3A_261 = arith.addi %add3A_230, %add3A_260 : vector<16xi32>
      %mul3A_262 = arith.mulf %parallel_loop3A_218#7, %div3A_223 : vector<16xf32>
      tpu.vector_store_idx %arg8[%add3A_261], %mul3A_262 : memref<2048xf32, #tpu.memory_space<vmem>>[vector<16xi32>], vector<16xf32>,
      %scan3A_263 = arith.constant 0 : i32
      scf.yield %scan3A_263 : i32
    }
    %scan3A_113 = arith.constant 16 : i32
    %mul3A_114 = arith.constant 8 : i32
    %mul3A_115 = arith.muli %rem3A_1, %mul3A_114 : i32
    %mul3A_116 = arith.constant 2 : i32
    %mul3A_117 = arith.muli %mul3A_115, %mul3A_116 : i32
    %mul3A_118 = arith.constant 2 : i32
    %mul3A_119 = arith.muli %div3A_2, %mul3A_118 : i32
    %add3A_120 = arith.addi %mul3A_117, %mul3A_119 : i32
    %add3A_121 = arith.addi %add3A_120, %add3A_98 : i32
    %mul3A_122 = arith.constant 2048 : i32
    %mul3A_123 = arith.muli %add3A_121, %mul3A_122 : i32
    %dma_start3A_124 = tpu.memref_slice %arg4[%mul3A_123] : memref<131072xf32, #tpu.memory_space<hbm>> -> memref<2048xf32, #tpu.memory_space<hbm>>
    %dma_start3A_125 = tpu.memref_slice %arg4[%mul3A_123] : memref<131072xf32, #tpu.memory_space<hbm>> -> memref<2048xf32, #tpu.memory_space<hbm>>
    tpu.enqueue_dma source(%arg8 : memref<2048xf32, #tpu.memory_space<vmem>>) target(%dma_start3A_125 : memref<2048xf32, #tpu.memory_space<hbm>>) target_semaphore(%arg12 : memref<!tpu.dma_semaphore, #tpu.memory_space<semaphore_mem>>)
    %add3A_126 = arith.constant 2 : i32
    %add3A_127 = arith.addi %add3A_98, %add3A_126 : i32
    %lt3A_128 = arith.constant 2 : i32
    %lt3A_129 = arith.cmpi slt, %add3A_127, %lt3A_128 : i32
    %convert_element_type3A_130 = arith.extui %lt3A_129 : i1 to i32
    %cond3A_131 = arith.constant 0 : i32
    %cond3A_132 = arith.cmpi ne, %convert_element_type3A_130, %cond3A_131 : i32
    scf.if %cond3A_132 {
      %add3A_203 = arith.constant 2 : i32
      %add3A_204 = arith.addi %add3A_98, %add3A_203 : i32
      %mul3A_205 = arith.constant 2 : i32
      %mul3A_206 = arith.muli %div3A_2, %mul3A_205 : i32
      %add3A_207 = arith.addi %mul3A_206, %add3A_204 : i32
      %mul3A_208 = arith.constant 12800 : i32
      %mul3A_209 = arith.muli %add3A_207, %mul3A_208 : i32
      %dma_start3A_210 = tpu.memref_slice %arg2[%mul3A_209] : memref<204800xi32, #tpu.memory_space<hbm>> -> memref<12800xi32, #tpu.memory_space<hbm>>
      %dma_start3A_211 = tpu.memref_slice %arg2[%mul3A_209] : memref<204800xi32, #tpu.memory_space<hbm>> -> memref<12800xi32, #tpu.memory_space<hbm>>
      tpu.enqueue_dma source(%dma_start3A_211 : memref<12800xi32, #tpu.memory_space<hbm>>) target(%arg6 : memref<12800xi32, #tpu.memory_space<vmem>>) target_semaphore(%arg10 : memref<!tpu.dma_semaphore, #tpu.memory_space<semaphore_mem>>)
    } else {
    }
    %mul3A_133 = arith.constant 2 : i32
    %mul3A_134 = arith.muli %mul3A_133, %scan3A_94 : i32
    %add3A_135 = arith.constant 1 : i32
    %add3A_136 = arith.addi %mul3A_134, %add3A_135 : i32
    %mul3A_137 = arith.constant 2 : i32
    %mul3A_138 = arith.muli %div3A_2, %mul3A_137 : i32
    %add3A_139 = arith.addi %mul3A_138, %add3A_136 : i32
    %mul3A_140 = arith.constant 12800 : i32
    %mul3A_141 = arith.muli %add3A_139, %mul3A_140 : i32
    %dma_wait3A_142 = tpu.memref_slice %arg2[%mul3A_141] : memref<204800xi32, #tpu.memory_space<hbm>> -> memref<12800xi32, #tpu.memory_space<hbm>>
    %dma_wait3A_143 = tpu.memref_slice %arg2[%mul3A_141] : memref<204800xi32, #tpu.memory_space<hbm>> -> memref<12800xi32, #tpu.memory_space<hbm>>
    tpu.wait_dma2 semaphore(%arg11 : memref<!tpu.dma_semaphore, #tpu.memory_space<semaphore_mem>>) src(%dma_wait3A_143 : memref<12800xi32, #tpu.memory_space<hbm>>) dst(%arg7 : memref<12800xi32, #tpu.memory_space<vmem>>)
    %ge3A_144 = arith.constant 2 : i32
    %ge3A_145 = arith.cmpi sge, %add3A_136, %ge3A_144 : i32
    %convert_element_type3A_146 = arith.extui %ge3A_145 : i1 to i32
    %cond3A_147 = arith.constant 0 : i32
    %cond3A_148 = arith.cmpi ne, %convert_element_type3A_146, %cond3A_147 : i32
    scf.if %cond3A_148 {
      %sub3A = arith.constant 2 : i32
      %sub3A_203 = arith.subi %add3A_136, %sub3A : i32
      %mul3A_204 = arith.constant 8 : i32
      %mul3A_205 = arith.muli %rem3A_1, %mul3A_204 : i32
      %mul3A_206 = arith.constant 2 : i32
      %mul3A_207 = arith.muli %mul3A_205, %mul3A_206 : i32
      %mul3A_208 = arith.constant 2 : i32
      %mul3A_209 = arith.muli %div3A_2, %mul3A_208 : i32
      %add3A_210 = arith.addi %mul3A_207, %mul3A_209 : i32
      %add3A_211 = arith.addi %add3A_210, %sub3A_203 : i32
      %mul3A_212 = arith.constant 2048 : i32
      %mul3A_213 = arith.muli %add3A_211, %mul3A_212 : i32
      %dma_wait3A_214 = tpu.memref_slice %arg4[%mul3A_213] : memref<131072xf32, #tpu.memory_space<hbm>> -> memref<2048xf32, #tpu.memory_space<hbm>>
      %dma_wait3A_215 = tpu.memref_slice %arg4[%mul3A_213] : memref<131072xf32, #tpu.memory_space<hbm>> -> memref<2048xf32, #tpu.memory_space<hbm>>
      tpu.wait_dma2 semaphore(%arg13 : memref<!tpu.dma_semaphore, #tpu.memory_space<semaphore_mem>>) src(%arg9 : memref<2048xf32, #tpu.memory_space<vmem>>) dst(%dma_wait3A_215 : memref<2048xf32, #tpu.memory_space<hbm>>)
    } else {
    }
    %scan3A_149 = arith.constant 0 : i32
    %scan3A_150 = arith.constant 0 : i32
    %scan3A_151 = arith.constant 16 : i32
    %scan3A_152 = arith.addi %scan3A_150, %scan3A_151 : i32
    %scan3A_153 = arith.constant 1 : i32
    %scan3A_154 = scf.for %scan3A_203 = %scan3A_150 to %scan3A_152 step %scan3A_153 iter_args(%scan3A_204 = %scan3A_149) -> (i32)  : i32 {
      %broadcast_in_dim3A_205 = arith.constant 0.000000e+00 : f32
      %broadcast_in_dim3A_206 = vector.broadcast %broadcast_in_dim3A_205 : f32 to vector<16xf32>
      %broadcast_in_dim3A_207 = arith.constant 1.000000e+00 : f32
      %broadcast_in_dim3A_208 = vector.broadcast %broadcast_in_dim3A_207 : f32 to vector<16xf32>
      %mul3A_209 = arith.constant 50 : i32
      %mul3A_210 = vector.broadcast %mul3A_209 : i32 to vector<16xi32>
      %mul3A_211 = arith.muli %iota3A, %mul3A_210 : vector<16xi32>
      %mul3A_212 = arith.constant 800 : i32
      %mul3A_213 = arith.muli %scan3A_203, %mul3A_212 : i32
      %add3A_214 = vector.broadcast %mul3A_213 : i32 to vector<16xi32>
      %add3A_215 = arith.addi %mul3A_211, %add3A_214 : vector<16xi32>
      %parallel_loop3A = arith.constant 0 : i32
      %parallel_loop3A_216 = arith.constant 50 : i32
      %parallel_loop3A_217 = arith.constant 1 : i32
      %parallel_loop3A_218:9 = scf.for %parallel_loop3A_264 = %parallel_loop3A to %parallel_loop3A_216 step %parallel_loop3A_217 iter_args(%parallel_loop3A_265 = %broadcast_in_dim3A_206, %parallel_loop3A_266 = %broadcast_in_dim3A_206, %parallel_loop3A_267 = %broadcast_in_dim3A_206, %parallel_loop3A_268 = %broadcast_in_dim3A_206, %parallel_loop3A_269 = %broadcast_in_dim3A_206, %parallel_loop3A_270 = %broadcast_in_dim3A_206, %parallel_loop3A_271 = %broadcast_in_dim3A_206, %parallel_loop3A_272 = %broadcast_in_dim3A_206, %parallel_loop3A_273 = %broadcast_in_dim3A_206) -> (vector<16xf32>, vector<16xf32>, vector<16xf32>, vector<16xf32>, vector<16xf32>, vector<16xf32>, vector<16xf32>, vector<16xf32>, vector<16xf32>)  : i32 {
        %parallel_loop3A_274 = vector.broadcast %parallel_loop3A_264 : i32 to vector<16xi32>
        %parallel_loop3A_275 = arith.addi %add3A_215, %parallel_loop3A_274 : vector<16xi32>
        %parallel_loop3A_276 = tpu.vector_load_idx %arg7[%parallel_loop3A_275] : memref<12800xi32, #tpu.memory_space<vmem>>[vector<16xi32>], vector<16xi32>,
        %parallel_loop3A_277 = arith.constant 0 : i32
        %parallel_loop3A_278 = vector.broadcast %parallel_loop3A_277 : i32 to vector<16xi32>
        %parallel_loop3A_279 = arith.cmpi ne, %parallel_loop3A_276, %parallel_loop3A_278 : vector<16xi32>
        %parallel_loop3A_280 = arith.select %parallel_loop3A_279, %broadcast_in_dim3A_208, %broadcast_in_dim3A_206 : vector<16xi1>, vector<16xf32>
        %parallel_loop3A_281 = arith.addf %parallel_loop3A_273, %parallel_loop3A_280 : vector<16xf32>
        %parallel_loop3A_282 = arith.constant 0 : i32
        %parallel_loop3A_283 = tpu.memref_slice %arg5[%parallel_loop3A_282] : memref<80000xf32, #tpu.memory_space<vmem>> -> memref<10000xf32, #tpu.memory_space<vmem>>
        %parallel_loop3A_284 = tpu.vector_load_idx %parallel_loop3A_283[%parallel_loop3A_276] : memref<10000xf32, #tpu.memory_space<vmem>>[vector<16xi32>], vector<16xf32>,
        %parallel_loop3A_285 = arith.addf %parallel_loop3A_265, %parallel_loop3A_284 : vector<16xf32>
        %parallel_loop3A_286 = arith.constant 10000 : i32
        %parallel_loop3A_287 = tpu.memref_slice %arg5[%parallel_loop3A_286] : memref<80000xf32, #tpu.memory_space<vmem>> -> memref<10000xf32, #tpu.memory_space<vmem>>
        %parallel_loop3A_288 = tpu.vector_load_idx %parallel_loop3A_287[%parallel_loop3A_276] : memref<10000xf32, #tpu.memory_space<vmem>>[vector<16xi32>], vector<16xf32>,
        %parallel_loop3A_289 = arith.addf %parallel_loop3A_266, %parallel_loop3A_288 : vector<16xf32>
        %parallel_loop3A_290 = arith.constant 20000 : i32
        %parallel_loop3A_291 = tpu.memref_slice %arg5[%parallel_loop3A_290] : memref<80000xf32, #tpu.memory_space<vmem>> -> memref<10000xf32, #tpu.memory_space<vmem>>
        %parallel_loop3A_292 = tpu.vector_load_idx %parallel_loop3A_291[%parallel_loop3A_276] : memref<10000xf32, #tpu.memory_space<vmem>>[vector<16xi32>], vector<16xf32>,
        %parallel_loop3A_293 = arith.addf %parallel_loop3A_267, %parallel_loop3A_292 : vector<16xf32>
        %parallel_loop3A_294 = arith.constant 30000 : i32
        %parallel_loop3A_295 = tpu.memref_slice %arg5[%parallel_loop3A_294] : memref<80000xf32, #tpu.memory_space<vmem>> -> memref<10000xf32, #tpu.memory_space<vmem>>
        %parallel_loop3A_296 = tpu.vector_load_idx %parallel_loop3A_295[%parallel_loop3A_276] : memref<10000xf32, #tpu.memory_space<vmem>>[vector<16xi32>], vector<16xf32>,
        %parallel_loop3A_297 = arith.addf %parallel_loop3A_268, %parallel_loop3A_296 : vector<16xf32>
        %parallel_loop3A_298 = arith.constant 40000 : i32
        %parallel_loop3A_299 = tpu.memref_slice %arg5[%parallel_loop3A_298] : memref<80000xf32, #tpu.memory_space<vmem>> -> memref<10000xf32, #tpu.memory_space<vmem>>
        %parallel_loop3A_300 = tpu.vector_load_idx %parallel_loop3A_299[%parallel_loop3A_276] : memref<10000xf32, #tpu.memory_space<vmem>>[vector<16xi32>], vector<16xf32>,
        %parallel_loop3A_301 = arith.addf %parallel_loop3A_269, %parallel_loop3A_300 : vector<16xf32>
        %parallel_loop3A_302 = arith.constant 50000 : i32
        %parallel_loop3A_303 = tpu.memref_slice %arg5[%parallel_loop3A_302] : memref<80000xf32, #tpu.memory_space<vmem>> -> memref<10000xf32, #tpu.memory_space<vmem>>
        %parallel_loop3A_304 = tpu.vector_load_idx %parallel_loop3A_303[%parallel_loop3A_276] : memref<10000xf32, #tpu.memory_space<vmem>>[vector<16xi32>], vector<16xf32>,
        %parallel_loop3A_305 = arith.addf %parallel_loop3A_270, %parallel_loop3A_304 : vector<16xf32>
        %parallel_loop3A_306 = arith.constant 60000 : i32
        %parallel_loop3A_307 = tpu.memref_slice %arg5[%parallel_loop3A_306] : memref<80000xf32, #tpu.memory_space<vmem>> -> memref<10000xf32, #tpu.memory_space<vmem>>
        %parallel_loop3A_308 = tpu.vector_load_idx %parallel_loop3A_307[%parallel_loop3A_276] : memref<10000xf32, #tpu.memory_space<vmem>>[vector<16xi32>], vector<16xf32>,
        %parallel_loop3A_309 = arith.addf %parallel_loop3A_271, %parallel_loop3A_308 : vector<16xf32>
        %parallel_loop3A_310 = arith.constant 70000 : i32
        %parallel_loop3A_311 = tpu.memref_slice %arg5[%parallel_loop3A_310] : memref<80000xf32, #tpu.memory_space<vmem>> -> memref<10000xf32, #tpu.memory_space<vmem>>
        %parallel_loop3A_312 = tpu.vector_load_idx %parallel_loop3A_311[%parallel_loop3A_276] : memref<10000xf32, #tpu.memory_space<vmem>>[vector<16xi32>], vector<16xf32>,
        %parallel_loop3A_313 = arith.addf %parallel_loop3A_272, %parallel_loop3A_312 : vector<16xf32>
        scf.yield %parallel_loop3A_285, %parallel_loop3A_289, %parallel_loop3A_293, %parallel_loop3A_297, %parallel_loop3A_301, %parallel_loop3A_305, %parallel_loop3A_309, %parallel_loop3A_313, %parallel_loop3A_281 : vector<16xf32>, vector<16xf32>, vector<16xf32>, vector<16xf32>, vector<16xf32>, vector<16xf32>, vector<16xf32>, vector<16xf32>, vector<16xf32>
      } {sc.loop_unroll_factor = 2 : i64, sc.parallel_access}
      %max3A = arith.constant 1.000000e+00 : f32
      %max3A_219 = vector.broadcast %max3A : f32 to vector<16xf32>
      %max3A_220 = arith.maximumf %parallel_loop3A_218#8, %max3A_219 : vector<16xf32>
      %div3A_221 = arith.constant 1.000000e+00 : f32
      %div3A_222 = vector.broadcast %div3A_221 : f32 to vector<16xf32>
      %div3A_223 = arith.divf %div3A_222, %max3A_220 : vector<16xf32>
      %mul3A_224 = arith.constant 8 : i32
      %mul3A_225 = vector.broadcast %mul3A_224 : i32 to vector<16xi32>
      %mul3A_226 = arith.muli %iota3A, %mul3A_225 : vector<16xi32>
      %mul3A_227 = arith.constant 128 : i32
      %mul3A_228 = arith.muli %scan3A_203, %mul3A_227 : i32
      %add3A_229 = vector.broadcast %mul3A_228 : i32 to vector<16xi32>
      %add3A_230 = arith.addi %mul3A_226, %add3A_229 : vector<16xi32>
      %add3A_231 = arith.constant 0 : i32
      %add3A_232 = vector.broadcast %add3A_231 : i32 to vector<16xi32>
      %add3A_233 = arith.addi %add3A_230, %add3A_232 : vector<16xi32>
      %mul3A_234 = arith.mulf %parallel_loop3A_218#0, %div3A_223 : vector<16xf32>
      tpu.vector_store_idx %arg9[%add3A_233], %mul3A_234 : memref<2048xf32, #tpu.memory_space<vmem>>[vector<16xi32>], vector<16xf32>,
      %add3A_235 = arith.constant 1 : i32
      %add3A_236 = vector.broadcast %add3A_235 : i32 to vector<16xi32>
      %add3A_237 = arith.addi %add3A_230, %add3A_236 : vector<16xi32>
      %mul3A_238 = arith.mulf %parallel_loop3A_218#1, %div3A_223 : vector<16xf32>
      tpu.vector_store_idx %arg9[%add3A_237], %mul3A_238 : memref<2048xf32, #tpu.memory_space<vmem>>[vector<16xi32>], vector<16xf32>,
      %add3A_239 = arith.constant 2 : i32
      %add3A_240 = vector.broadcast %add3A_239 : i32 to vector<16xi32>
      %add3A_241 = arith.addi %add3A_230, %add3A_240 : vector<16xi32>
      %mul3A_242 = arith.mulf %parallel_loop3A_218#2, %div3A_223 : vector<16xf32>
      tpu.vector_store_idx %arg9[%add3A_241], %mul3A_242 : memref<2048xf32, #tpu.memory_space<vmem>>[vector<16xi32>], vector<16xf32>,
      %add3A_243 = arith.constant 3 : i32
      %add3A_244 = vector.broadcast %add3A_243 : i32 to vector<16xi32>
      %add3A_245 = arith.addi %add3A_230, %add3A_244 : vector<16xi32>
      %mul3A_246 = arith.mulf %parallel_loop3A_218#3, %div3A_223 : vector<16xf32>
      tpu.vector_store_idx %arg9[%add3A_245], %mul3A_246 : memref<2048xf32, #tpu.memory_space<vmem>>[vector<16xi32>], vector<16xf32>,
      %add3A_247 = arith.constant 4 : i32
      %add3A_248 = vector.broadcast %add3A_247 : i32 to vector<16xi32>
      %add3A_249 = arith.addi %add3A_230, %add3A_248 : vector<16xi32>
      %mul3A_250 = arith.mulf %parallel_loop3A_218#4, %div3A_223 : vector<16xf32>
      tpu.vector_store_idx %arg9[%add3A_249], %mul3A_250 : memref<2048xf32, #tpu.memory_space<vmem>>[vector<16xi32>], vector<16xf32>,
      %add3A_251 = arith.constant 5 : i32
      %add3A_252 = vector.broadcast %add3A_251 : i32 to vector<16xi32>
      %add3A_253 = arith.addi %add3A_230, %add3A_252 : vector<16xi32>
      %mul3A_254 = arith.mulf %parallel_loop3A_218#5, %div3A_223 : vector<16xf32>
      tpu.vector_store_idx %arg9[%add3A_253], %mul3A_254 : memref<2048xf32, #tpu.memory_space<vmem>>[vector<16xi32>], vector<16xf32>,
      %add3A_255 = arith.constant 6 : i32
      %add3A_256 = vector.broadcast %add3A_255 : i32 to vector<16xi32>
      %add3A_257 = arith.addi %add3A_230, %add3A_256 : vector<16xi32>
      %mul3A_258 = arith.mulf %parallel_loop3A_218#6, %div3A_223 : vector<16xf32>
      tpu.vector_store_idx %arg9[%add3A_257], %mul3A_258 : memref<2048xf32, #tpu.memory_space<vmem>>[vector<16xi32>], vector<16xf32>,
      %add3A_259 = arith.constant 7 : i32
      %add3A_260 = vector.broadcast %add3A_259 : i32 to vector<16xi32>
      %add3A_261 = arith.addi %add3A_230, %add3A_260 : vector<16xi32>
      %mul3A_262 = arith.mulf %parallel_loop3A_218#7, %div3A_223 : vector<16xf32>
      tpu.vector_store_idx %arg9[%add3A_261], %mul3A_262 : memref<2048xf32, #tpu.memory_space<vmem>>[vector<16xi32>], vector<16xf32>,
      %scan3A_263 = arith.constant 0 : i32
      scf.yield %scan3A_263 : i32
    }
    %scan3A_155 = arith.constant 16 : i32
    %mul3A_156 = arith.constant 8 : i32
    %mul3A_157 = arith.muli %rem3A_1, %mul3A_156 : i32
    %mul3A_158 = arith.constant 2 : i32
    %mul3A_159 = arith.muli %mul3A_157, %mul3A_158 : i32
    %mul3A_160 = arith.constant 2 : i32
    %mul3A_161 = arith.muli %div3A_2, %mul3A_160 : i32
    %add3A_162 = arith.addi %mul3A_159, %mul3A_161 : i32
    %add3A_163 = arith.addi %add3A_162, %add3A_136 : i32
    %mul3A_164 = arith.constant 2048 : i32
    %mul3A_165 = arith.muli %add3A_163, %mul3A_164 : i32
    %dma_start3A_166 = tpu.memref_slice %arg4[%mul3A_165] : memref<131072xf32, #tpu.memory_space<hbm>> -> memref<2048xf32, #tpu.memory_space<hbm>>
    %dma_start3A_167 = tpu.memref_slice %arg4[%mul3A_165] : memref<131072xf32, #tpu.memory_space<hbm>> -> memref<2048xf32, #tpu.memory_space<hbm>>
    tpu.enqueue_dma source(%arg9 : memref<2048xf32, #tpu.memory_space<vmem>>) target(%dma_start3A_167 : memref<2048xf32, #tpu.memory_space<hbm>>) target_semaphore(%arg13 : memref<!tpu.dma_semaphore, #tpu.memory_space<semaphore_mem>>)
    %add3A_168 = arith.constant 2 : i32
    %add3A_169 = arith.addi %add3A_136, %add3A_168 : i32
    %lt3A_170 = arith.constant 2 : i32
    %lt3A_171 = arith.cmpi slt, %add3A_169, %lt3A_170 : i32
    %convert_element_type3A_172 = arith.extui %lt3A_171 : i1 to i32
    %cond3A_173 = arith.constant 0 : i32
    %cond3A_174 = arith.cmpi ne, %convert_element_type3A_172, %cond3A_173 : i32
    scf.if %cond3A_174 {
      %add3A_203 = arith.constant 2 : i32
      %add3A_204 = arith.addi %add3A_136, %add3A_203 : i32
      %mul3A_205 = arith.constant 2 : i32
      %mul3A_206 = arith.muli %div3A_2, %mul3A_205 : i32
      %add3A_207 = arith.addi %mul3A_206, %add3A_204 : i32
      %mul3A_208 = arith.constant 12800 : i32
      %mul3A_209 = arith.muli %add3A_207, %mul3A_208 : i32
      %dma_start3A_210 = tpu.memref_slice %arg2[%mul3A_209] : memref<204800xi32, #tpu.memory_space<hbm>> -> memref<12800xi32, #tpu.memory_space<hbm>>
      %dma_start3A_211 = tpu.memref_slice %arg2[%mul3A_209] : memref<204800xi32, #tpu.memory_space<hbm>> -> memref<12800xi32, #tpu.memory_space<hbm>>
      tpu.enqueue_dma source(%dma_start3A_211 : memref<12800xi32, #tpu.memory_space<hbm>>) target(%arg7 : memref<12800xi32, #tpu.memory_space<vmem>>) target_semaphore(%arg11 : memref<!tpu.dma_semaphore, #tpu.memory_space<semaphore_mem>>)
    } else {
    }
    %scan3A_175 = arith.constant 0 : i32
    %scan3A_176 = arith.constant 1 : i32
    %mul3A_177 = arith.constant 8 : i32
    %mul3A_178 = arith.muli %rem3A_1, %mul3A_177 : i32
    %mul3A_179 = arith.constant 2 : i32
    %mul3A_180 = arith.muli %mul3A_178, %mul3A_179 : i32
    %mul3A_181 = arith.constant 2 : i32
    %mul3A_182 = arith.muli %div3A_2, %mul3A_181 : i32
    %add3A_183 = arith.addi %mul3A_180, %mul3A_182 : i32
    %add3A_184 = arith.constant 0 : i32
    %add3A_185 = arith.addi %add3A_183, %add3A_184 : i32
    %mul3A_186 = arith.constant 2048 : i32
    %mul3A_187 = arith.muli %add3A_185, %mul3A_186 : i32
    %dma_wait3A_188 = tpu.memref_slice %arg4[%mul3A_187] : memref<131072xf32, #tpu.memory_space<hbm>> -> memref<2048xf32, #tpu.memory_space<hbm>>
    %dma_wait3A_189 = tpu.memref_slice %arg4[%mul3A_187] : memref<131072xf32, #tpu.memory_space<hbm>> -> memref<2048xf32, #tpu.memory_space<hbm>>
    tpu.wait_dma2 semaphore(%arg12 : memref<!tpu.dma_semaphore, #tpu.memory_space<semaphore_mem>>) src(%arg8 : memref<2048xf32, #tpu.memory_space<vmem>>) dst(%dma_wait3A_189 : memref<2048xf32, #tpu.memory_space<hbm>>)
    %mul3A_190 = arith.constant 8 : i32
    %mul3A_191 = arith.muli %rem3A_1, %mul3A_190 : i32
    %mul3A_192 = arith.constant 2 : i32
    %mul3A_193 = arith.muli %mul3A_191, %mul3A_192 : i32
    %mul3A_194 = arith.constant 2 : i32
    %mul3A_195 = arith.muli %div3A_2, %mul3A_194 : i32
    %add3A_196 = arith.addi %mul3A_193, %mul3A_195 : i32
    %add3A_197 = arith.constant 1 : i32
    %add3A_198 = arith.addi %add3A_196, %add3A_197 : i32
    %mul3A_199 = arith.constant 2048 : i32
    %mul3A_200 = arith.muli %add3A_198, %mul3A_199 : i32
    %dma_wait3A_201 = tpu.memref_slice %arg4[%mul3A_200] : memref<131072xf32, #tpu.memory_space<hbm>> -> memref<2048xf32, #tpu.memory_space<hbm>>
    %dma_wait3A_202 = tpu.memref_slice %arg4[%mul3A_200] : memref<131072xf32, #tpu.memory_space<hbm>> -> memref<2048xf32, #tpu.memory_space<hbm>>
    tpu.wait_dma2 semaphore(%arg13 : memref<!tpu.dma_semaphore, #tpu.memory_space<semaphore_mem>>) src(%arg9 : memref<2048xf32, #tpu.memory_space<vmem>>) dst(%dma_wait3A_202 : memref<2048xf32, #tpu.memory_space<hbm>>)
    return
  }
}

</mosaic_0001>

<sc_bundles>
// kernel: kernel.12.cloned.1.call-start
scs
__scs_entry_jumppad:
0x0: {  	(pc) =	sbr.rel $0x88, $3  }
0x1: {  	(tag) =	ssettag $0x0;
	lr =	simm.s32 $0x1  }
0x2: {  	[smem:$0x3F9F] =	sst lr;
	_ =	strace $0xD0000000  }
0x3: {  	_ = 	snop  }
0x4: {  	_ = 	snop  }
0x5: {  	_ = 	snop  }
0x6: {  	_ = 	snop  }
0x7: {  	_ = 	snop  }
__scs_overlays_trampoline_lowered:
0x8: {  	[smem:$0x3FAE] =	sst s0  }
0x9: {  	[smem:$0x3FAF] =	sst s1  }
0xa: {  	[smem:$0x3FB0] =	sst s2  }
0xb: {  	[smem:$0x3FB1] =	sst s3  }
0xc: {  	[smem:$0x3FB2] =	sst s4  }
0xd: {  	[smem:$0x3FB3] =	sst s5  }
0xe: {  	[smem:$0x3FB4] =	sst s6  }
0xf: {  	[smem:$0x3FB5] =	sst s7  }
0x10: {  	[smem:$0x3FB6] =	sst s8  }
0x11: {  	[smem:$0x3FB7] =	sst s9;
	s0 =	simm.s32 @!p0 $0x0  }
0x12: {  	s1 =	sld [smem:$0x3F9D];
	s0 =	simm.s32 @p0 $0x1  }
0x13: {  	[smem:$0x3FB8] =	sst s0;
	s0 =	simm.s32 @!p1 $0x0  }
0x14: {  	s2 =	sld [smem:$0x3F9C];
	s0 =	simm.s32 @p1 $0x1  }
0x15: {  	[smem:$0x3FB9] =	sst s0;
	s0 =	simm.s32 @!p2 $0x0  }
0x16: {  	s3 =	sld [smem:$0x3FDB];
	s0 =	simm.s32 @p2 $0x1  }
0x17: {  	s4 =	simm.s32 $0x1BF5;
	[smem:$0x3FBB] =	sst s0  }
0x18: {  	s0 =	sld [smem:$0x3F9E];
	_ =	swait.ge [sflag:s4], $0x0  }
0x19: {  	s7 =	sld [smem:$0x3F9F]  }
0x1a: {  	s8 =	sadd.s32 $0xFFFFE003, lr  }
0x1b: {  	s9 =	sadd.s32 $0xFFFFFEF7, lr;
	s5 =	simm.s32 $0xFFFFFFFF;
	p2 =	slt.u32 s8, $0xFFFFF086  }
0x1c: {  	p1 =	slt.u32 s9, $0xF7A;
	s5 =	simm.s32 @!p2 $0x0  }
0x1d: {  	s5 =	simm.s32 @p1 $0x1;
	p0 =	seq.s32 s7, s2  }
0x1e: {  	s7 =	smul.u32 @!p0 $0xF7A, s2;
	p2 =	seq.s32 @!p0 s5, $0x0  }
0x1f: {  	s9 =	smul.u32 $0xF7A, s1;
	s8 =	simm.s32 @!p0 $0x1BF5;
	p2 =	por !p2, p0  }
0x20: {  	[sflag:s8] =	ssyncset.s32 @!p0 $0xFFFFF086;
	s6 =	sadd.s32 @!p0 s3, s7;
	s7 =	simm.s32 @!p0 $0x108  }
0x21: {  	s3 =	sadd.s32 s3, s9;
	s6 =	sadd.s32 @!p0 $0x88, s6;
	s7 =	simm.s32 @p2 $0x1082  }
0x22: {  	[simem:s7], [sflag:s8] =	dma.local @!p0 [hbm:s6], $0xF7A  }
0x23: {  	s9 =	sor.u32 $0xD0000000, s2;
	s6 =	simm.s32 $0x108;
	_ =	swait.ge @!p0 [sflag:s8], $0x0  }
0x24: {  	s3 =	sadd.s32 $0x88, s3;
	s6 =	simm.s32 @!p1 $0x1082;
	[sflag:s4] =	ssyncset.s32 $0xFFFFF086  }
0x25: {  	[simem:s6], [sflag:s4] =	dma.local [hbm:s3], $0xF7A  }
0x26: {  	[smem:$0x3F9F] =	sst s1;
	(tag) =	ssettag s2;
	_ =	strace s9  }
0x27: {  	s1 =	sld [smem:$0x3FAF]  }
0x28: {  	s2 =	sld [smem:$0x3FB0]  }
0x29: {  	s4 =	sld [smem:$0x3FB2]  }
0x2a: {  	p0 =	seq.s32 s5, $0x0;
	s5 =	sld [smem:$0x3FB3]  }
0x2b: {  	s6 =	sld [smem:$0x3FB4]  }
0x2c: {  	s7 =	sld [smem:$0x3FB5]  }
0x2d: {  	s3 =	simm.s32 $0x108;
	s8 =	sld [smem:$0x3FB6]  }
0x2e: {  	s3 =	simm.s32 @!p0 $0x1082;
	s9 =	sld [smem:$0x3FB7]  }
0x2f: {  	lr =	sadd.s32 s0, s3;
	s0 =	sld [smem:$0x3FAE]  }
0x30: {  	s3 =	sld [smem:$0x3FB1]  }
0x31: {  	[smem:$0x3FBA] =	sst s10  }
0x32: {  	s10 =	sld [smem:$0x3FB8];
	_ =	sdelay $0x3  }
0x33: {  	p0 =	seq.s32 s10, $0x1;
	s10 =	sld [smem:$0x3FBA];
	_ =	sdelay $0x3  }
0x34: {  	[smem:$0x3FBA] =	sst s10  }
0x35: {  	s10 =	sld [smem:$0x3FB9];
	_ =	sdelay $0x3  }
0x36: {  	p1 =	seq.s32 s10, $0x1;
	s10 =	sld [smem:$0x3FBA];
	_ =	sdelay $0x3  }
0x37: {  	[smem:$0x3FBA] =	sst s10  }
0x38: {  	s10 =	sld [smem:$0x3FBB]  }
0x39: {  	_ = 	snop;
	(pc) =	sbr.ind lr, $3  }
0x3a: {  	_ = 	snop  }
0x3b: {  	_ = 	snop  }
0x3c: {  	p2 =	seq.s32 s10, $0x1;
	s10 =	sld [smem:$0x3FBA]  }
0x3d: {  	_ =	shalt  }
0x3e: {  	_ =	shalt  }
0x3f: {  	_ =	shalt  }
0x40: {  	_ =	shalt  }
0x41: {  	_ =	shalt  }
0x42: {  	_ =	shalt  }
0x43: {  	_ =	shalt  }
0x44: {  	_ =	shalt  }
0x45: {  	_ =	shalt  }
0x46: {  	_ =	shalt  }
0x47: {  	_ =	shalt  }
0x48: {  	_ =	shalt  }
0x49: {  	_ =	shalt  }
0x4a: {  	_ =	shalt  }
0x4b: {  	_ =	shalt  }
0x4c: {  	_ =	shalt  }
0x4d: {  	_ =	shalt  }
0x4e: {  	_ =	shalt  }
0x4f: {  	_ =	shalt  }
0x50: {  	_ =	shalt  }
0x51: {  	_ =	shalt  }
0x52: {  	_ =	shalt  }
0x53: {  	_ =	shalt  }
0x54: {  	_ =	shalt  }
0x55: {  	_ =	shalt  }
0x56: {  	_ =	shalt  }
0x57: {  	_ =	shalt  }
0x58: {  	_ =	shalt  }
0x59: {  	_ =	shalt  }
0x5a: {  	_ =	shalt  }
0x5b: {  	_ =	shalt  }
0x5c: {  	_ =	shalt  }
0x5d: {  	_ =	shalt  }
0x5e: {  	_ =	shalt  }
0x5f: {  	_ =	shalt  }
0x60: {  	_ =	shalt  }
0x61: {  	_ =	shalt  }
0x62: {  	_ =	shalt  }
0x63: {  	_ =	shalt  }
0x64: {  	_ =	shalt  }
0x65: {  	_ =	shalt  }
0x66: {  	_ =	shalt  }
0x67: {  	_ =	shalt  }
0x68: {  	_ =	shalt  }
0x69: {  	_ =	shalt  }
0x6a: {  	_ =	shalt  }
0x6b: {  	_ =	shalt  }
0x6c: {  	_ =	shalt  }
0x6d: {  	_ =	shalt  }
0x6e: {  	_ =	shalt  }
0x6f: {  	_ =	shalt  }
0x70: {  	_ =	shalt  }
0x71: {  	_ =	shalt  }
0x72: {  	_ =	shalt  }
0x73: {  	_ =	shalt  }
0x74: {  	_ =	shalt  }
0x75: {  	_ =	shalt  }
0x76: {  	_ =	shalt  }
0x77: {  	_ =	shalt  }
0x78: {  	_ =	shalt  }
0x79: {  	_ =	shalt  }
0x7a: {  	_ =	shalt  }
0x7b: {  	_ =	shalt  }
0x7c: {  	_ =	shalt  }
0x7d: {  	_ =	shalt  }
0x7e: {  	_ =	shalt  }
0x7f: {  	_ =	shalt  }
0x80: {  	_ =	shalt  }
0x81: {  	_ =	shalt  }
0x82: {  	_ =	shalt  }
0x83: {  	_ =	shalt  }
0x84: {  	_ =	shalt  }
0x85: {  	_ =	shalt  }
0x86: {  	_ =	shalt  }
0x87: {  	_ =	shalt  }
.Lfunc_end0:
.L_simem_size_0:
called_computation.2_lowered:
.L_overlay_start_0:
0x88: {  	s2 =	sld [smem:$0x3FD9]  }
0x89: {  	s3 =	sld [smem:$0x3FFE];
	_ =	sdelay $0x1  }
0x8a: {  	s1 =	srdreg.scid  }
0x8b: {  	s0 =	sand.u32 $0x1, s1  }
0x8c: {  	s17 =	sshll.u32 s0, $0xA;
	s2 =	sadd.s32 s3, s2  }
0x8d: {  	s2 =	sadd.s32 s2, s17  }
0x8e: {  	[smem:$0x3FC6] =	sst s2  }
0x8f: {  	_ = 	snop  }
0x90: {  	s18 =	sld [smem:$0x3FD0];
	(tm) =	ssettm $0x1  }
0x91: {  	s19 =	sld [smem:$0x3FFB];
	_ =	sdelay $0x3  }
0x92: {  	_ =	strace s19  }
0x93: {  	s2 =	sld [smem:$0x3FFC];
	_ =	sdelay $0x3  }
0x94: {  	_ =	strace s2  }
0x95: {  	s2 =	sld [smem:$0x3FFD];
	_ =	sdelay $0x3  }
0x96: {  	_ =	strace s2  }
0x97: {  	_ =	strace $0x8FFFFFFF  }
0x98: {  	s20 =	sld [smem:$0x3FDB];
	_ =	sdelay $0x1  }
0x99: {  	s4 =	simm.s32 $_scs_section_size  }
0x9a: {  	s5 =	simm.s32 $_size__tile_overlayer_lowered;
	s6 =	simm.s32 $_tile_overlayer_lowered  }
0x9b: {  	s7 =	simm.s32 $0x1BFF;
	s21 =	sshll.u32 s6, $0x1;
	s4 =	sadd.s32 s4, s20  }
0x9c: {  	s22 =	simm.s32 $0x0;
	s5 =	sshll.u32 s5, $0x1;
	s6 =	sadd.s32 s21, s4  }
0x9d: {  	[timem:s22], [sflag:s7] =	dma.local [hbm:s6], s5  }
0x9e: {  	_ =	swait.ge [sflag:s7], s5  }
0x9f: {  	s5 =	ssub.s32 $0x0, s5;
	[sflag:s7] =	ssyncset.done $0x0  }
0xa0: {  	[sflag:s7] =	ssyncadd.s32 s5;
	_ =	sdelay $0x1  }
0xa1: {  	s23 =	simm.s32 $0x1B8B  }
0xa2: {  	_ =	swait.ge [sflag:s23], $0x1  }
0xa3: {  	[sflag:s23] =	ssyncset.done $0x0  }
0xa4: {  	[sflag:s23] =	ssyncadd.s32 $0xFFFFFFFF  }
0xa5: {  	s5 =	sld [smem:$0x0]  }
0xa6: {  	s6 =	sand.u32 $0xFFFFFFFE, s1  }
0xa7: {  	p0 =	sne.s32 s1, s6  }
0xa8: {  	s6 =	sshll.u32 @p0 s6, $0xE  }
0xa9: {  	s6 =	sadd.s32 @p0 $0x11B8D, s6;
	s7 =	sshll.u32 @p0 s5, $0x11  }
0xaa: {  	s6 =	sor.u32 @p0 s7, s6  }
0xab: {  	[sflag:s6] =	ssyncadd.remote.s32 @p0 $0x1;
	_ =	sdelay $0x1  }
0xac: {  	s6 =	simm.s32 @p0 $0x1B8D  }
0xad: {  	_ =	swait.eq @p0 [sflag:s6], $0x1  }
0xae: {  	[sflag:s6] =	ssyncadd.s32 @p0 $0xFFFFFFFF  }
0xaf: {  	s7 =	sshll.u32 @!p0 s1, $0xE  }
0xb0: {  	s7 =	sor.u32 @!p0 $0x4000, s7;
	s6 =	simm.s32 @!p0 $0x1B8D  }
0xb1: {  	s5 =	sshll.u32 @!p0 s5, $0x11;
	s7 =	sadd.s32 @!p0 $0x11B8D, s7;
	_ =	swait.eq @!p0 [sflag:s6], $0x1  }
0xb2: {  	s5 =	sor.u32 @!p0 s5, s7;
	[sflag:s6] =	ssyncadd.s32 @!p0 $0xFFFFFFFF  }
0xb3: {  	s25 =	simm.s32 $0x1B8E;
	s24 =	sld [smem:$0x3FFE];
	[sflag:s5] =	ssyncadd.remote.s32 @!p0 $0x1  }
0xb4: {  	s26 =	simm.s32 $execute0_lowered;
	[smem:$0x3FD2] =	sst s25  }
0xb5: {  	s6 =	sshll.u32 s26, $0x1;
	_ =	strace $0x80000049;
	[dreg:$0x1] =	wrdreg $0xFFFFFFFF  }
0xb6: {  	s28 =	simm.s32 $_size_execute0_lowered;
	s4 =	sadd.s32 s4, s6;
	[dreg:$0x0] =	wrdreg $0x0  }
0xb7: {  	s6 =	sshll.u32 s28, $0x1;
	[dreg:$0x2] =	wrdreg s4  }
0xb8: {  	[dreg:$0x3] =	wrdreg s6  }
0xb9: {  	[dreg:$0x4] =	wrdreg $0xC0  }
0xba: {  	_ =	task [dreg:s22], $0x5FFFF  }
0xbb: {  	[dreg:$0x1] =	wrdreg $0xFFFFFFFF  }
0xbc: {  	[dreg:$0x0] =	wrdreg $0x60  }
0xbd: {  	[dreg:$0x2] =	wrdreg s24  }
0xbe: {  	[dreg:$0x3] =	wrdreg s18  }
0xbf: {  	[dreg:$0x4] =	wrdreg $0xB  }
0xc0: {  	_ =	task.clear_ibuf [dreg:s22], $0x5FFFF;
	_ =	strace $0x90000049  }
0xc1: {  	s29 =	simm.s32 $0xB;
	_ =	strace $0x8000004B  }
0xc2: {  	_ =	swait.ge [sflag:s29], $0x1  }
0xc3: {  	[sflag:s29] =	ssyncadd.s32 $0xFFFFFFFF  }
0xc4: {  	_ =	strace $0x9000004B  }
0xc5: {  	_ =	sfence  }
0xc6: {  	s30 =	sld [smem:$0x0];
	_ =	sdelay $0x2  }
0xc7: {  	s31 =	sshll.u32 s1, $0xD;
	s1 =	sshrl.u32 s1, $0x2  }
0xc8: {  	s4 =	sand.u32 $0x4000, s31;
	s1 =	sadd.s32 s1, s30  }
0xc9: {  	s0 =	sor.u32 s4, s0;
	s1 =	sshll.u32 s1, $0x11  }
0xca: {  	s0 =	sor.u32 s1, s0  }
0xcb: {  	s0 =	sadd.s32 $0x8F2B, s0  }
0xcc: {  	[sflag:s0] =	ssyncadd.remote.s32 $0x1  }
0xcd: {  	_ =	sfence.sel $0xFFFF  }
0xce: {  	[dreg:$0x0] =	wrdreg $0xFFFFFFFF;
	(pc) =	sbr.abs _section_cstart, $3  }
0xcf: {  	[dreg:$0x1] =	wrdreg $0xFFFFFFFF  }
0xd0: {  	_ =	task.clear_ibuf [dreg:s22], $0x2FFFF;
	_ =	strace $0x9FFFFFFF  }
0xd1: {  	(tm) =	ssettm $0x7FFFFFFF  }
tec
execute0_lowered:
.L_overlay_start_1:
0x0: {  	(tag) =	ssettag $0x1  }
0x1: {  	s3 =	rddreg [dreg:$0x0]  }
0x2: {  	s4 =	rddreg [dreg:$0x1]  }
0x3: {  	s1 =	stileid.u32;
	s5 =	srdreg.scid  }
0x4: {  	s2 =	simm.s32 $0x0;
	s12 =	simm.s32 $0x1;
	s13 =	simm.s32 $0x2710  }
0x5: {  	s14 =	simm.s32 $0x4E20;
	s15 =	simm.s32 $0x7530;
	s16 =	simm.s32 $0x9C40  }
0x6: {  	s17 =	simm.s32 $0xC350;
	s18 =	simm.s32 $0xEA60;
	s19 =	simm.s32 $0x11170  }
0x7: {  	s20 =	simm.s32 $0x19C80;
	s21 =	simm.s32 $0x2;
	s22 =	simm.s32 $0x1A480  }
0x8: {  	s23 =	simm.s32 $0x3;
	s24 =	simm.s32 $0x4;
	s25 =	simm.s32 $0x0  }
0x9: {  	s6 =	sshll.u32 s1, $0x1;
	s5 =	sand.u32 $0x1, s5;
	[smem:$0x7FF] =	sst s2  }
0xa: {  	s7 =	sadd.s32 $0xB600, s3;
	s9 =	sshll.u32 s1, $0x8;
	s10 =	sshrl.u32 s1, $0x1  }
0xb: {  	s6 =	sand.u32 $0x2, s6;
	_ =	strace $0x8000004A;
	s11 =	smul.u32 $0x6400, s10  }
0xc: {  	s9 =	sand.u32 $0xE00, s9;
	s10 =	smul.u32 $0xC80, s10;
	s6 =	sor.u32 s5, s6  }
0xd: {  	v0 =	vlaneseq.u32;
	s5 =	ssub.s32 $0x2, s5;
	s8 =	sshll.u32 s6, $0xC;
	s6 =	smul.u32 $0x2710, s6  }
0xe: {  	v1 =	vmul.u32 $0x32, v0;
	v2 =	vmul.u32 $0x8, v0;
	s30 =	sshrl.u32 s5, $0x1;
	s31 =	sshrl.u32 s11, $0x3;
	s11 =	simm.s32 $0x16A80  }
0xf: {  	s8 =	sor.u32 s9, s8;
	s9 =	ssub.s32 s5, s30;
	s5 =	sadd.s32 s7, s31  }
0x10: {  	v4 =	vimm.f32 $1.000000000e+00;
	v3 =	vadd.s32 $0x2, v1;
	v5 =	vor.u32 $0x1, v2;
	s8 =	sadd.s32 s8, s3;
	s3 =	sadd.s32 s4, s6;
	s4 =	sadd.s32 s7, s10  }
0x11: {  	v6 =	vor.u32 $0x2, v2;
	v7 =	vor.u32 $0x3, v2;
	v8 =	vor.u32 $0x4, v2;
	s5 =	sadd.s32 $0x640, s5;
	s10 =	simm.s32 $0x13880;
	s6 =	sadd.s32 $0x11A00, s8  }
0x12: {  	v9 =	vor.u32 $0x5, v2;
	v10 =	vor.u32 $0x6, v2;
	v11 =	vor.u32 $0x7, v2;
	s7 =	sadd.s32 $0x11B00, s8;
	s8 =	smax.u32 s9, $0x1;
	s9 =	simm.s32 $0x5  }
.LBB2_1:
0x13: {  	[tilespmem:s2], [sflag:$0x5] =	stream.linear.gather [hbm4b:s3+s2], $0x13880, $0x38;
	[tilespmem:$0x1AC80] =	vst v63  }
0x14: {  	_ =	swait.ge [sflag:s9], $0x13880  }
0x15: {  	[sflag:s9] =	ssyncset.done $0x0  }
0x16: {  	[sflag:s9] =	ssyncadd.s32 $0xFFFEC780  }
0x17: {  	v12 =	vld [tilespmem:$0x0]  }
0x18: {  	v13 =	vld [tilespmem:$0x2710]  }
0x19: {  	v14 =	vld [tilespmem:$0x4E20]  }
0x1a: {  	v15 =	vld [tilespmem:$0x7530]  }
0x1b: {  	vm0 =	veq.s32 v0, $0x0;
	v16 =	vld [tilespmem:$0x9C40]  }
0x1c: {  	v17 =	vld [tilespmem:$0xC350];
	v12 =	vsel vm0, $0x0, v12  }
0x1d: {  	v56 =	vld [tilespmem:$0xEA60];
	v55 =	vsel vm0, $0x0, v13;
	[tilespmem:$0x0] =	vst v12  }
0x1e: {  	v58 =	vld [tilespmem:$0x11170];
	v57 =	vsel vm0, $0x0, v14;
	[tilespmem:$0x2710] =	vst v55  }
0x1f: {  	v59 =	vsel vm0, $0x0, v15;
	[tilespmem:$0x4E20] =	vst v57  }
0x20: {  	v60 =	vsel vm0, $0x0, v16;
	[tilespmem:$0x7530] =	vst v59  }
0x21: {  	v61 =	vsel vm0, $0x0, v17;
	[tilespmem:$0x9C40] =	vst v60  }
0x22: {  	v62 =	vsel vm0, $0x0, v56;
	[tilespmem:$0xC350] =	vst v61  }
0x23: {  	v63 =	vsel vm0, $0x0, v58;
	[tilespmem:$0xEA60] =	vst v62  }
0x24: {  	[tilespmem:$0x11170] =	vst v63  }
0x25: {  	[tilespmem:s10], [sflag:$0x1] =	stream.linear.gather [hbm4b:s4+s2], $0x3200, $0x38;
	[tilespmem:$0x1AC80] =	vst v63  }
0x26: {  	_ = 	snop  }
0x27: {  	[tilespmem:s11], [sflag:$0x2] =	stream.linear.gather [hbm4b:s5+s2], $0x3200, $0x38;
	[tilespmem:$0x1AC80] =	vst v63  }
0x28: {  	_ =	swait.ge [sflag:s12], $0x3200  }
0x29: {  	[sflag:s12] =	ssyncset.done $0x0  }
0x2a: {  	s26 =	simm.s32 $0x0;
	[sflag:s12] =	ssyncadd.s32 $0xFFFFCE00  }
.LBB2_2:
0x2b: {  	s28 =	smul.u32 $0x320, s26;
	_ =	sdelay $0x1  }
0x2c: {  	v13 =	vadd.s32 s28, v1;
	_ =	sdelay $0x4  }
0x2d: {  	s29 =	simm.s32 $0x1;
	v14 =	vld.idx.msk [tilespmem:v13+s10+$0x0], $0xffff  }
0x2e: {  	v12 =	vadd.s32 s29, v13;
	s29 =	simm.s32 $0x3  }
0x2f: {  	v16 =	vadd.s32 s29, v13;
	_ =	sdelay $0x3  }
0x30: {  	v18 =	vld.idx.msk [tilespmem:v12+s10+$0x0], $0xffff  }
0x31: {  	v16 =	vld.idx.msk [tilespmem:v16+s10+$0x0], $0xffff  }
0x32: {  	v23 =	vld.idx.msk [tilespmem:v14+s17+$0x0], $0xffff  }
0x33: {  	v25 =	vld.idx.msk [tilespmem:v14+s16+$0x0], $0xffff  }
0x34: {  	v19 =	vadd.s32 s28, v3;
	s28 =	simm.s32 $0x0;
	v27 =	vld.idx.msk [tilespmem:v14+s15+$0x0], $0xffff  }
0x35: {  	v30 =	vadd.s32 s28, v19;
	v28 =	vld.idx.msk [tilespmem:v14+s14+$0x0], $0xffff  }
0x36: {  	v33 =	vld.idx.msk [tilespmem:v14+s13+$0x0], $0xffff  }
0x37: {  	v34 =	vld.idx.msk [tilespmem:v14+s2+$0x0], $0xffff  }
0x38: {  	v32 =	vld.idx.msk [tilespmem:v14+s19+$0x0], $0xffff  }
0x39: {  	v29 =	vld.idx.msk [tilespmem:v14+s18+$0x0], $0xffff  }
0x3a: {  	vm0 =	veq.s32 v14, $0x0;
	v14 =	vld.idx.msk [tilespmem:v30+s10+$0x0], $0xffff  }
0x3b: {  	v15 =	vld.idx.msk [tilespmem:v18+s13+$0x0], $0xffff  }
0x3c: {  	v20 =	vld.idx.msk [tilespmem:v18+s17+$0x0], $0xffff  }
0x3d: {  	v21 =	vimm.f32 $0.0e+00;
	v26 =	vsel vm0, $0x0, v4;
	v22 =	vld.idx.msk [tilespmem:v18+s16+$0x0], $0xffff  }
0x3e: {  	vm15 =	veq.s32 v18, $0x0;
	v26 =	vadd.f32 v26, v21;
	v17 =	vld.idx.msk [tilespmem:v18+s19+$0x0], $0xffff  }
0x3f: {  	v31 =	vsel vm15, $0x0, v4;
	v24 =	vld.idx.msk [tilespmem:v18+s14+$0x0], $0xffff  }
0x40: {  	v12 =	vld.idx.msk [tilespmem:v18+s15+$0x0], $0xffff;
	v26 =	vadd.f32 v31, v26  }
0x41: {  	v30 =	vld.idx.msk [tilespmem:v18+s2+$0x0], $0xffff;
	v36 =	vadd.f32 v28, v21;
	v31 =	vadd.f32 v27, v21  }
0x42: {  	v28 =	vld.idx.msk [tilespmem:v18+s18+$0x0], $0xffff;
	v33 =	vadd.f32 v33, v21;
	v27 =	vadd.f32 v25, v21  }
0x43: {  	v25 =	vld.idx.msk [tilespmem:v16+s13+$0x0], $0xffff;
	v35 =	vadd.f32 v23, v21;
	v34 =	vadd.f32 v34, v21;
	v18 =	vmov v16  }
0x44: {  	s28 =	simm.s32 $0x2;
	s29 =	simm.s32 $0x4;
	v23 =	vld.idx.msk [tilespmem:v16+s17+$0x0], $0xffff;
	v24 =	vadd.f32 v24, v36;
	v22 =	vadd.f32 v22, v27;
	v27 =	vimm.f32 $0.0e+00  }
.LBB2_3:
0x45: {  	s30 =	sadd.s32 $0x1, s29  }
0x46: {  	p0 =	slt.u32 s29, $0x30;
	v36 =	vld.idx.msk [tilespmem:v16+s16+$0x0], $0xffff;
	v21 =	vadd.f32 v32, v21;
	v35 =	vadd.f32 v20, v35;
	s31 =	smov.u32 s29;
	s29 =	sadd.s32 $0x2, s29  }
0x47: {  	v20 =	vadd.f32 v29, v27;
	v33 =	vadd.f32 v15, v33;
	v32 =	vadd.s32 s30, v13;
	v16 =	vld.idx.msk [tilespmem:v16+s19+$0x0], $0xffff  }
0x48: {  	vm0 =	veq.s32 v14, $0x0;
	v31 =	vadd.f32 v12, v31;
	v12 =	vld.idx.msk [tilespmem:v18+s15+$0x0], $0xffff;
	v21 =	vadd.f32 v17, v21  }
0x49: {  	v29 =	vsel vm0, $0x0, v4;
	v34 =	vadd.f32 v30, v34;
	v27 =	vadd.f32 v28, v20;
	v37 =	vld.idx.msk [tilespmem:v14+s17+$0x0], $0xffff  }
0x4a: {  	vm0 =	veq.s32 v18, $0x0;
	v29 =	vadd.f32 v29, v26;
	v15 =	vmov v25;
	v38 =	vld.idx.msk [tilespmem:v18+s14+$0x0], $0xffff  }
0x4b: {  	v26 =	vsel vm0, $0x0, v4;
	v20 =	vmov v23;
	v25 =	vld.idx.msk [tilespmem:v14+s16+$0x0], $0xffff  }
0x4c: {  	v26 =	vadd.f32 v26, v29;
	v23 =	vld.idx.msk [tilespmem:v14+s15+$0x0], $0xffff  }
0x4d: {  	v17 =	vmov v16;
	v28 =	vld.idx.msk [tilespmem:v14+s14+$0x0], $0xffff  }
0x4e: {  	v30 =	vadd.s32 s28, v19;
	s28 =	smov.u32 s31;
	v16 =	vld.idx.msk [tilespmem:v32+s10+$0x0], $0xffff  }
0x4f: {  	v39 =	vld.idx.msk [tilespmem:v14+s13+$0x0], $0xffff  }
0x50: {  	v40 =	vld.idx.msk [tilespmem:v14+s2+$0x0], $0xffff  }
0x51: {  	v32 =	vld.idx.msk [tilespmem:v14+s19+$0x0], $0xffff  }
0x52: {  	v29 =	vld.idx.msk [tilespmem:v14+s18+$0x0], $0xffff  }
.Ltmp0:
0x53: {  	v24 =	vadd.f32 v28, v24;
	v14 =	vld.idx.msk [tilespmem:v30+s10+$0x0], $0xffff;
	(pc) =	sbr.rel @p0 .LBB2_3-.Ltmp0, $4  }
0x54: {  	v31 =	vadd.f32 v23, v31;
	v28 =	vld.idx.msk [tilespmem:v18+s18+$0x0], $0xffff  }
0x55: {  	v22 =	vadd.f32 v25, v22;
	v33 =	vadd.f32 v39, v33;
	v30 =	vld.idx.msk [tilespmem:v18+s2+$0x0], $0xffff;
	v18 =	vmov v16  }
0x56: {  	v35 =	vadd.f32 v37, v35;
	v24 =	vadd.f32 v38, v24;
	v25 =	vld.idx.msk [tilespmem:v16+s13+$0x0], $0xffff  }
0x57: {  	v22 =	vadd.f32 v36, v22;
	v34 =	vadd.f32 v40, v34;
	v23 =	vld.idx.msk [tilespmem:v16+s17+$0x0], $0xffff  }
0x58: {  	_ = 	snop  }
0x59: {  	vm0 =	veq.s32 v14, $0x0  }
0x5a: {  	v13 =	vsel vm0, $0x0, v4  }
0x5b: {  	vm15 =	veq.s32 v18, $0x0;
	v13 =	vadd.f32 v13, v26  }
0x5c: {  	v19 =	vld.idx.msk [tilespmem:v14+s17+$0x0], $0xffff;
	v62 =	vsel vm15, $0x0, v4  }
0x5d: {  	v36 =	vld.idx.msk [tilespmem:v18+s14+$0x0], $0xffff;
	v13 =	vadd.f32 v62, v13  }
0x5e: {  	v63 =	vld.idx.msk [tilespmem:v14+s15+$0x0], $0xffff  }
0x5f: {  	v37 =	vld.idx.msk [tilespmem:v14+s14+$0x0], $0xffff;
	v13 =	vmax.f32 v13, $1.000000000e+00  }
0x60: {  	v40 =	vld.idx.msk [tilespmem:v14+s13+$0x0], $0xffff;
	(erf) = vrcp.f32 v13  }
0x61: {  	v41 =	vld.idx.msk [tilespmem:v14+s2+$0x0], $0xffff  }
0x62: {  	v21 =	vadd.f32 v32, v21;
	v20 =	vadd.f32 v20, v35;
	v42 =	vld.idx.msk [tilespmem:v14+s16+$0x0], $0xffff  }
0x63: {  	v27 =	vadd.f32 v29, v27;
	v15 =	vadd.f32 v15, v33;
	v43 =	vld.idx.msk [tilespmem:v18+s2+$0x0], $0xffff  }
0x64: {  	v12 =	vadd.f32 v12, v31;
	v45 =	vld.idx.msk [tilespmem:v14+s19+$0x0], $0xffff;
	s28 =	sshll.u32 s26, $0x7;
	v30 =	vadd.f32 v30, v34  }
0x65: {  	v46 =	vld.idx.msk [tilespmem:v18+s15+$0x0], $0xffff;
	v49 =	vor.u32 s28, v2;
	v17 =	vadd.f32 v17, v21;
	v27 =	vadd.f32 v28, v27  }
0x66: {  	v48 =	vld.idx.msk [tilespmem:v14+s18+$0x0], $0xffff;
	v50 =	vor.u32 s28, v5;
	v24 =	vadd.f32 v37, v24;
	v47 =	vadd.f32 v41, v30  }
0x67: {  	v44 =	vld.idx.msk [tilespmem:v16+s16+$0x0], $0xffff;
	v53 =	vor.u32 s28, v6;
	v12 =	vadd.f32 v63, v12;
	v13 =	vadd.f32 v40, v15  }
0x68: {  	v55 =	vor.u32 s28, v7;
	v22 =	vadd.f32 v42, v22;
	v15 =	vadd.f32 v43, v47  }
0x69: {  	v51 =	vld.idx.msk [tilespmem:v18+s18+$0x0], $0xffff;
	v56 =	vor.u32 s28, v8;
	v19 =	vadd.f32 v19, v20;
	v13 =	vadd.f32 v25, v13;
	v52 =	vpop (erf)  }
0x6a: {  	v54 =	vld.idx.msk [tilespmem:v16+s19+$0x0], $0xffff;
	v17 =	vadd.f32 v45, v17;
	v24 =	vadd.f32 v36, v24;
	v15 =	vmul.f32 v52, v15  }
0x6b: {  	v14 =	vadd.f32 v48, v27;
	v12 =	vadd.f32 v46, v12;
	v13 =	vmul.f32 v52, v13  }
0x6c: {  	v58 =	vor.u32 s28, v9;
	v22 =	vadd.f32 v44, v22;
	v57 =	vmul.f32 v52, v24;
	[tilespmem:v49+s20+$0x0] =	vst.idx.msk $0xffff, v15  }
0x6d: {  	s26 =	sadd.s32 $0x1, s26;
	v59 =	vor.u32 s28, v10;
	v19 =	vadd.f32 v23, v19;
	v12 =	vmul.f32 v52, v12;
	[tilespmem:v50+s20+$0x0] =	vst.idx.msk $0xffff, v13  }
0x6e: {  	v61 =	vor.u32 s28, v11;
	p0 =	sne.s32 s26, $0x10;
	v14 =	vadd.f32 v51, v14;
	v60 =	vmul.f32 v52, v22;
	[tilespmem:v53+s20+$0x0] =	vst.idx.msk $0xffff, v57  }
.Ltmp1:
0x6f: {  	v16 =	vadd.f32 v54, v17;
	v62 =	vmul.f32 v52, v19;
	[tilespmem:v55+s20+$0x0] =	vst.idx.msk $0xffff, v12;
	(pc) =	sbr.rel @p0 .LBB2_2-.Ltmp1, $4  }
0x70: {  	v14 =	vmul.f32 v52, v14;
	[tilespmem:v56+s20+$0x0] =	vst.idx.msk $0xffff, v60  }
0x71: {  	v63 =	vmul.f32 v52, v16;
	[tilespmem:v58+s20+$0x0] =	vst.idx.msk $0xffff, v62  }
0x72: {  	[tilespmem:v59+s20+$0x0] =	vst.idx.msk $0xffff, v14  }
0x73: {  	[tilespmem:v61+s20+$0x0] =	vst.idx.msk $0xffff, v63  }
0x74: {  	s26 =	simm.s32 $0x0  }
0x75: {  	[hbm4b:s6+s26] =	stream.linear.scatter [tilespmem:s20], [sflag:$0x3], $0x800, $0x38;
	[tilespmem:$0x1AC80] =	vst v63  }
0x76: {  	_ =	swait.ge [sflag:s21], $0x3200  }
0x77: {  	[sflag:s21] =	ssyncset.done $0x0  }
0x78: {  	s28 =	simm.s32 $0x0;
	[sflag:s21] =	ssyncadd.s32 $0xFFFFCE00  }
.LBB2_6:
0x79: {  	s29 =	smul.u32 $0x320, s28;
	_ =	sdelay $0x1  }
0x7a: {  	v14 =	vadd.s32 s29, v1;
	_ =	sdelay $0x4  }
0x7b: {  	s30 =	simm.s32 $0x1;
	v13 =	vld.idx.msk [tilespmem:v14+s11+$0x0], $0xffff  }
0x7c: {  	v12 =	vadd.s32 s30, v14;
	s30 =	simm.s32 $0x3  }
0x7d: {  	v16 =	vadd.s32 s30, v14;
	_ =	sdelay $0x3  }
0x7e: {  	v18 =	vld.idx.msk [tilespmem:v12+s11+$0x0], $0xffff  }
0x7f: {  	v16 =	vld.idx.msk [tilespmem:v16+s11+$0x0], $0xffff  }
0x80: {  	v23 =	vld.idx.msk [tilespmem:v13+s17+$0x0], $0xffff  }
0x81: {  	v25 =	vld.idx.msk [tilespmem:v13+s16+$0x0], $0xffff  }
0x82: {  	v19 =	vadd.s32 s29, v3;
	v27 =	vld.idx.msk [tilespmem:v13+s15+$0x0], $0xffff  }
0x83: {  	v30 =	vadd.s32 s26, v19;
	v28 =	vld.idx.msk [tilespmem:v13+s14+$0x0], $0xffff  }
0x84: {  	v33 =	vld.idx.msk [tilespmem:v13+s13+$0x0], $0xffff  }
0x85: {  	v34 =	vld.idx.msk [tilespmem:v13+s2+$0x0], $0xffff  }
0x86: {  	v32 =	vld.idx.msk [tilespmem:v13+s19+$0x0], $0xffff  }
0x87: {  	v29 =	vld.idx.msk [tilespmem:v13+s18+$0x0], $0xffff  }
0x88: {  	vm0 =	veq.s32 v13, $0x0;
	v13 =	vld.idx.msk [tilespmem:v30+s11+$0x0], $0xffff  }
0x89: {  	v15 =	vld.idx.msk [tilespmem:v18+s13+$0x0], $0xffff  }
0x8a: {  	v20 =	vld.idx.msk [tilespmem:v18+s17+$0x0], $0xffff  }
0x8b: {  	v21 =	vimm.f32 $0.0e+00;
	v26 =	vsel vm0, $0x0, v4;
	v22 =	vld.idx.msk [tilespmem:v18+s16+$0x0], $0xffff  }
0x8c: {  	vm15 =	veq.s32 v18, $0x0;
	v26 =	vadd.f32 v26, v21;
	v17 =	vld.idx.msk [tilespmem:v18+s19+$0x0], $0xffff  }
0x8d: {  	v31 =	vsel vm15, $0x0, v4;
	v24 =	vld.idx.msk [tilespmem:v18+s14+$0x0], $0xffff  }
0x8e: {  	v12 =	vld.idx.msk [tilespmem:v18+s15+$0x0], $0xffff;
	v26 =	vadd.f32 v31, v26  }
0x8f: {  	v30 =	vld.idx.msk [tilespmem:v18+s2+$0x0], $0xffff;
	v36 =	vadd.f32 v28, v21;
	v31 =	vadd.f32 v27, v21  }
0x90: {  	v28 =	vld.idx.msk [tilespmem:v18+s18+$0x0], $0xffff;
	v33 =	vadd.f32 v33, v21;
	v27 =	vadd.f32 v25, v21  }
0x91: {  	v25 =	vld.idx.msk [tilespmem:v16+s13+$0x0], $0xffff;
	v35 =	vadd.f32 v23, v21;
	v34 =	vadd.f32 v34, v21;
	v18 =	vmov v16  }
0x92: {  	s29 =	simm.s32 $0x2;
	s30 =	simm.s32 $0x4;
	v23 =	vld.idx.msk [tilespmem:v16+s17+$0x0], $0xffff;
	v24 =	vadd.f32 v24, v36;
	v22 =	vadd.f32 v22, v27;
	v27 =	vimm.f32 $0.0e+00  }
.LBB2_7:
0x93: {  	s31 =	sadd.s32 $0x1, s30  }
0x94: {  	p0 =	slt.u32 s30, $0x30;
	v36 =	vld.idx.msk [tilespmem:v16+s16+$0x0], $0xffff;
	v21 =	vadd.f32 v32, v21;
	v35 =	vadd.f32 v20, v35;
	s0 =	smov.u32 s30;
	s30 =	sadd.s32 $0x2, s30  }
0x95: {  	v20 =	vadd.f32 v29, v27;
	v33 =	vadd.f32 v15, v33;
	v32 =	vadd.s32 s31, v14;
	v16 =	vld.idx.msk [tilespmem:v16+s19+$0x0], $0xffff  }
0x96: {  	vm0 =	veq.s32 v13, $0x0;
	v31 =	vadd.f32 v12, v31;
	v12 =	vld.idx.msk [tilespmem:v18+s15+$0x0], $0xffff;
	v21 =	vadd.f32 v17, v21  }
0x97: {  	v29 =	vsel vm0, $0x0, v4;
	v34 =	vadd.f32 v30, v34;
	v27 =	vadd.f32 v28, v20;
	v37 =	vld.idx.msk [tilespmem:v13+s17+$0x0], $0xffff  }
0x98: {  	vm0 =	veq.s32 v18, $0x0;
	v29 =	vadd.f32 v29, v26;
	v15 =	vmov v25;
	v38 =	vld.idx.msk [tilespmem:v18+s14+$0x0], $0xffff  }
0x99: {  	v26 =	vsel vm0, $0x0, v4;
	v20 =	vmov v23;
	v25 =	vld.idx.msk [tilespmem:v13+s16+$0x0], $0xffff  }
0x9a: {  	v26 =	vadd.f32 v26, v29;
	v23 =	vld.idx.msk [tilespmem:v13+s15+$0x0], $0xffff  }
0x9b: {  	v17 =	vmov v16;
	v28 =	vld.idx.msk [tilespmem:v13+s14+$0x0], $0xffff  }
0x9c: {  	v30 =	vadd.s32 s29, v19;
	s29 =	smov.u32 s0;
	v16 =	vld.idx.msk [tilespmem:v32+s11+$0x0], $0xffff  }
0x9d: {  	v39 =	vld.idx.msk [tilespmem:v13+s13+$0x0], $0xffff  }
0x9e: {  	v40 =	vld.idx.msk [tilespmem:v13+s2+$0x0], $0xffff  }
0x9f: {  	v32 =	vld.idx.msk [tilespmem:v13+s19+$0x0], $0xffff  }
0xa0: {  	v29 =	vld.idx.msk [tilespmem:v13+s18+$0x0], $0xffff  }
.Ltmp2:
0xa1: {  	v24 =	vadd.f32 v28, v24;
	v13 =	vld.idx.msk [tilespmem:v30+s11+$0x0], $0xffff;
	(pc) =	sbr.rel @p0 .LBB2_7-.Ltmp2, $4  }
0xa2: {  	v31 =	vadd.f32 v23, v31;
	v28 =	vld.idx.msk [tilespmem:v18+s18+$0x0], $0xffff  }
0xa3: {  	v22 =	vadd.f32 v25, v22;
	v33 =	vadd.f32 v39, v33;
	v30 =	vld.idx.msk [tilespmem:v18+s2+$0x0], $0xffff;
	v18 =	vmov v16  }
0xa4: {  	v35 =	vadd.f32 v37, v35;
	v24 =	vadd.f32 v38, v24;
	v25 =	vld.idx.msk [tilespmem:v16+s13+$0x0], $0xffff  }
0xa5: {  	v22 =	vadd.f32 v36, v22;
	v34 =	vadd.f32 v40, v34;
	v23 =	vld.idx.msk [tilespmem:v16+s17+$0x0], $0xffff  }
0xa6: {  	_ = 	snop  }
0xa7: {  	vm0 =	veq.s32 v13, $0x0  }
0xa8: {  	v14 =	vsel vm0, $0x0, v4  }
0xa9: {  	vm15 =	veq.s32 v18, $0x0;
	v14 =	vadd.f32 v14, v26  }
0xaa: {  	v19 =	vld.idx.msk [tilespmem:v13+s17+$0x0], $0xffff;
	v62 =	vsel vm15, $0x0, v4  }
0xab: {  	v36 =	vld.idx.msk [tilespmem:v18+s14+$0x0], $0xffff;
	v14 =	vadd.f32 v62, v14  }
0xac: {  	v63 =	vld.idx.msk [tilespmem:v13+s15+$0x0], $0xffff  }
0xad: {  	v37 =	vld.idx.msk [tilespmem:v13+s14+$0x0], $0xffff;
	v14 =	vmax.f32 v14, $1.000000000e+00  }
0xae: {  	v40 =	vld.idx.msk [tilespmem:v13+s13+$0x0], $0xffff;
	(erf) = vrcp.f32 v14  }
0xaf: {  	v41 =	vld.idx.msk [tilespmem:v13+s2+$0x0], $0xffff  }
0xb0: {  	v21 =	vadd.f32 v32, v21;
	v20 =	vadd.f32 v20, v35;
	v42 =	vld.idx.msk [tilespmem:v13+s16+$0x0], $0xffff  }
0xb1: {  	v27 =	vadd.f32 v29, v27;
	v15 =	vadd.f32 v15, v33;
	v43 =	vld.idx.msk [tilespmem:v18+s2+$0x0], $0xffff  }
0xb2: {  	v12 =	vadd.f32 v12, v31;
	v45 =	vld.idx.msk [tilespmem:v13+s19+$0x0], $0xffff;
	s0 =	sshll.u32 s28, $0x7;
	v30 =	vadd.f32 v30, v34  }
0xb3: {  	v46 =	vld.idx.msk [tilespmem:v18+s15+$0x0], $0xffff;
	v49 =	vor.u32 s0, v2;
	v17 =	vadd.f32 v17, v21;
	v27 =	vadd.f32 v28, v27  }
0xb4: {  	v48 =	vld.idx.msk [tilespmem:v13+s18+$0x0], $0xffff;
	v50 =	vor.u32 s0, v5;
	v24 =	vadd.f32 v37, v24;
	v47 =	vadd.f32 v41, v30  }
0xb5: {  	v44 =	vld.idx.msk [tilespmem:v16+s16+$0x0], $0xffff;
	v53 =	vor.u32 s0, v6;
	v12 =	vadd.f32 v63, v12;
	v14 =	vadd.f32 v40, v15  }
0xb6: {  	v55 =	vor.u32 s0, v7;
	v22 =	vadd.f32 v42, v22;
	v15 =	vadd.f32 v43, v47  }
0xb7: {  	v51 =	vld.idx.msk [tilespmem:v18+s18+$0x0], $0xffff;
	v56 =	vor.u32 s0, v8;
	v19 =	vadd.f32 v19, v20;
	v14 =	vadd.f32 v25, v14;
	v52 =	vpop (erf)  }
0xb8: {  	v54 =	vld.idx.msk [tilespmem:v16+s19+$0x0], $0xffff;
	v17 =	vadd.f32 v45, v17;
	v24 =	vadd.f32 v36, v24;
	v15 =	vmul.f32 v52, v15  }
0xb9: {  	v13 =	vadd.f32 v48, v27;
	v12 =	vadd.f32 v46, v12;
	v14 =	vmul.f32 v52, v14  }
0xba: {  	v58 =	vor.u32 s0, v9;
	v22 =	vadd.f32 v44, v22;
	v57 =	vmul.f32 v52, v24;
	[tilespmem:v49+s22+$0x0] =	vst.idx.msk $0xffff, v15  }
0xbb: {  	s28 =	sadd.s32 $0x1, s28;
	v59 =	vor.u32 s0, v10;
	v19 =	vadd.f32 v23, v19;
	v12 =	vmul.f32 v52, v12;
	[tilespmem:v50+s22+$0x0] =	vst.idx.msk $0xffff, v14  }
0xbc: {  	v61 =	vor.u32 s0, v11;
	p0 =	sne.s32 s28, $0x10;
	v13 =	vadd.f32 v51, v13;
	v60 =	vmul.f32 v52, v22;
	[tilespmem:v53+s22+$0x0] =	vst.idx.msk $0xffff, v57  }
.Ltmp3:
0xbd: {  	v16 =	vadd.f32 v54, v17;
	v62 =	vmul.f32 v52, v19;
	[tilespmem:v55+s22+$0x0] =	vst.idx.msk $0xffff, v12;
	(pc) =	sbr.rel @p0 .LBB2_6-.Ltmp3, $4  }
0xbe: {  	v13 =	vmul.f32 v52, v13;
	[tilespmem:v56+s22+$0x0] =	vst.idx.msk $0xffff, v60  }
0xbf: {  	v63 =	vmul.f32 v52, v16;
	[tilespmem:v58+s22+$0x0] =	vst.idx.msk $0xffff, v62  }
0xc0: {  	[tilespmem:v59+s22+$0x0] =	vst.idx.msk $0xffff, v13  }
0xc1: {  	[tilespmem:v61+s22+$0x0] =	vst.idx.msk $0xffff, v63  }
0xc2: {  	[hbm4b:s7+s2] =	stream.linear.scatter [tilespmem:s22], [sflag:$0x4], $0x800, $0x38;
	[tilespmem:$0x1AC80] =	vst v63  }
0xc3: {  	s25 =	sadd.s32 $0x1, s25  }
0xc4: {  	_ =	swait.ge [sflag:s23], $0x800;
	p0 =	sne.s32 s25, s8  }
.Ltmp4:
0xc5: {  	[sflag:s23] =	ssyncset.done $0x0;
	(pc) =	sbr.rel @p0 .LBB2_1-.Ltmp4, $4  }
0xc6: {  	[sflag:s23] =	ssyncadd.s32 $0xFFFFF800  }
0xc7: {  	_ =	swait.ge [sflag:s24], $0x800  }
0xc8: {  	[sflag:s24] =	ssyncset.done $0x0  }
0xc9: {  	[sflag:s24] =	ssyncadd.s32 $0xFFFFF800  }
0xca: {  	_ =	sfence.sel $0x180000  }
0xcb: {  	[bflag:$0x0] =	sbarrier.arrive $0xFFFF  }
0xcc: {  	_ =	strace $0x9000004A  }
0xcd: {  	[bflag:$0x2] =	sbarrier.arrive $0xFFFF  }
0xce: {  	p0 =	sne.s32 s1, $0x0;
	s0 =	rddreg [dreg:$0x2]  }
0xcf: {  	s0 =	sadd.s32 @!p0 $0x100000, s0  }
0xd0: {  	[sflag:s0] =	ssyncadd.tile.s32 @!p0 $0x1;
	_ =	shalt  }
.Lfunc_end2:
_tile_overlayer_lowered:
.L_overlay_start_2:
0xd1: {  	(tag) =	ssettag $0x2  }
0xd2: {  	s0 =	rddreg [dreg:$0x0];
	s2 =	stileid.u32  }
0xd3: {  	s1 =	rddreg [dreg:$0x1];
	p0 =	sne.s32 s2, $0x0  }
0xd4: {  	s3 =	rddreg [dreg:$0x2];
	[bflag:$0x3] =	sbarrier.arrive $0xFFFF;
	s2 =	simm.s32 @!p0 $0x1C05  }
0xd5: {  	[timem:s3], [sflag:s2] =	dma.local @!p0 [hbm:s0], s1  }
0xd6: {  	s0 =	simm.s32 @!p0 $0x5  }
0xd7: {  	_ =	swait.ge @!p0 [sflag:s0], s1  }
0xd8: {  	s1 =	ssub.s32 @!p0 $0x0, s1;
	[sflag:s0] =	ssyncset.done @!p0 $0x0  }
0xd9: {  	[sflag:s0] =	ssyncadd.s32 @!p0 s1  }
0xda: {  	[bflag:$0x3] =	sbarrier.arrive $0xFFFF  }
0xdb: {  	_ =	shalt  }

// kernel: kernel.15.cloned.1.call-start
scs
__scs_entry_jumppad:
0x0: {  	(pc) =	sbr.rel $0x88, $3  }
0x1: {  	(tag) =	ssettag $0x0;
	lr =	simm.s32 $0x1  }
0x2: {  	[smem:$0x3F9F] =	sst lr;
	_ =	strace $0xD0000000  }
0x3: {  	_ = 	snop  }
0x4: {  	_ = 	snop  }
0x5: {  	_ = 	snop  }
0x6: {  	_ = 	snop  }
0x7: {  	_ = 	snop  }
__scs_overlays_trampoline_lowered:
0x8: {  	[smem:$0x3FAE] =	sst s0  }
0x9: {  	[smem:$0x3FAF] =	sst s1  }
0xa: {  	[smem:$0x3FB0] =	sst s2  }
0xb: {  	[smem:$0x3FB1] =	sst s3  }
0xc: {  	[smem:$0x3FB2] =	sst s4  }
0xd: {  	[smem:$0x3FB3] =	sst s5  }
0xe: {  	[smem:$0x3FB4] =	sst s6  }
0xf: {  	[smem:$0x3FB5] =	sst s7  }
0x10: {  	[smem:$0x3FB6] =	sst s8  }
0x11: {  	[smem:$0x3FB7] =	sst s9;
	s0 =	simm.s32 @!p0 $0x0  }
0x12: {  	s1 =	sld [smem:$0x3F9D];
	s0 =	simm.s32 @p0 $0x1  }
0x13: {  	[smem:$0x3FB8] =	sst s0;
	s0 =	simm.s32 @!p1 $0x0  }
0x14: {  	s2 =	sld [smem:$0x3F9C];
	s0 =	simm.s32 @p1 $0x1  }
0x15: {  	[smem:$0x3FB9] =	sst s0;
	s0 =	simm.s32 @!p2 $0x0  }
0x16: {  	s3 =	sld [smem:$0x3FDB];
	s0 =	simm.s32 @p2 $0x1  }
0x17: {  	s4 =	simm.s32 $0x1BF5;
	[smem:$0x3FBB] =	sst s0  }
0x18: {  	s0 =	sld [smem:$0x3F9E];
	_ =	swait.ge [sflag:s4], $0x0  }
0x19: {  	s7 =	sld [smem:$0x3F9F]  }
0x1a: {  	s8 =	sadd.s32 $0xFFFFE003, lr  }
0x1b: {  	s9 =	sadd.s32 $0xFFFFFEF7, lr;
	s5 =	simm.s32 $0xFFFFFFFF;
	p2 =	slt.u32 s8, $0xFFFFF086  }
0x1c: {  	p1 =	slt.u32 s9, $0xF7A;
	s5 =	simm.s32 @!p2 $0x0  }
0x1d: {  	s5 =	simm.s32 @p1 $0x1;
	p0 =	seq.s32 s7, s2  }
0x1e: {  	s7 =	smul.u32 @!p0 $0xF7A, s2;
	p2 =	seq.s32 @!p0 s5, $0x0  }
0x1f: {  	s9 =	smul.u32 $0xF7A, s1;
	s8 =	simm.s32 @!p0 $0x1BF5;
	p2 =	por !p2, p0  }
0x20: {  	[sflag:s8] =	ssyncset.s32 @!p0 $0xFFFFF086;
	s6 =	sadd.s32 @!p0 s3, s7;
	s7 =	simm.s32 @!p0 $0x108  }
0x21: {  	s3 =	sadd.s32 s3, s9;
	s6 =	sadd.s32 @!p0 $0x88, s6;
	s7 =	simm.s32 @p2 $0x1082  }
0x22: {  	[simem:s7], [sflag:s8] =	dma.local @!p0 [hbm:s6], $0xF7A  }
0x23: {  	s9 =	sor.u32 $0xD0000000, s2;
	s6 =	simm.s32 $0x108;
	_ =	swait.ge @!p0 [sflag:s8], $0x0  }
0x24: {  	s3 =	sadd.s32 $0x88, s3;
	s6 =	simm.s32 @!p1 $0x1082;
	[sflag:s4] =	ssyncset.s32 $0xFFFFF086  }
0x25: {  	[simem:s6], [sflag:s4] =	dma.local [hbm:s3], $0xF7A  }
0x26: {  	[smem:$0x3F9F] =	sst s1;
	(tag) =	ssettag s2;
	_ =	strace s9  }
0x27: {  	s1 =	sld [smem:$0x3FAF]  }
0x28: {  	s2 =	sld [smem:$0x3FB0]  }
0x29: {  	s4 =	sld [smem:$0x3FB2]  }
0x2a: {  	p0 =	seq.s32 s5, $0x0;
	s5 =	sld [smem:$0x3FB3]  }
0x2b: {  	s6 =	sld [smem:$0x3FB4]  }
0x2c: {  	s7 =	sld [smem:$0x3FB5]  }
0x2d: {  	s3 =	simm.s32 $0x108;
	s8 =	sld [smem:$0x3FB6]  }
0x2e: {  	s3 =	simm.s32 @!p0 $0x1082;
	s9 =	sld [smem:$0x3FB7]  }
0x2f: {  	lr =	sadd.s32 s0, s3;
	s0 =	sld [smem:$0x3FAE]  }
0x30: {  	s3 =	sld [smem:$0x3FB1]  }
0x31: {  	[smem:$0x3FBA] =	sst s10  }
0x32: {  	s10 =	sld [smem:$0x3FB8];
	_ =	sdelay $0x3  }
0x33: {  	p0 =	seq.s32 s10, $0x1;
	s10 =	sld [smem:$0x3FBA];
	_ =	sdelay $0x3  }
0x34: {  	[smem:$0x3FBA] =	sst s10  }
0x35: {  	s10 =	sld [smem:$0x3FB9];
	_ =	sdelay $0x3  }
0x36: {  	p1 =	seq.s32 s10, $0x1;
	s10 =	sld [smem:$0x3FBA];
	_ =	sdelay $0x3  }
0x37: {  	[smem:$0x3FBA] =	sst s10  }
0x38: {  	s10 =	sld [smem:$0x3FBB]  }
0x39: {  	_ = 	snop;
	(pc) =	sbr.ind lr, $3  }
0x3a: {  	_ = 	snop  }
0x3b: {  	_ = 	snop  }
0x3c: {  	p2 =	seq.s32 s10, $0x1;
	s10 =	sld [smem:$0x3FBA]  }
0x3d: {  	_ =	shalt  }
0x3e: {  	_ =	shalt  }
0x3f: {  	_ =	shalt  }
0x40: {  	_ =	shalt  }
0x41: {  	_ =	shalt  }
0x42: {  	_ =	shalt  }
0x43: {  	_ =	shalt  }
0x44: {  	_ =	shalt  }
0x45: {  	_ =	shalt  }
0x46: {  	_ =	shalt  }
0x47: {  	_ =	shalt  }
0x48: {  	_ =	shalt  }
0x49: {  	_ =	shalt  }
0x4a: {  	_ =	shalt  }
0x4b: {  	_ =	shalt  }
0x4c: {  	_ =	shalt  }
0x4d: {  	_ =	shalt  }
0x4e: {  	_ =	shalt  }
0x4f: {  	_ =	shalt  }
0x50: {  	_ =	shalt  }
0x51: {  	_ =	shalt  }
0x52: {  	_ =	shalt  }
0x53: {  	_ =	shalt  }
0x54: {  	_ =	shalt  }
0x55: {  	_ =	shalt  }
0x56: {  	_ =	shalt  }
0x57: {  	_ =	shalt  }
0x58: {  	_ =	shalt  }
0x59: {  	_ =	shalt  }
0x5a: {  	_ =	shalt  }
0x5b: {  	_ =	shalt  }
0x5c: {  	_ =	shalt  }
0x5d: {  	_ =	shalt  }
0x5e: {  	_ =	shalt  }
0x5f: {  	_ =	shalt  }
0x60: {  	_ =	shalt  }
0x61: {  	_ =	shalt  }
0x62: {  	_ =	shalt  }
0x63: {  	_ =	shalt  }
0x64: {  	_ =	shalt  }
0x65: {  	_ =	shalt  }
0x66: {  	_ =	shalt  }
0x67: {  	_ =	shalt  }
0x68: {  	_ =	shalt  }
0x69: {  	_ =	shalt  }
0x6a: {  	_ =	shalt  }
0x6b: {  	_ =	shalt  }
0x6c: {  	_ =	shalt  }
0x6d: {  	_ =	shalt  }
0x6e: {  	_ =	shalt  }
0x6f: {  	_ =	shalt  }
0x70: {  	_ =	shalt  }
0x71: {  	_ =	shalt  }
0x72: {  	_ =	shalt  }
0x73: {  	_ =	shalt  }
0x74: {  	_ =	shalt  }
0x75: {  	_ =	shalt  }
0x76: {  	_ =	shalt  }
0x77: {  	_ =	shalt  }
0x78: {  	_ =	shalt  }
0x79: {  	_ =	shalt  }
0x7a: {  	_ =	shalt  }
0x7b: {  	_ =	shalt  }
0x7c: {  	_ =	shalt  }
0x7d: {  	_ =	shalt  }
0x7e: {  	_ =	shalt  }
0x7f: {  	_ =	shalt  }
0x80: {  	_ =	shalt  }
0x81: {  	_ =	shalt  }
0x82: {  	_ =	shalt  }
0x83: {  	_ =	shalt  }
0x84: {  	_ =	shalt  }
0x85: {  	_ =	shalt  }
0x86: {  	_ =	shalt  }
0x87: {  	_ =	shalt  }
.Lfunc_end0:
.L_simem_size_0:
called_computation.3_lowered:
.L_overlay_start_0:
0x88: {  	s2 =	sld [smem:$0x3FD9]  }
0x89: {  	s3 =	sld [smem:$0x3FFE];
	_ =	sdelay $0x1  }
0x8a: {  	s1 =	srdreg.scid  }
0x8b: {  	s0 =	sand.u32 $0x1, s1  }
0x8c: {  	s17 =	sshll.u32 s0, $0xA;
	s2 =	sadd.s32 s3, s2  }
0x8d: {  	s2 =	sadd.s32 s2, s17  }
0x8e: {  	[smem:$0x3FC6] =	sst s2  }
0x8f: {  	_ = 	snop  }
0x90: {  	s18 =	sld [smem:$0x3FD0];
	(tm) =	ssettm $0x1  }
0x91: {  	s19 =	sld [smem:$0x3FFB];
	_ =	sdelay $0x3  }
0x92: {  	_ =	strace s19  }
0x93: {  	s2 =	sld [smem:$0x3FFC];
	_ =	sdelay $0x3  }
0x94: {  	_ =	strace s2  }
0x95: {  	s2 =	sld [smem:$0x3FFD];
	_ =	sdelay $0x3  }
0x96: {  	_ =	strace s2  }
0x97: {  	_ =	strace $0x8FFFFFFF  }
0x98: {  	s20 =	sld [smem:$0x3FDB];
	_ =	sdelay $0x1  }
0x99: {  	s4 =	simm.s32 $_scs_section_size  }
0x9a: {  	s5 =	simm.s32 $_size__tile_overlayer_lowered;
	s6 =	simm.s32 $_tile_overlayer_lowered  }
0x9b: {  	s7 =	simm.s32 $0x1BFF;
	s21 =	sshll.u32 s6, $0x1;
	s4 =	sadd.s32 s4, s20  }
0x9c: {  	s22 =	simm.s32 $0x0;
	s5 =	sshll.u32 s5, $0x1;
	s6 =	sadd.s32 s21, s4  }
0x9d: {  	[timem:s22], [sflag:s7] =	dma.local [hbm:s6], s5  }
0x9e: {  	_ =	swait.ge [sflag:s7], s5  }
0x9f: {  	s5 =	ssub.s32 $0x0, s5;
	[sflag:s7] =	ssyncset.done $0x0  }
0xa0: {  	[sflag:s7] =	ssyncadd.s32 s5;
	_ =	sdelay $0x1  }
0xa1: {  	s23 =	simm.s32 $0x1B8B  }
0xa2: {  	_ =	swait.ge [sflag:s23], $0x1  }
0xa3: {  	[sflag:s23] =	ssyncset.done $0x0  }
0xa4: {  	[sflag:s23] =	ssyncadd.s32 $0xFFFFFFFF  }
0xa5: {  	s5 =	sld [smem:$0x0]  }
0xa6: {  	s6 =	sand.u32 $0xFFFFFFFE, s1  }
0xa7: {  	p0 =	sne.s32 s1, s6  }
0xa8: {  	s6 =	sshll.u32 @p0 s6, $0xE  }
0xa9: {  	s6 =	sadd.s32 @p0 $0x11B8D, s6;
	s7 =	sshll.u32 @p0 s5, $0x11  }
0xaa: {  	s6 =	sor.u32 @p0 s7, s6  }
0xab: {  	[sflag:s6] =	ssyncadd.remote.s32 @p0 $0x1;
	_ =	sdelay $0x1  }
0xac: {  	s6 =	simm.s32 @p0 $0x1B8D  }
0xad: {  	_ =	swait.eq @p0 [sflag:s6], $0x1  }
0xae: {  	[sflag:s6] =	ssyncadd.s32 @p0 $0xFFFFFFFF  }
0xaf: {  	s7 =	sshll.u32 @!p0 s1, $0xE  }
0xb0: {  	s7 =	sor.u32 @!p0 $0x4000, s7;
	s6 =	simm.s32 @!p0 $0x1B8D  }
0xb1: {  	s5 =	sshll.u32 @!p0 s5, $0x11;
	s7 =	sadd.s32 @!p0 $0x11B8D, s7;
	_ =	swait.eq @!p0 [sflag:s6], $0x1  }
0xb2: {  	s5 =	sor.u32 @!p0 s5, s7;
	[sflag:s6] =	ssyncadd.s32 @!p0 $0xFFFFFFFF  }
0xb3: {  	s25 =	simm.s32 $0x1B8E;
	s24 =	sld [smem:$0x3FFE];
	[sflag:s5] =	ssyncadd.remote.s32 @!p0 $0x1  }
0xb4: {  	s26 =	simm.s32 $execute0_lowered;
	[smem:$0x3FD2] =	sst s25  }
0xb5: {  	s6 =	sshll.u32 s26, $0x1;
	_ =	strace $0x8000004C;
	[dreg:$0x1] =	wrdreg $0xFFFFFFFF  }
0xb6: {  	s28 =	simm.s32 $_size_execute0_lowered;
	s4 =	sadd.s32 s4, s6;
	[dreg:$0x0] =	wrdreg $0x0  }
0xb7: {  	s6 =	sshll.u32 s28, $0x1;
	[dreg:$0x2] =	wrdreg s4  }
0xb8: {  	[dreg:$0x3] =	wrdreg s6  }
0xb9: {  	[dreg:$0x4] =	wrdreg $0xC0  }
0xba: {  	_ =	task [dreg:s22], $0x5FFFF  }
0xbb: {  	[dreg:$0x1] =	wrdreg $0xFFFFFFFF  }
0xbc: {  	[dreg:$0x0] =	wrdreg $0x60  }
0xbd: {  	[dreg:$0x2] =	wrdreg s24  }
0xbe: {  	[dreg:$0x3] =	wrdreg s18  }
0xbf: {  	[dreg:$0x4] =	wrdreg $0xC  }
0xc0: {  	_ =	task.clear_ibuf [dreg:s22], $0x5FFFF;
	_ =	strace $0x9000004C  }
0xc1: {  	s29 =	simm.s32 $0xC;
	_ =	strace $0x8000004E  }
0xc2: {  	_ =	swait.ge [sflag:s29], $0x1  }
0xc3: {  	[sflag:s29] =	ssyncadd.s32 $0xFFFFFFFF  }
0xc4: {  	_ =	strace $0x9000004E  }
0xc5: {  	_ =	sfence  }
0xc6: {  	s30 =	sld [smem:$0x0];
	_ =	sdelay $0x2  }
0xc7: {  	s31 =	sshll.u32 s1, $0xD;
	s1 =	sshrl.u32 s1, $0x2  }
0xc8: {  	s4 =	sand.u32 $0x4000, s31;
	s1 =	sadd.s32 s1, s30  }
0xc9: {  	s0 =	sor.u32 s4, s0;
	s1 =	sshll.u32 s1, $0x11  }
0xca: {  	s0 =	sor.u32 s1, s0  }
0xcb: {  	s0 =	sadd.s32 $0x8F2B, s0  }
0xcc: {  	[sflag:s0] =	ssyncadd.remote.s32 $0x1  }
0xcd: {  	_ =	sfence.sel $0xFFFF  }
0xce: {  	[dreg:$0x0] =	wrdreg $0xFFFFFFFF;
	(pc) =	sbr.abs _section_cstart, $3  }
0xcf: {  	[dreg:$0x1] =	wrdreg $0xFFFFFFFF  }
0xd0: {  	_ =	task.clear_ibuf [dreg:s22], $0x2FFFF;
	_ =	strace $0x9FFFFFFF  }
0xd1: {  	(tm) =	ssettm $0x7FFFFFFF  }
tec
execute0_lowered:
.L_overlay_start_1:
0x0: {  	(tag) =	ssettag $0x1  }
0x1: {  	s3 =	rddreg [dreg:$0x0]  }
0x2: {  	s4 =	rddreg [dreg:$0x1]  }
0x3: {  	s1 =	stileid.u32;
	s5 =	srdreg.scid  }
0x4: {  	s2 =	simm.s32 $0x0;
	s12 =	simm.s32 $0x1;
	s13 =	simm.s32 $0x2710  }
0x5: {  	s14 =	simm.s32 $0x4E20;
	s15 =	simm.s32 $0x7530;
	s16 =	simm.s32 $0x9C40  }
0x6: {  	s17 =	simm.s32 $0xC350;
	s18 =	simm.s32 $0xEA60;
	s19 =	simm.s32 $0x11170  }
0x7: {  	s20 =	simm.s32 $0x19C80;
	s21 =	simm.s32 $0x2;
	s22 =	simm.s32 $0x1A480  }
0x8: {  	s23 =	simm.s32 $0x3;
	s24 =	simm.s32 $0x4;
	s25 =	simm.s32 $0x0  }
0x9: {  	s6 =	sshll.u32 s1, $0x1;
	s5 =	sand.u32 $0x1, s5;
	[smem:$0x7FF] =	sst s2  }
0xa: {  	s7 =	sadd.s32 $0x15A00, s3;
	s9 =	sshll.u32 s1, $0x8;
	s10 =	sshrl.u32 s1, $0x1  }
0xb: {  	s6 =	sand.u32 $0x2, s6;
	_ =	strace $0x8000004D;
	s11 =	smul.u32 $0x6400, s10  }
0xc: {  	s9 =	sand.u32 $0xE00, s9;
	s10 =	smul.u32 $0xC80, s10;
	s6 =	sor.u32 s5, s6  }
0xd: {  	v0 =	vlaneseq.u32;
	s5 =	ssub.s32 $0x2, s5;
	s8 =	sshll.u32 s6, $0xC;
	s6 =	smul.u32 $0x2710, s6  }
0xe: {  	v1 =	vmul.u32 $0x32, v0;
	v2 =	vmul.u32 $0x8, v0;
	s30 =	sshrl.u32 s5, $0x1;
	s31 =	sshrl.u32 s11, $0x3;
	s11 =	simm.s32 $0x16A80  }
0xf: {  	s8 =	sor.u32 s9, s8;
	s9 =	ssub.s32 s5, s30;
	s5 =	sadd.s32 s7, s31  }
0x10: {  	v4 =	vimm.f32 $1.000000000e+00;
	v3 =	vadd.s32 $0x2, v1;
	v5 =	vor.u32 $0x1, v2;
	s8 =	sadd.s32 s8, s3;
	s3 =	sadd.s32 s4, s6;
	s4 =	sadd.s32 s7, s10  }
0x11: {  	v6 =	vor.u32 $0x2, v2;
	v7 =	vor.u32 $0x3, v2;
	v8 =	vor.u32 $0x4, v2;
	s5 =	sadd.s32 $0x640, s5;
	s10 =	simm.s32 $0x13880;
	s6 =	sadd.s32 $0x1BE00, s8  }
0x12: {  	v9 =	vor.u32 $0x5, v2;
	v10 =	vor.u32 $0x6, v2;
	v11 =	vor.u32 $0x7, v2;
	s7 =	sadd.s32 $0x1BF00, s8;
	s8 =	smax.u32 s9, $0x1;
	s9 =	simm.s32 $0x5  }
.LBB2_1:
0x13: {  	[tilespmem:s2], [sflag:$0x5] =	stream.linear.gather [hbm4b:s3+s2], $0x13880, $0x38;
	[tilespmem:$0x1AC80] =	vst v63  }
0x14: {  	_ =	swait.ge [sflag:s9], $0x13880  }
0x15: {  	[sflag:s9] =	ssyncset.done $0x0  }
0x16: {  	[sflag:s9] =	ssyncadd.s32 $0xFFFEC780  }
0x17: {  	v12 =	vld [tilespmem:$0x0]  }
0x18: {  	v13 =	vld [tilespmem:$0x2710]  }
0x19: {  	v14 =	vld [tilespmem:$0x4E20]  }
0x1a: {  	v15 =	vld [tilespmem:$0x7530]  }
0x1b: {  	vm0 =	veq.s32 v0, $0x0;
	v16 =	vld [tilespmem:$0x9C40]  }
0x1c: {  	v17 =	vld [tilespmem:$0xC350];
	v12 =	vsel vm0, $0x0, v12  }
0x1d: {  	v56 =	vld [tilespmem:$0xEA60];
	v55 =	vsel vm0, $0x0, v13;
	[tilespmem:$0x0] =	vst v12  }
0x1e: {  	v58 =	vld [tilespmem:$0x11170];
	v57 =	vsel vm0, $0x0, v14;
	[tilespmem:$0x2710] =	vst v55  }
0x1f: {  	v59 =	vsel vm0, $0x0, v15;
	[tilespmem:$0x4E20] =	vst v57  }
0x20: {  	v60 =	vsel vm0, $0x0, v16;
	[tilespmem:$0x7530] =	vst v59  }
0x21: {  	v61 =	vsel vm0, $0x0, v17;
	[tilespmem:$0x9C40] =	vst v60  }
0x22: {  	v62 =	vsel vm0, $0x0, v56;
	[tilespmem:$0xC350] =	vst v61  }
0x23: {  	v63 =	vsel vm0, $0x0, v58;
	[tilespmem:$0xEA60] =	vst v62  }
0x24: {  	[tilespmem:$0x11170] =	vst v63  }
0x25: {  	[tilespmem:s10], [sflag:$0x1] =	stream.linear.gather [hbm4b:s4+s2], $0x3200, $0x38;
	[tilespmem:$0x1AC80] =	vst v63  }
0x26: {  	_ = 	snop  }
0x27: {  	[tilespmem:s11], [sflag:$0x2] =	stream.linear.gather [hbm4b:s5+s2], $0x3200, $0x38;
	[tilespmem:$0x1AC80] =	vst v63  }
0x28: {  	_ =	swait.ge [sflag:s12], $0x3200  }
0x29: {  	[sflag:s12] =	ssyncset.done $0x0  }
0x2a: {  	s26 =	simm.s32 $0x0;
	[sflag:s12] =	ssyncadd.s32 $0xFFFFCE00  }
.LBB2_2:
0x2b: {  	s28 =	smul.u32 $0x320, s26;
	_ =	sdelay $0x1  }
0x2c: {  	v13 =	vadd.s32 s28, v1;
	_ =	sdelay $0x4  }
0x2d: {  	s29 =	simm.s32 $0x1;
	v14 =	vld.idx.msk [tilespmem:v13+s10+$0x0], $0xffff  }
0x2e: {  	v12 =	vadd.s32 s29, v13;
	s29 =	simm.s32 $0x3  }
0x2f: {  	v16 =	vadd.s32 s29, v13;
	_ =	sdelay $0x3  }
0x30: {  	v18 =	vld.idx.msk [tilespmem:v12+s10+$0x0], $0xffff  }
0x31: {  	v16 =	vld.idx.msk [tilespmem:v16+s10+$0x0], $0xffff  }
0x32: {  	v23 =	vld.idx.msk [tilespmem:v14+s17+$0x0], $0xffff  }
0x33: {  	v25 =	vld.idx.msk [tilespmem:v14+s16+$0x0], $0xffff  }
0x34: {  	v19 =	vadd.s32 s28, v3;
	s28 =	simm.s32 $0x0;
	v27 =	vld.idx.msk [tilespmem:v14+s15+$0x0], $0xffff  }
0x35: {  	v30 =	vadd.s32 s28, v19;
	v28 =	vld.idx.msk [tilespmem:v14+s14+$0x0], $0xffff  }
0x36: {  	v33 =	vld.idx.msk [tilespmem:v14+s13+$0x0], $0xffff  }
0x37: {  	v34 =	vld.idx.msk [tilespmem:v14+s2+$0x0], $0xffff  }
0x38: {  	v32 =	vld.idx.msk [tilespmem:v14+s19+$0x0], $0xffff  }
0x39: {  	v29 =	vld.idx.msk [tilespmem:v14+s18+$0x0], $0xffff  }
0x3a: {  	vm0 =	veq.s32 v14, $0x0;
	v14 =	vld.idx.msk [tilespmem:v30+s10+$0x0], $0xffff  }
0x3b: {  	v15 =	vld.idx.msk [tilespmem:v18+s13+$0x0], $0xffff  }
0x3c: {  	v20 =	vld.idx.msk [tilespmem:v18+s17+$0x0], $0xffff  }
0x3d: {  	v21 =	vimm.f32 $0.0e+00;
	v26 =	vsel vm0, $0x0, v4;
	v22 =	vld.idx.msk [tilespmem:v18+s16+$0x0], $0xffff  }
0x3e: {  	vm15 =	veq.s32 v18, $0x0;
	v26 =	vadd.f32 v26, v21;
	v17 =	vld.idx.msk [tilespmem:v18+s19+$0x0], $0xffff  }
0x3f: {  	v31 =	vsel vm15, $0x0, v4;
	v24 =	vld.idx.msk [tilespmem:v18+s14+$0x0], $0xffff  }
0x40: {  	v12 =	vld.idx.msk [tilespmem:v18+s15+$0x0], $0xffff;
	v26 =	vadd.f32 v31, v26  }
0x41: {  	v30 =	vld.idx.msk [tilespmem:v18+s2+$0x0], $0xffff;
	v36 =	vadd.f32 v28, v21;
	v31 =	vadd.f32 v27, v21  }
0x42: {  	v28 =	vld.idx.msk [tilespmem:v18+s18+$0x0], $0xffff;
	v33 =	vadd.f32 v33, v21;
	v27 =	vadd.f32 v25, v21  }
0x43: {  	v25 =	vld.idx.msk [tilespmem:v16+s13+$0x0], $0xffff;
	v35 =	vadd.f32 v23, v21;
	v34 =	vadd.f32 v34, v21;
	v18 =	vmov v16  }
0x44: {  	s28 =	simm.s32 $0x2;
	s29 =	simm.s32 $0x4;
	v23 =	vld.idx.msk [tilespmem:v16+s17+$0x0], $0xffff;
	v24 =	vadd.f32 v24, v36;
	v22 =	vadd.f32 v22, v27;
	v27 =	vimm.f32 $0.0e+00  }
.LBB2_3:
0x45: {  	s30 =	sadd.s32 $0x1, s29  }
0x46: {  	p0 =	slt.u32 s29, $0x30;
	v36 =	vld.idx.msk [tilespmem:v16+s16+$0x0], $0xffff;
	v21 =	vadd.f32 v32, v21;
	v35 =	vadd.f32 v20, v35;
	s31 =	smov.u32 s29;
	s29 =	sadd.s32 $0x2, s29  }
0x47: {  	v20 =	vadd.f32 v29, v27;
	v33 =	vadd.f32 v15, v33;
	v32 =	vadd.s32 s30, v13;
	v16 =	vld.idx.msk [tilespmem:v16+s19+$0x0], $0xffff  }
0x48: {  	vm0 =	veq.s32 v14, $0x0;
	v31 =	vadd.f32 v12, v31;
	v12 =	vld.idx.msk [tilespmem:v18+s15+$0x0], $0xffff;
	v21 =	vadd.f32 v17, v21  }
0x49: {  	v29 =	vsel vm0, $0x0, v4;
	v34 =	vadd.f32 v30, v34;
	v27 =	vadd.f32 v28, v20;
	v37 =	vld.idx.msk [tilespmem:v14+s17+$0x0], $0xffff  }
0x4a: {  	vm0 =	veq.s32 v18, $0x0;
	v29 =	vadd.f32 v29, v26;
	v15 =	vmov v25;
	v38 =	vld.idx.msk [tilespmem:v18+s14+$0x0], $0xffff  }
0x4b: {  	v26 =	vsel vm0, $0x0, v4;
	v20 =	vmov v23;
	v25 =	vld.idx.msk [tilespmem:v14+s16+$0x0], $0xffff  }
0x4c: {  	v26 =	vadd.f32 v26, v29;
	v23 =	vld.idx.msk [tilespmem:v14+s15+$0x0], $0xffff  }
0x4d: {  	v17 =	vmov v16;
	v28 =	vld.idx.msk [tilespmem:v14+s14+$0x0], $0xffff  }
0x4e: {  	v30 =	vadd.s32 s28, v19;
	s28 =	smov.u32 s31;
	v16 =	vld.idx.msk [tilespmem:v32+s10+$0x0], $0xffff  }
0x4f: {  	v39 =	vld.idx.msk [tilespmem:v14+s13+$0x0], $0xffff  }
0x50: {  	v40 =	vld.idx.msk [tilespmem:v14+s2+$0x0], $0xffff  }
0x51: {  	v32 =	vld.idx.msk [tilespmem:v14+s19+$0x0], $0xffff  }
0x52: {  	v29 =	vld.idx.msk [tilespmem:v14+s18+$0x0], $0xffff  }
.Ltmp0:
0x53: {  	v24 =	vadd.f32 v28, v24;
	v14 =	vld.idx.msk [tilespmem:v30+s10+$0x0], $0xffff;
	(pc) =	sbr.rel @p0 .LBB2_3-.Ltmp0, $4  }
0x54: {  	v31 =	vadd.f32 v23, v31;
	v28 =	vld.idx.msk [tilespmem:v18+s18+$0x0], $0xffff  }
0x55: {  	v22 =	vadd.f32 v25, v22;
	v33 =	vadd.f32 v39, v33;
	v30 =	vld.idx.msk [tilespmem:v18+s2+$0x0], $0xffff;
	v18 =	vmov v16  }
0x56: {  	v35 =	vadd.f32 v37, v35;
	v24 =	vadd.f32 v38, v24;
	v25 =	vld.idx.msk [tilespmem:v16+s13+$0x0], $0xffff  }
0x57: {  	v22 =	vadd.f32 v36, v22;
	v34 =	vadd.f32 v40, v34;
	v23 =	vld.idx.msk [tilespmem:v16+s17+$0x0], $0xffff  }
0x58: {  	_ = 	snop  }
0x59: {  	vm0 =	veq.s32 v14, $0x0  }
0x5a: {  	v13 =	vsel vm0, $0x0, v4  }
0x5b: {  	vm15 =	veq.s32 v18, $0x0;
	v13 =	vadd.f32 v13, v26  }
0x5c: {  	v19 =	vld.idx.msk [tilespmem:v14+s17+$0x0], $0xffff;
	v62 =	vsel vm15, $0x0, v4  }
0x5d: {  	v36 =	vld.idx.msk [tilespmem:v18+s14+$0x0], $0xffff;
	v13 =	vadd.f32 v62, v13  }
0x5e: {  	v63 =	vld.idx.msk [tilespmem:v14+s15+$0x0], $0xffff  }
0x5f: {  	v37 =	vld.idx.msk [tilespmem:v14+s14+$0x0], $0xffff;
	v13 =	vmax.f32 v13, $1.000000000e+00  }
0x60: {  	v40 =	vld.idx.msk [tilespmem:v14+s13+$0x0], $0xffff;
	(erf) = vrcp.f32 v13  }
0x61: {  	v41 =	vld.idx.msk [tilespmem:v14+s2+$0x0], $0xffff  }
0x62: {  	v21 =	vadd.f32 v32, v21;
	v20 =	vadd.f32 v20, v35;
	v42 =	vld.idx.msk [tilespmem:v14+s16+$0x0], $0xffff  }
0x63: {  	v27 =	vadd.f32 v29, v27;
	v15 =	vadd.f32 v15, v33;
	v43 =	vld.idx.msk [tilespmem:v18+s2+$0x0], $0xffff  }
0x64: {  	v12 =	vadd.f32 v12, v31;
	v45 =	vld.idx.msk [tilespmem:v14+s19+$0x0], $0xffff;
	s28 =	sshll.u32 s26, $0x7;
	v30 =	vadd.f32 v30, v34  }
0x65: {  	v46 =	vld.idx.msk [tilespmem:v18+s15+$0x0], $0xffff;
	v49 =	vor.u32 s28, v2;
	v17 =	vadd.f32 v17, v21;
	v27 =	vadd.f32 v28, v27  }
0x66: {  	v48 =	vld.idx.msk [tilespmem:v14+s18+$0x0], $0xffff;
	v50 =	vor.u32 s28, v5;
	v24 =	vadd.f32 v37, v24;
	v47 =	vadd.f32 v41, v30  }
0x67: {  	v44 =	vld.idx.msk [tilespmem:v16+s16+$0x0], $0xffff;
	v53 =	vor.u32 s28, v6;
	v12 =	vadd.f32 v63, v12;
	v13 =	vadd.f32 v40, v15  }
0x68: {  	v55 =	vor.u32 s28, v7;
	v22 =	vadd.f32 v42, v22;
	v15 =	vadd.f32 v43, v47  }
0x69: {  	v51 =	vld.idx.msk [tilespmem:v18+s18+$0x0], $0xffff;
	v56 =	vor.u32 s28, v8;
	v19 =	vadd.f32 v19, v20;
	v13 =	vadd.f32 v25, v13;
	v52 =	vpop (erf)  }
0x6a: {  	v54 =	vld.idx.msk [tilespmem:v16+s19+$0x0], $0xffff;
	v17 =	vadd.f32 v45, v17;
	v24 =	vadd.f32 v36, v24;
	v15 =	vmul.f32 v52, v15  }
0x6b: {  	v14 =	vadd.f32 v48, v27;
	v12 =	vadd.f32 v46, v12;
	v13 =	vmul.f32 v52, v13  }
0x6c: {  	v58 =	vor.u32 s28, v9;
	v22 =	vadd.f32 v44, v22;
	v57 =	vmul.f32 v52, v24;
	[tilespmem:v49+s20+$0x0] =	vst.idx.msk $0xffff, v15  }
0x6d: {  	s26 =	sadd.s32 $0x1, s26;
	v59 =	vor.u32 s28, v10;
	v19 =	vadd.f32 v23, v19;
	v12 =	vmul.f32 v52, v12;
	[tilespmem:v50+s20+$0x0] =	vst.idx.msk $0xffff, v13  }
0x6e: {  	v61 =	vor.u32 s28, v11;
	p0 =	sne.s32 s26, $0x10;
	v14 =	vadd.f32 v51, v14;
	v60 =	vmul.f32 v52, v22;
	[tilespmem:v53+s20+$0x0] =	vst.idx.msk $0xffff, v57  }
.Ltmp1:
0x6f: {  	v16 =	vadd.f32 v54, v17;
	v62 =	vmul.f32 v52, v19;
	[tilespmem:v55+s20+$0x0] =	vst.idx.msk $0xffff, v12;
	(pc) =	sbr.rel @p0 .LBB2_2-.Ltmp1, $4  }
0x70: {  	v14 =	vmul.f32 v52, v14;
	[tilespmem:v56+s20+$0x0] =	vst.idx.msk $0xffff, v60  }
0x71: {  	v63 =	vmul.f32 v52, v16;
	[tilespmem:v58+s20+$0x0] =	vst.idx.msk $0xffff, v62  }
0x72: {  	[tilespmem:v59+s20+$0x0] =	vst.idx.msk $0xffff, v14  }
0x73: {  	[tilespmem:v61+s20+$0x0] =	vst.idx.msk $0xffff, v63  }
0x74: {  	s26 =	simm.s32 $0x0  }
0x75: {  	[hbm4b:s6+s26] =	stream.linear.scatter [tilespmem:s20], [sflag:$0x3], $0x800, $0x38;
	[tilespmem:$0x1AC80] =	vst v63  }
0x76: {  	_ =	swait.ge [sflag:s21], $0x3200  }
0x77: {  	[sflag:s21] =	ssyncset.done $0x0  }
0x78: {  	s28 =	simm.s32 $0x0;
	[sflag:s21] =	ssyncadd.s32 $0xFFFFCE00  }
.LBB2_6:
0x79: {  	s29 =	smul.u32 $0x320, s28;
	_ =	sdelay $0x1  }
0x7a: {  	v14 =	vadd.s32 s29, v1;
	_ =	sdelay $0x4  }
0x7b: {  	s30 =	simm.s32 $0x1;
	v13 =	vld.idx.msk [tilespmem:v14+s11+$0x0], $0xffff  }
0x7c: {  	v12 =	vadd.s32 s30, v14;
	s30 =	simm.s32 $0x3  }
0x7d: {  	v16 =	vadd.s32 s30, v14;
	_ =	sdelay $0x3  }
0x7e: {  	v18 =	vld.idx.msk [tilespmem:v12+s11+$0x0], $0xffff  }
0x7f: {  	v16 =	vld.idx.msk [tilespmem:v16+s11+$0x0], $0xffff  }
0x80: {  	v23 =	vld.idx.msk [tilespmem:v13+s17+$0x0], $0xffff  }
0x81: {  	v25 =	vld.idx.msk [tilespmem:v13+s16+$0x0], $0xffff  }
0x82: {  	v19 =	vadd.s32 s29, v3;
	v27 =	vld.idx.msk [tilespmem:v13+s15+$0x0], $0xffff  }
0x83: {  	v30 =	vadd.s32 s26, v19;
	v28 =	vld.idx.msk [tilespmem:v13+s14+$0x0], $0xffff  }
0x84: {  	v33 =	vld.idx.msk [tilespmem:v13+s13+$0x0], $0xffff  }
0x85: {  	v34 =	vld.idx.msk [tilespmem:v13+s2+$0x0], $0xffff  }
0x86: {  	v32 =	vld.idx.msk [tilespmem:v13+s19+$0x0], $0xffff  }
0x87: {  	v29 =	vld.idx.msk [tilespmem:v13+s18+$0x0], $0xffff  }
0x88: {  	vm0 =	veq.s32 v13, $0x0;
	v13 =	vld.idx.msk [tilespmem:v30+s11+$0x0], $0xffff  }
0x89: {  	v15 =	vld.idx.msk [tilespmem:v18+s13+$0x0], $0xffff  }
0x8a: {  	v20 =	vld.idx.msk [tilespmem:v18+s17+$0x0], $0xffff  }
0x8b: {  	v21 =	vimm.f32 $0.0e+00;
	v26 =	vsel vm0, $0x0, v4;
	v22 =	vld.idx.msk [tilespmem:v18+s16+$0x0], $0xffff  }
0x8c: {  	vm15 =	veq.s32 v18, $0x0;
	v26 =	vadd.f32 v26, v21;
	v17 =	vld.idx.msk [tilespmem:v18+s19+$0x0], $0xffff  }
0x8d: {  	v31 =	vsel vm15, $0x0, v4;
	v24 =	vld.idx.msk [tilespmem:v18+s14+$0x0], $0xffff  }
0x8e: {  	v12 =	vld.idx.msk [tilespmem:v18+s15+$0x0], $0xffff;
	v26 =	vadd.f32 v31, v26  }
0x8f: {  	v30 =	vld.idx.msk [tilespmem:v18+s2+$0x0], $0xffff;
	v36 =	vadd.f32 v28, v21;
	v31 =	vadd.f32 v27, v21  }
0x90: {  	v28 =	vld.idx.msk [tilespmem:v18+s18+$0x0], $0xffff;
	v33 =	vadd.f32 v33, v21;
	v27 =	vadd.f32 v25, v21  }
0x91: {  	v25 =	vld.idx.msk [tilespmem:v16+s13+$0x0], $0xffff;
	v35 =	vadd.f32 v23, v21;
	v34 =	vadd.f32 v34, v21;
	v18 =	vmov v16  }
0x92: {  	s29 =	simm.s32 $0x2;
	s30 =	simm.s32 $0x4;
	v23 =	vld.idx.msk [tilespmem:v16+s17+$0x0], $0xffff;
	v24 =	vadd.f32 v24, v36;
	v22 =	vadd.f32 v22, v27;
	v27 =	vimm.f32 $0.0e+00  }
.LBB2_7:
0x93: {  	s31 =	sadd.s32 $0x1, s30  }
0x94: {  	p0 =	slt.u32 s30, $0x30;
	v36 =	vld.idx.msk [tilespmem:v16+s16+$0x0], $0xffff;
	v21 =	vadd.f32 v32, v21;
	v35 =	vadd.f32 v20, v35;
	s0 =	smov.u32 s30;
	s30 =	sadd.s32 $0x2, s30  }
0x95: {  	v20 =	vadd.f32 v29, v27;
	v33 =	vadd.f32 v15, v33;
	v32 =	vadd.s32 s31, v14;
	v16 =	vld.idx.msk [tilespmem:v16+s19+$0x0], $0xffff  }
0x96: {  	vm0 =	veq.s32 v13, $0x0;
	v31 =	vadd.f32 v12, v31;
	v12 =	vld.idx.msk [tilespmem:v18+s15+$0x0], $0xffff;
	v21 =	vadd.f32 v17, v21  }
0x97: {  	v29 =	vsel vm0, $0x0, v4;
	v34 =	vadd.f32 v30, v34;
	v27 =	vadd.f32 v28, v20;
	v37 =	vld.idx.msk [tilespmem:v13+s17+$0x0], $0xffff  }
0x98: {  	vm0 =	veq.s32 v18, $0x0;
	v29 =	vadd.f32 v29, v26;
	v15 =	vmov v25;
	v38 =	vld.idx.msk [tilespmem:v18+s14+$0x0], $0xffff  }
0x99: {  	v26 =	vsel vm0, $0x0, v4;
	v20 =	vmov v23;
	v25 =	vld.idx.msk [tilespmem:v13+s16+$0x0], $0xffff  }
0x9a: {  	v26 =	vadd.f32 v26, v29;
	v23 =	vld.idx.msk [tilespmem:v13+s15+$0x0], $0xffff  }
0x9b: {  	v17 =	vmov v16;
	v28 =	vld.idx.msk [tilespmem:v13+s14+$0x0], $0xffff  }
0x9c: {  	v30 =	vadd.s32 s29, v19;
	s29 =	smov.u32 s0;
	v16 =	vld.idx.msk [tilespmem:v32+s11+$0x0], $0xffff  }
0x9d: {  	v39 =	vld.idx.msk [tilespmem:v13+s13+$0x0], $0xffff  }
0x9e: {  	v40 =	vld.idx.msk [tilespmem:v13+s2+$0x0], $0xffff  }
0x9f: {  	v32 =	vld.idx.msk [tilespmem:v13+s19+$0x0], $0xffff  }
0xa0: {  	v29 =	vld.idx.msk [tilespmem:v13+s18+$0x0], $0xffff  }
.Ltmp2:
0xa1: {  	v24 =	vadd.f32 v28, v24;
	v13 =	vld.idx.msk [tilespmem:v30+s11+$0x0], $0xffff;
	(pc) =	sbr.rel @p0 .LBB2_7-.Ltmp2, $4  }
0xa2: {  	v31 =	vadd.f32 v23, v31;
	v28 =	vld.idx.msk [tilespmem:v18+s18+$0x0], $0xffff  }
0xa3: {  	v22 =	vadd.f32 v25, v22;
	v33 =	vadd.f32 v39, v33;
	v30 =	vld.idx.msk [tilespmem:v18+s2+$0x0], $0xffff;
	v18 =	vmov v16  }
0xa4: {  	v35 =	vadd.f32 v37, v35;
	v24 =	vadd.f32 v38, v24;
	v25 =	vld.idx.msk [tilespmem:v16+s13+$0x0], $0xffff  }
0xa5: {  	v22 =	vadd.f32 v36, v22;
	v34 =	vadd.f32 v40, v34;
	v23 =	vld.idx.msk [tilespmem:v16+s17+$0x0], $0xffff  }
0xa6: {  	_ = 	snop  }
0xa7: {  	vm0 =	veq.s32 v13, $0x0  }
0xa8: {  	v14 =	vsel vm0, $0x0, v4  }
0xa9: {  	vm15 =	veq.s32 v18, $0x0;
	v14 =	vadd.f32 v14, v26  }
0xaa: {  	v19 =	vld.idx.msk [tilespmem:v13+s17+$0x0], $0xffff;
	v62 =	vsel vm15, $0x0, v4  }
0xab: {  	v36 =	vld.idx.msk [tilespmem:v18+s14+$0x0], $0xffff;
	v14 =	vadd.f32 v62, v14  }
0xac: {  	v63 =	vld.idx.msk [tilespmem:v13+s15+$0x0], $0xffff  }
0xad: {  	v37 =	vld.idx.msk [tilespmem:v13+s14+$0x0], $0xffff;
	v14 =	vmax.f32 v14, $1.000000000e+00  }
0xae: {  	v40 =	vld.idx.msk [tilespmem:v13+s13+$0x0], $0xffff;
	(erf) = vrcp.f32 v14  }
0xaf: {  	v41 =	vld.idx.msk [tilespmem:v13+s2+$0x0], $0xffff  }
0xb0: {  	v21 =	vadd.f32 v32, v21;
	v20 =	vadd.f32 v20, v35;
	v42 =	vld.idx.msk [tilespmem:v13+s16+$0x0], $0xffff  }
0xb1: {  	v27 =	vadd.f32 v29, v27;
	v15 =	vadd.f32 v15, v33;
	v43 =	vld.idx.msk [tilespmem:v18+s2+$0x0], $0xffff  }
0xb2: {  	v12 =	vadd.f32 v12, v31;
	v45 =	vld.idx.msk [tilespmem:v13+s19+$0x0], $0xffff;
	s0 =	sshll.u32 s28, $0x7;
	v30 =	vadd.f32 v30, v34  }
0xb3: {  	v46 =	vld.idx.msk [tilespmem:v18+s15+$0x0], $0xffff;
	v49 =	vor.u32 s0, v2;
	v17 =	vadd.f32 v17, v21;
	v27 =	vadd.f32 v28, v27  }
0xb4: {  	v48 =	vld.idx.msk [tilespmem:v13+s18+$0x0], $0xffff;
	v50 =	vor.u32 s0, v5;
	v24 =	vadd.f32 v37, v24;
	v47 =	vadd.f32 v41, v30  }
0xb5: {  	v44 =	vld.idx.msk [tilespmem:v16+s16+$0x0], $0xffff;
	v53 =	vor.u32 s0, v6;
	v12 =	vadd.f32 v63, v12;
	v14 =	vadd.f32 v40, v15  }
0xb6: {  	v55 =	vor.u32 s0, v7;
	v22 =	vadd.f32 v42, v22;
	v15 =	vadd.f32 v43, v47  }
0xb7: {  	v51 =	vld.idx.msk [tilespmem:v18+s18+$0x0], $0xffff;
	v56 =	vor.u32 s0, v8;
	v19 =	vadd.f32 v19, v20;
	v14 =	vadd.f32 v25, v14;
	v52 =	vpop (erf)  }
0xb8: {  	v54 =	vld.idx.msk [tilespmem:v16+s19+$0x0], $0xffff;
	v17 =	vadd.f32 v45, v17;
	v24 =	vadd.f32 v36, v24;
	v15 =	vmul.f32 v52, v15  }
0xb9: {  	v13 =	vadd.f32 v48, v27;
	v12 =	vadd.f32 v46, v12;
	v14 =	vmul.f32 v52, v14  }
0xba: {  	v58 =	vor.u32 s0, v9;
	v22 =	vadd.f32 v44, v22;
	v57 =	vmul.f32 v52, v24;
	[tilespmem:v49+s22+$0x0] =	vst.idx.msk $0xffff, v15  }
0xbb: {  	s28 =	sadd.s32 $0x1, s28;
	v59 =	vor.u32 s0, v10;
	v19 =	vadd.f32 v23, v19;
	v12 =	vmul.f32 v52, v12;
	[tilespmem:v50+s22+$0x0] =	vst.idx.msk $0xffff, v14  }
0xbc: {  	v61 =	vor.u32 s0, v11;
	p0 =	sne.s32 s28, $0x10;
	v13 =	vadd.f32 v51, v13;
	v60 =	vmul.f32 v52, v22;
	[tilespmem:v53+s22+$0x0] =	vst.idx.msk $0xffff, v57  }
.Ltmp3:
0xbd: {  	v16 =	vadd.f32 v54, v17;
	v62 =	vmul.f32 v52, v19;
	[tilespmem:v55+s22+$0x0] =	vst.idx.msk $0xffff, v12;
	(pc) =	sbr.rel @p0 .LBB2_6-.Ltmp3, $4  }
0xbe: {  	v13 =	vmul.f32 v52, v13;
	[tilespmem:v56+s22+$0x0] =	vst.idx.msk $0xffff, v60  }
0xbf: {  	v63 =	vmul.f32 v52, v16;
	[tilespmem:v58+s22+$0x0] =	vst.idx.msk $0xffff, v62  }
0xc0: {  	[tilespmem:v59+s22+$0x0] =	vst.idx.msk $0xffff, v13  }
0xc1: {  	[tilespmem:v61+s22+$0x0] =	vst.idx.msk $0xffff, v63  }
0xc2: {  	[hbm4b:s7+s2] =	stream.linear.scatter [tilespmem:s22], [sflag:$0x4], $0x800, $0x38;
	[tilespmem:$0x1AC80] =	vst v63  }
0xc3: {  	s25 =	sadd.s32 $0x1, s25  }
0xc4: {  	_ =	swait.ge [sflag:s23], $0x800;
	p0 =	sne.s32 s25, s8  }
.Ltmp4:
0xc5: {  	[sflag:s23] =	ssyncset.done $0x0;
	(pc) =	sbr.rel @p0 .LBB2_1-.Ltmp4, $4  }
0xc6: {  	[sflag:s23] =	ssyncadd.s32 $0xFFFFF800  }
0xc7: {  	_ =	swait.ge [sflag:s24], $0x800  }
0xc8: {  	[sflag:s24] =	ssyncset.done $0x0  }
0xc9: {  	[sflag:s24] =	ssyncadd.s32 $0xFFFFF800  }
0xca: {  	_ =	sfence.sel $0x180000  }
0xcb: {  	[bflag:$0x0] =	sbarrier.arrive $0xFFFF  }
0xcc: {  	_ =	strace $0x9000004D  }
0xcd: {  	[bflag:$0x2] =	sbarrier.arrive $0xFFFF  }
0xce: {  	p0 =	sne.s32 s1, $0x0;
	s0 =	rddreg [dreg:$0x2]  }
0xcf: {  	s0 =	sadd.s32 @!p0 $0x100000, s0  }
0xd0: {  	[sflag:s0] =	ssyncadd.tile.s32 @!p0 $0x1;
	_ =	shalt  }
.Lfunc_end2:
_tile_overlayer_lowered:
.L_overlay_start_2:
0xd1: {  	(tag) =	ssettag $0x2  }
0xd2: {  	s0 =	rddreg [dreg:$0x0];
	s2 =	stileid.u32  }
0xd3: {  	s1 =	rddreg [dreg:$0x1];
	p0 =	sne.s32 s2, $0x0  }
0xd4: {  	s3 =	rddreg [dreg:$0x2];
	[bflag:$0x3] =	sbarrier.arrive $0xFFFF;
	s2 =	simm.s32 @!p0 $0x1C05  }
0xd5: {  	[timem:s3], [sflag:s2] =	dma.local @!p0 [hbm:s0], s1  }
0xd6: {  	s0 =	simm.s32 @!p0 $0x5  }
0xd7: {  	_ =	swait.ge @!p0 [sflag:s0], s1  }
0xd8: {  	s1 =	ssub.s32 @!p0 $0x0, s1;
	[sflag:s0] =	ssyncset.done @!p0 $0x0  }
0xd9: {  	[sflag:s0] =	ssyncadd.s32 @!p0 s1  }
0xda: {  	[bflag:$0x3] =	sbarrier.arrive $0xFFFF  }
0xdb: {  	_ =	shalt  }

// kernel: kernel.6.cloned.1.call-start
scs
__scs_entry_jumppad:
0x0: {  	(pc) =	sbr.rel $0x88, $3  }
0x1: {  	(tag) =	ssettag $0x0;
	lr =	simm.s32 $0x1  }
0x2: {  	[smem:$0x3F9F] =	sst lr;
	_ =	strace $0xD0000000  }
0x3: {  	_ = 	snop  }
0x4: {  	_ = 	snop  }
0x5: {  	_ = 	snop  }
0x6: {  	_ = 	snop  }
0x7: {  	_ = 	snop  }
__scs_overlays_trampoline_lowered:
0x8: {  	[smem:$0x3FAE] =	sst s0  }
0x9: {  	[smem:$0x3FAF] =	sst s1  }
0xa: {  	[smem:$0x3FB0] =	sst s2  }
0xb: {  	[smem:$0x3FB1] =	sst s3  }
0xc: {  	[smem:$0x3FB2] =	sst s4  }
0xd: {  	[smem:$0x3FB3] =	sst s5  }
0xe: {  	[smem:$0x3FB4] =	sst s6  }
0xf: {  	[smem:$0x3FB5] =	sst s7  }
0x10: {  	[smem:$0x3FB6] =	sst s8  }
0x11: {  	[smem:$0x3FB7] =	sst s9;
	s0 =	simm.s32 @!p0 $0x0  }
0x12: {  	s1 =	sld [smem:$0x3F9D];
	s0 =	simm.s32 @p0 $0x1  }
0x13: {  	[smem:$0x3FB8] =	sst s0;
	s0 =	simm.s32 @!p1 $0x0  }
0x14: {  	s2 =	sld [smem:$0x3F9C];
	s0 =	simm.s32 @p1 $0x1  }
0x15: {  	[smem:$0x3FB9] =	sst s0;
	s0 =	simm.s32 @!p2 $0x0  }
0x16: {  	s3 =	sld [smem:$0x3FDB];
	s0 =	simm.s32 @p2 $0x1  }
0x17: {  	s4 =	simm.s32 $0x1BF5;
	[smem:$0x3FBB] =	sst s0  }
0x18: {  	s0 =	sld [smem:$0x3F9E];
	_ =	swait.ge [sflag:s4], $0x0  }
0x19: {  	s7 =	sld [smem:$0x3F9F]  }
0x1a: {  	s8 =	sadd.s32 $0xFFFFE003, lr  }
0x1b: {  	s9 =	sadd.s32 $0xFFFFFEF7, lr;
	s5 =	simm.s32 $0xFFFFFFFF;
	p2 =	slt.u32 s8, $0xFFFFF086  }
0x1c: {  	p1 =	slt.u32 s9, $0xF7A;
	s5 =	simm.s32 @!p2 $0x0  }
0x1d: {  	s5 =	simm.s32 @p1 $0x1;
	p0 =	seq.s32 s7, s2  }
0x1e: {  	s7 =	smul.u32 @!p0 $0xF7A, s2;
	p2 =	seq.s32 @!p0 s5, $0x0  }
0x1f: {  	s9 =	smul.u32 $0xF7A, s1;
	s8 =	simm.s32 @!p0 $0x1BF5;
	p2 =	por !p2, p0  }
0x20: {  	[sflag:s8] =	ssyncset.s32 @!p0 $0xFFFFF086;
	s6 =	sadd.s32 @!p0 s3, s7;
	s7 =	simm.s32 @!p0 $0x108  }
0x21: {  	s3 =	sadd.s32 s3, s9;
	s6 =	sadd.s32 @!p0 $0x88, s6;
	s7 =	simm.s32 @p2 $0x1082  }
0x22: {  	[simem:s7], [sflag:s8] =	dma.local @!p0 [hbm:s6], $0xF7A  }
0x23: {  	s9 =	sor.u32 $0xD0000000, s2;
	s6 =	simm.s32 $0x108;
	_ =	swait.ge @!p0 [sflag:s8], $0x0  }
0x24: {  	s3 =	sadd.s32 $0x88, s3;
	s6 =	simm.s32 @!p1 $0x1082;
	[sflag:s4] =	ssyncset.s32 $0xFFFFF086  }
0x25: {  	[simem:s6], [sflag:s4] =	dma.local [hbm:s3], $0xF7A  }
0x26: {  	[smem:$0x3F9F] =	sst s1;
	(tag) =	ssettag s2;
	_ =	strace s9  }
0x27: {  	s1 =	sld [smem:$0x3FAF]  }
0x28: {  	s2 =	sld [smem:$0x3FB0]  }
0x29: {  	s4 =	sld [smem:$0x3FB2]  }
0x2a: {  	p0 =	seq.s32 s5, $0x0;
	s5 =	sld [smem:$0x3FB3]  }
0x2b: {  	s6 =	sld [smem:$0x3FB4]  }
0x2c: {  	s7 =	sld [smem:$0x3FB5]  }
0x2d: {  	s3 =	simm.s32 $0x108;
	s8 =	sld [smem:$0x3FB6]  }
0x2e: {  	s3 =	simm.s32 @!p0 $0x1082;
	s9 =	sld [smem:$0x3FB7]  }
0x2f: {  	lr =	sadd.s32 s0, s3;
	s0 =	sld [smem:$0x3FAE]  }
0x30: {  	s3 =	sld [smem:$0x3FB1]  }
0x31: {  	[smem:$0x3FBA] =	sst s10  }
0x32: {  	s10 =	sld [smem:$0x3FB8];
	_ =	sdelay $0x3  }
0x33: {  	p0 =	seq.s32 s10, $0x1;
	s10 =	sld [smem:$0x3FBA];
	_ =	sdelay $0x3  }
0x34: {  	[smem:$0x3FBA] =	sst s10  }
0x35: {  	s10 =	sld [smem:$0x3FB9];
	_ =	sdelay $0x3  }
0x36: {  	p1 =	seq.s32 s10, $0x1;
	s10 =	sld [smem:$0x3FBA];
	_ =	sdelay $0x3  }
0x37: {  	[smem:$0x3FBA] =	sst s10  }
0x38: {  	s10 =	sld [smem:$0x3FBB]  }
0x39: {  	_ = 	snop;
	(pc) =	sbr.ind lr, $3  }
0x3a: {  	_ = 	snop  }
0x3b: {  	_ = 	snop  }
0x3c: {  	p2 =	seq.s32 s10, $0x1;
	s10 =	sld [smem:$0x3FBA]  }
0x3d: {  	_ =	shalt  }
0x3e: {  	_ =	shalt  }
0x3f: {  	_ =	shalt  }
0x40: {  	_ =	shalt  }
0x41: {  	_ =	shalt  }
0x42: {  	_ =	shalt  }
0x43: {  	_ =	shalt  }
0x44: {  	_ =	shalt  }
0x45: {  	_ =	shalt  }
0x46: {  	_ =	shalt  }
0x47: {  	_ =	shalt  }
0x48: {  	_ =	shalt  }
0x49: {  	_ =	shalt  }
0x4a: {  	_ =	shalt  }
0x4b: {  	_ =	shalt  }
0x4c: {  	_ =	shalt  }
0x4d: {  	_ =	shalt  }
0x4e: {  	_ =	shalt  }
0x4f: {  	_ =	shalt  }
0x50: {  	_ =	shalt  }
0x51: {  	_ =	shalt  }
0x52: {  	_ =	shalt  }
0x53: {  	_ =	shalt  }
0x54: {  	_ =	shalt  }
0x55: {  	_ =	shalt  }
0x56: {  	_ =	shalt  }
0x57: {  	_ =	shalt  }
0x58: {  	_ =	shalt  }
0x59: {  	_ =	shalt  }
0x5a: {  	_ =	shalt  }
0x5b: {  	_ =	shalt  }
0x5c: {  	_ =	shalt  }
0x5d: {  	_ =	shalt  }
0x5e: {  	_ =	shalt  }
0x5f: {  	_ =	shalt  }
0x60: {  	_ =	shalt  }
0x61: {  	_ =	shalt  }
0x62: {  	_ =	shalt  }
0x63: {  	_ =	shalt  }
0x64: {  	_ =	shalt  }
0x65: {  	_ =	shalt  }
0x66: {  	_ =	shalt  }
0x67: {  	_ =	shalt  }
0x68: {  	_ =	shalt  }
0x69: {  	_ =	shalt  }
0x6a: {  	_ =	shalt  }
0x6b: {  	_ =	shalt  }
0x6c: {  	_ =	shalt  }
0x6d: {  	_ =	shalt  }
0x6e: {  	_ =	shalt  }
0x6f: {  	_ =	shalt  }
0x70: {  	_ =	shalt  }
0x71: {  	_ =	shalt  }
0x72: {  	_ =	shalt  }
0x73: {  	_ =	shalt  }
0x74: {  	_ =	shalt  }
0x75: {  	_ =	shalt  }
0x76: {  	_ =	shalt  }
0x77: {  	_ =	shalt  }
0x78: {  	_ =	shalt  }
0x79: {  	_ =	shalt  }
0x7a: {  	_ =	shalt  }
0x7b: {  	_ =	shalt  }
0x7c: {  	_ =	shalt  }
0x7d: {  	_ =	shalt  }
0x7e: {  	_ =	shalt  }
0x7f: {  	_ =	shalt  }
0x80: {  	_ =	shalt  }
0x81: {  	_ =	shalt  }
0x82: {  	_ =	shalt  }
0x83: {  	_ =	shalt  }
0x84: {  	_ =	shalt  }
0x85: {  	_ =	shalt  }
0x86: {  	_ =	shalt  }
0x87: {  	_ =	shalt  }
.Lfunc_end0:
.L_simem_size_0:
called_computation_lowered:
.L_overlay_start_0:
0x88: {  	s2 =	sld [smem:$0x3FD9]  }
0x89: {  	s3 =	sld [smem:$0x3FFE];
	_ =	sdelay $0x1  }
0x8a: {  	s1 =	srdreg.scid  }
0x8b: {  	s0 =	sand.u32 $0x1, s1  }
0x8c: {  	s17 =	sshll.u32 s0, $0xA;
	s2 =	sadd.s32 s3, s2  }
0x8d: {  	s2 =	sadd.s32 s2, s17  }
0x8e: {  	[smem:$0x3FC6] =	sst s2  }
0x8f: {  	_ = 	snop  }
0x90: {  	s18 =	sld [smem:$0x3FD0];
	(tm) =	ssettm $0x1  }
0x91: {  	s19 =	sld [smem:$0x3FFB];
	_ =	sdelay $0x3  }
0x92: {  	_ =	strace s19  }
0x93: {  	s2 =	sld [smem:$0x3FFC];
	_ =	sdelay $0x3  }
0x94: {  	_ =	strace s2  }
0x95: {  	s2 =	sld [smem:$0x3FFD];
	_ =	sdelay $0x3  }
0x96: {  	_ =	strace s2  }
0x97: {  	_ =	strace $0x8FFFFFFF  }
0x98: {  	s20 =	sld [smem:$0x3FDB];
	_ =	sdelay $0x1  }
0x99: {  	s4 =	simm.s32 $_scs_section_size  }
0x9a: {  	s5 =	simm.s32 $_size__tile_overlayer_lowered;
	s6 =	simm.s32 $_tile_overlayer_lowered  }
0x9b: {  	s7 =	simm.s32 $0x1BFF;
	s21 =	sshll.u32 s6, $0x1;
	s4 =	sadd.s32 s4, s20  }
0x9c: {  	s22 =	simm.s32 $0x0;
	s5 =	sshll.u32 s5, $0x1;
	s6 =	sadd.s32 s21, s4  }
0x9d: {  	[timem:s22], [sflag:s7] =	dma.local [hbm:s6], s5  }
0x9e: {  	_ =	swait.ge [sflag:s7], s5  }
0x9f: {  	s5 =	ssub.s32 $0x0, s5;
	[sflag:s7] =	ssyncset.done $0x0  }
0xa0: {  	[sflag:s7] =	ssyncadd.s32 s5;
	_ =	sdelay $0x1  }
0xa1: {  	s23 =	simm.s32 $0x1B8B  }
0xa2: {  	_ =	swait.ge [sflag:s23], $0x1  }
0xa3: {  	[sflag:s23] =	ssyncset.done $0x0  }
0xa4: {  	[sflag:s23] =	ssyncadd.s32 $0xFFFFFFFF  }
0xa5: {  	s5 =	sld [smem:$0x0]  }
0xa6: {  	s6 =	sand.u32 $0xFFFFFFFE, s1  }
0xa7: {  	p0 =	sne.s32 s1, s6  }
0xa8: {  	s6 =	sshll.u32 @p0 s6, $0xE  }
0xa9: {  	s6 =	sadd.s32 @p0 $0x11B8D, s6;
	s7 =	sshll.u32 @p0 s5, $0x11  }
0xaa: {  	s6 =	sor.u32 @p0 s7, s6  }
0xab: {  	[sflag:s6] =	ssyncadd.remote.s32 @p0 $0x1;
	_ =	sdelay $0x1  }
0xac: {  	s6 =	simm.s32 @p0 $0x1B8D  }
0xad: {  	_ =	swait.eq @p0 [sflag:s6], $0x1  }
0xae: {  	[sflag:s6] =	ssyncadd.s32 @p0 $0xFFFFFFFF  }
0xaf: {  	s7 =	sshll.u32 @!p0 s1, $0xE  }
0xb0: {  	s7 =	sor.u32 @!p0 $0x4000, s7;
	s6 =	simm.s32 @!p0 $0x1B8D  }
0xb1: {  	s5 =	sshll.u32 @!p0 s5, $0x11;
	s7 =	sadd.s32 @!p0 $0x11B8D, s7;
	_ =	swait.eq @!p0 [sflag:s6], $0x1  }
0xb2: {  	s5 =	sor.u32 @!p0 s5, s7;
	[sflag:s6] =	ssyncadd.s32 @!p0 $0xFFFFFFFF  }
0xb3: {  	s25 =	simm.s32 $0x1B8E;
	s24 =	sld [smem:$0x3FFE];
	[sflag:s5] =	ssyncadd.remote.s32 @!p0 $0x1  }
0xb4: {  	s26 =	simm.s32 $execute0_lowered;
	[smem:$0x3FD2] =	sst s25  }
0xb5: {  	s6 =	sshll.u32 s26, $0x1;
	_ =	strace $0x8000004F;
	[dreg:$0x1] =	wrdreg $0xFFFFFFFF  }
0xb6: {  	s28 =	simm.s32 $_size_execute0_lowered;
	s4 =	sadd.s32 s4, s6;
	[dreg:$0x0] =	wrdreg $0x0  }
0xb7: {  	s6 =	sshll.u32 s28, $0x1;
	[dreg:$0x2] =	wrdreg s4  }
0xb8: {  	[dreg:$0x3] =	wrdreg s6  }
0xb9: {  	[dreg:$0x4] =	wrdreg $0xC0  }
0xba: {  	_ =	task [dreg:s22], $0x5FFFF  }
0xbb: {  	[dreg:$0x1] =	wrdreg $0xFFFFFFFF  }
0xbc: {  	[dreg:$0x0] =	wrdreg $0x60  }
0xbd: {  	[dreg:$0x2] =	wrdreg s24  }
0xbe: {  	[dreg:$0x3] =	wrdreg s18  }
0xbf: {  	[dreg:$0x4] =	wrdreg $0x9  }
0xc0: {  	_ =	task.clear_ibuf [dreg:s22], $0x5FFFF;
	_ =	strace $0x9000004F  }
0xc1: {  	s29 =	simm.s32 $0x9;
	_ =	strace $0x80000051  }
0xc2: {  	_ =	swait.ge [sflag:s29], $0x1  }
0xc3: {  	[sflag:s29] =	ssyncadd.s32 $0xFFFFFFFF  }
0xc4: {  	_ =	strace $0x90000051  }
0xc5: {  	_ =	sfence  }
0xc6: {  	s30 =	sld [smem:$0x0];
	_ =	sdelay $0x2  }
0xc7: {  	s31 =	sshll.u32 s1, $0xD;
	s1 =	sshrl.u32 s1, $0x2  }
0xc8: {  	s4 =	sand.u32 $0x4000, s31;
	s1 =	sadd.s32 s1, s30  }
0xc9: {  	s0 =	sor.u32 s4, s0;
	s1 =	sshll.u32 s1, $0x11  }
0xca: {  	s0 =	sor.u32 s1, s0  }
0xcb: {  	s0 =	sadd.s32 $0x8F2B, s0  }
0xcc: {  	[sflag:s0] =	ssyncadd.remote.s32 $0x1  }
0xcd: {  	_ =	sfence.sel $0xFFFF  }
0xce: {  	[dreg:$0x0] =	wrdreg $0xFFFFFFFF;
	(pc) =	sbr.abs _section_cstart, $3  }
0xcf: {  	[dreg:$0x1] =	wrdreg $0xFFFFFFFF  }
0xd0: {  	_ =	task.clear_ibuf [dreg:s22], $0x2FFFF;
	_ =	strace $0x9FFFFFFF  }
0xd1: {  	(tm) =	ssettm $0x7FFFFFFF  }
tec
execute0_lowered:
.L_overlay_start_1:
0x0: {  	(tag) =	ssettag $0x1  }
0x1: {  	s3 =	rddreg [dreg:$0x0]  }
0x2: {  	s4 =	rddreg [dreg:$0x1]  }
0x3: {  	s1 =	stileid.u32;
	s5 =	srdreg.scid  }
0x4: {  	s2 =	simm.s32 $0x0;
	s12 =	simm.s32 $0x1;
	s13 =	simm.s32 $0x2710  }
0x5: {  	s14 =	simm.s32 $0x4E20;
	s15 =	simm.s32 $0x7530;
	s16 =	simm.s32 $0x9C40  }
0x6: {  	s17 =	simm.s32 $0xC350;
	s18 =	simm.s32 $0xEA60;
	s19 =	simm.s32 $0x11170  }
0x7: {  	s20 =	simm.s32 $0x19C80;
	s21 =	simm.s32 $0x2;
	s22 =	simm.s32 $0x1A480  }
0x8: {  	s23 =	simm.s32 $0x3;
	s24 =	simm.s32 $0x4;
	s25 =	simm.s32 $0x0  }
0x9: {  	s6 =	sshll.u32 s1, $0x1;
	s5 =	sand.u32 $0x1, s5;
	[smem:$0x7FF] =	sst s2  }
0xa: {  	s7 =	sadd.s32 $0x1FE00, s3;
	s9 =	sshll.u32 s1, $0x8;
	s10 =	sshrl.u32 s1, $0x1  }
0xb: {  	s6 =	sand.u32 $0x2, s6;
	_ =	strace $0x80000050;
	s11 =	smul.u32 $0x6400, s10  }
0xc: {  	s9 =	sand.u32 $0xE00, s9;
	s10 =	smul.u32 $0xC80, s10;
	s6 =	sor.u32 s5, s6  }
0xd: {  	v0 =	vlaneseq.u32;
	s5 =	ssub.s32 $0x2, s5;
	s8 =	sshll.u32 s6, $0xC;
	s6 =	smul.u32 $0x2710, s6  }
0xe: {  	v1 =	vmul.u32 $0x32, v0;
	v2 =	vmul.u32 $0x8, v0;
	s30 =	sshrl.u32 s5, $0x1;
	s31 =	sshrl.u32 s11, $0x3;
	s11 =	simm.s32 $0x16A80  }
0xf: {  	s8 =	sor.u32 s9, s8;
	s9 =	ssub.s32 s5, s30;
	s5 =	sadd.s32 s7, s31  }
0x10: {  	v4 =	vimm.f32 $1.000000000e+00;
	v3 =	vadd.s32 $0x2, v1;
	v5 =	vor.u32 $0x1, v2;
	s8 =	sadd.s32 s8, s3;
	s3 =	sadd.s32 s4, s6;
	s4 =	sadd.s32 s7, s10  }
0x11: {  	v6 =	vor.u32 $0x2, v2;
	v7 =	vor.u32 $0x3, v2;
	v8 =	vor.u32 $0x4, v2;
	s5 =	sadd.s32 $0x640, s5;
	s10 =	simm.s32 $0x13880;
	s6 =	sadd.s32 $0x26200, s8  }
0x12: {  	v9 =	vor.u32 $0x5, v2;
	v10 =	vor.u32 $0x6, v2;
	v11 =	vor.u32 $0x7, v2;
	s7 =	sadd.s32 $0x26300, s8;
	s8 =	smax.u32 s9, $0x1;
	s9 =	simm.s32 $0x5  }
.LBB2_1:
0x13: {  	[tilespmem:s2], [sflag:$0x5] =	stream.linear.gather [hbm4b:s3+s2], $0x13880, $0x38;
	[tilespmem:$0x1AC80] =	vst v63  }
0x14: {  	_ =	swait.ge [sflag:s9], $0x13880  }
0x15: {  	[sflag:s9] =	ssyncset.done $0x0  }
0x16: {  	[sflag:s9] =	ssyncadd.s32 $0xFFFEC780  }
0x17: {  	v12 =	vld [tilespmem:$0x0]  }
0x18: {  	v13 =	vld [tilespmem:$0x2710]  }
0x19: {  	v14 =	vld [tilespmem:$0x4E20]  }
0x1a: {  	v15 =	vld [tilespmem:$0x7530]  }
0x1b: {  	vm0 =	veq.s32 v0, $0x0;
	v16 =	vld [tilespmem:$0x9C40]  }
0x1c: {  	v17 =	vld [tilespmem:$0xC350];
	v12 =	vsel vm0, $0x0, v12  }
0x1d: {  	v56 =	vld [tilespmem:$0xEA60];
	v55 =	vsel vm0, $0x0, v13;
	[tilespmem:$0x0] =	vst v12  }
0x1e: {  	v58 =	vld [tilespmem:$0x11170];
	v57 =	vsel vm0, $0x0, v14;
	[tilespmem:$0x2710] =	vst v55  }
0x1f: {  	v59 =	vsel vm0, $0x0, v15;
	[tilespmem:$0x4E20] =	vst v57  }
0x20: {  	v60 =	vsel vm0, $0x0, v16;
	[tilespmem:$0x7530] =	vst v59  }
0x21: {  	v61 =	vsel vm0, $0x0, v17;
	[tilespmem:$0x9C40] =	vst v60  }
0x22: {  	v62 =	vsel vm0, $0x0, v56;
	[tilespmem:$0xC350] =	vst v61  }
0x23: {  	v63 =	vsel vm0, $0x0, v58;
	[tilespmem:$0xEA60] =	vst v62  }
0x24: {  	[tilespmem:$0x11170] =	vst v63  }
0x25: {  	[tilespmem:s10], [sflag:$0x1] =	stream.linear.gather [hbm4b:s4+s2], $0x3200, $0x38;
	[tilespmem:$0x1AC80] =	vst v63  }
0x26: {  	_ = 	snop  }
0x27: {  	[tilespmem:s11], [sflag:$0x2] =	stream.linear.gather [hbm4b:s5+s2], $0x3200, $0x38;
	[tilespmem:$0x1AC80] =	vst v63  }
0x28: {  	_ =	swait.ge [sflag:s12], $0x3200  }
0x29: {  	[sflag:s12] =	ssyncset.done $0x0  }
0x2a: {  	s26 =	simm.s32 $0x0;
	[sflag:s12] =	ssyncadd.s32 $0xFFFFCE00  }
.LBB2_2:
0x2b: {  	s28 =	smul.u32 $0x320, s26;
	_ =	sdelay $0x1  }
0x2c: {  	v13 =	vadd.s32 s28, v1;
	_ =	sdelay $0x4  }
0x2d: {  	s29 =	simm.s32 $0x1;
	v14 =	vld.idx.msk [tilespmem:v13+s10+$0x0], $0xffff  }
0x2e: {  	v12 =	vadd.s32 s29, v13;
	s29 =	simm.s32 $0x3  }
0x2f: {  	v16 =	vadd.s32 s29, v13;
	_ =	sdelay $0x3  }
0x30: {  	v18 =	vld.idx.msk [tilespmem:v12+s10+$0x0], $0xffff  }
0x31: {  	v16 =	vld.idx.msk [tilespmem:v16+s10+$0x0], $0xffff  }
0x32: {  	v23 =	vld.idx.msk [tilespmem:v14+s17+$0x0], $0xffff  }
0x33: {  	v25 =	vld.idx.msk [tilespmem:v14+s16+$0x0], $0xffff  }
0x34: {  	v19 =	vadd.s32 s28, v3;
	s28 =	simm.s32 $0x0;
	v27 =	vld.idx.msk [tilespmem:v14+s15+$0x0], $0xffff  }
0x35: {  	v30 =	vadd.s32 s28, v19;
	v28 =	vld.idx.msk [tilespmem:v14+s14+$0x0], $0xffff  }
0x36: {  	v33 =	vld.idx.msk [tilespmem:v14+s13+$0x0], $0xffff  }
0x37: {  	v34 =	vld.idx.msk [tilespmem:v14+s2+$0x0], $0xffff  }
0x38: {  	v32 =	vld.idx.msk [tilespmem:v14+s19+$0x0], $0xffff  }
0x39: {  	v29 =	vld.idx.msk [tilespmem:v14+s18+$0x0], $0xffff  }
0x3a: {  	vm0 =	veq.s32 v14, $0x0;
	v14 =	vld.idx.msk [tilespmem:v30+s10+$0x0], $0xffff  }
0x3b: {  	v15 =	vld.idx.msk [tilespmem:v18+s13+$0x0], $0xffff  }
0x3c: {  	v20 =	vld.idx.msk [tilespmem:v18+s17+$0x0], $0xffff  }
0x3d: {  	v21 =	vimm.f32 $0.0e+00;
	v26 =	vsel vm0, $0x0, v4;
	v22 =	vld.idx.msk [tilespmem:v18+s16+$0x0], $0xffff  }
0x3e: {  	vm15 =	veq.s32 v18, $0x0;
	v26 =	vadd.f32 v26, v21;
	v17 =	vld.idx.msk [tilespmem:v18+s19+$0x0], $0xffff  }
0x3f: {  	v31 =	vsel vm15, $0x0, v4;
	v24 =	vld.idx.msk [tilespmem:v18+s14+$0x0], $0xffff  }
0x40: {  	v12 =	vld.idx.msk [tilespmem:v18+s15+$0x0], $0xffff;
	v26 =	vadd.f32 v31, v26  }
0x41: {  	v30 =	vld.idx.msk [tilespmem:v18+s2+$0x0], $0xffff;
	v36 =	vadd.f32 v28, v21;
	v31 =	vadd.f32 v27, v21  }
0x42: {  	v28 =	vld.idx.msk [tilespmem:v18+s18+$0x0], $0xffff;
	v33 =	vadd.f32 v33, v21;
	v27 =	vadd.f32 v25, v21  }
0x43: {  	v25 =	vld.idx.msk [tilespmem:v16+s13+$0x0], $0xffff;
	v35 =	vadd.f32 v23, v21;
	v34 =	vadd.f32 v34, v21;
	v18 =	vmov v16  }
0x44: {  	s28 =	simm.s32 $0x2;
	s29 =	simm.s32 $0x4;
	v23 =	vld.idx.msk [tilespmem:v16+s17+$0x0], $0xffff;
	v24 =	vadd.f32 v24, v36;
	v22 =	vadd.f32 v22, v27;
	v27 =	vimm.f32 $0.0e+00  }
.LBB2_3:
0x45: {  	s30 =	sadd.s32 $0x1, s29  }
0x46: {  	p0 =	slt.u32 s29, $0x30;
	v36 =	vld.idx.msk [tilespmem:v16+s16+$0x0], $0xffff;
	v21 =	vadd.f32 v32, v21;
	v35 =	vadd.f32 v20, v35;
	s31 =	smov.u32 s29;
	s29 =	sadd.s32 $0x2, s29  }
0x47: {  	v20 =	vadd.f32 v29, v27;
	v33 =	vadd.f32 v15, v33;
	v32 =	vadd.s32 s30, v13;
	v16 =	vld.idx.msk [tilespmem:v16+s19+$0x0], $0xffff  }
0x48: {  	vm0 =	veq.s32 v14, $0x0;
	v31 =	vadd.f32 v12, v31;
	v12 =	vld.idx.msk [tilespmem:v18+s15+$0x0], $0xffff;
	v21 =	vadd.f32 v17, v21  }
0x49: {  	v29 =	vsel vm0, $0x0, v4;
	v34 =	vadd.f32 v30, v34;
	v27 =	vadd.f32 v28, v20;
	v37 =	vld.idx.msk [tilespmem:v14+s17+$0x0], $0xffff  }
0x4a: {  	vm0 =	veq.s32 v18, $0x0;
	v29 =	vadd.f32 v29, v26;
	v15 =	vmov v25;
	v38 =	vld.idx.msk [tilespmem:v18+s14+$0x0], $0xffff  }
0x4b: {  	v26 =	vsel vm0, $0x0, v4;
	v20 =	vmov v23;
	v25 =	vld.idx.msk [tilespmem:v14+s16+$0x0], $0xffff  }
0x4c: {  	v26 =	vadd.f32 v26, v29;
	v23 =	vld.idx.msk [tilespmem:v14+s15+$0x0], $0xffff  }
0x4d: {  	v17 =	vmov v16;
	v28 =	vld.idx.msk [tilespmem:v14+s14+$0x0], $0xffff  }
0x4e: {  	v30 =	vadd.s32 s28, v19;
	s28 =	smov.u32 s31;
	v16 =	vld.idx.msk [tilespmem:v32+s10+$0x0], $0xffff  }
0x4f: {  	v39 =	vld.idx.msk [tilespmem:v14+s13+$0x0], $0xffff  }
0x50: {  	v40 =	vld.idx.msk [tilespmem:v14+s2+$0x0], $0xffff  }
0x51: {  	v32 =	vld.idx.msk [tilespmem:v14+s19+$0x0], $0xffff  }
0x52: {  	v29 =	vld.idx.msk [tilespmem:v14+s18+$0x0], $0xffff  }
.Ltmp0:
0x53: {  	v24 =	vadd.f32 v28, v24;
	v14 =	vld.idx.msk [tilespmem:v30+s10+$0x0], $0xffff;
	(pc) =	sbr.rel @p0 .LBB2_3-.Ltmp0, $4  }
0x54: {  	v31 =	vadd.f32 v23, v31;
	v28 =	vld.idx.msk [tilespmem:v18+s18+$0x0], $0xffff  }
0x55: {  	v22 =	vadd.f32 v25, v22;
	v33 =	vadd.f32 v39, v33;
	v30 =	vld.idx.msk [tilespmem:v18+s2+$0x0], $0xffff;
	v18 =	vmov v16  }
0x56: {  	v35 =	vadd.f32 v37, v35;
	v24 =	vadd.f32 v38, v24;
	v25 =	vld.idx.msk [tilespmem:v16+s13+$0x0], $0xffff  }
0x57: {  	v22 =	vadd.f32 v36, v22;
	v34 =	vadd.f32 v40, v34;
	v23 =	vld.idx.msk [tilespmem:v16+s17+$0x0], $0xffff  }
0x58: {  	_ = 	snop  }
0x59: {  	vm0 =	veq.s32 v14, $0x0  }
0x5a: {  	v13 =	vsel vm0, $0x0, v4  }
0x5b: {  	vm15 =	veq.s32 v18, $0x0;
	v13 =	vadd.f32 v13, v26  }
0x5c: {  	v19 =	vld.idx.msk [tilespmem:v14+s17+$0x0], $0xffff;
	v62 =	vsel vm15, $0x0, v4  }
0x5d: {  	v36 =	vld.idx.msk [tilespmem:v18+s14+$0x0], $0xffff;
	v13 =	vadd.f32 v62, v13  }
0x5e: {  	v63 =	vld.idx.msk [tilespmem:v14+s15+$0x0], $0xffff  }
0x5f: {  	v37 =	vld.idx.msk [tilespmem:v14+s14+$0x0], $0xffff;
	v13 =	vmax.f32 v13, $1.000000000e+00  }
0x60: {  	v40 =	vld.idx.msk [tilespmem:v14+s13+$0x0], $0xffff;
	(erf) = vrcp.f32 v13  }
0x61: {  	v41 =	vld.idx.msk [tilespmem:v14+s2+$0x0], $0xffff  }
0x62: {  	v21 =	vadd.f32 v32, v21;
	v20 =	vadd.f32 v20, v35;
	v42 =	vld.idx.msk [tilespmem:v14+s16+$0x0], $0xffff  }
0x63: {  	v27 =	vadd.f32 v29, v27;
	v15 =	vadd.f32 v15, v33;
	v43 =	vld.idx.msk [tilespmem:v18+s2+$0x0], $0xffff  }
0x64: {  	v12 =	vadd.f32 v12, v31;
	v45 =	vld.idx.msk [tilespmem:v14+s19+$0x0], $0xffff;
	s28 =	sshll.u32 s26, $0x7;
	v30 =	vadd.f32 v30, v34  }
0x65: {  	v46 =	vld.idx.msk [tilespmem:v18+s15+$0x0], $0xffff;
	v49 =	vor.u32 s28, v2;
	v17 =	vadd.f32 v17, v21;
	v27 =	vadd.f32 v28, v27  }
0x66: {  	v48 =	vld.idx.msk [tilespmem:v14+s18+$0x0], $0xffff;
	v50 =	vor.u32 s28, v5;
	v24 =	vadd.f32 v37, v24;
	v47 =	vadd.f32 v41, v30  }
0x67: {  	v44 =	vld.idx.msk [tilespmem:v16+s16+$0x0], $0xffff;
	v53 =	vor.u32 s28, v6;
	v12 =	vadd.f32 v63, v12;
	v13 =	vadd.f32 v40, v15  }
0x68: {  	v55 =	vor.u32 s28, v7;
	v22 =	vadd.f32 v42, v22;
	v15 =	vadd.f32 v43, v47  }
0x69: {  	v51 =	vld.idx.msk [tilespmem:v18+s18+$0x0], $0xffff;
	v56 =	vor.u32 s28, v8;
	v19 =	vadd.f32 v19, v20;
	v13 =	vadd.f32 v25, v13;
	v52 =	vpop (erf)  }
0x6a: {  	v54 =	vld.idx.msk [tilespmem:v16+s19+$0x0], $0xffff;
	v17 =	vadd.f32 v45, v17;
	v24 =	vadd.f32 v36, v24;
	v15 =	vmul.f32 v52, v15  }
0x6b: {  	v14 =	vadd.f32 v48, v27;
	v12 =	vadd.f32 v46, v12;
	v13 =	vmul.f32 v52, v13  }
0x6c: {  	v58 =	vor.u32 s28, v9;
	v22 =	vadd.f32 v44, v22;
	v57 =	vmul.f32 v52, v24;
	[tilespmem:v49+s20+$0x0] =	vst.idx.msk $0xffff, v15  }
0x6d: {  	s26 =	sadd.s32 $0x1, s26;
	v59 =	vor.u32 s28, v10;
	v19 =	vadd.f32 v23, v19;
	v12 =	vmul.f32 v52, v12;
	[tilespmem:v50+s20+$0x0] =	vst.idx.msk $0xffff, v13  }
0x6e: {  	v61 =	vor.u32 s28, v11;
	p0 =	sne.s32 s26, $0x10;
	v14 =	vadd.f32 v51, v14;
	v60 =	vmul.f32 v52, v22;
	[tilespmem:v53+s20+$0x0] =	vst.idx.msk $0xffff, v57  }
.Ltmp1:
0x6f: {  	v16 =	vadd.f32 v54, v17;
	v62 =	vmul.f32 v52, v19;
	[tilespmem:v55+s20+$0x0] =	vst.idx.msk $0xffff, v12;
	(pc) =	sbr.rel @p0 .LBB2_2-.Ltmp1, $4  }
0x70: {  	v14 =	vmul.f32 v52, v14;
	[tilespmem:v56+s20+$0x0] =	vst.idx.msk $0xffff, v60  }
0x71: {  	v63 =	vmul.f32 v52, v16;
	[tilespmem:v58+s20+$0x0] =	vst.idx.msk $0xffff, v62  }
0x72: {  	[tilespmem:v59+s20+$0x0] =	vst.idx.msk $0xffff, v14  }
0x73: {  	[tilespmem:v61+s20+$0x0] =	vst.idx.msk $0xffff, v63  }
0x74: {  	s26 =	simm.s32 $0x0  }
0x75: {  	[hbm4b:s6+s26] =	stream.linear.scatter [tilespmem:s20], [sflag:$0x3], $0x800, $0x38;
	[tilespmem:$0x1AC80] =	vst v63  }
0x76: {  	_ =	swait.ge [sflag:s21], $0x3200  }
0x77: {  	[sflag:s21] =	ssyncset.done $0x0  }
0x78: {  	s28 =	simm.s32 $0x0;
	[sflag:s21] =	ssyncadd.s32 $0xFFFFCE00  }
.LBB2_6:
0x79: {  	s29 =	smul.u32 $0x320, s28;
	_ =	sdelay $0x1  }
0x7a: {  	v14 =	vadd.s32 s29, v1;
	_ =	sdelay $0x4  }
0x7b: {  	s30 =	simm.s32 $0x1;
	v13 =	vld.idx.msk [tilespmem:v14+s11+$0x0], $0xffff  }
0x7c: {  	v12 =	vadd.s32 s30, v14;
	s30 =	simm.s32 $0x3  }
0x7d: {  	v16 =	vadd.s32 s30, v14;
	_ =	sdelay $0x3  }
0x7e: {  	v18 =	vld.idx.msk [tilespmem:v12+s11+$0x0], $0xffff  }
0x7f: {  	v16 =	vld.idx.msk [tilespmem:v16+s11+$0x0], $0xffff  }
0x80: {  	v23 =	vld.idx.msk [tilespmem:v13+s17+$0x0], $0xffff  }
0x81: {  	v25 =	vld.idx.msk [tilespmem:v13+s16+$0x0], $0xffff  }
0x82: {  	v19 =	vadd.s32 s29, v3;
	v27 =	vld.idx.msk [tilespmem:v13+s15+$0x0], $0xffff  }
0x83: {  	v30 =	vadd.s32 s26, v19;
	v28 =	vld.idx.msk [tilespmem:v13+s14+$0x0], $0xffff  }
0x84: {  	v33 =	vld.idx.msk [tilespmem:v13+s13+$0x0], $0xffff  }
0x85: {  	v34 =	vld.idx.msk [tilespmem:v13+s2+$0x0], $0xffff  }
0x86: {  	v32 =	vld.idx.msk [tilespmem:v13+s19+$0x0], $0xffff  }
0x87: {  	v29 =	vld.idx.msk [tilespmem:v13+s18+$0x0], $0xffff  }
0x88: {  	vm0 =	veq.s32 v13, $0x0;
	v13 =	vld.idx.msk [tilespmem:v30+s11+$0x0], $0xffff  }
0x89: {  	v15 =	vld.idx.msk [tilespmem:v18+s13+$0x0], $0xffff  }
0x8a: {  	v20 =	vld.idx.msk [tilespmem:v18+s17+$0x0], $0xffff  }
0x8b: {  	v21 =	vimm.f32 $0.0e+00;
	v26 =	vsel vm0, $0x0, v4;
	v22 =	vld.idx.msk [tilespmem:v18+s16+$0x0], $0xffff  }
0x8c: {  	vm15 =	veq.s32 v18, $0x0;
	v26 =	vadd.f32 v26, v21;
	v17 =	vld.idx.msk [tilespmem:v18+s19+$0x0], $0xffff  }
0x8d: {  	v31 =	vsel vm15, $0x0, v4;
	v24 =	vld.idx.msk [tilespmem:v18+s14+$0x0], $0xffff  }
0x8e: {  	v12 =	vld.idx.msk [tilespmem:v18+s15+$0x0], $0xffff;
	v26 =	vadd.f32 v31, v26  }
0x8f: {  	v30 =	vld.idx.msk [tilespmem:v18+s2+$0x0], $0xffff;
	v36 =	vadd.f32 v28, v21;
	v31 =	vadd.f32 v27, v21  }
0x90: {  	v28 =	vld.idx.msk [tilespmem:v18+s18+$0x0], $0xffff;
	v33 =	vadd.f32 v33, v21;
	v27 =	vadd.f32 v25, v21  }
0x91: {  	v25 =	vld.idx.msk [tilespmem:v16+s13+$0x0], $0xffff;
	v35 =	vadd.f32 v23, v21;
	v34 =	vadd.f32 v34, v21;
	v18 =	vmov v16  }
0x92: {  	s29 =	simm.s32 $0x2;
	s30 =	simm.s32 $0x4;
	v23 =	vld.idx.msk [tilespmem:v16+s17+$0x0], $0xffff;
	v24 =	vadd.f32 v24, v36;
	v22 =	vadd.f32 v22, v27;
	v27 =	vimm.f32 $0.0e+00  }
.LBB2_7:
0x93: {  	s31 =	sadd.s32 $0x1, s30  }
0x94: {  	p0 =	slt.u32 s30, $0x30;
	v36 =	vld.idx.msk [tilespmem:v16+s16+$0x0], $0xffff;
	v21 =	vadd.f32 v32, v21;
	v35 =	vadd.f32 v20, v35;
	s0 =	smov.u32 s30;
	s30 =	sadd.s32 $0x2, s30  }
0x95: {  	v20 =	vadd.f32 v29, v27;
	v33 =	vadd.f32 v15, v33;
	v32 =	vadd.s32 s31, v14;
	v16 =	vld.idx.msk [tilespmem:v16+s19+$0x0], $0xffff  }
0x96: {  	vm0 =	veq.s32 v13, $0x0;
	v31 =	vadd.f32 v12, v31;
	v12 =	vld.idx.msk [tilespmem:v18+s15+$0x0], $0xffff;
	v21 =	vadd.f32 v17, v21  }
0x97: {  	v29 =	vsel vm0, $0x0, v4;
	v34 =	vadd.f32 v30, v34;
	v27 =	vadd.f32 v28, v20;
	v37 =	vld.idx.msk [tilespmem:v13+s17+$0x0], $0xffff  }
0x98: {  	vm0 =	veq.s32 v18, $0x0;
	v29 =	vadd.f32 v29, v26;
	v15 =	vmov v25;
	v38 =	vld.idx.msk [tilespmem:v18+s14+$0x0], $0xffff  }
0x99: {  	v26 =	vsel vm0, $0x0, v4;
	v20 =	vmov v23;
	v25 =	vld.idx.msk [tilespmem:v13+s16+$0x0], $0xffff  }
0x9a: {  	v26 =	vadd.f32 v26, v29;
	v23 =	vld.idx.msk [tilespmem:v13+s15+$0x0], $0xffff  }
0x9b: {  	v17 =	vmov v16;
	v28 =	vld.idx.msk [tilespmem:v13+s14+$0x0], $0xffff  }
0x9c: {  	v30 =	vadd.s32 s29, v19;
	s29 =	smov.u32 s0;
	v16 =	vld.idx.msk [tilespmem:v32+s11+$0x0], $0xffff  }
0x9d: {  	v39 =	vld.idx.msk [tilespmem:v13+s13+$0x0], $0xffff  }
0x9e: {  	v40 =	vld.idx.msk [tilespmem:v13+s2+$0x0], $0xffff  }
0x9f: {  	v32 =	vld.idx.msk [tilespmem:v13+s19+$0x0], $0xffff  }
0xa0: {  	v29 =	vld.idx.msk [tilespmem:v13+s18+$0x0], $0xffff  }
.Ltmp2:
0xa1: {  	v24 =	vadd.f32 v28, v24;
	v13 =	vld.idx.msk [tilespmem:v30+s11+$0x0], $0xffff;
	(pc) =	sbr.rel @p0 .LBB2_7-.Ltmp2, $4  }
0xa2: {  	v31 =	vadd.f32 v23, v31;
	v28 =	vld.idx.msk [tilespmem:v18+s18+$0x0], $0xffff  }
0xa3: {  	v22 =	vadd.f32 v25, v22;
	v33 =	vadd.f32 v39, v33;
	v30 =	vld.idx.msk [tilespmem:v18+s2+$0x0], $0xffff;
	v18 =	vmov v16  }
0xa4: {  	v35 =	vadd.f32 v37, v35;
	v24 =	vadd.f32 v38, v24;
	v25 =	vld.idx.msk [tilespmem:v16+s13+$0x0], $0xffff  }
0xa5: {  	v22 =	vadd.f32 v36, v22;
	v34 =	vadd.f32 v40, v34;
	v23 =	vld.idx.msk [tilespmem:v16+s17+$0x0], $0xffff  }
0xa6: {  	_ = 	snop  }
0xa7: {  	vm0 =	veq.s32 v13, $0x0  }
0xa8: {  	v14 =	vsel vm0, $0x0, v4  }
0xa9: {  	vm15 =	veq.s32 v18, $0x0;
	v14 =	vadd.f32 v14, v26  }
0xaa: {  	v19 =	vld.idx.msk [tilespmem:v13+s17+$0x0], $0xffff;
	v62 =	vsel vm15, $0x0, v4  }
0xab: {  	v36 =	vld.idx.msk [tilespmem:v18+s14+$0x0], $0xffff;
	v14 =	vadd.f32 v62, v14  }
0xac: {  	v63 =	vld.idx.msk [tilespmem:v13+s15+$0x0], $0xffff  }
0xad: {  	v37 =	vld.idx.msk [tilespmem:v13+s14+$0x0], $0xffff;
	v14 =	vmax.f32 v14, $1.000000000e+00  }
0xae: {  	v40 =	vld.idx.msk [tilespmem:v13+s13+$0x0], $0xffff;
	(erf) = vrcp.f32 v14  }
0xaf: {  	v41 =	vld.idx.msk [tilespmem:v13+s2+$0x0], $0xffff  }
0xb0: {  	v21 =	vadd.f32 v32, v21;
	v20 =	vadd.f32 v20, v35;
	v42 =	vld.idx.msk [tilespmem:v13+s16+$0x0], $0xffff  }
0xb1: {  	v27 =	vadd.f32 v29, v27;
	v15 =	vadd.f32 v15, v33;
	v43 =	vld.idx.msk [tilespmem:v18+s2+$0x0], $0xffff  }
0xb2: {  	v12 =	vadd.f32 v12, v31;
	v45 =	vld.idx.msk [tilespmem:v13+s19+$0x0], $0xffff;
	s0 =	sshll.u32 s28, $0x7;
	v30 =	vadd.f32 v30, v34  }
0xb3: {  	v46 =	vld.idx.msk [tilespmem:v18+s15+$0x0], $0xffff;
	v49 =	vor.u32 s0, v2;
	v17 =	vadd.f32 v17, v21;
	v27 =	vadd.f32 v28, v27  }
0xb4: {  	v48 =	vld.idx.msk [tilespmem:v13+s18+$0x0], $0xffff;
	v50 =	vor.u32 s0, v5;
	v24 =	vadd.f32 v37, v24;
	v47 =	vadd.f32 v41, v30  }
0xb5: {  	v44 =	vld.idx.msk [tilespmem:v16+s16+$0x0], $0xffff;
	v53 =	vor.u32 s0, v6;
	v12 =	vadd.f32 v63, v12;
	v14 =	vadd.f32 v40, v15  }
0xb6: {  	v55 =	vor.u32 s0, v7;
	v22 =	vadd.f32 v42, v22;
	v15 =	vadd.f32 v43, v47  }
0xb7: {  	v51 =	vld.idx.msk [tilespmem:v18+s18+$0x0], $0xffff;
	v56 =	vor.u32 s0, v8;
	v19 =	vadd.f32 v19, v20;
	v14 =	vadd.f32 v25, v14;
	v52 =	vpop (erf)  }
0xb8: {  	v54 =	vld.idx.msk [tilespmem:v16+s19+$0x0], $0xffff;
	v17 =	vadd.f32 v45, v17;
	v24 =	vadd.f32 v36, v24;
	v15 =	vmul.f32 v52, v15  }
0xb9: {  	v13 =	vadd.f32 v48, v27;
	v12 =	vadd.f32 v46, v12;
	v14 =	vmul.f32 v52, v14  }
0xba: {  	v58 =	vor.u32 s0, v9;
	v22 =	vadd.f32 v44, v22;
	v57 =	vmul.f32 v52, v24;
	[tilespmem:v49+s22+$0x0] =	vst.idx.msk $0xffff, v15  }
0xbb: {  	s28 =	sadd.s32 $0x1, s28;
	v59 =	vor.u32 s0, v10;
	v19 =	vadd.f32 v23, v19;
	v12 =	vmul.f32 v52, v12;
	[tilespmem:v50+s22+$0x0] =	vst.idx.msk $0xffff, v14  }
0xbc: {  	v61 =	vor.u32 s0, v11;
	p0 =	sne.s32 s28, $0x10;
	v13 =	vadd.f32 v51, v13;
	v60 =	vmul.f32 v52, v22;
	[tilespmem:v53+s22+$0x0] =	vst.idx.msk $0xffff, v57  }
.Ltmp3:
0xbd: {  	v16 =	vadd.f32 v54, v17;
	v62 =	vmul.f32 v52, v19;
	[tilespmem:v55+s22+$0x0] =	vst.idx.msk $0xffff, v12;
	(pc) =	sbr.rel @p0 .LBB2_6-.Ltmp3, $4  }
0xbe: {  	v13 =	vmul.f32 v52, v13;
	[tilespmem:v56+s22+$0x0] =	vst.idx.msk $0xffff, v60  }
0xbf: {  	v63 =	vmul.f32 v52, v16;
	[tilespmem:v58+s22+$0x0] =	vst.idx.msk $0xffff, v62  }
0xc0: {  	[tilespmem:v59+s22+$0x0] =	vst.idx.msk $0xffff, v13  }
0xc1: {  	[tilespmem:v61+s22+$0x0] =	vst.idx.msk $0xffff, v63  }
0xc2: {  	[hbm4b:s7+s2] =	stream.linear.scatter [tilespmem:s22], [sflag:$0x4], $0x800, $0x38;
	[tilespmem:$0x1AC80] =	vst v63  }
0xc3: {  	s25 =	sadd.s32 $0x1, s25  }
0xc4: {  	_ =	swait.ge [sflag:s23], $0x800;
	p0 =	sne.s32 s25, s8  }
.Ltmp4:
0xc5: {  	[sflag:s23] =	ssyncset.done $0x0;
	(pc) =	sbr.rel @p0 .LBB2_1-.Ltmp4, $4  }
0xc6: {  	[sflag:s23] =	ssyncadd.s32 $0xFFFFF800  }
0xc7: {  	_ =	swait.ge [sflag:s24], $0x800  }
0xc8: {  	[sflag:s24] =	ssyncset.done $0x0  }
0xc9: {  	[sflag:s24] =	ssyncadd.s32 $0xFFFFF800  }
0xca: {  	_ =	sfence.sel $0x180000  }
0xcb: {  	[bflag:$0x0] =	sbarrier.arrive $0xFFFF  }
0xcc: {  	_ =	strace $0x90000050  }
0xcd: {  	[bflag:$0x2] =	sbarrier.arrive $0xFFFF  }
0xce: {  	p0 =	sne.s32 s1, $0x0;
	s0 =	rddreg [dreg:$0x2]  }
0xcf: {  	s0 =	sadd.s32 @!p0 $0x100000, s0  }
0xd0: {  	[sflag:s0] =	ssyncadd.tile.s32 @!p0 $0x1;
	_ =	shalt  }
.Lfunc_end2:
_tile_overlayer_lowered:
.L_overlay_start_2:
0xd1: {  	(tag) =	ssettag $0x2  }
0xd2: {  	s0 =	rddreg [dreg:$0x0];
	s2 =	stileid.u32  }
0xd3: {  	s1 =	rddreg [dreg:$0x1];
	p0 =	sne.s32 s2, $0x0  }
0xd4: {  	s3 =	rddreg [dreg:$0x2];
	[bflag:$0x3] =	sbarrier.arrive $0xFFFF;
	s2 =	simm.s32 @!p0 $0x1C05  }
0xd5: {  	[timem:s3], [sflag:s2] =	dma.local @!p0 [hbm:s0], s1  }
0xd6: {  	s0 =	simm.s32 @!p0 $0x5  }
0xd7: {  	_ =	swait.ge @!p0 [sflag:s0], s1  }
0xd8: {  	s1 =	ssub.s32 @!p0 $0x0, s1;
	[sflag:s0] =	ssyncset.done @!p0 $0x0  }
0xd9: {  	[sflag:s0] =	ssyncadd.s32 @!p0 s1  }
0xda: {  	[bflag:$0x3] =	sbarrier.arrive $0xFFFF  }
0xdb: {  	_ =	shalt  }

// kernel: kernel.9.cloned.1.call-start
scs
__scs_entry_jumppad:
0x0: {  	(pc) =	sbr.rel $0x88, $3  }
0x1: {  	(tag) =	ssettag $0x0;
	lr =	simm.s32 $0x1  }
0x2: {  	[smem:$0x3F9F] =	sst lr;
	_ =	strace $0xD0000000  }
0x3: {  	_ = 	snop  }
0x4: {  	_ = 	snop  }
0x5: {  	_ = 	snop  }
0x6: {  	_ = 	snop  }
0x7: {  	_ = 	snop  }
__scs_overlays_trampoline_lowered:
0x8: {  	[smem:$0x3FAE] =	sst s0  }
0x9: {  	[smem:$0x3FAF] =	sst s1  }
0xa: {  	[smem:$0x3FB0] =	sst s2  }
0xb: {  	[smem:$0x3FB1] =	sst s3  }
0xc: {  	[smem:$0x3FB2] =	sst s4  }
0xd: {  	[smem:$0x3FB3] =	sst s5  }
0xe: {  	[smem:$0x3FB4] =	sst s6  }
0xf: {  	[smem:$0x3FB5] =	sst s7  }
0x10: {  	[smem:$0x3FB6] =	sst s8  }
0x11: {  	[smem:$0x3FB7] =	sst s9;
	s0 =	simm.s32 @!p0 $0x0  }
0x12: {  	s1 =	sld [smem:$0x3F9D];
	s0 =	simm.s32 @p0 $0x1  }
0x13: {  	[smem:$0x3FB8] =	sst s0;
	s0 =	simm.s32 @!p1 $0x0  }
0x14: {  	s2 =	sld [smem:$0x3F9C];
	s0 =	simm.s32 @p1 $0x1  }
0x15: {  	[smem:$0x3FB9] =	sst s0;
	s0 =	simm.s32 @!p2 $0x0  }
0x16: {  	s3 =	sld [smem:$0x3FDB];
	s0 =	simm.s32 @p2 $0x1  }
0x17: {  	s4 =	simm.s32 $0x1BF5;
	[smem:$0x3FBB] =	sst s0  }
0x18: {  	s0 =	sld [smem:$0x3F9E];
	_ =	swait.ge [sflag:s4], $0x0  }
0x19: {  	s7 =	sld [smem:$0x3F9F]  }
0x1a: {  	s8 =	sadd.s32 $0xFFFFE003, lr  }
0x1b: {  	s9 =	sadd.s32 $0xFFFFFEF7, lr;
	s5 =	simm.s32 $0xFFFFFFFF;
	p2 =	slt.u32 s8, $0xFFFFF086  }
0x1c: {  	p1 =	slt.u32 s9, $0xF7A;
	s5 =	simm.s32 @!p2 $0x0  }
0x1d: {  	s5 =	simm.s32 @p1 $0x1;
	p0 =	seq.s32 s7, s2  }
0x1e: {  	s7 =	smul.u32 @!p0 $0xF7A, s2;
	p2 =	seq.s32 @!p0 s5, $0x0  }
0x1f: {  	s9 =	smul.u32 $0xF7A, s1;
	s8 =	simm.s32 @!p0 $0x1BF5;
	p2 =	por !p2, p0  }
0x20: {  	[sflag:s8] =	ssyncset.s32 @!p0 $0xFFFFF086;
	s6 =	sadd.s32 @!p0 s3, s7;
	s7 =	simm.s32 @!p0 $0x108  }
0x21: {  	s3 =	sadd.s32 s3, s9;
	s6 =	sadd.s32 @!p0 $0x88, s6;
	s7 =	simm.s32 @p2 $0x1082  }
0x22: {  	[simem:s7], [sflag:s8] =	dma.local @!p0 [hbm:s6], $0xF7A  }
0x23: {  	s9 =	sor.u32 $0xD0000000, s2;
	s6 =	simm.s32 $0x108;
	_ =	swait.ge @!p0 [sflag:s8], $0x0  }
0x24: {  	s3 =	sadd.s32 $0x88, s3;
	s6 =	simm.s32 @!p1 $0x1082;
	[sflag:s4] =	ssyncset.s32 $0xFFFFF086  }
0x25: {  	[simem:s6], [sflag:s4] =	dma.local [hbm:s3], $0xF7A  }
0x26: {  	[smem:$0x3F9F] =	sst s1;
	(tag) =	ssettag s2;
	_ =	strace s9  }
0x27: {  	s1 =	sld [smem:$0x3FAF]  }
0x28: {  	s2 =	sld [smem:$0x3FB0]  }
0x29: {  	s4 =	sld [smem:$0x3FB2]  }
0x2a: {  	p0 =	seq.s32 s5, $0x0;
	s5 =	sld [smem:$0x3FB3]  }
0x2b: {  	s6 =	sld [smem:$0x3FB4]  }
0x2c: {  	s7 =	sld [smem:$0x3FB5]  }
0x2d: {  	s3 =	simm.s32 $0x108;
	s8 =	sld [smem:$0x3FB6]  }
0x2e: {  	s3 =	simm.s32 @!p0 $0x1082;
	s9 =	sld [smem:$0x3FB7]  }
0x2f: {  	lr =	sadd.s32 s0, s3;
	s0 =	sld [smem:$0x3FAE]  }
0x30: {  	s3 =	sld [smem:$0x3FB1]  }
0x31: {  	[smem:$0x3FBA] =	sst s10  }
0x32: {  	s10 =	sld [smem:$0x3FB8];
	_ =	sdelay $0x3  }
0x33: {  	p0 =	seq.s32 s10, $0x1;
	s10 =	sld [smem:$0x3FBA];
	_ =	sdelay $0x3  }
0x34: {  	[smem:$0x3FBA] =	sst s10  }
0x35: {  	s10 =	sld [smem:$0x3FB9];
	_ =	sdelay $0x3  }
0x36: {  	p1 =	seq.s32 s10, $0x1;
	s10 =	sld [smem:$0x3FBA];
	_ =	sdelay $0x3  }
0x37: {  	[smem:$0x3FBA] =	sst s10  }
0x38: {  	s10 =	sld [smem:$0x3FBB]  }
0x39: {  	_ = 	snop;
	(pc) =	sbr.ind lr, $3  }
0x3a: {  	_ = 	snop  }
0x3b: {  	_ = 	snop  }
0x3c: {  	p2 =	seq.s32 s10, $0x1;
	s10 =	sld [smem:$0x3FBA]  }
0x3d: {  	_ =	shalt  }
0x3e: {  	_ =	shalt  }
0x3f: {  	_ =	shalt  }
0x40: {  	_ =	shalt  }
0x41: {  	_ =	shalt  }
0x42: {  	_ =	shalt  }
0x43: {  	_ =	shalt  }
0x44: {  	_ =	shalt  }
0x45: {  	_ =	shalt  }
0x46: {  	_ =	shalt  }
0x47: {  	_ =	shalt  }
0x48: {  	_ =	shalt  }
0x49: {  	_ =	shalt  }
0x4a: {  	_ =	shalt  }
0x4b: {  	_ =	shalt  }
0x4c: {  	_ =	shalt  }
0x4d: {  	_ =	shalt  }
0x4e: {  	_ =	shalt  }
0x4f: {  	_ =	shalt  }
0x50: {  	_ =	shalt  }
0x51: {  	_ =	shalt  }
0x52: {  	_ =	shalt  }
0x53: {  	_ =	shalt  }
0x54: {  	_ =	shalt  }
0x55: {  	_ =	shalt  }
0x56: {  	_ =	shalt  }
0x57: {  	_ =	shalt  }
0x58: {  	_ =	shalt  }
0x59: {  	_ =	shalt  }
0x5a: {  	_ =	shalt  }
0x5b: {  	_ =	shalt  }
0x5c: {  	_ =	shalt  }
0x5d: {  	_ =	shalt  }
0x5e: {  	_ =	shalt  }
0x5f: {  	_ =	shalt  }
0x60: {  	_ =	shalt  }
0x61: {  	_ =	shalt  }
0x62: {  	_ =	shalt  }
0x63: {  	_ =	shalt  }
0x64: {  	_ =	shalt  }
0x65: {  	_ =	shalt  }
0x66: {  	_ =	shalt  }
0x67: {  	_ =	shalt  }
0x68: {  	_ =	shalt  }
0x69: {  	_ =	shalt  }
0x6a: {  	_ =	shalt  }
0x6b: {  	_ =	shalt  }
0x6c: {  	_ =	shalt  }
0x6d: {  	_ =	shalt  }
0x6e: {  	_ =	shalt  }
0x6f: {  	_ =	shalt  }
0x70: {  	_ =	shalt  }
0x71: {  	_ =	shalt  }
0x72: {  	_ =	shalt  }
0x73: {  	_ =	shalt  }
0x74: {  	_ =	shalt  }
0x75: {  	_ =	shalt  }
0x76: {  	_ =	shalt  }
0x77: {  	_ =	shalt  }
0x78: {  	_ =	shalt  }
0x79: {  	_ =	shalt  }
0x7a: {  	_ =	shalt  }
0x7b: {  	_ =	shalt  }
0x7c: {  	_ =	shalt  }
0x7d: {  	_ =	shalt  }
0x7e: {  	_ =	shalt  }
0x7f: {  	_ =	shalt  }
0x80: {  	_ =	shalt  }
0x81: {  	_ =	shalt  }
0x82: {  	_ =	shalt  }
0x83: {  	_ =	shalt  }
0x84: {  	_ =	shalt  }
0x85: {  	_ =	shalt  }
0x86: {  	_ =	shalt  }
0x87: {  	_ =	shalt  }
.Lfunc_end0:
.L_simem_size_0:
called_computation.1_lowered:
.L_overlay_start_0:
0x88: {  	s2 =	sld [smem:$0x3FD9]  }
0x89: {  	s3 =	sld [smem:$0x3FFE];
	_ =	sdelay $0x1  }
0x8a: {  	s1 =	srdreg.scid  }
0x8b: {  	s0 =	sand.u32 $0x1, s1  }
0x8c: {  	s17 =	sshll.u32 s0, $0xA;
	s2 =	sadd.s32 s3, s2  }
0x8d: {  	s2 =	sadd.s32 s2, s17  }
0x8e: {  	[smem:$0x3FC6] =	sst s2  }
0x8f: {  	_ = 	snop  }
0x90: {  	s2 =	sld [smem:$0x3FD0];
	(tm) =	ssettm $0x1  }
0x91: {  	s18 =	sld [smem:$0x3FFB];
	_ =	sdelay $0x3  }
0x92: {  	_ =	strace s18  }
0x93: {  	s3 =	sld [smem:$0x3FFC];
	_ =	sdelay $0x3  }
0x94: {  	_ =	strace s3  }
0x95: {  	s3 =	sld [smem:$0x3FFD];
	_ =	sdelay $0x3  }
0x96: {  	_ =	strace s3  }
0x97: {  	_ =	strace $0x8FFFFFFF  }
0x98: {  	s19 =	sld [smem:$0x3FDB];
	_ =	sdelay $0x1  }
0x99: {  	s4 =	simm.s32 $_scs_section_size  }
0x9a: {  	s5 =	simm.s32 $_size__tile_overlayer_lowered;
	s6 =	simm.s32 $_tile_overlayer_lowered  }
0x9b: {  	s22 =	simm.s32 $0x1BFF;
	s21 =	sshll.u32 s6, $0x1;
	s3 =	sadd.s32 s4, s19  }
0x9c: {  	s7 =	simm.s32 $0x0;
	s20 =	sshll.u32 s5, $0x1;
	s5 =	sadd.s32 s21, s3  }
0x9d: {  	[timem:s7], [sflag:s22] =	dma.local [hbm:s5], s20  }
0x9e: {  	_ =	swait.ge [sflag:s22], s20  }
0x9f: {  	s4 =	ssub.s32 $0x0, s20;
	[sflag:s22] =	ssyncset.done $0x0  }
0xa0: {  	[sflag:s22] =	ssyncadd.s32 s4;
	_ =	sdelay $0x1  }
0xa1: {  	s23 =	simm.s32 $0x1B8B  }
0xa2: {  	_ =	swait.ge [sflag:s23], $0x1  }
0xa3: {  	[sflag:s23] =	ssyncset.done $0x0  }
0xa4: {  	s25 =	simm.s32 $0x1B8E;
	s24 =	sld [smem:$0x3FFE];
	[sflag:s23] =	ssyncadd.s32 $0xFFFFFFFF  }
0xa5: {  	s26 =	simm.s32 $execute0_lowered;
	[smem:$0x3FD2] =	sst s25  }
0xa6: {  	s5 =	sshll.u32 s26, $0x1;
	_ =	strace $0x80000046;
	[dreg:$0x1] =	wrdreg $0xFFFFFFFF  }
0xa7: {  	s28 =	simm.s32 $_size_execute0_lowered;
	s3 =	sadd.s32 s3, s5;
	[dreg:$0x0] =	wrdreg $0x0  }
0xa8: {  	s5 =	sshll.u32 s28, $0x1;
	[dreg:$0x2] =	wrdreg s3  }
0xa9: {  	[dreg:$0x3] =	wrdreg s5  }
0xaa: {  	[dreg:$0x4] =	wrdreg $0xC0  }
0xab: {  	_ =	task [dreg:s7], $0x5FFFF  }
0xac: {  	[dreg:$0x1] =	wrdreg $0xFFFFFFFF  }
0xad: {  	[dreg:$0x0] =	wrdreg $0x60  }
0xae: {  	[dreg:$0x2] =	wrdreg s24  }
0xaf: {  	[dreg:$0x3] =	wrdreg s2  }
0xb0: {  	[dreg:$0x4] =	wrdreg $0xA  }
0xb1: {  	_ =	task.clear_ibuf [dreg:s7], $0x5FFFF;
	_ =	strace $0x90000046  }
0xb2: {  	s29 =	simm.s32 $0xA;
	_ =	strace $0x80000048  }
0xb3: {  	_ =	swait.ge [sflag:s29], $0x1  }
0xb4: {  	[sflag:s29] =	ssyncadd.s32 $0xFFFFFFFF  }
0xb5: {  	_ =	strace $0x90000048  }
0xb6: {  	_ =	sfence  }
0xb7: {  	s30 =	sld [smem:$0x0];
	_ =	sdelay $0x2  }
0xb8: {  	s31 =	sshll.u32 s1, $0xD;
	s1 =	sshrl.u32 s1, $0x2  }
0xb9: {  	s3 =	sand.u32 $0x4000, s31;
	s1 =	sadd.s32 s1, s30  }
0xba: {  	s0 =	sor.u32 s3, s0;
	s1 =	sshll.u32 s1, $0x11  }
0xbb: {  	s0 =	sor.u32 s1, s0  }
0xbc: {  	s0 =	sadd.s32 $0x8F2B, s0  }
0xbd: {  	[sflag:s0] =	ssyncadd.remote.s32 $0x1  }
0xbe: {  	_ =	sfence.sel $0xFFFF  }
0xbf: {  	[dreg:$0x0] =	wrdreg $0xFFFFFFFF;
	(pc) =	sbr.abs _section_cstart, $3  }
0xc0: {  	[dreg:$0x1] =	wrdreg $0xFFFFFFFF  }
0xc1: {  	_ =	task.clear_ibuf [dreg:s7], $0x2FFFF;
	_ =	strace $0x9FFFFFFF  }
0xc2: {  	(tm) =	ssettm $0x7FFFFFFF  }
0xc3: {  	_ =	shalt  }
tec
execute0_lowered:
.L_overlay_start_1:
0x0: {  	(tag) =	ssettag $0x1  }
0x1: {  	s3 =	rddreg [dreg:$0x0]  }
0x2: {  	s4 =	rddreg [dreg:$0x1]  }
0x3: {  	s1 =	stileid.u32;
	s5 =	srdreg.scid  }
0x4: {  	s2 =	simm.s32 $0x0;
	s12 =	simm.s32 $0x1;
	s13 =	simm.s32 $0x2710  }
0x5: {  	s14 =	simm.s32 $0x4E20;
	s15 =	simm.s32 $0x7530;
	s16 =	simm.s32 $0x9C40  }
0x6: {  	s17 =	simm.s32 $0xC350;
	s18 =	simm.s32 $0xEA60;
	s19 =	simm.s32 $0x11170  }
0x7: {  	s20 =	simm.s32 $0x19C80;
	s21 =	simm.s32 $0x2;
	s22 =	simm.s32 $0x1A480  }
0x8: {  	s23 =	simm.s32 $0x3;
	s24 =	simm.s32 $0x4;
	s25 =	simm.s32 $0x0  }
0x9: {  	s6 =	sshll.u32 s1, $0x1;
	s5 =	sand.u32 $0x1, s5;
	[smem:$0x7FF] =	sst s2  }
0xa: {  	s7 =	sadd.s32 $0x1200, s3;
	s9 =	sshll.u32 s1, $0x8;
	s10 =	sshrl.u32 s1, $0x1  }
0xb: {  	s6 =	sand.u32 $0x2, s6;
	_ =	strace $0x80000047;
	s11 =	smul.u32 $0x6400, s10  }
0xc: {  	s9 =	sand.u32 $0xE00, s9;
	s10 =	smul.u32 $0xC80, s10;
	s6 =	sor.u32 s5, s6  }
0xd: {  	v0 =	vlaneseq.u32;
	s5 =	ssub.s32 $0x2, s5;
	s8 =	sshll.u32 s6, $0xC;
	s6 =	smul.u32 $0x2710, s6  }
0xe: {  	v1 =	vmul.u32 $0x32, v0;
	v2 =	vmul.u32 $0x8, v0;
	s30 =	sshrl.u32 s5, $0x1;
	s31 =	sshrl.u32 s11, $0x3;
	s11 =	simm.s32 $0x16A80  }
0xf: {  	s8 =	sor.u32 s9, s8;
	s9 =	ssub.s32 s5, s30;
	s5 =	sadd.s32 s7, s31  }
0x10: {  	v4 =	vimm.f32 $1.000000000e+00;
	v3 =	vadd.s32 $0x2, v1;
	v5 =	vor.u32 $0x1, v2;
	s8 =	sadd.s32 s8, s3;
	s3 =	sadd.s32 s4, s6;
	s4 =	sadd.s32 s7, s10  }
0x11: {  	v6 =	vor.u32 $0x2, v2;
	v7 =	vor.u32 $0x3, v2;
	v8 =	vor.u32 $0x4, v2;
	s5 =	sadd.s32 $0x640, s5;
	s10 =	simm.s32 $0x13880;
	s6 =	sadd.s32 $0x7600, s8  }
0x12: {  	v9 =	vor.u32 $0x5, v2;
	v10 =	vor.u32 $0x6, v2;
	v11 =	vor.u32 $0x7, v2;
	s7 =	sadd.s32 $0x7700, s8;
	s8 =	smax.u32 s9, $0x1;
	s9 =	simm.s32 $0x5  }
.LBB2_1:
0x13: {  	[tilespmem:s2], [sflag:$0x5] =	stream.linear.gather [hbm4b:s3+s2], $0x13880, $0x38;
	[tilespmem:$0x1AC80] =	vst v63  }
0x14: {  	_ =	swait.ge [sflag:s9], $0x13880  }
0x15: {  	[sflag:s9] =	ssyncset.done $0x0  }
0x16: {  	[sflag:s9] =	ssyncadd.s32 $0xFFFEC780  }
0x17: {  	v12 =	vld [tilespmem:$0x0]  }
0x18: {  	v13 =	vld [tilespmem:$0x2710]  }
0x19: {  	v14 =	vld [tilespmem:$0x4E20]  }
0x1a: {  	v15 =	vld [tilespmem:$0x7530]  }
0x1b: {  	vm0 =	veq.s32 v0, $0x0;
	v16 =	vld [tilespmem:$0x9C40]  }
0x1c: {  	v17 =	vld [tilespmem:$0xC350];
	v12 =	vsel vm0, $0x0, v12  }
0x1d: {  	v56 =	vld [tilespmem:$0xEA60];
	v55 =	vsel vm0, $0x0, v13;
	[tilespmem:$0x0] =	vst v12  }
0x1e: {  	v58 =	vld [tilespmem:$0x11170];
	v57 =	vsel vm0, $0x0, v14;
	[tilespmem:$0x2710] =	vst v55  }
0x1f: {  	v59 =	vsel vm0, $0x0, v15;
	[tilespmem:$0x4E20] =	vst v57  }
0x20: {  	v60 =	vsel vm0, $0x0, v16;
	[tilespmem:$0x7530] =	vst v59  }
0x21: {  	v61 =	vsel vm0, $0x0, v17;
	[tilespmem:$0x9C40] =	vst v60  }
0x22: {  	v62 =	vsel vm0, $0x0, v56;
	[tilespmem:$0xC350] =	vst v61  }
0x23: {  	v63 =	vsel vm0, $0x0, v58;
	[tilespmem:$0xEA60] =	vst v62  }
0x24: {  	[tilespmem:$0x11170] =	vst v63  }
0x25: {  	[tilespmem:s10], [sflag:$0x1] =	stream.linear.gather [hbm4b:s4+s2], $0x3200, $0x38;
	[tilespmem:$0x1AC80] =	vst v63  }
0x26: {  	_ = 	snop  }
0x27: {  	[tilespmem:s11], [sflag:$0x2] =	stream.linear.gather [hbm4b:s5+s2], $0x3200, $0x38;
	[tilespmem:$0x1AC80] =	vst v63  }
0x28: {  	_ =	swait.ge [sflag:s12], $0x3200  }
0x29: {  	[sflag:s12] =	ssyncset.done $0x0  }
0x2a: {  	s26 =	simm.s32 $0x0;
	[sflag:s12] =	ssyncadd.s32 $0xFFFFCE00  }
.LBB2_2:
0x2b: {  	s28 =	smul.u32 $0x320, s26;
	_ =	sdelay $0x1  }
0x2c: {  	v13 =	vadd.s32 s28, v1;
	_ =	sdelay $0x4  }
0x2d: {  	s29 =	simm.s32 $0x1;
	v14 =	vld.idx.msk [tilespmem:v13+s10+$0x0], $0xffff  }
0x2e: {  	v12 =	vadd.s32 s29, v13;
	s29 =	simm.s32 $0x3  }
0x2f: {  	v16 =	vadd.s32 s29, v13;
	_ =	sdelay $0x3  }
0x30: {  	v18 =	vld.idx.msk [tilespmem:v12+s10+$0x0], $0xffff  }
0x31: {  	v16 =	vld.idx.msk [tilespmem:v16+s10+$0x0], $0xffff  }
0x32: {  	v23 =	vld.idx.msk [tilespmem:v14+s17+$0x0], $0xffff  }
0x33: {  	v25 =	vld.idx.msk [tilespmem:v14+s16+$0x0], $0xffff  }
0x34: {  	v19 =	vadd.s32 s28, v3;
	s28 =	simm.s32 $0x0;
	v27 =	vld.idx.msk [tilespmem:v14+s15+$0x0], $0xffff  }
0x35: {  	v30 =	vadd.s32 s28, v19;
	v28 =	vld.idx.msk [tilespmem:v14+s14+$0x0], $0xffff  }
0x36: {  	v33 =	vld.idx.msk [tilespmem:v14+s13+$0x0], $0xffff  }
0x37: {  	v34 =	vld.idx.msk [tilespmem:v14+s2+$0x0], $0xffff  }
0x38: {  	v32 =	vld.idx.msk [tilespmem:v14+s19+$0x0], $0xffff  }
0x39: {  	v29 =	vld.idx.msk [tilespmem:v14+s18+$0x0], $0xffff  }
0x3a: {  	vm0 =	veq.s32 v14, $0x0;
	v14 =	vld.idx.msk [tilespmem:v30+s10+$0x0], $0xffff  }
0x3b: {  	v15 =	vld.idx.msk [tilespmem:v18+s13+$0x0], $0xffff  }
0x3c: {  	v20 =	vld.idx.msk [tilespmem:v18+s17+$0x0], $0xffff  }
0x3d: {  	v21 =	vimm.f32 $0.0e+00;
	v26 =	vsel vm0, $0x0, v4;
	v22 =	vld.idx.msk [tilespmem:v18+s16+$0x0], $0xffff  }
0x3e: {  	vm15 =	veq.s32 v18, $0x0;
	v26 =	vadd.f32 v26, v21;
	v17 =	vld.idx.msk [tilespmem:v18+s19+$0x0], $0xffff  }
0x3f: {  	v31 =	vsel vm15, $0x0, v4;
	v24 =	vld.idx.msk [tilespmem:v18+s14+$0x0], $0xffff  }
0x40: {  	v12 =	vld.idx.msk [tilespmem:v18+s15+$0x0], $0xffff;
	v26 =	vadd.f32 v31, v26  }
0x41: {  	v30 =	vld.idx.msk [tilespmem:v18+s2+$0x0], $0xffff;
	v36 =	vadd.f32 v28, v21;
	v31 =	vadd.f32 v27, v21  }
0x42: {  	v28 =	vld.idx.msk [tilespmem:v18+s18+$0x0], $0xffff;
	v33 =	vadd.f32 v33, v21;
	v27 =	vadd.f32 v25, v21  }
0x43: {  	v25 =	vld.idx.msk [tilespmem:v16+s13+$0x0], $0xffff;
	v35 =	vadd.f32 v23, v21;
	v34 =	vadd.f32 v34, v21;
	v18 =	vmov v16  }
0x44: {  	s28 =	simm.s32 $0x2;
	s29 =	simm.s32 $0x4;
	v23 =	vld.idx.msk [tilespmem:v16+s17+$0x0], $0xffff;
	v24 =	vadd.f32 v24, v36;
	v22 =	vadd.f32 v22, v27;
	v27 =	vimm.f32 $0.0e+00  }
.LBB2_3:
0x45: {  	s30 =	sadd.s32 $0x1, s29  }
0x46: {  	p0 =	slt.u32 s29, $0x30;
	v36 =	vld.idx.msk [tilespmem:v16+s16+$0x0], $0xffff;
	v21 =	vadd.f32 v32, v21;
	v35 =	vadd.f32 v20, v35;
	s31 =	smov.u32 s29;
	s29 =	sadd.s32 $0x2, s29  }
0x47: {  	v20 =	vadd.f32 v29, v27;
	v33 =	vadd.f32 v15, v33;
	v32 =	vadd.s32 s30, v13;
	v16 =	vld.idx.msk [tilespmem:v16+s19+$0x0], $0xffff  }
0x48: {  	vm0 =	veq.s32 v14, $0x0;
	v31 =	vadd.f32 v12, v31;
	v12 =	vld.idx.msk [tilespmem:v18+s15+$0x0], $0xffff;
	v21 =	vadd.f32 v17, v21  }
0x49: {  	v29 =	vsel vm0, $0x0, v4;
	v34 =	vadd.f32 v30, v34;
	v27 =	vadd.f32 v28, v20;
	v37 =	vld.idx.msk [tilespmem:v14+s17+$0x0], $0xffff  }
0x4a: {  	vm0 =	veq.s32 v18, $0x0;
	v29 =	vadd.f32 v29, v26;
	v15 =	vmov v25;
	v38 =	vld.idx.msk [tilespmem:v18+s14+$0x0], $0xffff  }
0x4b: {  	v26 =	vsel vm0, $0x0, v4;
	v20 =	vmov v23;
	v25 =	vld.idx.msk [tilespmem:v14+s16+$0x0], $0xffff  }
0x4c: {  	v26 =	vadd.f32 v26, v29;
	v23 =	vld.idx.msk [tilespmem:v14+s15+$0x0], $0xffff  }
0x4d: {  	v17 =	vmov v16;
	v28 =	vld.idx.msk [tilespmem:v14+s14+$0x0], $0xffff  }
0x4e: {  	v30 =	vadd.s32 s28, v19;
	s28 =	smov.u32 s31;
	v16 =	vld.idx.msk [tilespmem:v32+s10+$0x0], $0xffff  }
0x4f: {  	v39 =	vld.idx.msk [tilespmem:v14+s13+$0x0], $0xffff  }
0x50: {  	v40 =	vld.idx.msk [tilespmem:v14+s2+$0x0], $0xffff  }
0x51: {  	v32 =	vld.idx.msk [tilespmem:v14+s19+$0x0], $0xffff  }
0x52: {  	v29 =	vld.idx.msk [tilespmem:v14+s18+$0x0], $0xffff  }
.Ltmp0:
0x53: {  	v24 =	vadd.f32 v28, v24;
	v14 =	vld.idx.msk [tilespmem:v30+s10+$0x0], $0xffff;
	(pc) =	sbr.rel @p0 .LBB2_3-.Ltmp0, $4  }
0x54: {  	v31 =	vadd.f32 v23, v31;
	v28 =	vld.idx.msk [tilespmem:v18+s18+$0x0], $0xffff  }
0x55: {  	v22 =	vadd.f32 v25, v22;
	v33 =	vadd.f32 v39, v33;
	v30 =	vld.idx.msk [tilespmem:v18+s2+$0x0], $0xffff;
	v18 =	vmov v16  }
0x56: {  	v35 =	vadd.f32 v37, v35;
	v24 =	vadd.f32 v38, v24;
	v25 =	vld.idx.msk [tilespmem:v16+s13+$0x0], $0xffff  }
0x57: {  	v22 =	vadd.f32 v36, v22;
	v34 =	vadd.f32 v40, v34;
	v23 =	vld.idx.msk [tilespmem:v16+s17+$0x0], $0xffff  }
0x58: {  	_ = 	snop  }
0x59: {  	vm0 =	veq.s32 v14, $0x0  }
0x5a: {  	v13 =	vsel vm0, $0x0, v4  }
0x5b: {  	vm15 =	veq.s32 v18, $0x0;
	v13 =	vadd.f32 v13, v26  }
0x5c: {  	v19 =	vld.idx.msk [tilespmem:v14+s17+$0x0], $0xffff;
	v62 =	vsel vm15, $0x0, v4  }
0x5d: {  	v36 =	vld.idx.msk [tilespmem:v18+s14+$0x0], $0xffff;
	v13 =	vadd.f32 v62, v13  }
0x5e: {  	v63 =	vld.idx.msk [tilespmem:v14+s15+$0x0], $0xffff  }
0x5f: {  	v37 =	vld.idx.msk [tilespmem:v14+s14+$0x0], $0xffff;
	v13 =	vmax.f32 v13, $1.000000000e+00  }
0x60: {  	v40 =	vld.idx.msk [tilespmem:v14+s13+$0x0], $0xffff;
	(erf) = vrcp.f32 v13  }
0x61: {  	v41 =	vld.idx.msk [tilespmem:v14+s2+$0x0], $0xffff  }
0x62: {  	v21 =	vadd.f32 v32, v21;
	v20 =	vadd.f32 v20, v35;
	v42 =	vld.idx.msk [tilespmem:v14+s16+$0x0], $0xffff  }
0x63: {  	v27 =	vadd.f32 v29, v27;
	v15 =	vadd.f32 v15, v33;
	v43 =	vld.idx.msk [tilespmem:v18+s2+$0x0], $0xffff  }
0x64: {  	v12 =	vadd.f32 v12, v31;
	v45 =	vld.idx.msk [tilespmem:v14+s19+$0x0], $0xffff;
	s28 =	sshll.u32 s26, $0x7;
	v30 =	vadd.f32 v30, v34  }
0x65: {  	v46 =	vld.idx.msk [tilespmem:v18+s15+$0x0], $0xffff;
	v49 =	vor.u32 s28, v2;
	v17 =	vadd.f32 v17, v21;
	v27 =	vadd.f32 v28, v27  }
0x66: {  	v48 =	vld.idx.msk [tilespmem:v14+s18+$0x0], $0xffff;
	v50 =	vor.u32 s28, v5;
	v24 =	vadd.f32 v37, v24;
	v47 =	vadd.f32 v41, v30  }
0x67: {  	v44 =	vld.idx.msk [tilespmem:v16+s16+$0x0], $0xffff;
	v53 =	vor.u32 s28, v6;
	v12 =	vadd.f32 v63, v12;
	v13 =	vadd.f32 v40, v15  }
0x68: {  	v55 =	vor.u32 s28, v7;
	v22 =	vadd.f32 v42, v22;
	v15 =	vadd.f32 v43, v47  }
0x69: {  	v51 =	vld.idx.msk [tilespmem:v18+s18+$0x0], $0xffff;
	v56 =	vor.u32 s28, v8;
	v19 =	vadd.f32 v19, v20;
	v13 =	vadd.f32 v25, v13;
	v52 =	vpop (erf)  }
0x6a: {  	v54 =	vld.idx.msk [tilespmem:v16+s19+$0x0], $0xffff;
	v17 =	vadd.f32 v45, v17;
	v24 =	vadd.f32 v36, v24;
	v15 =	vmul.f32 v52, v15  }
0x6b: {  	v14 =	vadd.f32 v48, v27;
	v12 =	vadd.f32 v46, v12;
	v13 =	vmul.f32 v52, v13  }
0x6c: {  	v58 =	vor.u32 s28, v9;
	v22 =	vadd.f32 v44, v22;
	v57 =	vmul.f32 v52, v24;
	[tilespmem:v49+s20+$0x0] =	vst.idx.msk $0xffff, v15  }
0x6d: {  	s26 =	sadd.s32 $0x1, s26;
	v59 =	vor.u32 s28, v10;
	v19 =	vadd.f32 v23, v19;
	v12 =	vmul.f32 v52, v12;
	[tilespmem:v50+s20+$0x0] =	vst.idx.msk $0xffff, v13  }
0x6e: {  	v61 =	vor.u32 s28, v11;
	p0 =	sne.s32 s26, $0x10;
	v14 =	vadd.f32 v51, v14;
	v60 =	vmul.f32 v52, v22;
	[tilespmem:v53+s20+$0x0] =	vst.idx.msk $0xffff, v57  }
.Ltmp1:
0x6f: {  	v16 =	vadd.f32 v54, v17;
	v62 =	vmul.f32 v52, v19;
	[tilespmem:v55+s20+$0x0] =	vst.idx.msk $0xffff, v12;
	(pc) =	sbr.rel @p0 .LBB2_2-.Ltmp1, $4  }
0x70: {  	v14 =	vmul.f32 v52, v14;
	[tilespmem:v56+s20+$0x0] =	vst.idx.msk $0xffff, v60  }
0x71: {  	v63 =	vmul.f32 v52, v16;
	[tilespmem:v58+s20+$0x0] =	vst.idx.msk $0xffff, v62  }
0x72: {  	[tilespmem:v59+s20+$0x0] =	vst.idx.msk $0xffff, v14  }
0x73: {  	[tilespmem:v61+s20+$0x0] =	vst.idx.msk $0xffff, v63  }
0x74: {  	s26 =	simm.s32 $0x0  }
0x75: {  	[hbm4b:s6+s26] =	stream.linear.scatter [tilespmem:s20], [sflag:$0x3], $0x800, $0x38;
	[tilespmem:$0x1AC80] =	vst v63  }
0x76: {  	_ =	swait.ge [sflag:s21], $0x3200  }
0x77: {  	[sflag:s21] =	ssyncset.done $0x0  }
0x78: {  	s28 =	simm.s32 $0x0;
	[sflag:s21] =	ssyncadd.s32 $0xFFFFCE00  }
.LBB2_6:
0x79: {  	s29 =	smul.u32 $0x320, s28;
	_ =	sdelay $0x1  }
0x7a: {  	v14 =	vadd.s32 s29, v1;
	_ =	sdelay $0x4  }
0x7b: {  	s30 =	simm.s32 $0x1;
	v13 =	vld.idx.msk [tilespmem:v14+s11+$0x0], $0xffff  }
0x7c: {  	v12 =	vadd.s32 s30, v14;
	s30 =	simm.s32 $0x3  }
0x7d: {  	v16 =	vadd.s32 s30, v14;
	_ =	sdelay $0x3  }
0x7e: {  	v18 =	vld.idx.msk [tilespmem:v12+s11+$0x0], $0xffff  }
0x7f: {  	v16 =	vld.idx.msk [tilespmem:v16+s11+$0x0], $0xffff  }
0x80: {  	v23 =	vld.idx.msk [tilespmem:v13+s17+$0x0], $0xffff  }
0x81: {  	v25 =	vld.idx.msk [tilespmem:v13+s16+$0x0], $0xffff  }
0x82: {  	v19 =	vadd.s32 s29, v3;
	v27 =	vld.idx.msk [tilespmem:v13+s15+$0x0], $0xffff  }
0x83: {  	v30 =	vadd.s32 s26, v19;
	v28 =	vld.idx.msk [tilespmem:v13+s14+$0x0], $0xffff  }
0x84: {  	v33 =	vld.idx.msk [tilespmem:v13+s13+$0x0], $0xffff  }
0x85: {  	v34 =	vld.idx.msk [tilespmem:v13+s2+$0x0], $0xffff  }
0x86: {  	v32 =	vld.idx.msk [tilespmem:v13+s19+$0x0], $0xffff  }
0x87: {  	v29 =	vld.idx.msk [tilespmem:v13+s18+$0x0], $0xffff  }
0x88: {  	vm0 =	veq.s32 v13, $0x0;
	v13 =	vld.idx.msk [tilespmem:v30+s11+$0x0], $0xffff  }
0x89: {  	v15 =	vld.idx.msk [tilespmem:v18+s13+$0x0], $0xffff  }
0x8a: {  	v20 =	vld.idx.msk [tilespmem:v18+s17+$0x0], $0xffff  }
0x8b: {  	v21 =	vimm.f32 $0.0e+00;
	v26 =	vsel vm0, $0x0, v4;
	v22 =	vld.idx.msk [tilespmem:v18+s16+$0x0], $0xffff  }
0x8c: {  	vm15 =	veq.s32 v18, $0x0;
	v26 =	vadd.f32 v26, v21;
	v17 =	vld.idx.msk [tilespmem:v18+s19+$0x0], $0xffff  }
0x8d: {  	v31 =	vsel vm15, $0x0, v4;
	v24 =	vld.idx.msk [tilespmem:v18+s14+$0x0], $0xffff  }
0x8e: {  	v12 =	vld.idx.msk [tilespmem:v18+s15+$0x0], $0xffff;
	v26 =	vadd.f32 v31, v26  }
0x8f: {  	v30 =	vld.idx.msk [tilespmem:v18+s2+$0x0], $0xffff;
	v36 =	vadd.f32 v28, v21;
	v31 =	vadd.f32 v27, v21  }
0x90: {  	v28 =	vld.idx.msk [tilespmem:v18+s18+$0x0], $0xffff;
	v33 =	vadd.f32 v33, v21;
	v27 =	vadd.f32 v25, v21  }
0x91: {  	v25 =	vld.idx.msk [tilespmem:v16+s13+$0x0], $0xffff;
	v35 =	vadd.f32 v23, v21;
	v34 =	vadd.f32 v34, v21;
	v18 =	vmov v16  }
0x92: {  	s29 =	simm.s32 $0x2;
	s30 =	simm.s32 $0x4;
	v23 =	vld.idx.msk [tilespmem:v16+s17+$0x0], $0xffff;
	v24 =	vadd.f32 v24, v36;
	v22 =	vadd.f32 v22, v27;
	v27 =	vimm.f32 $0.0e+00  }
.LBB2_7:
0x93: {  	s31 =	sadd.s32 $0x1, s30  }
0x94: {  	p0 =	slt.u32 s30, $0x30;
	v36 =	vld.idx.msk [tilespmem:v16+s16+$0x0], $0xffff;
	v21 =	vadd.f32 v32, v21;
	v35 =	vadd.f32 v20, v35;
	s0 =	smov.u32 s30;
	s30 =	sadd.s32 $0x2, s30  }
0x95: {  	v20 =	vadd.f32 v29, v27;
	v33 =	vadd.f32 v15, v33;
	v32 =	vadd.s32 s31, v14;
	v16 =	vld.idx.msk [tilespmem:v16+s19+$0x0], $0xffff  }
0x96: {  	vm0 =	veq.s32 v13, $0x0;
	v31 =	vadd.f32 v12, v31;
	v12 =	vld.idx.msk [tilespmem:v18+s15+$0x0], $0xffff;
	v21 =	vadd.f32 v17, v21  }
0x97: {  	v29 =	vsel vm0, $0x0, v4;
	v34 =	vadd.f32 v30, v34;
	v27 =	vadd.f32 v28, v20;
	v37 =	vld.idx.msk [tilespmem:v13+s17+$0x0], $0xffff  }
0x98: {  	vm0 =	veq.s32 v18, $0x0;
	v29 =	vadd.f32 v29, v26;
	v15 =	vmov v25;
	v38 =	vld.idx.msk [tilespmem:v18+s14+$0x0], $0xffff  }
0x99: {  	v26 =	vsel vm0, $0x0, v4;
	v20 =	vmov v23;
	v25 =	vld.idx.msk [tilespmem:v13+s16+$0x0], $0xffff  }
0x9a: {  	v26 =	vadd.f32 v26, v29;
	v23 =	vld.idx.msk [tilespmem:v13+s15+$0x0], $0xffff  }
0x9b: {  	v17 =	vmov v16;
	v28 =	vld.idx.msk [tilespmem:v13+s14+$0x0], $0xffff  }
0x9c: {  	v30 =	vadd.s32 s29, v19;
	s29 =	smov.u32 s0;
	v16 =	vld.idx.msk [tilespmem:v32+s11+$0x0], $0xffff  }
0x9d: {  	v39 =	vld.idx.msk [tilespmem:v13+s13+$0x0], $0xffff  }
0x9e: {  	v40 =	vld.idx.msk [tilespmem:v13+s2+$0x0], $0xffff  }
0x9f: {  	v32 =	vld.idx.msk [tilespmem:v13+s19+$0x0], $0xffff  }
0xa0: {  	v29 =	vld.idx.msk [tilespmem:v13+s18+$0x0], $0xffff  }
.Ltmp2:
0xa1: {  	v24 =	vadd.f32 v28, v24;
	v13 =	vld.idx.msk [tilespmem:v30+s11+$0x0], $0xffff;
	(pc) =	sbr.rel @p0 .LBB2_7-.Ltmp2, $4  }
0xa2: {  	v31 =	vadd.f32 v23, v31;
	v28 =	vld.idx.msk [tilespmem:v18+s18+$0x0], $0xffff  }
0xa3: {  	v22 =	vadd.f32 v25, v22;
	v33 =	vadd.f32 v39, v33;
	v30 =	vld.idx.msk [tilespmem:v18+s2+$0x0], $0xffff;
	v18 =	vmov v16  }
0xa4: {  	v35 =	vadd.f32 v37, v35;
	v24 =	vadd.f32 v38, v24;
	v25 =	vld.idx.msk [tilespmem:v16+s13+$0x0], $0xffff  }
0xa5: {  	v22 =	vadd.f32 v36, v22;
	v34 =	vadd.f32 v40, v34;
	v23 =	vld.idx.msk [tilespmem:v16+s17+$0x0], $0xffff  }
0xa6: {  	_ = 	snop  }
0xa7: {  	vm0 =	veq.s32 v13, $0x0  }
0xa8: {  	v14 =	vsel vm0, $0x0, v4  }
0xa9: {  	vm15 =	veq.s32 v18, $0x0;
	v14 =	vadd.f32 v14, v26  }
0xaa: {  	v19 =	vld.idx.msk [tilespmem:v13+s17+$0x0], $0xffff;
	v62 =	vsel vm15, $0x0, v4  }
0xab: {  	v36 =	vld.idx.msk [tilespmem:v18+s14+$0x0], $0xffff;
	v14 =	vadd.f32 v62, v14  }
0xac: {  	v63 =	vld.idx.msk [tilespmem:v13+s15+$0x0], $0xffff  }
0xad: {  	v37 =	vld.idx.msk [tilespmem:v13+s14+$0x0], $0xffff;
	v14 =	vmax.f32 v14, $1.000000000e+00  }
0xae: {  	v40 =	vld.idx.msk [tilespmem:v13+s13+$0x0], $0xffff;
	(erf) = vrcp.f32 v14  }
0xaf: {  	v41 =	vld.idx.msk [tilespmem:v13+s2+$0x0], $0xffff  }
0xb0: {  	v21 =	vadd.f32 v32, v21;
	v20 =	vadd.f32 v20, v35;
	v42 =	vld.idx.msk [tilespmem:v13+s16+$0x0], $0xffff  }
0xb1: {  	v27 =	vadd.f32 v29, v27;
	v15 =	vadd.f32 v15, v33;
	v43 =	vld.idx.msk [tilespmem:v18+s2+$0x0], $0xffff  }
0xb2: {  	v12 =	vadd.f32 v12, v31;
	v45 =	vld.idx.msk [tilespmem:v13+s19+$0x0], $0xffff;
	s0 =	sshll.u32 s28, $0x7;
	v30 =	vadd.f32 v30, v34  }
0xb3: {  	v46 =	vld.idx.msk [tilespmem:v18+s15+$0x0], $0xffff;
	v49 =	vor.u32 s0, v2;
	v17 =	vadd.f32 v17, v21;
	v27 =	vadd.f32 v28, v27  }
0xb4: {  	v48 =	vld.idx.msk [tilespmem:v13+s18+$0x0], $0xffff;
	v50 =	vor.u32 s0, v5;
	v24 =	vadd.f32 v37, v24;
	v47 =	vadd.f32 v41, v30  }
0xb5: {  	v44 =	vld.idx.msk [tilespmem:v16+s16+$0x0], $0xffff;
	v53 =	vor.u32 s0, v6;
	v12 =	vadd.f32 v63, v12;
	v14 =	vadd.f32 v40, v15  }
0xb6: {  	v55 =	vor.u32 s0, v7;
	v22 =	vadd.f32 v42, v22;
	v15 =	vadd.f32 v43, v47  }
0xb7: {  	v51 =	vld.idx.msk [tilespmem:v18+s18+$0x0], $0xffff;
	v56 =	vor.u32 s0, v8;
	v19 =	vadd.f32 v19, v20;
	v14 =	vadd.f32 v25, v14;
	v52 =	vpop (erf)  }
0xb8: {  	v54 =	vld.idx.msk [tilespmem:v16+s19+$0x0], $0xffff;
	v17 =	vadd.f32 v45, v17;
	v24 =	vadd.f32 v36, v24;
	v15 =	vmul.f32 v52, v15  }
0xb9: {  	v13 =	vadd.f32 v48, v27;
	v12 =	vadd.f32 v46, v12;
	v14 =	vmul.f32 v52, v14  }
0xba: {  	v58 =	vor.u32 s0, v9;
	v22 =	vadd.f32 v44, v22;
	v57 =	vmul.f32 v52, v24;
	[tilespmem:v49+s22+$0x0] =	vst.idx.msk $0xffff, v15  }
0xbb: {  	s28 =	sadd.s32 $0x1, s28;
	v59 =	vor.u32 s0, v10;
	v19 =	vadd.f32 v23, v19;
	v12 =	vmul.f32 v52, v12;
	[tilespmem:v50+s22+$0x0] =	vst.idx.msk $0xffff, v14  }
0xbc: {  	v61 =	vor.u32 s0, v11;
	p0 =	sne.s32 s28, $0x10;
	v13 =	vadd.f32 v51, v13;
	v60 =	vmul.f32 v52, v22;
	[tilespmem:v53+s22+$0x0] =	vst.idx.msk $0xffff, v57  }
.Ltmp3:
0xbd: {  	v16 =	vadd.f32 v54, v17;
	v62 =	vmul.f32 v52, v19;
	[tilespmem:v55+s22+$0x0] =	vst.idx.msk $0xffff, v12;
	(pc) =	sbr.rel @p0 .LBB2_6-.Ltmp3, $4  }
0xbe: {  	v13 =	vmul.f32 v52, v13;
	[tilespmem:v56+s22+$0x0] =	vst.idx.msk $0xffff, v60  }
0xbf: {  	v63 =	vmul.f32 v52, v16;
	[tilespmem:v58+s22+$0x0] =	vst.idx.msk $0xffff, v62  }
0xc0: {  	[tilespmem:v59+s22+$0x0] =	vst.idx.msk $0xffff, v13  }
0xc1: {  	[tilespmem:v61+s22+$0x0] =	vst.idx.msk $0xffff, v63  }
0xc2: {  	[hbm4b:s7+s2] =	stream.linear.scatter [tilespmem:s22], [sflag:$0x4], $0x800, $0x38;
	[tilespmem:$0x1AC80] =	vst v63  }
0xc3: {  	s25 =	sadd.s32 $0x1, s25  }
0xc4: {  	_ =	swait.ge [sflag:s23], $0x800;
	p0 =	sne.s32 s25, s8  }
.Ltmp4:
0xc5: {  	[sflag:s23] =	ssyncset.done $0x0;
	(pc) =	sbr.rel @p0 .LBB2_1-.Ltmp4, $4  }
0xc6: {  	[sflag:s23] =	ssyncadd.s32 $0xFFFFF800  }
0xc7: {  	_ =	swait.ge [sflag:s24], $0x800  }
0xc8: {  	[sflag:s24] =	ssyncset.done $0x0  }
0xc9: {  	[sflag:s24] =	ssyncadd.s32 $0xFFFFF800  }
0xca: {  	_ =	sfence.sel $0x180000  }
0xcb: {  	[bflag:$0x0] =	sbarrier.arrive $0xFFFF  }
0xcc: {  	_ =	strace $0x90000047  }
0xcd: {  	[bflag:$0x2] =	sbarrier.arrive $0xFFFF  }
0xce: {  	p0 =	sne.s32 s1, $0x0;
	s0 =	rddreg [dreg:$0x2]  }
0xcf: {  	s0 =	sadd.s32 @!p0 $0x100000, s0  }
0xd0: {  	[sflag:s0] =	ssyncadd.tile.s32 @!p0 $0x1;
	_ =	shalt  }
.Lfunc_end2:
_tile_overlayer_lowered:
.L_overlay_start_2:
0xd1: {  	(tag) =	ssettag $0x2  }
0xd2: {  	s0 =	rddreg [dreg:$0x0];
	s2 =	stileid.u32  }
0xd3: {  	s1 =	rddreg [dreg:$0x1];
	p0 =	sne.s32 s2, $0x0  }
0xd4: {  	s3 =	rddreg [dreg:$0x2];
	[bflag:$0x3] =	sbarrier.arrive $0xFFFF;
	s2 =	simm.s32 @!p0 $0x1C05  }
0xd5: {  	[timem:s3], [sflag:s2] =	dma.local @!p0 [hbm:s0], s1  }
0xd6: {  	s0 =	simm.s32 @!p0 $0x5  }
0xd7: {  	_ =	swait.ge @!p0 [sflag:s0], s1  }
0xd8: {  	s1 =	ssub.s32 @!p0 $0x0, s1;
	[sflag:s0] =	ssyncset.done @!p0 $0x0  }
0xd9: {  	[sflag:s0] =	ssyncadd.s32 @!p0 s1  }
0xda: {  	[bflag:$0x3] =	sbarrier.arrive $0xFFFF  }
0xdb: {  	_ =	shalt  }

</sc_bundles>
